<compile_context>
chip_gen: v7x
topology: tpu7x:2x2x1
jax: 0.10.2.dev20260603
libtpu: 0.0.44.dev20260713+nightly
codegen_flags: <defaults>
</compile_context>

<pallas_src>
import functools

import jax
import jax.numpy as jnp
from jax import lax
from jax.experimental import pallas as pl
from jax.experimental.pallas import tpu as pltpu
from jax.experimental.pallas import tpu_sc as plsc

VOCAB = 28996
DIM = 768
SEQ = 64
BATCH = 4096

NUM_CORES = 2
NUM_SUBCORES = 16
NUM_WORKERS = NUM_CORES * NUM_SUBCORES

B_TOTAL = BATCH * SEQ
POS_PER_W = SEQ // NUM_WORKERS
CHUNK = 32
N_CHUNKS = BATCH // CHUNK
LANES = 16
COLS = DIM // LANES
SUB = CHUNK // LANES


def _build_kernel():
    mesh = plsc.VectorSubcoreMesh(core_axis_name="c", subcore_axis_name="s")

    @functools.partial(
        pl.kernel,
        mesh=mesh,
        out_type=jax.ShapeDtypeStruct((B_TOTAL, DIM), jnp.float32),
        scratch_types=[
            pltpu.VMEM((POS_PER_W * BATCH,), jnp.int32),
            pltpu.VMEM((POS_PER_W, DIM), jnp.float32),
            pltpu.VMEM((CHUNK, DIM), jnp.float32),
            pltpu.VMEM((CHUNK, DIM), jnp.float32),
            pltpu.VMEM((CHUNK, DIM), jnp.float32),
            pltpu.VMEM((CHUNK, DIM), jnp.float32),
            pltpu.SemaphoreType.DMA,
            pltpu.SemaphoreType.DMA,
            pltpu.SemaphoreType.DMA,
            pltpu.SemaphoreType.DMA,
        ],
    )
    def emb_kernel(x_hbm, table_hbm, pos_hbm, out_hbm,
                   idx_v, pos_v, gbuf0, gbuf1, sbuf0, sbuf1,
                   gsem0, gsem1, ssem0, ssem1):
        wid = lax.axis_index("s") * NUM_CORES + lax.axis_index("c")
        pltpu.sync_copy(x_hbm.at[wid], idx_v)
        pltpu.sync_copy(pos_hbm.at[pl.ds(POS_PER_W * wid, POS_PER_W)], pos_v)

        gbufs = (gbuf0, gbuf1)
        sbufs = (sbuf0, sbuf1)
        gsems = (gsem0, gsem1)
        ssems = (ssem0, ssem1)
        iota = lax.iota(jnp.int32, LANES)

        for l in range(POS_PER_W):
            labs = POS_PER_W * wid + l

            def idx_ref(j, _l=l):
                return idx_v.at[pl.ds(_l * BATCH + j * CHUNK, CHUNK)]

            def scat_idx(j, s, _labs=labs):
                return iota * SEQ + ((j * CHUNK + s * LANES) * SEQ + _labs)

            pvecs = [pos_v[l, pl.ds(c * LANES, LANES)] for c in range(COLS)]

            pltpu.async_copy(table_hbm.at[idx_ref(0)], gbufs[0], gsems[0])
            pltpu.async_copy(table_hbm.at[idx_ref(1)], gbufs[1], gsems[1])

            def pair_body(jo, carry):
                for b in range(2):
                    j = 2 * jo + b
                    gbuf, sbuf = gbufs[b], sbufs[b]
                    gsem, ssem = gsems[b], ssems[b]

                    pltpu.make_async_copy(
                        table_hbm.at[idx_ref(j)], gbuf, gsem).wait()

                    @pl.when(jo >= 1)
                    def _():
                        for s in range(SUB):
                            pltpu.make_async_copy(
                                sbuf.at[pl.ds(s * LANES, LANES)],
                                out_hbm.at[scat_idx(j, s)], ssem).wait()

                    def row_body(r, c2):
                        for c in range(COLS):
                            sl = pl.ds(c * LANES, LANES)
                            sbuf[r, sl] = gbuf[r, sl] + pvecs[c]
                        return c2

                    lax.fori_loop(0, CHUNK, row_body, 0, unroll=False)

                    jn = jnp.minimum(j + 2, N_CHUNKS - 2 + b)
                    pltpu.async_copy(table_hbm.at[idx_ref(jn)], gbuf, gsem)

                    for s in range(SUB):
                        pltpu.async_copy(
                            sbuf.at[pl.ds(s * LANES, LANES)],
                            out_hbm.at[scat_idx(j, s)], ssem)
                return carry

            lax.fori_loop(0, N_CHUNKS // 2, pair_body, 0, unroll=False)

            for b in range(2):
                pltpu.make_async_copy(
                    table_hbm.at[idx_ref(0)], gbufs[b], gsems[b]).wait()
                for s in range(SUB):
                    pltpu.make_async_copy(
                        sbufs[b].at[pl.ds(s * LANES, LANES)],
                        out_hbm.at[scat_idx(0, s)], ssems[b]).wait()

    return emb_kernel


_EMB_KERNEL = None


def kernel(x, wte, pos_emb):
    global _EMB_KERNEL
    if _EMB_KERNEL is None:
        _EMB_KERNEL = _build_kernel()
    seq_len = x.shape[1]
    xt = x.astype(jnp.int32).T.reshape(NUM_WORKERS, POS_PER_W * BATCH)
    pos = pos_emb[:seq_len, :].astype(jnp.float32)
    out = _EMB_KERNEL(xt, wte, pos)
    return out.reshape(BATCH, SEQ, DIM)

# --- scband reference (transcript-rebuilt; emitter-appended) ---
"""Pipeline reference for scband-text-embed-70626442215587 (READ-ONLY COPY).

The authoritative reference and input builder live on the scoring server;
editing this copy changes nothing except your own understanding.
"""

import jax, jax.numpy as jnp
import numpy as np

VOCAB = 28996
DIM = 768
MAX_LEN = 420
TRUNC_LEN = 64
BATCH = 4096


def fixed_sincos1d_embeddings(max_len, dim):
    freqs = 1 / 10000 ** np.linspace(0, 1, dim // 2)
    pos = np.arange(0, max_len, dtype=np.float32)[:, None]
    pos_enc = np.dot(pos, freqs[None, :])
    sin_enc = np.sin(pos_enc)
    cos_enc = np.cos(pos_enc)
    embeddings = np.concatenate([sin_enc, cos_enc], axis=1)
    return jnp.asarray(embeddings, dtype=jnp.float32)


def setup_inputs(seed: int = 0) -> dict:
    key = jax.random.key(seed)
    k_x, k_w = jax.random.split(key)
    x = jax.random.randint(k_x, (BATCH, TRUNC_LEN), 0, VOCAB, dtype=jnp.int64 if jax.config.jax_enable_x64 else jnp.int32)
    # nn.Embedding default init: N(0, 1)
    wte = jax.random.normal(k_w, (VOCAB, DIM), dtype=jnp.float32)
    pos_emb = fixed_sincos1d_embeddings(MAX_LEN, DIM)
    return {"x": x, "wte": wte, "pos_emb": pos_emb}


def reference(x, wte, pos_emb):
    seq_len = x.shape[1]
    # embedding lookup (gather) + positional embedding add
    emb = jnp.take(wte, x, axis=0)  # [B, L, D]
    return emb + pos_emb[:seq_len, :]

if __name__ == "__main__":
    import jax
    _d = setup_inputs()
    print(jax.jit(kernel)(*tuple(_d.values())))

</pallas_src>

<mosaic_0001>
#map = affine_map<(d0, d1) -> (0, 0)>
module attributes {stable_mosaic.version = 14 : i64} {
  func.func @emb_kernel(%arg0: i32, %arg1: i32, %arg2: memref<32x8192xi32, #tpu.memory_space<hbm>>, %arg3: memref<28996x768xf32, #tpu.memory_space<hbm>>, %arg4: memref<64x768xf32, #tpu.memory_space<hbm>>, %arg5: memref<262144x768xf32, #tpu.memory_space<hbm>>, %arg6: memref<8192xi32, #tpu.memory_space<vmem>>, %arg7: memref<2x768xf32, #tpu.memory_space<vmem>>, %arg8: memref<32x768xf32, #tpu.memory_space<vmem>>, %arg9: memref<32x768xf32, #tpu.memory_space<vmem>>, %arg10: memref<32x768xf32, #tpu.memory_space<vmem>>, %arg11: memref<32x768xf32, #tpu.memory_space<vmem>>, %arg12: memref<!tpu.dma_semaphore, #tpu.memory_space<semaphore_mem>>, %arg13: memref<!tpu.dma_semaphore, #tpu.memory_space<semaphore_mem>>, %arg14: memref<!tpu.dma_semaphore, #tpu.memory_space<semaphore_mem>>, %arg15: memref<!tpu.dma_semaphore, #tpu.memory_space<semaphore_mem>>) attributes {dimension_semantics = [#tpu.dimension_semantics<core_parallel>, #tpu.dimension_semantics<subcore_parallel>], iteration_bounds = array<i64: 2, 16>, scalar_prefetch = 0 : i64, scratch_operands = 10 : i64, tpu.core_type = #tpu.core_type<sc_vector_subcore>, window_params = [{transform_indices = #map}, {transform_indices = #map}, {transform_indices = #map}, {transform_indices = #map}]} {
    %mul3A = arith.constant 2 : i32
    %mul3A_0 = arith.muli %arg1, %mul3A : i32
    %add3A = arith.addi %mul3A_0, %arg0 : i32
    "tpu.region"() ({
      %run_scoped3A = tpu.sem_alloc : memref<!tpu.dma_semaphore, #tpu.memory_space<semaphore_mem>>
      %dma_start3A_643 = arith.constant 0 : i32
      %dma_start3A_644 = tpu.memref_slice %arg2[%add3A, %dma_start3A_643] : memref<32x8192xi32, #tpu.memory_space<hbm>> -> memref<1x8192xi32, #tpu.memory_space<hbm>>
      %dma_start3A_645 = tpu.memref_squeeze %dma_start3A_644 : memref<1x8192xi32, #tpu.memory_space<hbm>> -> memref<8192xi32, #tpu.memory_space<hbm>>
      %dma_start3A_646 = arith.constant 0 : i32
      %dma_start3A_647 = tpu.memref_slice %arg2[%add3A, %dma_start3A_646] : memref<32x8192xi32, #tpu.memory_space<hbm>> -> memref<1x8192xi32, #tpu.memory_space<hbm>>
      %dma_start3A_648 = tpu.memref_squeeze %dma_start3A_647 : memref<1x8192xi32, #tpu.memory_space<hbm>> -> memref<8192xi32, #tpu.memory_space<hbm>>
      tpu.enqueue_dma source(%dma_start3A_648 : memref<8192xi32, #tpu.memory_space<hbm>>) target(%arg6 : memref<8192xi32, #tpu.memory_space<vmem>>) target_semaphore(%run_scoped3A : memref<!tpu.dma_semaphore, #tpu.memory_space<semaphore_mem>>)
      %dma_wait3A_649 = arith.constant 0 : i32
      %dma_wait3A_650 = tpu.memref_slice %arg2[%add3A, %dma_wait3A_649] : memref<32x8192xi32, #tpu.memory_space<hbm>> -> memref<1x8192xi32, #tpu.memory_space<hbm>>
      %dma_wait3A_651 = tpu.memref_squeeze %dma_wait3A_650 : memref<1x8192xi32, #tpu.memory_space<hbm>> -> memref<8192xi32, #tpu.memory_space<hbm>>
      %dma_wait3A_652 = arith.constant 0 : i32
      %dma_wait3A_653 = tpu.memref_slice %arg2[%add3A, %dma_wait3A_652] : memref<32x8192xi32, #tpu.memory_space<hbm>> -> memref<1x8192xi32, #tpu.memory_space<hbm>>
      %dma_wait3A_654 = tpu.memref_squeeze %dma_wait3A_653 : memref<1x8192xi32, #tpu.memory_space<hbm>> -> memref<8192xi32, #tpu.memory_space<hbm>>
      tpu.wait_dma2 semaphore(%run_scoped3A : memref<!tpu.dma_semaphore, #tpu.memory_space<semaphore_mem>>) src(%dma_wait3A_654 : memref<8192xi32, #tpu.memory_space<hbm>>) dst(%arg6 : memref<8192xi32, #tpu.memory_space<vmem>>)
      tpu.yield
    }) : () -> ()
    %mul3A_1 = arith.constant 2 : i32
    %mul3A_2 = arith.muli %mul3A_1, %add3A : i32
    "tpu.region"() ({
      %run_scoped3A = tpu.sem_alloc : memref<!tpu.dma_semaphore, #tpu.memory_space<semaphore_mem>>
      %dma_start3A_643 = arith.constant 0 : i32
      %dma_start3A_644 = tpu.memref_slice %arg4[%mul3A_2, %dma_start3A_643] : memref<64x768xf32, #tpu.memory_space<hbm>> -> memref<2x768xf32, #tpu.memory_space<hbm>>
      %dma_start3A_645 = arith.constant 0 : i32
      %dma_start3A_646 = tpu.memref_slice %arg4[%mul3A_2, %dma_start3A_645] : memref<64x768xf32, #tpu.memory_space<hbm>> -> memref<2x768xf32, #tpu.memory_space<hbm>>
      tpu.enqueue_dma source(%dma_start3A_646 : memref<2x768xf32, #tpu.memory_space<hbm>>) target(%arg7 : memref<2x768xf32, #tpu.memory_space<vmem>>) target_semaphore(%run_scoped3A : memref<!tpu.dma_semaphore, #tpu.memory_space<semaphore_mem>>)
      %dma_wait3A_647 = arith.constant 0 : i32
      %dma_wait3A_648 = tpu.memref_slice %arg4[%mul3A_2, %dma_wait3A_647] : memref<64x768xf32, #tpu.memory_space<hbm>> -> memref<2x768xf32, #tpu.memory_space<hbm>>
      %dma_wait3A_649 = arith.constant 0 : i32
      %dma_wait3A_650 = tpu.memref_slice %arg4[%mul3A_2, %dma_wait3A_649] : memref<64x768xf32, #tpu.memory_space<hbm>> -> memref<2x768xf32, #tpu.memory_space<hbm>>
      tpu.wait_dma2 semaphore(%run_scoped3A : memref<!tpu.dma_semaphore, #tpu.memory_space<semaphore_mem>>) src(%dma_wait3A_650 : memref<2x768xf32, #tpu.memory_space<hbm>>) dst(%arg7 : memref<2x768xf32, #tpu.memory_space<vmem>>)
      tpu.yield
    }) : () -> ()
    %iota3A = tpu.iota {dimensions = array<i32: 0>} : vector<16xi32>
    %mul3A_3 = arith.constant 2 : i32
    %mul3A_4 = arith.muli %mul3A_3, %add3A : i32
    %add3A_5 = arith.constant 0 : i32
    %add3A_6 = arith.addi %mul3A_4, %add3A_5 : i32
    %get3A = arith.constant 0 : i32
    %get3A_7 = arith.index_cast %get3A : i32 to index
    %get3A_8 = arith.constant 0 : index
    %get3A_9 = tpu.vector_load %arg7[%get3A_7, %get3A_8] {strides = array<i32>} : memref<2x768xf32, #tpu.memory_space<vmem>>, vector<1x16xf32>,
    %get3A_10 = vector.shape_cast %get3A_9 : vector<1x16xf32> to vector<16xf32>
    %get3A_11 = arith.constant 0 : i32
    %get3A_12 = arith.index_cast %get3A_11 : i32 to index
    %get3A_13 = arith.constant 16 : index
    %get3A_14 = tpu.vector_load %arg7[%get3A_12, %get3A_13] {strides = array<i32>} : memref<2x768xf32, #tpu.memory_space<vmem>>, vector<1x16xf32>,
    %get3A_15 = vector.shape_cast %get3A_14 : vector<1x16xf32> to vector<16xf32>
    %get3A_16 = arith.constant 0 : i32
    %get3A_17 = arith.index_cast %get3A_16 : i32 to index
    %get3A_18 = arith.constant 32 : index
    %get3A_19 = tpu.vector_load %arg7[%get3A_17, %get3A_18] {strides = array<i32>} : memref<2x768xf32, #tpu.memory_space<vmem>>, vector<1x16xf32>,
    %get3A_20 = vector.shape_cast %get3A_19 : vector<1x16xf32> to vector<16xf32>
    %get3A_21 = arith.constant 0 : i32
    %get3A_22 = arith.index_cast %get3A_21 : i32 to index
    %get3A_23 = arith.constant 48 : index
    %get3A_24 = tpu.vector_load %arg7[%get3A_22, %get3A_23] {strides = array<i32>} : memref<2x768xf32, #tpu.memory_space<vmem>>, vector<1x16xf32>,
    %get3A_25 = vector.shape_cast %get3A_24 : vector<1x16xf32> to vector<16xf32>
    %get3A_26 = arith.constant 0 : i32
    %get3A_27 = arith.index_cast %get3A_26 : i32 to index
    %get3A_28 = arith.constant 64 : index
    %get3A_29 = tpu.vector_load %arg7[%get3A_27, %get3A_28] {strides = array<i32>} : memref<2x768xf32, #tpu.memory_space<vmem>>, vector<1x16xf32>,
    %get3A_30 = vector.shape_cast %get3A_29 : vector<1x16xf32> to vector<16xf32>
    %get3A_31 = arith.constant 0 : i32
    %get3A_32 = arith.index_cast %get3A_31 : i32 to index
    %get3A_33 = arith.constant 80 : index
    %get3A_34 = tpu.vector_load %arg7[%get3A_32, %get3A_33] {strides = array<i32>} : memref<2x768xf32, #tpu.memory_space<vmem>>, vector<1x16xf32>,
    %get3A_35 = vector.shape_cast %get3A_34 : vector<1x16xf32> to vector<16xf32>
    %get3A_36 = arith.constant 0 : i32
    %get3A_37 = arith.index_cast %get3A_36 : i32 to index
    %get3A_38 = arith.constant 96 : index
    %get3A_39 = tpu.vector_load %arg7[%get3A_37, %get3A_38] {strides = array<i32>} : memref<2x768xf32, #tpu.memory_space<vmem>>, vector<1x16xf32>,
    %get3A_40 = vector.shape_cast %get3A_39 : vector<1x16xf32> to vector<16xf32>
    %get3A_41 = arith.constant 0 : i32
    %get3A_42 = arith.index_cast %get3A_41 : i32 to index
    %get3A_43 = arith.constant 112 : index
    %get3A_44 = tpu.vector_load %arg7[%get3A_42, %get3A_43] {strides = array<i32>} : memref<2x768xf32, #tpu.memory_space<vmem>>, vector<1x16xf32>,
    %get3A_45 = vector.shape_cast %get3A_44 : vector<1x16xf32> to vector<16xf32>
    %get3A_46 = arith.constant 0 : i32
    %get3A_47 = arith.index_cast %get3A_46 : i32 to index
    %get3A_48 = arith.constant 128 : index
    %get3A_49 = tpu.vector_load %arg7[%get3A_47, %get3A_48] {strides = array<i32>} : memref<2x768xf32, #tpu.memory_space<vmem>>, vector<1x16xf32>,
    %get3A_50 = vector.shape_cast %get3A_49 : vector<1x16xf32> to vector<16xf32>
    %get3A_51 = arith.constant 0 : i32
    %get3A_52 = arith.index_cast %get3A_51 : i32 to index
    %get3A_53 = arith.constant 144 : index
    %get3A_54 = tpu.vector_load %arg7[%get3A_52, %get3A_53] {strides = array<i32>} : memref<2x768xf32, #tpu.memory_space<vmem>>, vector<1x16xf32>,
    %get3A_55 = vector.shape_cast %get3A_54 : vector<1x16xf32> to vector<16xf32>
    %get3A_56 = arith.constant 0 : i32
    %get3A_57 = arith.index_cast %get3A_56 : i32 to index
    %get3A_58 = arith.constant 160 : index
    %get3A_59 = tpu.vector_load %arg7[%get3A_57, %get3A_58] {strides = array<i32>} : memref<2x768xf32, #tpu.memory_space<vmem>>, vector<1x16xf32>,
    %get3A_60 = vector.shape_cast %get3A_59 : vector<1x16xf32> to vector<16xf32>
    %get3A_61 = arith.constant 0 : i32
    %get3A_62 = arith.index_cast %get3A_61 : i32 to index
    %get3A_63 = arith.constant 176 : index
    %get3A_64 = tpu.vector_load %arg7[%get3A_62, %get3A_63] {strides = array<i32>} : memref<2x768xf32, #tpu.memory_space<vmem>>, vector<1x16xf32>,
    %get3A_65 = vector.shape_cast %get3A_64 : vector<1x16xf32> to vector<16xf32>
    %get3A_66 = arith.constant 0 : i32
    %get3A_67 = arith.index_cast %get3A_66 : i32 to index
    %get3A_68 = arith.constant 192 : index
    %get3A_69 = tpu.vector_load %arg7[%get3A_67, %get3A_68] {strides = array<i32>} : memref<2x768xf32, #tpu.memory_space<vmem>>, vector<1x16xf32>,
    %get3A_70 = vector.shape_cast %get3A_69 : vector<1x16xf32> to vector<16xf32>
    %get3A_71 = arith.constant 0 : i32
    %get3A_72 = arith.index_cast %get3A_71 : i32 to index
    %get3A_73 = arith.constant 208 : index
    %get3A_74 = tpu.vector_load %arg7[%get3A_72, %get3A_73] {strides = array<i32>} : memref<2x768xf32, #tpu.memory_space<vmem>>, vector<1x16xf32>,
    %get3A_75 = vector.shape_cast %get3A_74 : vector<1x16xf32> to vector<16xf32>
    %get3A_76 = arith.constant 0 : i32
    %get3A_77 = arith.index_cast %get3A_76 : i32 to index
    %get3A_78 = arith.constant 224 : index
    %get3A_79 = tpu.vector_load %arg7[%get3A_77, %get3A_78] {strides = array<i32>} : memref<2x768xf32, #tpu.memory_space<vmem>>, vector<1x16xf32>,
    %get3A_80 = vector.shape_cast %get3A_79 : vector<1x16xf32> to vector<16xf32>
    %get3A_81 = arith.constant 0 : i32
    %get3A_82 = arith.index_cast %get3A_81 : i32 to index
    %get3A_83 = arith.constant 240 : index
    %get3A_84 = tpu.vector_load %arg7[%get3A_82, %get3A_83] {strides = array<i32>} : memref<2x768xf32, #tpu.memory_space<vmem>>, vector<1x16xf32>,
    %get3A_85 = vector.shape_cast %get3A_84 : vector<1x16xf32> to vector<16xf32>
    %get3A_86 = arith.constant 0 : i32
    %get3A_87 = arith.index_cast %get3A_86 : i32 to index
    %get3A_88 = arith.constant 256 : index
    %get3A_89 = tpu.vector_load %arg7[%get3A_87, %get3A_88] {strides = array<i32>} : memref<2x768xf32, #tpu.memory_space<vmem>>, vector<1x16xf32>,
    %get3A_90 = vector.shape_cast %get3A_89 : vector<1x16xf32> to vector<16xf32>
    %get3A_91 = arith.constant 0 : i32
    %get3A_92 = arith.index_cast %get3A_91 : i32 to index
    %get3A_93 = arith.constant 272 : index
    %get3A_94 = tpu.vector_load %arg7[%get3A_92, %get3A_93] {strides = array<i32>} : memref<2x768xf32, #tpu.memory_space<vmem>>, vector<1x16xf32>,
    %get3A_95 = vector.shape_cast %get3A_94 : vector<1x16xf32> to vector<16xf32>
    %get3A_96 = arith.constant 0 : i32
    %get3A_97 = arith.index_cast %get3A_96 : i32 to index
    %get3A_98 = arith.constant 288 : index
    %get3A_99 = tpu.vector_load %arg7[%get3A_97, %get3A_98] {strides = array<i32>} : memref<2x768xf32, #tpu.memory_space<vmem>>, vector<1x16xf32>,
    %get3A_100 = vector.shape_cast %get3A_99 : vector<1x16xf32> to vector<16xf32>
    %get3A_101 = arith.constant 0 : i32
    %get3A_102 = arith.index_cast %get3A_101 : i32 to index
    %get3A_103 = arith.constant 304 : index
    %get3A_104 = tpu.vector_load %arg7[%get3A_102, %get3A_103] {strides = array<i32>} : memref<2x768xf32, #tpu.memory_space<vmem>>, vector<1x16xf32>,
    %get3A_105 = vector.shape_cast %get3A_104 : vector<1x16xf32> to vector<16xf32>
    %get3A_106 = arith.constant 0 : i32
    %get3A_107 = arith.index_cast %get3A_106 : i32 to index
    %get3A_108 = arith.constant 320 : index
    %get3A_109 = tpu.vector_load %arg7[%get3A_107, %get3A_108] {strides = array<i32>} : memref<2x768xf32, #tpu.memory_space<vmem>>, vector<1x16xf32>,
    %get3A_110 = vector.shape_cast %get3A_109 : vector<1x16xf32> to vector<16xf32>
    %get3A_111 = arith.constant 0 : i32
    %get3A_112 = arith.index_cast %get3A_111 : i32 to index
    %get3A_113 = arith.constant 336 : index
    %get3A_114 = tpu.vector_load %arg7[%get3A_112, %get3A_113] {strides = array<i32>} : memref<2x768xf32, #tpu.memory_space<vmem>>, vector<1x16xf32>,
    %get3A_115 = vector.shape_cast %get3A_114 : vector<1x16xf32> to vector<16xf32>
    %get3A_116 = arith.constant 0 : i32
    %get3A_117 = arith.index_cast %get3A_116 : i32 to index
    %get3A_118 = arith.constant 352 : index
    %get3A_119 = tpu.vector_load %arg7[%get3A_117, %get3A_118] {strides = array<i32>} : memref<2x768xf32, #tpu.memory_space<vmem>>, vector<1x16xf32>,
    %get3A_120 = vector.shape_cast %get3A_119 : vector<1x16xf32> to vector<16xf32>
    %get3A_121 = arith.constant 0 : i32
    %get3A_122 = arith.index_cast %get3A_121 : i32 to index
    %get3A_123 = arith.constant 368 : index
    %get3A_124 = tpu.vector_load %arg7[%get3A_122, %get3A_123] {strides = array<i32>} : memref<2x768xf32, #tpu.memory_space<vmem>>, vector<1x16xf32>,
    %get3A_125 = vector.shape_cast %get3A_124 : vector<1x16xf32> to vector<16xf32>
    %get3A_126 = arith.constant 0 : i32
    %get3A_127 = arith.index_cast %get3A_126 : i32 to index
    %get3A_128 = arith.constant 384 : index
    %get3A_129 = tpu.vector_load %arg7[%get3A_127, %get3A_128] {strides = array<i32>} : memref<2x768xf32, #tpu.memory_space<vmem>>, vector<1x16xf32>,
    %get3A_130 = vector.shape_cast %get3A_129 : vector<1x16xf32> to vector<16xf32>
    %get3A_131 = arith.constant 0 : i32
    %get3A_132 = arith.index_cast %get3A_131 : i32 to index
    %get3A_133 = arith.constant 400 : index
    %get3A_134 = tpu.vector_load %arg7[%get3A_132, %get3A_133] {strides = array<i32>} : memref<2x768xf32, #tpu.memory_space<vmem>>, vector<1x16xf32>,
    %get3A_135 = vector.shape_cast %get3A_134 : vector<1x16xf32> to vector<16xf32>
    %get3A_136 = arith.constant 0 : i32
    %get3A_137 = arith.index_cast %get3A_136 : i32 to index
    %get3A_138 = arith.constant 416 : index
    %get3A_139 = tpu.vector_load %arg7[%get3A_137, %get3A_138] {strides = array<i32>} : memref<2x768xf32, #tpu.memory_space<vmem>>, vector<1x16xf32>,
    %get3A_140 = vector.shape_cast %get3A_139 : vector<1x16xf32> to vector<16xf32>
    %get3A_141 = arith.constant 0 : i32
    %get3A_142 = arith.index_cast %get3A_141 : i32 to index
    %get3A_143 = arith.constant 432 : index
    %get3A_144 = tpu.vector_load %arg7[%get3A_142, %get3A_143] {strides = array<i32>} : memref<2x768xf32, #tpu.memory_space<vmem>>, vector<1x16xf32>,
    %get3A_145 = vector.shape_cast %get3A_144 : vector<1x16xf32> to vector<16xf32>
    %get3A_146 = arith.constant 0 : i32
    %get3A_147 = arith.index_cast %get3A_146 : i32 to index
    %get3A_148 = arith.constant 448 : index
    %get3A_149 = tpu.vector_load %arg7[%get3A_147, %get3A_148] {strides = array<i32>} : memref<2x768xf32, #tpu.memory_space<vmem>>, vector<1x16xf32>,
    %get3A_150 = vector.shape_cast %get3A_149 : vector<1x16xf32> to vector<16xf32>
    %get3A_151 = arith.constant 0 : i32
    %get3A_152 = arith.index_cast %get3A_151 : i32 to index
    %get3A_153 = arith.constant 464 : index
    %get3A_154 = tpu.vector_load %arg7[%get3A_152, %get3A_153] {strides = array<i32>} : memref<2x768xf32, #tpu.memory_space<vmem>>, vector<1x16xf32>,
    %get3A_155 = vector.shape_cast %get3A_154 : vector<1x16xf32> to vector<16xf32>
    %get3A_156 = arith.constant 0 : i32
    %get3A_157 = arith.index_cast %get3A_156 : i32 to index
    %get3A_158 = arith.constant 480 : index
    %get3A_159 = tpu.vector_load %arg7[%get3A_157, %get3A_158] {strides = array<i32>} : memref<2x768xf32, #tpu.memory_space<vmem>>, vector<1x16xf32>,
    %get3A_160 = vector.shape_cast %get3A_159 : vector<1x16xf32> to vector<16xf32>
    %get3A_161 = arith.constant 0 : i32
    %get3A_162 = arith.index_cast %get3A_161 : i32 to index
    %get3A_163 = arith.constant 496 : index
    %get3A_164 = tpu.vector_load %arg7[%get3A_162, %get3A_163] {strides = array<i32>} : memref<2x768xf32, #tpu.memory_space<vmem>>, vector<1x16xf32>,
    %get3A_165 = vector.shape_cast %get3A_164 : vector<1x16xf32> to vector<16xf32>
    %get3A_166 = arith.constant 0 : i32
    %get3A_167 = arith.index_cast %get3A_166 : i32 to index
    %get3A_168 = arith.constant 512 : index
    %get3A_169 = tpu.vector_load %arg7[%get3A_167, %get3A_168] {strides = array<i32>} : memref<2x768xf32, #tpu.memory_space<vmem>>, vector<1x16xf32>,
    %get3A_170 = vector.shape_cast %get3A_169 : vector<1x16xf32> to vector<16xf32>
    %get3A_171 = arith.constant 0 : i32
    %get3A_172 = arith.index_cast %get3A_171 : i32 to index
    %get3A_173 = arith.constant 528 : index
    %get3A_174 = tpu.vector_load %arg7[%get3A_172, %get3A_173] {strides = array<i32>} : memref<2x768xf32, #tpu.memory_space<vmem>>, vector<1x16xf32>,
    %get3A_175 = vector.shape_cast %get3A_174 : vector<1x16xf32> to vector<16xf32>
    %get3A_176 = arith.constant 0 : i32
    %get3A_177 = arith.index_cast %get3A_176 : i32 to index
    %get3A_178 = arith.constant 544 : index
    %get3A_179 = tpu.vector_load %arg7[%get3A_177, %get3A_178] {strides = array<i32>} : memref<2x768xf32, #tpu.memory_space<vmem>>, vector<1x16xf32>,
    %get3A_180 = vector.shape_cast %get3A_179 : vector<1x16xf32> to vector<16xf32>
    %get3A_181 = arith.constant 0 : i32
    %get3A_182 = arith.index_cast %get3A_181 : i32 to index
    %get3A_183 = arith.constant 560 : index
    %get3A_184 = tpu.vector_load %arg7[%get3A_182, %get3A_183] {strides = array<i32>} : memref<2x768xf32, #tpu.memory_space<vmem>>, vector<1x16xf32>,
    %get3A_185 = vector.shape_cast %get3A_184 : vector<1x16xf32> to vector<16xf32>
    %get3A_186 = arith.constant 0 : i32
    %get3A_187 = arith.index_cast %get3A_186 : i32 to index
    %get3A_188 = arith.constant 576 : index
    %get3A_189 = tpu.vector_load %arg7[%get3A_187, %get3A_188] {strides = array<i32>} : memref<2x768xf32, #tpu.memory_space<vmem>>, vector<1x16xf32>,
    %get3A_190 = vector.shape_cast %get3A_189 : vector<1x16xf32> to vector<16xf32>
    %get3A_191 = arith.constant 0 : i32
    %get3A_192 = arith.index_cast %get3A_191 : i32 to index
    %get3A_193 = arith.constant 592 : index
    %get3A_194 = tpu.vector_load %arg7[%get3A_192, %get3A_193] {strides = array<i32>} : memref<2x768xf32, #tpu.memory_space<vmem>>, vector<1x16xf32>,
    %get3A_195 = vector.shape_cast %get3A_194 : vector<1x16xf32> to vector<16xf32>
    %get3A_196 = arith.constant 0 : i32
    %get3A_197 = arith.index_cast %get3A_196 : i32 to index
    %get3A_198 = arith.constant 608 : index
    %get3A_199 = tpu.vector_load %arg7[%get3A_197, %get3A_198] {strides = array<i32>} : memref<2x768xf32, #tpu.memory_space<vmem>>, vector<1x16xf32>,
    %get3A_200 = vector.shape_cast %get3A_199 : vector<1x16xf32> to vector<16xf32>
    %get3A_201 = arith.constant 0 : i32
    %get3A_202 = arith.index_cast %get3A_201 : i32 to index
    %get3A_203 = arith.constant 624 : index
    %get3A_204 = tpu.vector_load %arg7[%get3A_202, %get3A_203] {strides = array<i32>} : memref<2x768xf32, #tpu.memory_space<vmem>>, vector<1x16xf32>,
    %get3A_205 = vector.shape_cast %get3A_204 : vector<1x16xf32> to vector<16xf32>
    %get3A_206 = arith.constant 0 : i32
    %get3A_207 = arith.index_cast %get3A_206 : i32 to index
    %get3A_208 = arith.constant 640 : index
    %get3A_209 = tpu.vector_load %arg7[%get3A_207, %get3A_208] {strides = array<i32>} : memref<2x768xf32, #tpu.memory_space<vmem>>, vector<1x16xf32>,
    %get3A_210 = vector.shape_cast %get3A_209 : vector<1x16xf32> to vector<16xf32>
    %get3A_211 = arith.constant 0 : i32
    %get3A_212 = arith.index_cast %get3A_211 : i32 to index
    %get3A_213 = arith.constant 656 : index
    %get3A_214 = tpu.vector_load %arg7[%get3A_212, %get3A_213] {strides = array<i32>} : memref<2x768xf32, #tpu.memory_space<vmem>>, vector<1x16xf32>,
    %get3A_215 = vector.shape_cast %get3A_214 : vector<1x16xf32> to vector<16xf32>
    %get3A_216 = arith.constant 0 : i32
    %get3A_217 = arith.index_cast %get3A_216 : i32 to index
    %get3A_218 = arith.constant 672 : index
    %get3A_219 = tpu.vector_load %arg7[%get3A_217, %get3A_218] {strides = array<i32>} : memref<2x768xf32, #tpu.memory_space<vmem>>, vector<1x16xf32>,
    %get3A_220 = vector.shape_cast %get3A_219 : vector<1x16xf32> to vector<16xf32>
    %get3A_221 = arith.constant 0 : i32
    %get3A_222 = arith.index_cast %get3A_221 : i32 to index
    %get3A_223 = arith.constant 688 : index
    %get3A_224 = tpu.vector_load %arg7[%get3A_222, %get3A_223] {strides = array<i32>} : memref<2x768xf32, #tpu.memory_space<vmem>>, vector<1x16xf32>,
    %get3A_225 = vector.shape_cast %get3A_224 : vector<1x16xf32> to vector<16xf32>
    %get3A_226 = arith.constant 0 : i32
    %get3A_227 = arith.index_cast %get3A_226 : i32 to index
    %get3A_228 = arith.constant 704 : index
    %get3A_229 = tpu.vector_load %arg7[%get3A_227, %get3A_228] {strides = array<i32>} : memref<2x768xf32, #tpu.memory_space<vmem>>, vector<1x16xf32>,
    %get3A_230 = vector.shape_cast %get3A_229 : vector<1x16xf32> to vector<16xf32>
    %get3A_231 = arith.constant 0 : i32
    %get3A_232 = arith.index_cast %get3A_231 : i32 to index
    %get3A_233 = arith.constant 720 : index
    %get3A_234 = tpu.vector_load %arg7[%get3A_232, %get3A_233] {strides = array<i32>} : memref<2x768xf32, #tpu.memory_space<vmem>>, vector<1x16xf32>,
    %get3A_235 = vector.shape_cast %get3A_234 : vector<1x16xf32> to vector<16xf32>
    %get3A_236 = arith.constant 0 : i32
    %get3A_237 = arith.index_cast %get3A_236 : i32 to index
    %get3A_238 = arith.constant 736 : index
    %get3A_239 = tpu.vector_load %arg7[%get3A_237, %get3A_238] {strides = array<i32>} : memref<2x768xf32, #tpu.memory_space<vmem>>, vector<1x16xf32>,
    %get3A_240 = vector.shape_cast %get3A_239 : vector<1x16xf32> to vector<16xf32>
    %get3A_241 = arith.constant 0 : i32
    %get3A_242 = arith.index_cast %get3A_241 : i32 to index
    %get3A_243 = arith.constant 752 : index
    %get3A_244 = tpu.vector_load %arg7[%get3A_242, %get3A_243] {strides = array<i32>} : memref<2x768xf32, #tpu.memory_space<vmem>>, vector<1x16xf32>,
    %get3A_245 = vector.shape_cast %get3A_244 : vector<1x16xf32> to vector<16xf32>
    %dma_start3A = arith.constant 0 : i32
    %dma_start3A_246 = tpu.memref_slice %arg6[%dma_start3A] : memref<8192xi32, #tpu.memory_space<vmem>> -> memref<32xi32, #tpu.memory_space<vmem>>
    %dma_start3A_247 = arith.constant 0 : i32
    %dma_start3A_248 = arith.constant 0 : i32
    %dma_start3A_249 = tpu.memref_slice %arg3[%dma_start3A_247, %dma_start3A_248] : memref<28996x768xf32, #tpu.memory_space<hbm>> -> memref<28996x768xf32, #tpu.memory_space<hbm>>
    tpu.enqueue_indirect_dma source(%dma_start3A_249 : memref<28996x768xf32, #tpu.memory_space<hbm>>) target(%arg8 : memref<32x768xf32, #tpu.memory_space<vmem>>) offsets(%dma_start3A_246 : memref<32xi32, #tpu.memory_space<vmem>>) semaphore(%arg12 : memref<!tpu.dma_semaphore, #tpu.memory_space<semaphore_mem>>)
    %dma_start3A_250 = arith.constant 32 : i32
    %dma_start3A_251 = tpu.memref_slice %arg6[%dma_start3A_250] : memref<8192xi32, #tpu.memory_space<vmem>> -> memref<32xi32, #tpu.memory_space<vmem>>
    %dma_start3A_252 = arith.constant 0 : i32
    %dma_start3A_253 = arith.constant 0 : i32
    %dma_start3A_254 = tpu.memref_slice %arg3[%dma_start3A_252, %dma_start3A_253] : memref<28996x768xf32, #tpu.memory_space<hbm>> -> memref<28996x768xf32, #tpu.memory_space<hbm>>
    tpu.enqueue_indirect_dma source(%dma_start3A_254 : memref<28996x768xf32, #tpu.memory_space<hbm>>) target(%arg9 : memref<32x768xf32, #tpu.memory_space<vmem>>) offsets(%dma_start3A_251 : memref<32xi32, #tpu.memory_space<vmem>>) semaphore(%arg13 : memref<!tpu.dma_semaphore, #tpu.memory_space<semaphore_mem>>)
    %scan3A = arith.constant 0 : i32
    %scan3A_255 = arith.constant 0 : i32
    %scan3A_256 = arith.constant 64 : i32
    %scan3A_257 = arith.addi %scan3A_255, %scan3A_256 : i32
    %scan3A_258 = arith.constant 1 : i32
    scf.for %scan3A_643 = %scan3A_255 to %scan3A_257 step %scan3A_258  : i32 {
      %mul3A_644 = arith.constant 2 : i32
      %mul3A_645 = arith.muli %mul3A_644, %scan3A_643 : i32
      %add3A_646 = arith.constant 0 : i32
      %add3A_647 = arith.addi %mul3A_645, %add3A_646 : i32
      %mul3A_648 = arith.constant 32 : i32
      %mul3A_649 = arith.muli %add3A_647, %mul3A_648 : i32
      %add3A_650 = arith.constant 0 : i32
      %add3A_651 = arith.addi %add3A_650, %mul3A_649 : i32
      %dma_wait3A_652 = tpu.memref_slice %arg6[%add3A_651] : memref<8192xi32, #tpu.memory_space<vmem>> -> memref<32xi32, #tpu.memory_space<vmem>>
      %dma_wait3A_653 = arith.constant 0 : i32
      %dma_wait3A_654 = arith.constant 0 : i32
      %dma_wait3A_655 = tpu.memref_slice %arg3[%dma_wait3A_653, %dma_wait3A_654] : memref<28996x768xf32, #tpu.memory_space<hbm>> -> memref<28996x768xf32, #tpu.memory_space<hbm>>
      tpu.wait_indirect_dma semaphore(%arg12 : memref<!tpu.dma_semaphore, #tpu.memory_space<semaphore_mem>>) src(%dma_wait3A_655 : memref<28996x768xf32, #tpu.memory_space<hbm>>) dst(%arg8 : memref<32x768xf32, #tpu.memory_space<vmem>>)
      %ge3A = arith.constant 1 : i32
      %ge3A_656 = arith.cmpi sge, %scan3A_643, %ge3A : i32
      %convert_element_type3A = arith.extui %ge3A_656 : i1 to i32
      %cond3A = arith.constant 0 : i32
      %cond3A_657 = arith.cmpi ne, %convert_element_type3A, %cond3A : i32
      scf.if %cond3A_657 {
        %mul3A_782 = arith.constant 64 : i32
        %mul3A_783 = vector.broadcast %mul3A_782 : i32 to vector<16xi32>
        %mul3A_784 = arith.muli %iota3A, %mul3A_783 : vector<16xi32>
        %mul3A_785 = arith.constant 32 : i32
        %mul3A_786 = arith.muli %add3A_647, %mul3A_785 : i32
        %add3A_787 = arith.constant 0 : i32
        %add3A_788 = arith.addi %mul3A_786, %add3A_787 : i32
        %mul3A_789 = arith.constant 64 : i32
        %mul3A_790 = arith.muli %add3A_788, %mul3A_789 : i32
        %add3A_791 = arith.addi %mul3A_790, %add3A_6 : i32
        %add3A_792 = vector.broadcast %add3A_791 : i32 to vector<16xi32>
        %add3A_793 = arith.addi %mul3A_784, %add3A_792 : vector<16xi32>
        %dma_wait3A_794 = arith.constant 0 : i32
        %dma_wait3A_795 = arith.constant 0 : i32
        %dma_wait3A_796 = tpu.memref_slice %arg10[%dma_wait3A_794, %dma_wait3A_795] : memref<32x768xf32, #tpu.memory_space<vmem>> -> memref<16x768xf32, #tpu.memory_space<vmem>>
        %dma_wait3A_797 = arith.constant 0 : i32
        %dma_wait3A_798 = arith.constant 0 : i32
        %dma_wait3A_799 = tpu.memref_slice %arg5[%dma_wait3A_797, %dma_wait3A_798] : memref<262144x768xf32, #tpu.memory_space<hbm>> -> memref<262144x768xf32, #tpu.memory_space<hbm>>
        tpu.wait_indirect_dma semaphore(%arg14 : memref<!tpu.dma_semaphore, #tpu.memory_space<semaphore_mem>>) src(%dma_wait3A_796 : memref<16x768xf32, #tpu.memory_space<vmem>>) dst(%dma_wait3A_799 : memref<262144x768xf32, #tpu.memory_space<hbm>>)
        %mul3A_800 = arith.constant 64 : i32
        %mul3A_801 = vector.broadcast %mul3A_800 : i32 to vector<16xi32>
        %mul3A_802 = arith.muli %iota3A, %mul3A_801 : vector<16xi32>
        %mul3A_803 = arith.constant 32 : i32
        %mul3A_804 = arith.muli %add3A_647, %mul3A_803 : i32
        %add3A_805 = arith.constant 16 : i32
        %add3A_806 = arith.addi %mul3A_804, %add3A_805 : i32
        %mul3A_807 = arith.constant 64 : i32
        %mul3A_808 = arith.muli %add3A_806, %mul3A_807 : i32
        %add3A_809 = arith.addi %mul3A_808, %add3A_6 : i32
        %add3A_810 = vector.broadcast %add3A_809 : i32 to vector<16xi32>
        %add3A_811 = arith.addi %mul3A_802, %add3A_810 : vector<16xi32>
        %dma_wait3A_812 = arith.constant 16 : i32
        %dma_wait3A_813 = arith.constant 0 : i32
        %dma_wait3A_814 = tpu.memref_slice %arg10[%dma_wait3A_812, %dma_wait3A_813] : memref<32x768xf32, #tpu.memory_space<vmem>> -> memref<16x768xf32, #tpu.memory_space<vmem>>
        %dma_wait3A_815 = arith.constant 0 : i32
        %dma_wait3A_816 = arith.constant 0 : i32
        %dma_wait3A_817 = tpu.memref_slice %arg5[%dma_wait3A_815, %dma_wait3A_816] : memref<262144x768xf32, #tpu.memory_space<hbm>> -> memref<262144x768xf32, #tpu.memory_space<hbm>>
        tpu.wait_indirect_dma semaphore(%arg14 : memref<!tpu.dma_semaphore, #tpu.memory_space<semaphore_mem>>) src(%dma_wait3A_814 : memref<16x768xf32, #tpu.memory_space<vmem>>) dst(%dma_wait3A_817 : memref<262144x768xf32, #tpu.memory_space<hbm>>)
      } else {
      }
      %scan3A_658 = arith.constant 0 : i32
      %scan3A_659 = arith.constant 0 : i32
      %scan3A_660 = arith.constant 32 : i32
      %scan3A_661 = arith.addi %scan3A_659, %scan3A_660 : i32
      %scan3A_662 = arith.constant 1 : i32
      scf.for %scan3A_782 = %scan3A_659 to %scan3A_661 step %scan3A_662  : i32 {
        %get3A_783 = arith.index_cast %scan3A_782 : i32 to index
        %get3A_784 = arith.constant 0 : index
        %get3A_785 = tpu.vector_load %arg8[%get3A_783, %get3A_784] {strides = array<i32>} : memref<32x768xf32, #tpu.memory_space<vmem>>, vector<1x16xf32>,
        %get3A_786 = vector.shape_cast %get3A_785 : vector<1x16xf32> to vector<16xf32>
        %add3A_787 = arith.addf %get3A_786, %get3A_10 : vector<16xf32>
        %swap3A = arith.index_cast %scan3A_782 : i32 to index
        %swap3A_788 = arith.constant 0 : index
        %swap3A_789 = tpu.vector_load %arg10[%swap3A, %swap3A_788] {strides = array<i32>} : memref<32x768xf32, #tpu.memory_space<vmem>>, vector<1x16xf32>,
        %swap3A_790 = vector.shape_cast %swap3A_789 : vector<1x16xf32> to vector<16xf32>
        %swap3A_791 = vector.shape_cast %add3A_787 : vector<16xf32> to vector<1x16xf32>
        tpu.vector_store %arg10[%swap3A, %swap3A_788], %swap3A_791 {strides = array<i32>} : memref<32x768xf32, #tpu.memory_space<vmem>>, vector<1x16xf32>,
        %get3A_792 = arith.index_cast %scan3A_782 : i32 to index
        %get3A_793 = arith.constant 16 : index
        %get3A_794 = tpu.vector_load %arg8[%get3A_792, %get3A_793] {strides = array<i32>} : memref<32x768xf32, #tpu.memory_space<vmem>>, vector<1x16xf32>,
        %get3A_795 = vector.shape_cast %get3A_794 : vector<1x16xf32> to vector<16xf32>
        %add3A_796 = arith.addf %get3A_795, %get3A_15 : vector<16xf32>
        %swap3A_797 = arith.index_cast %scan3A_782 : i32 to index
        %swap3A_798 = arith.constant 16 : index
        %swap3A_799 = tpu.vector_load %arg10[%swap3A_797, %swap3A_798] {strides = array<i32>} : memref<32x768xf32, #tpu.memory_space<vmem>>, vector<1x16xf32>,
        %swap3A_800 = vector.shape_cast %swap3A_799 : vector<1x16xf32> to vector<16xf32>
        %swap3A_801 = vector.shape_cast %add3A_796 : vector<16xf32> to vector<1x16xf32>
        tpu.vector_store %arg10[%swap3A_797, %swap3A_798], %swap3A_801 {strides = array<i32>} : memref<32x768xf32, #tpu.memory_space<vmem>>, vector<1x16xf32>,
        %get3A_802 = arith.index_cast %scan3A_782 : i32 to index
        %get3A_803 = arith.constant 32 : index
        %get3A_804 = tpu.vector_load %arg8[%get3A_802, %get3A_803] {strides = array<i32>} : memref<32x768xf32, #tpu.memory_space<vmem>>, vector<1x16xf32>,
        %get3A_805 = vector.shape_cast %get3A_804 : vector<1x16xf32> to vector<16xf32>
        %add3A_806 = arith.addf %get3A_805, %get3A_20 : vector<16xf32>
        %swap3A_807 = arith.index_cast %scan3A_782 : i32 to index
        %swap3A_808 = arith.constant 32 : index
        %swap3A_809 = tpu.vector_load %arg10[%swap3A_807, %swap3A_808] {strides = array<i32>} : memref<32x768xf32, #tpu.memory_space<vmem>>, vector<1x16xf32>,
        %swap3A_810 = vector.shape_cast %swap3A_809 : vector<1x16xf32> to vector<16xf32>
        %swap3A_811 = vector.shape_cast %add3A_806 : vector<16xf32> to vector<1x16xf32>
        tpu.vector_store %arg10[%swap3A_807, %swap3A_808], %swap3A_811 {strides = array<i32>} : memref<32x768xf32, #tpu.memory_space<vmem>>, vector<1x16xf32>,
        %get3A_812 = arith.index_cast %scan3A_782 : i32 to index
        %get3A_813 = arith.constant 48 : index
        %get3A_814 = tpu.vector_load %arg8[%get3A_812, %get3A_813] {strides = array<i32>} : memref<32x768xf32, #tpu.memory_space<vmem>>, vector<1x16xf32>,
        %get3A_815 = vector.shape_cast %get3A_814 : vector<1x16xf32> to vector<16xf32>
        %add3A_816 = arith.addf %get3A_815, %get3A_25 : vector<16xf32>
        %swap3A_817 = arith.index_cast %scan3A_782 : i32 to index
        %swap3A_818 = arith.constant 48 : index
        %swap3A_819 = tpu.vector_load %arg10[%swap3A_817, %swap3A_818] {strides = array<i32>} : memref<32x768xf32, #tpu.memory_space<vmem>>, vector<1x16xf32>,
        %swap3A_820 = vector.shape_cast %swap3A_819 : vector<1x16xf32> to vector<16xf32>
        %swap3A_821 = vector.shape_cast %add3A_816 : vector<16xf32> to vector<1x16xf32>
        tpu.vector_store %arg10[%swap3A_817, %swap3A_818], %swap3A_821 {strides = array<i32>} : memref<32x768xf32, #tpu.memory_space<vmem>>, vector<1x16xf32>,
        %get3A_822 = arith.index_cast %scan3A_782 : i32 to index
        %get3A_823 = arith.constant 64 : index
        %get3A_824 = tpu.vector_load %arg8[%get3A_822, %get3A_823] {strides = array<i32>} : memref<32x768xf32, #tpu.memory_space<vmem>>, vector<1x16xf32>,
        %get3A_825 = vector.shape_cast %get3A_824 : vector<1x16xf32> to vector<16xf32>
        %add3A_826 = arith.addf %get3A_825, %get3A_30 : vector<16xf32>
        %swap3A_827 = arith.index_cast %scan3A_782 : i32 to index
        %swap3A_828 = arith.constant 64 : index
        %swap3A_829 = tpu.vector_load %arg10[%swap3A_827, %swap3A_828] {strides = array<i32>} : memref<32x768xf32, #tpu.memory_space<vmem>>, vector<1x16xf32>,
        %swap3A_830 = vector.shape_cast %swap3A_829 : vector<1x16xf32> to vector<16xf32>
        %swap3A_831 = vector.shape_cast %add3A_826 : vector<16xf32> to vector<1x16xf32>
        tpu.vector_store %arg10[%swap3A_827, %swap3A_828], %swap3A_831 {strides = array<i32>} : memref<32x768xf32, #tpu.memory_space<vmem>>, vector<1x16xf32>,
        %get3A_832 = arith.index_cast %scan3A_782 : i32 to index
        %get3A_833 = arith.constant 80 : index
        %get3A_834 = tpu.vector_load %arg8[%get3A_832, %get3A_833] {strides = array<i32>} : memref<32x768xf32, #tpu.memory_space<vmem>>, vector<1x16xf32>,
        %get3A_835 = vector.shape_cast %get3A_834 : vector<1x16xf32> to vector<16xf32>
        %add3A_836 = arith.addf %get3A_835, %get3A_35 : vector<16xf32>
        %swap3A_837 = arith.index_cast %scan3A_782 : i32 to index
        %swap3A_838 = arith.constant 80 : index
        %swap3A_839 = tpu.vector_load %arg10[%swap3A_837, %swap3A_838] {strides = array<i32>} : memref<32x768xf32, #tpu.memory_space<vmem>>, vector<1x16xf32>,
        %swap3A_840 = vector.shape_cast %swap3A_839 : vector<1x16xf32> to vector<16xf32>
        %swap3A_841 = vector.shape_cast %add3A_836 : vector<16xf32> to vector<1x16xf32>
        tpu.vector_store %arg10[%swap3A_837, %swap3A_838], %swap3A_841 {strides = array<i32>} : memref<32x768xf32, #tpu.memory_space<vmem>>, vector<1x16xf32>,
        %get3A_842 = arith.index_cast %scan3A_782 : i32 to index
        %get3A_843 = arith.constant 96 : index
        %get3A_844 = tpu.vector_load %arg8[%get3A_842, %get3A_843] {strides = array<i32>} : memref<32x768xf32, #tpu.memory_space<vmem>>, vector<1x16xf32>,
        %get3A_845 = vector.shape_cast %get3A_844 : vector<1x16xf32> to vector<16xf32>
        %add3A_846 = arith.addf %get3A_845, %get3A_40 : vector<16xf32>
        %swap3A_847 = arith.index_cast %scan3A_782 : i32 to index
        %swap3A_848 = arith.constant 96 : index
        %swap3A_849 = tpu.vector_load %arg10[%swap3A_847, %swap3A_848] {strides = array<i32>} : memref<32x768xf32, #tpu.memory_space<vmem>>, vector<1x16xf32>,
        %swap3A_850 = vector.shape_cast %swap3A_849 : vector<1x16xf32> to vector<16xf32>
        %swap3A_851 = vector.shape_cast %add3A_846 : vector<16xf32> to vector<1x16xf32>
        tpu.vector_store %arg10[%swap3A_847, %swap3A_848], %swap3A_851 {strides = array<i32>} : memref<32x768xf32, #tpu.memory_space<vmem>>, vector<1x16xf32>,
        %get3A_852 = arith.index_cast %scan3A_782 : i32 to index
        %get3A_853 = arith.constant 112 : index
        %get3A_854 = tpu.vector_load %arg8[%get3A_852, %get3A_853] {strides = array<i32>} : memref<32x768xf32, #tpu.memory_space<vmem>>, vector<1x16xf32>,
        %get3A_855 = vector.shape_cast %get3A_854 : vector<1x16xf32> to vector<16xf32>
        %add3A_856 = arith.addf %get3A_855, %get3A_45 : vector<16xf32>
        %swap3A_857 = arith.index_cast %scan3A_782 : i32 to index
        %swap3A_858 = arith.constant 112 : index
        %swap3A_859 = tpu.vector_load %arg10[%swap3A_857, %swap3A_858] {strides = array<i32>} : memref<32x768xf32, #tpu.memory_space<vmem>>, vector<1x16xf32>,
        %swap3A_860 = vector.shape_cast %swap3A_859 : vector<1x16xf32> to vector<16xf32>
        %swap3A_861 = vector.shape_cast %add3A_856 : vector<16xf32> to vector<1x16xf32>
        tpu.vector_store %arg10[%swap3A_857, %swap3A_858], %swap3A_861 {strides = array<i32>} : memref<32x768xf32, #tpu.memory_space<vmem>>, vector<1x16xf32>,
        %get3A_862 = arith.index_cast %scan3A_782 : i32 to index
        %get3A_863 = arith.constant 128 : index
        %get3A_864 = tpu.vector_load %arg8[%get3A_862, %get3A_863] {strides = array<i32>} : memref<32x768xf32, #tpu.memory_space<vmem>>, vector<1x16xf32>,
        %get3A_865 = vector.shape_cast %get3A_864 : vector<1x16xf32> to vector<16xf32>
        %add3A_866 = arith.addf %get3A_865, %get3A_50 : vector<16xf32>
        %swap3A_867 = arith.index_cast %scan3A_782 : i32 to index
        %swap3A_868 = arith.constant 128 : index
        %swap3A_869 = tpu.vector_load %arg10[%swap3A_867, %swap3A_868] {strides = array<i32>} : memref<32x768xf32, #tpu.memory_space<vmem>>, vector<1x16xf32>,
        %swap3A_870 = vector.shape_cast %swap3A_869 : vector<1x16xf32> to vector<16xf32>
        %swap3A_871 = vector.shape_cast %add3A_866 : vector<16xf32> to vector<1x16xf32>
        tpu.vector_store %arg10[%swap3A_867, %swap3A_868], %swap3A_871 {strides = array<i32>} : memref<32x768xf32, #tpu.memory_space<vmem>>, vector<1x16xf32>,
        %get3A_872 = arith.index_cast %scan3A_782 : i32 to index
        %get3A_873 = arith.constant 144 : index
        %get3A_874 = tpu.vector_load %arg8[%get3A_872, %get3A_873] {strides = array<i32>} : memref<32x768xf32, #tpu.memory_space<vmem>>, vector<1x16xf32>,
        %get3A_875 = vector.shape_cast %get3A_874 : vector<1x16xf32> to vector<16xf32>
        %add3A_876 = arith.addf %get3A_875, %get3A_55 : vector<16xf32>
        %swap3A_877 = arith.index_cast %scan3A_782 : i32 to index
        %swap3A_878 = arith.constant 144 : index
        %swap3A_879 = tpu.vector_load %arg10[%swap3A_877, %swap3A_878] {strides = array<i32>} : memref<32x768xf32, #tpu.memory_space<vmem>>, vector<1x16xf32>,
        %swap3A_880 = vector.shape_cast %swap3A_879 : vector<1x16xf32> to vector<16xf32>
        %swap3A_881 = vector.shape_cast %add3A_876 : vector<16xf32> to vector<1x16xf32>
        tpu.vector_store %arg10[%swap3A_877, %swap3A_878], %swap3A_881 {strides = array<i32>} : memref<32x768xf32, #tpu.memory_space<vmem>>, vector<1x16xf32>,
        %get3A_882 = arith.index_cast %scan3A_782 : i32 to index
        %get3A_883 = arith.constant 160 : index
        %get3A_884 = tpu.vector_load %arg8[%get3A_882, %get3A_883] {strides = array<i32>} : memref<32x768xf32, #tpu.memory_space<vmem>>, vector<1x16xf32>,
        %get3A_885 = vector.shape_cast %get3A_884 : vector<1x16xf32> to vector<16xf32>
        %add3A_886 = arith.addf %get3A_885, %get3A_60 : vector<16xf32>
        %swap3A_887 = arith.index_cast %scan3A_782 : i32 to index
        %swap3A_888 = arith.constant 160 : index
        %swap3A_889 = tpu.vector_load %arg10[%swap3A_887, %swap3A_888] {strides = array<i32>} : memref<32x768xf32, #tpu.memory_space<vmem>>, vector<1x16xf32>,
        %swap3A_890 = vector.shape_cast %swap3A_889 : vector<1x16xf32> to vector<16xf32>
        %swap3A_891 = vector.shape_cast %add3A_886 : vector<16xf32> to vector<1x16xf32>
        tpu.vector_store %arg10[%swap3A_887, %swap3A_888], %swap3A_891 {strides = array<i32>} : memref<32x768xf32, #tpu.memory_space<vmem>>, vector<1x16xf32>,
        %get3A_892 = arith.index_cast %scan3A_782 : i32 to index
        %get3A_893 = arith.constant 176 : index
        %get3A_894 = tpu.vector_load %arg8[%get3A_892, %get3A_893] {strides = array<i32>} : memref<32x768xf32, #tpu.memory_space<vmem>>, vector<1x16xf32>,
        %get3A_895 = vector.shape_cast %get3A_894 : vector<1x16xf32> to vector<16xf32>
        %add3A_896 = arith.addf %get3A_895, %get3A_65 : vector<16xf32>
        %swap3A_897 = arith.index_cast %scan3A_782 : i32 to index
        %swap3A_898 = arith.constant 176 : index
        %swap3A_899 = tpu.vector_load %arg10[%swap3A_897, %swap3A_898] {strides = array<i32>} : memref<32x768xf32, #tpu.memory_space<vmem>>, vector<1x16xf32>,
        %swap3A_900 = vector.shape_cast %swap3A_899 : vector<1x16xf32> to vector<16xf32>
        %swap3A_901 = vector.shape_cast %add3A_896 : vector<16xf32> to vector<1x16xf32>
        tpu.vector_store %arg10[%swap3A_897, %swap3A_898], %swap3A_901 {strides = array<i32>} : memref<32x768xf32, #tpu.memory_space<vmem>>, vector<1x16xf32>,
        %get3A_902 = arith.index_cast %scan3A_782 : i32 to index
        %get3A_903 = arith.constant 192 : index
        %get3A_904 = tpu.vector_load %arg8[%get3A_902, %get3A_903] {strides = array<i32>} : memref<32x768xf32, #tpu.memory_space<vmem>>, vector<1x16xf32>,
        %get3A_905 = vector.shape_cast %get3A_904 : vector<1x16xf32> to vector<16xf32>
        %add3A_906 = arith.addf %get3A_905, %get3A_70 : vector<16xf32>
        %swap3A_907 = arith.index_cast %scan3A_782 : i32 to index
        %swap3A_908 = arith.constant 192 : index
        %swap3A_909 = tpu.vector_load %arg10[%swap3A_907, %swap3A_908] {strides = array<i32>} : memref<32x768xf32, #tpu.memory_space<vmem>>, vector<1x16xf32>,
        %swap3A_910 = vector.shape_cast %swap3A_909 : vector<1x16xf32> to vector<16xf32>
        %swap3A_911 = vector.shape_cast %add3A_906 : vector<16xf32> to vector<1x16xf32>
        tpu.vector_store %arg10[%swap3A_907, %swap3A_908], %swap3A_911 {strides = array<i32>} : memref<32x768xf32, #tpu.memory_space<vmem>>, vector<1x16xf32>,
        %get3A_912 = arith.index_cast %scan3A_782 : i32 to index
        %get3A_913 = arith.constant 208 : index
        %get3A_914 = tpu.vector_load %arg8[%get3A_912, %get3A_913] {strides = array<i32>} : memref<32x768xf32, #tpu.memory_space<vmem>>, vector<1x16xf32>,
        %get3A_915 = vector.shape_cast %get3A_914 : vector<1x16xf32> to vector<16xf32>
        %add3A_916 = arith.addf %get3A_915, %get3A_75 : vector<16xf32>
        %swap3A_917 = arith.index_cast %scan3A_782 : i32 to index
        %swap3A_918 = arith.constant 208 : index
        %swap3A_919 = tpu.vector_load %arg10[%swap3A_917, %swap3A_918] {strides = array<i32>} : memref<32x768xf32, #tpu.memory_space<vmem>>, vector<1x16xf32>,
        %swap3A_920 = vector.shape_cast %swap3A_919 : vector<1x16xf32> to vector<16xf32>
        %swap3A_921 = vector.shape_cast %add3A_916 : vector<16xf32> to vector<1x16xf32>
        tpu.vector_store %arg10[%swap3A_917, %swap3A_918], %swap3A_921 {strides = array<i32>} : memref<32x768xf32, #tpu.memory_space<vmem>>, vector<1x16xf32>,
        %get3A_922 = arith.index_cast %scan3A_782 : i32 to index
        %get3A_923 = arith.constant 224 : index
        %get3A_924 = tpu.vector_load %arg8[%get3A_922, %get3A_923] {strides = array<i32>} : memref<32x768xf32, #tpu.memory_space<vmem>>, vector<1x16xf32>,
        %get3A_925 = vector.shape_cast %get3A_924 : vector<1x16xf32> to vector<16xf32>
        %add3A_926 = arith.addf %get3A_925, %get3A_80 : vector<16xf32>
        %swap3A_927 = arith.index_cast %scan3A_782 : i32 to index
        %swap3A_928 = arith.constant 224 : index
        %swap3A_929 = tpu.vector_load %arg10[%swap3A_927, %swap3A_928] {strides = array<i32>} : memref<32x768xf32, #tpu.memory_space<vmem>>, vector<1x16xf32>,
        %swap3A_930 = vector.shape_cast %swap3A_929 : vector<1x16xf32> to vector<16xf32>
        %swap3A_931 = vector.shape_cast %add3A_926 : vector<16xf32> to vector<1x16xf32>
        tpu.vector_store %arg10[%swap3A_927, %swap3A_928], %swap3A_931 {strides = array<i32>} : memref<32x768xf32, #tpu.memory_space<vmem>>, vector<1x16xf32>,
        %get3A_932 = arith.index_cast %scan3A_782 : i32 to index
        %get3A_933 = arith.constant 240 : index
        %get3A_934 = tpu.vector_load %arg8[%get3A_932, %get3A_933] {strides = array<i32>} : memref<32x768xf32, #tpu.memory_space<vmem>>, vector<1x16xf32>,
        %get3A_935 = vector.shape_cast %get3A_934 : vector<1x16xf32> to vector<16xf32>
        %add3A_936 = arith.addf %get3A_935, %get3A_85 : vector<16xf32>
        %swap3A_937 = arith.index_cast %scan3A_782 : i32 to index
        %swap3A_938 = arith.constant 240 : index
        %swap3A_939 = tpu.vector_load %arg10[%swap3A_937, %swap3A_938] {strides = array<i32>} : memref<32x768xf32, #tpu.memory_space<vmem>>, vector<1x16xf32>,
        %swap3A_940 = vector.shape_cast %swap3A_939 : vector<1x16xf32> to vector<16xf32>
        %swap3A_941 = vector.shape_cast %add3A_936 : vector<16xf32> to vector<1x16xf32>
        tpu.vector_store %arg10[%swap3A_937, %swap3A_938], %swap3A_941 {strides = array<i32>} : memref<32x768xf32, #tpu.memory_space<vmem>>, vector<1x16xf32>,
        %get3A_942 = arith.index_cast %scan3A_782 : i32 to index
        %get3A_943 = arith.constant 256 : index
        %get3A_944 = tpu.vector_load %arg8[%get3A_942, %get3A_943] {strides = array<i32>} : memref<32x768xf32, #tpu.memory_space<vmem>>, vector<1x16xf32>,
        %get3A_945 = vector.shape_cast %get3A_944 : vector<1x16xf32> to vector<16xf32>
        %add3A_946 = arith.addf %get3A_945, %get3A_90 : vector<16xf32>
        %swap3A_947 = arith.index_cast %scan3A_782 : i32 to index
        %swap3A_948 = arith.constant 256 : index
        %swap3A_949 = tpu.vector_load %arg10[%swap3A_947, %swap3A_948] {strides = array<i32>} : memref<32x768xf32, #tpu.memory_space<vmem>>, vector<1x16xf32>,
        %swap3A_950 = vector.shape_cast %swap3A_949 : vector<1x16xf32> to vector<16xf32>
        %swap3A_951 = vector.shape_cast %add3A_946 : vector<16xf32> to vector<1x16xf32>
        tpu.vector_store %arg10[%swap3A_947, %swap3A_948], %swap3A_951 {strides = array<i32>} : memref<32x768xf32, #tpu.memory_space<vmem>>, vector<1x16xf32>,
        %get3A_952 = arith.index_cast %scan3A_782 : i32 to index
        %get3A_953 = arith.constant 272 : index
        %get3A_954 = tpu.vector_load %arg8[%get3A_952, %get3A_953] {strides = array<i32>} : memref<32x768xf32, #tpu.memory_space<vmem>>, vector<1x16xf32>,
        %get3A_955 = vector.shape_cast %get3A_954 : vector<1x16xf32> to vector<16xf32>
        %add3A_956 = arith.addf %get3A_955, %get3A_95 : vector<16xf32>
        %swap3A_957 = arith.index_cast %scan3A_782 : i32 to index
        %swap3A_958 = arith.constant 272 : index
        %swap3A_959 = tpu.vector_load %arg10[%swap3A_957, %swap3A_958] {strides = array<i32>} : memref<32x768xf32, #tpu.memory_space<vmem>>, vector<1x16xf32>,
        %swap3A_960 = vector.shape_cast %swap3A_959 : vector<1x16xf32> to vector<16xf32>
        %swap3A_961 = vector.shape_cast %add3A_956 : vector<16xf32> to vector<1x16xf32>
        tpu.vector_store %arg10[%swap3A_957, %swap3A_958], %swap3A_961 {strides = array<i32>} : memref<32x768xf32, #tpu.memory_space<vmem>>, vector<1x16xf32>,
        %get3A_962 = arith.index_cast %scan3A_782 : i32 to index
        %get3A_963 = arith.constant 288 : index
        %get3A_964 = tpu.vector_load %arg8[%get3A_962, %get3A_963] {strides = array<i32>} : memref<32x768xf32, #tpu.memory_space<vmem>>, vector<1x16xf32>,
        %get3A_965 = vector.shape_cast %get3A_964 : vector<1x16xf32> to vector<16xf32>
        %add3A_966 = arith.addf %get3A_965, %get3A_100 : vector<16xf32>
        %swap3A_967 = arith.index_cast %scan3A_782 : i32 to index
        %swap3A_968 = arith.constant 288 : index
        %swap3A_969 = tpu.vector_load %arg10[%swap3A_967, %swap3A_968] {strides = array<i32>} : memref<32x768xf32, #tpu.memory_space<vmem>>, vector<1x16xf32>,
        %swap3A_970 = vector.shape_cast %swap3A_969 : vector<1x16xf32> to vector<16xf32>
        %swap3A_971 = vector.shape_cast %add3A_966 : vector<16xf32> to vector<1x16xf32>
        tpu.vector_store %arg10[%swap3A_967, %swap3A_968], %swap3A_971 {strides = array<i32>} : memref<32x768xf32, #tpu.memory_space<vmem>>, vector<1x16xf32>,
        %get3A_972 = arith.index_cast %scan3A_782 : i32 to index
        %get3A_973 = arith.constant 304 : index
        %get3A_974 = tpu.vector_load %arg8[%get3A_972, %get3A_973] {strides = array<i32>} : memref<32x768xf32, #tpu.memory_space<vmem>>, vector<1x16xf32>,
        %get3A_975 = vector.shape_cast %get3A_974 : vector<1x16xf32> to vector<16xf32>
        %add3A_976 = arith.addf %get3A_975, %get3A_105 : vector<16xf32>
        %swap3A_977 = arith.index_cast %scan3A_782 : i32 to index
        %swap3A_978 = arith.constant 304 : index
        %swap3A_979 = tpu.vector_load %arg10[%swap3A_977, %swap3A_978] {strides = array<i32>} : memref<32x768xf32, #tpu.memory_space<vmem>>, vector<1x16xf32>,
        %swap3A_980 = vector.shape_cast %swap3A_979 : vector<1x16xf32> to vector<16xf32>
        %swap3A_981 = vector.shape_cast %add3A_976 : vector<16xf32> to vector<1x16xf32>
        tpu.vector_store %arg10[%swap3A_977, %swap3A_978], %swap3A_981 {strides = array<i32>} : memref<32x768xf32, #tpu.memory_space<vmem>>, vector<1x16xf32>,
        %get3A_982 = arith.index_cast %scan3A_782 : i32 to index
        %get3A_983 = arith.constant 320 : index
        %get3A_984 = tpu.vector_load %arg8[%get3A_982, %get3A_983] {strides = array<i32>} : memref<32x768xf32, #tpu.memory_space<vmem>>, vector<1x16xf32>,
        %get3A_985 = vector.shape_cast %get3A_984 : vector<1x16xf32> to vector<16xf32>
        %add3A_986 = arith.addf %get3A_985, %get3A_110 : vector<16xf32>
        %swap3A_987 = arith.index_cast %scan3A_782 : i32 to index
        %swap3A_988 = arith.constant 320 : index
        %swap3A_989 = tpu.vector_load %arg10[%swap3A_987, %swap3A_988] {strides = array<i32>} : memref<32x768xf32, #tpu.memory_space<vmem>>, vector<1x16xf32>,
        %swap3A_990 = vector.shape_cast %swap3A_989 : vector<1x16xf32> to vector<16xf32>
        %swap3A_991 = vector.shape_cast %add3A_986 : vector<16xf32> to vector<1x16xf32>
        tpu.vector_store %arg10[%swap3A_987, %swap3A_988], %swap3A_991 {strides = array<i32>} : memref<32x768xf32, #tpu.memory_space<vmem>>, vector<1x16xf32>,
        %get3A_992 = arith.index_cast %scan3A_782 : i32 to index
        %get3A_993 = arith.constant 336 : index
        %get3A_994 = tpu.vector_load %arg8[%get3A_992, %get3A_993] {strides = array<i32>} : memref<32x768xf32, #tpu.memory_space<vmem>>, vector<1x16xf32>,
        %get3A_995 = vector.shape_cast %get3A_994 : vector<1x16xf32> to vector<16xf32>
        %add3A_996 = arith.addf %get3A_995, %get3A_115 : vector<16xf32>
        %swap3A_997 = arith.index_cast %scan3A_782 : i32 to index
        %swap3A_998 = arith.constant 336 : index
        %swap3A_999 = tpu.vector_load %arg10[%swap3A_997, %swap3A_998] {strides = array<i32>} : memref<32x768xf32, #tpu.memory_space<vmem>>, vector<1x16xf32>,
        %swap3A_1000 = vector.shape_cast %swap3A_999 : vector<1x16xf32> to vector<16xf32>
        %swap3A_1001 = vector.shape_cast %add3A_996 : vector<16xf32> to vector<1x16xf32>
        tpu.vector_store %arg10[%swap3A_997, %swap3A_998], %swap3A_1001 {strides = array<i32>} : memref<32x768xf32, #tpu.memory_space<vmem>>, vector<1x16xf32>,
        %get3A_1002 = arith.index_cast %scan3A_782 : i32 to index
        %get3A_1003 = arith.constant 352 : index
        %get3A_1004 = tpu.vector_load %arg8[%get3A_1002, %get3A_1003] {strides = array<i32>} : memref<32x768xf32, #tpu.memory_space<vmem>>, vector<1x16xf32>,
        %get3A_1005 = vector.shape_cast %get3A_1004 : vector<1x16xf32> to vector<16xf32>
        %add3A_1006 = arith.addf %get3A_1005, %get3A_120 : vector<16xf32>
        %swap3A_1007 = arith.index_cast %scan3A_782 : i32 to index
        %swap3A_1008 = arith.constant 352 : index
        %swap3A_1009 = tpu.vector_load %arg10[%swap3A_1007, %swap3A_1008] {strides = array<i32>} : memref<32x768xf32, #tpu.memory_space<vmem>>, vector<1x16xf32>,
        %swap3A_1010 = vector.shape_cast %swap3A_1009 : vector<1x16xf32> to vector<16xf32>
        %swap3A_1011 = vector.shape_cast %add3A_1006 : vector<16xf32> to vector<1x16xf32>
        tpu.vector_store %arg10[%swap3A_1007, %swap3A_1008], %swap3A_1011 {strides = array<i32>} : memref<32x768xf32, #tpu.memory_space<vmem>>, vector<1x16xf32>,
        %get3A_1012 = arith.index_cast %scan3A_782 : i32 to index
        %get3A_1013 = arith.constant 368 : index
        %get3A_1014 = tpu.vector_load %arg8[%get3A_1012, %get3A_1013] {strides = array<i32>} : memref<32x768xf32, #tpu.memory_space<vmem>>, vector<1x16xf32>,
        %get3A_1015 = vector.shape_cast %get3A_1014 : vector<1x16xf32> to vector<16xf32>
        %add3A_1016 = arith.addf %get3A_1015, %get3A_125 : vector<16xf32>
        %swap3A_1017 = arith.index_cast %scan3A_782 : i32 to index
        %swap3A_1018 = arith.constant 368 : index
        %swap3A_1019 = tpu.vector_load %arg10[%swap3A_1017, %swap3A_1018] {strides = array<i32>} : memref<32x768xf32, #tpu.memory_space<vmem>>, vector<1x16xf32>,
        %swap3A_1020 = vector.shape_cast %swap3A_1019 : vector<1x16xf32> to vector<16xf32>
        %swap3A_1021 = vector.shape_cast %add3A_1016 : vector<16xf32> to vector<1x16xf32>
        tpu.vector_store %arg10[%swap3A_1017, %swap3A_1018], %swap3A_1021 {strides = array<i32>} : memref<32x768xf32, #tpu.memory_space<vmem>>, vector<1x16xf32>,
        %get3A_1022 = arith.index_cast %scan3A_782 : i32 to index
        %get3A_1023 = arith.constant 384 : index
        %get3A_1024 = tpu.vector_load %arg8[%get3A_1022, %get3A_1023] {strides = array<i32>} : memref<32x768xf32, #tpu.memory_space<vmem>>, vector<1x16xf32>,
        %get3A_1025 = vector.shape_cast %get3A_1024 : vector<1x16xf32> to vector<16xf32>
        %add3A_1026 = arith.addf %get3A_1025, %get3A_130 : vector<16xf32>
        %swap3A_1027 = arith.index_cast %scan3A_782 : i32 to index
        %swap3A_1028 = arith.constant 384 : index
        %swap3A_1029 = tpu.vector_load %arg10[%swap3A_1027, %swap3A_1028] {strides = array<i32>} : memref<32x768xf32, #tpu.memory_space<vmem>>, vector<1x16xf32>,
        %swap3A_1030 = vector.shape_cast %swap3A_1029 : vector<1x16xf32> to vector<16xf32>
        %swap3A_1031 = vector.shape_cast %add3A_1026 : vector<16xf32> to vector<1x16xf32>
        tpu.vector_store %arg10[%swap3A_1027, %swap3A_1028], %swap3A_1031 {strides = array<i32>} : memref<32x768xf32, #tpu.memory_space<vmem>>, vector<1x16xf32>,
        %get3A_1032 = arith.index_cast %scan3A_782 : i32 to index
        %get3A_1033 = arith.constant 400 : index
        %get3A_1034 = tpu.vector_load %arg8[%get3A_1032, %get3A_1033] {strides = array<i32>} : memref<32x768xf32, #tpu.memory_space<vmem>>, vector<1x16xf32>,
        %get3A_1035 = vector.shape_cast %get3A_1034 : vector<1x16xf32> to vector<16xf32>
        %add3A_1036 = arith.addf %get3A_1035, %get3A_135 : vector<16xf32>
        %swap3A_1037 = arith.index_cast %scan3A_782 : i32 to index
        %swap3A_1038 = arith.constant 400 : index
        %swap3A_1039 = tpu.vector_load %arg10[%swap3A_1037, %swap3A_1038] {strides = array<i32>} : memref<32x768xf32, #tpu.memory_space<vmem>>, vector<1x16xf32>,
        %swap3A_1040 = vector.shape_cast %swap3A_1039 : vector<1x16xf32> to vector<16xf32>
        %swap3A_1041 = vector.shape_cast %add3A_1036 : vector<16xf32> to vector<1x16xf32>
        tpu.vector_store %arg10[%swap3A_1037, %swap3A_1038], %swap3A_1041 {strides = array<i32>} : memref<32x768xf32, #tpu.memory_space<vmem>>, vector<1x16xf32>,
        %get3A_1042 = arith.index_cast %scan3A_782 : i32 to index
        %get3A_1043 = arith.constant 416 : index
        %get3A_1044 = tpu.vector_load %arg8[%get3A_1042, %get3A_1043] {strides = array<i32>} : memref<32x768xf32, #tpu.memory_space<vmem>>, vector<1x16xf32>,
        %get3A_1045 = vector.shape_cast %get3A_1044 : vector<1x16xf32> to vector<16xf32>
        %add3A_1046 = arith.addf %get3A_1045, %get3A_140 : vector<16xf32>
        %swap3A_1047 = arith.index_cast %scan3A_782 : i32 to index
        %swap3A_1048 = arith.constant 416 : index
        %swap3A_1049 = tpu.vector_load %arg10[%swap3A_1047, %swap3A_1048] {strides = array<i32>} : memref<32x768xf32, #tpu.memory_space<vmem>>, vector<1x16xf32>,
        %swap3A_1050 = vector.shape_cast %swap3A_1049 : vector<1x16xf32> to vector<16xf32>
        %swap3A_1051 = vector.shape_cast %add3A_1046 : vector<16xf32> to vector<1x16xf32>
        tpu.vector_store %arg10[%swap3A_1047, %swap3A_1048], %swap3A_1051 {strides = array<i32>} : memref<32x768xf32, #tpu.memory_space<vmem>>, vector<1x16xf32>,
        %get3A_1052 = arith.index_cast %scan3A_782 : i32 to index
        %get3A_1053 = arith.constant 432 : index
        %get3A_1054 = tpu.vector_load %arg8[%get3A_1052, %get3A_1053] {strides = array<i32>} : memref<32x768xf32, #tpu.memory_space<vmem>>, vector<1x16xf32>,
        %get3A_1055 = vector.shape_cast %get3A_1054 : vector<1x16xf32> to vector<16xf32>
        %add3A_1056 = arith.addf %get3A_1055, %get3A_145 : vector<16xf32>
        %swap3A_1057 = arith.index_cast %scan3A_782 : i32 to index
        %swap3A_1058 = arith.constant 432 : index
        %swap3A_1059 = tpu.vector_load %arg10[%swap3A_1057, %swap3A_1058] {strides = array<i32>} : memref<32x768xf32, #tpu.memory_space<vmem>>, vector<1x16xf32>,
        %swap3A_1060 = vector.shape_cast %swap3A_1059 : vector<1x16xf32> to vector<16xf32>
        %swap3A_1061 = vector.shape_cast %add3A_1056 : vector<16xf32> to vector<1x16xf32>
        tpu.vector_store %arg10[%swap3A_1057, %swap3A_1058], %swap3A_1061 {strides = array<i32>} : memref<32x768xf32, #tpu.memory_space<vmem>>, vector<1x16xf32>,
        %get3A_1062 = arith.index_cast %scan3A_782 : i32 to index
        %get3A_1063 = arith.constant 448 : index
        %get3A_1064 = tpu.vector_load %arg8[%get3A_1062, %get3A_1063] {strides = array<i32>} : memref<32x768xf32, #tpu.memory_space<vmem>>, vector<1x16xf32>,
        %get3A_1065 = vector.shape_cast %get3A_1064 : vector<1x16xf32> to vector<16xf32>
        %add3A_1066 = arith.addf %get3A_1065, %get3A_150 : vector<16xf32>
        %swap3A_1067 = arith.index_cast %scan3A_782 : i32 to index
        %swap3A_1068 = arith.constant 448 : index
        %swap3A_1069 = tpu.vector_load %arg10[%swap3A_1067, %swap3A_1068] {strides = array<i32>} : memref<32x768xf32, #tpu.memory_space<vmem>>, vector<1x16xf32>,
        %swap3A_1070 = vector.shape_cast %swap3A_1069 : vector<1x16xf32> to vector<16xf32>
        %swap3A_1071 = vector.shape_cast %add3A_1066 : vector<16xf32> to vector<1x16xf32>
        tpu.vector_store %arg10[%swap3A_1067, %swap3A_1068], %swap3A_1071 {strides = array<i32>} : memref<32x768xf32, #tpu.memory_space<vmem>>, vector<1x16xf32>,
        %get3A_1072 = arith.index_cast %scan3A_782 : i32 to index
        %get3A_1073 = arith.constant 464 : index
        %get3A_1074 = tpu.vector_load %arg8[%get3A_1072, %get3A_1073] {strides = array<i32>} : memref<32x768xf32, #tpu.memory_space<vmem>>, vector<1x16xf32>,
        %get3A_1075 = vector.shape_cast %get3A_1074 : vector<1x16xf32> to vector<16xf32>
        %add3A_1076 = arith.addf %get3A_1075, %get3A_155 : vector<16xf32>
        %swap3A_1077 = arith.index_cast %scan3A_782 : i32 to index
        %swap3A_1078 = arith.constant 464 : index
        %swap3A_1079 = tpu.vector_load %arg10[%swap3A_1077, %swap3A_1078] {strides = array<i32>} : memref<32x768xf32, #tpu.memory_space<vmem>>, vector<1x16xf32>,
        %swap3A_1080 = vector.shape_cast %swap3A_1079 : vector<1x16xf32> to vector<16xf32>
        %swap3A_1081 = vector.shape_cast %add3A_1076 : vector<16xf32> to vector<1x16xf32>
        tpu.vector_store %arg10[%swap3A_1077, %swap3A_1078], %swap3A_1081 {strides = array<i32>} : memref<32x768xf32, #tpu.memory_space<vmem>>, vector<1x16xf32>,
        %get3A_1082 = arith.index_cast %scan3A_782 : i32 to index
        %get3A_1083 = arith.constant 480 : index
        %get3A_1084 = tpu.vector_load %arg8[%get3A_1082, %get3A_1083] {strides = array<i32>} : memref<32x768xf32, #tpu.memory_space<vmem>>, vector<1x16xf32>,
        %get3A_1085 = vector.shape_cast %get3A_1084 : vector<1x16xf32> to vector<16xf32>
        %add3A_1086 = arith.addf %get3A_1085, %get3A_160 : vector<16xf32>
        %swap3A_1087 = arith.index_cast %scan3A_782 : i32 to index
        %swap3A_1088 = arith.constant 480 : index
        %swap3A_1089 = tpu.vector_load %arg10[%swap3A_1087, %swap3A_1088] {strides = array<i32>} : memref<32x768xf32, #tpu.memory_space<vmem>>, vector<1x16xf32>,
        %swap3A_1090 = vector.shape_cast %swap3A_1089 : vector<1x16xf32> to vector<16xf32>
        %swap3A_1091 = vector.shape_cast %add3A_1086 : vector<16xf32> to vector<1x16xf32>
        tpu.vector_store %arg10[%swap3A_1087, %swap3A_1088], %swap3A_1091 {strides = array<i32>} : memref<32x768xf32, #tpu.memory_space<vmem>>, vector<1x16xf32>,
        %get3A_1092 = arith.index_cast %scan3A_782 : i32 to index
        %get3A_1093 = arith.constant 496 : index
        %get3A_1094 = tpu.vector_load %arg8[%get3A_1092, %get3A_1093] {strides = array<i32>} : memref<32x768xf32, #tpu.memory_space<vmem>>, vector<1x16xf32>,
        %get3A_1095 = vector.shape_cast %get3A_1094 : vector<1x16xf32> to vector<16xf32>
        %add3A_1096 = arith.addf %get3A_1095, %get3A_165 : vector<16xf32>
        %swap3A_1097 = arith.index_cast %scan3A_782 : i32 to index
        %swap3A_1098 = arith.constant 496 : index
        %swap3A_1099 = tpu.vector_load %arg10[%swap3A_1097, %swap3A_1098] {strides = array<i32>} : memref<32x768xf32, #tpu.memory_space<vmem>>, vector<1x16xf32>,
        %swap3A_1100 = vector.shape_cast %swap3A_1099 : vector<1x16xf32> to vector<16xf32>
        %swap3A_1101 = vector.shape_cast %add3A_1096 : vector<16xf32> to vector<1x16xf32>
        tpu.vector_store %arg10[%swap3A_1097, %swap3A_1098], %swap3A_1101 {strides = array<i32>} : memref<32x768xf32, #tpu.memory_space<vmem>>, vector<1x16xf32>,
        %get3A_1102 = arith.index_cast %scan3A_782 : i32 to index
        %get3A_1103 = arith.constant 512 : index
        %get3A_1104 = tpu.vector_load %arg8[%get3A_1102, %get3A_1103] {strides = array<i32>} : memref<32x768xf32, #tpu.memory_space<vmem>>, vector<1x16xf32>,
        %get3A_1105 = vector.shape_cast %get3A_1104 : vector<1x16xf32> to vector<16xf32>
        %add3A_1106 = arith.addf %get3A_1105, %get3A_170 : vector<16xf32>
        %swap3A_1107 = arith.index_cast %scan3A_782 : i32 to index
        %swap3A_1108 = arith.constant 512 : index
        %swap3A_1109 = tpu.vector_load %arg10[%swap3A_1107, %swap3A_1108] {strides = array<i32>} : memref<32x768xf32, #tpu.memory_space<vmem>>, vector<1x16xf32>,
        %swap3A_1110 = vector.shape_cast %swap3A_1109 : vector<1x16xf32> to vector<16xf32>
        %swap3A_1111 = vector.shape_cast %add3A_1106 : vector<16xf32> to vector<1x16xf32>
        tpu.vector_store %arg10[%swap3A_1107, %swap3A_1108], %swap3A_1111 {strides = array<i32>} : memref<32x768xf32, #tpu.memory_space<vmem>>, vector<1x16xf32>,
        %get3A_1112 = arith.index_cast %scan3A_782 : i32 to index
        %get3A_1113 = arith.constant 528 : index
        %get3A_1114 = tpu.vector_load %arg8[%get3A_1112, %get3A_1113] {strides = array<i32>} : memref<32x768xf32, #tpu.memory_space<vmem>>, vector<1x16xf32>,
        %get3A_1115 = vector.shape_cast %get3A_1114 : vector<1x16xf32> to vector<16xf32>
        %add3A_1116 = arith.addf %get3A_1115, %get3A_175 : vector<16xf32>
        %swap3A_1117 = arith.index_cast %scan3A_782 : i32 to index
        %swap3A_1118 = arith.constant 528 : index
        %swap3A_1119 = tpu.vector_load %arg10[%swap3A_1117, %swap3A_1118] {strides = array<i32>} : memref<32x768xf32, #tpu.memory_space<vmem>>, vector<1x16xf32>,
        %swap3A_1120 = vector.shape_cast %swap3A_1119 : vector<1x16xf32> to vector<16xf32>
        %swap3A_1121 = vector.shape_cast %add3A_1116 : vector<16xf32> to vector<1x16xf32>
        tpu.vector_store %arg10[%swap3A_1117, %swap3A_1118], %swap3A_1121 {strides = array<i32>} : memref<32x768xf32, #tpu.memory_space<vmem>>, vector<1x16xf32>,
        %get3A_1122 = arith.index_cast %scan3A_782 : i32 to index
        %get3A_1123 = arith.constant 544 : index
        %get3A_1124 = tpu.vector_load %arg8[%get3A_1122, %get3A_1123] {strides = array<i32>} : memref<32x768xf32, #tpu.memory_space<vmem>>, vector<1x16xf32>,
        %get3A_1125 = vector.shape_cast %get3A_1124 : vector<1x16xf32> to vector<16xf32>
        %add3A_1126 = arith.addf %get3A_1125, %get3A_180 : vector<16xf32>
        %swap3A_1127 = arith.index_cast %scan3A_782 : i32 to index
        %swap3A_1128 = arith.constant 544 : index
        %swap3A_1129 = tpu.vector_load %arg10[%swap3A_1127, %swap3A_1128] {strides = array<i32>} : memref<32x768xf32, #tpu.memory_space<vmem>>, vector<1x16xf32>,
        %swap3A_1130 = vector.shape_cast %swap3A_1129 : vector<1x16xf32> to vector<16xf32>
        %swap3A_1131 = vector.shape_cast %add3A_1126 : vector<16xf32> to vector<1x16xf32>
        tpu.vector_store %arg10[%swap3A_1127, %swap3A_1128], %swap3A_1131 {strides = array<i32>} : memref<32x768xf32, #tpu.memory_space<vmem>>, vector<1x16xf32>,
        %get3A_1132 = arith.index_cast %scan3A_782 : i32 to index
        %get3A_1133 = arith.constant 560 : index
        %get3A_1134 = tpu.vector_load %arg8[%get3A_1132, %get3A_1133] {strides = array<i32>} : memref<32x768xf32, #tpu.memory_space<vmem>>, vector<1x16xf32>,
        %get3A_1135 = vector.shape_cast %get3A_1134 : vector<1x16xf32> to vector<16xf32>
        %add3A_1136 = arith.addf %get3A_1135, %get3A_185 : vector<16xf32>
        %swap3A_1137 = arith.index_cast %scan3A_782 : i32 to index
        %swap3A_1138 = arith.constant 560 : index
        %swap3A_1139 = tpu.vector_load %arg10[%swap3A_1137, %swap3A_1138] {strides = array<i32>} : memref<32x768xf32, #tpu.memory_space<vmem>>, vector<1x16xf32>,
        %swap3A_1140 = vector.shape_cast %swap3A_1139 : vector<1x16xf32> to vector<16xf32>
        %swap3A_1141 = vector.shape_cast %add3A_1136 : vector<16xf32> to vector<1x16xf32>
        tpu.vector_store %arg10[%swap3A_1137, %swap3A_1138], %swap3A_1141 {strides = array<i32>} : memref<32x768xf32, #tpu.memory_space<vmem>>, vector<1x16xf32>,
        %get3A_1142 = arith.index_cast %scan3A_782 : i32 to index
        %get3A_1143 = arith.constant 576 : index
        %get3A_1144 = tpu.vector_load %arg8[%get3A_1142, %get3A_1143] {strides = array<i32>} : memref<32x768xf32, #tpu.memory_space<vmem>>, vector<1x16xf32>,
        %get3A_1145 = vector.shape_cast %get3A_1144 : vector<1x16xf32> to vector<16xf32>
        %add3A_1146 = arith.addf %get3A_1145, %get3A_190 : vector<16xf32>
        %swap3A_1147 = arith.index_cast %scan3A_782 : i32 to index
        %swap3A_1148 = arith.constant 576 : index
        %swap3A_1149 = tpu.vector_load %arg10[%swap3A_1147, %swap3A_1148] {strides = array<i32>} : memref<32x768xf32, #tpu.memory_space<vmem>>, vector<1x16xf32>,
        %swap3A_1150 = vector.shape_cast %swap3A_1149 : vector<1x16xf32> to vector<16xf32>
        %swap3A_1151 = vector.shape_cast %add3A_1146 : vector<16xf32> to vector<1x16xf32>
        tpu.vector_store %arg10[%swap3A_1147, %swap3A_1148], %swap3A_1151 {strides = array<i32>} : memref<32x768xf32, #tpu.memory_space<vmem>>, vector<1x16xf32>,
        %get3A_1152 = arith.index_cast %scan3A_782 : i32 to index
        %get3A_1153 = arith.constant 592 : index
        %get3A_1154 = tpu.vector_load %arg8[%get3A_1152, %get3A_1153] {strides = array<i32>} : memref<32x768xf32, #tpu.memory_space<vmem>>, vector<1x16xf32>,
        %get3A_1155 = vector.shape_cast %get3A_1154 : vector<1x16xf32> to vector<16xf32>
        %add3A_1156 = arith.addf %get3A_1155, %get3A_195 : vector<16xf32>
        %swap3A_1157 = arith.index_cast %scan3A_782 : i32 to index
        %swap3A_1158 = arith.constant 592 : index
        %swap3A_1159 = tpu.vector_load %arg10[%swap3A_1157, %swap3A_1158] {strides = array<i32>} : memref<32x768xf32, #tpu.memory_space<vmem>>, vector<1x16xf32>,
        %swap3A_1160 = vector.shape_cast %swap3A_1159 : vector<1x16xf32> to vector<16xf32>
        %swap3A_1161 = vector.shape_cast %add3A_1156 : vector<16xf32> to vector<1x16xf32>
        tpu.vector_store %arg10[%swap3A_1157, %swap3A_1158], %swap3A_1161 {strides = array<i32>} : memref<32x768xf32, #tpu.memory_space<vmem>>, vector<1x16xf32>,
        %get3A_1162 = arith.index_cast %scan3A_782 : i32 to index
        %get3A_1163 = arith.constant 608 : index
        %get3A_1164 = tpu.vector_load %arg8[%get3A_1162, %get3A_1163] {strides = array<i32>} : memref<32x768xf32, #tpu.memory_space<vmem>>, vector<1x16xf32>,
        %get3A_1165 = vector.shape_cast %get3A_1164 : vector<1x16xf32> to vector<16xf32>
        %add3A_1166 = arith.addf %get3A_1165, %get3A_200 : vector<16xf32>
        %swap3A_1167 = arith.index_cast %scan3A_782 : i32 to index
        %swap3A_1168 = arith.constant 608 : index
        %swap3A_1169 = tpu.vector_load %arg10[%swap3A_1167, %swap3A_1168] {strides = array<i32>} : memref<32x768xf32, #tpu.memory_space<vmem>>, vector<1x16xf32>,
        %swap3A_1170 = vector.shape_cast %swap3A_1169 : vector<1x16xf32> to vector<16xf32>
        %swap3A_1171 = vector.shape_cast %add3A_1166 : vector<16xf32> to vector<1x16xf32>
        tpu.vector_store %arg10[%swap3A_1167, %swap3A_1168], %swap3A_1171 {strides = array<i32>} : memref<32x768xf32, #tpu.memory_space<vmem>>, vector<1x16xf32>,
        %get3A_1172 = arith.index_cast %scan3A_782 : i32 to index
        %get3A_1173 = arith.constant 624 : index
        %get3A_1174 = tpu.vector_load %arg8[%get3A_1172, %get3A_1173] {strides = array<i32>} : memref<32x768xf32, #tpu.memory_space<vmem>>, vector<1x16xf32>,
        %get3A_1175 = vector.shape_cast %get3A_1174 : vector<1x16xf32> to vector<16xf32>
        %add3A_1176 = arith.addf %get3A_1175, %get3A_205 : vector<16xf32>
        %swap3A_1177 = arith.index_cast %scan3A_782 : i32 to index
        %swap3A_1178 = arith.constant 624 : index
        %swap3A_1179 = tpu.vector_load %arg10[%swap3A_1177, %swap3A_1178] {strides = array<i32>} : memref<32x768xf32, #tpu.memory_space<vmem>>, vector<1x16xf32>,
        %swap3A_1180 = vector.shape_cast %swap3A_1179 : vector<1x16xf32> to vector<16xf32>
        %swap3A_1181 = vector.shape_cast %add3A_1176 : vector<16xf32> to vector<1x16xf32>
        tpu.vector_store %arg10[%swap3A_1177, %swap3A_1178], %swap3A_1181 {strides = array<i32>} : memref<32x768xf32, #tpu.memory_space<vmem>>, vector<1x16xf32>,
        %get3A_1182 = arith.index_cast %scan3A_782 : i32 to index
        %get3A_1183 = arith.constant 640 : index
        %get3A_1184 = tpu.vector_load %arg8[%get3A_1182, %get3A_1183] {strides = array<i32>} : memref<32x768xf32, #tpu.memory_space<vmem>>, vector<1x16xf32>,
        %get3A_1185 = vector.shape_cast %get3A_1184 : vector<1x16xf32> to vector<16xf32>
        %add3A_1186 = arith.addf %get3A_1185, %get3A_210 : vector<16xf32>
        %swap3A_1187 = arith.index_cast %scan3A_782 : i32 to index
        %swap3A_1188 = arith.constant 640 : index
        %swap3A_1189 = tpu.vector_load %arg10[%swap3A_1187, %swap3A_1188] {strides = array<i32>} : memref<32x768xf32, #tpu.memory_space<vmem>>, vector<1x16xf32>,
        %swap3A_1190 = vector.shape_cast %swap3A_1189 : vector<1x16xf32> to vector<16xf32>
        %swap3A_1191 = vector.shape_cast %add3A_1186 : vector<16xf32> to vector<1x16xf32>
        tpu.vector_store %arg10[%swap3A_1187, %swap3A_1188], %swap3A_1191 {strides = array<i32>} : memref<32x768xf32, #tpu.memory_space<vmem>>, vector<1x16xf32>,
        %get3A_1192 = arith.index_cast %scan3A_782 : i32 to index
        %get3A_1193 = arith.constant 656 : index
        %get3A_1194 = tpu.vector_load %arg8[%get3A_1192, %get3A_1193] {strides = array<i32>} : memref<32x768xf32, #tpu.memory_space<vmem>>, vector<1x16xf32>,
        %get3A_1195 = vector.shape_cast %get3A_1194 : vector<1x16xf32> to vector<16xf32>
        %add3A_1196 = arith.addf %get3A_1195, %get3A_215 : vector<16xf32>
        %swap3A_1197 = arith.index_cast %scan3A_782 : i32 to index
        %swap3A_1198 = arith.constant 656 : index
        %swap3A_1199 = tpu.vector_load %arg10[%swap3A_1197, %swap3A_1198] {strides = array<i32>} : memref<32x768xf32, #tpu.memory_space<vmem>>, vector<1x16xf32>,
        %swap3A_1200 = vector.shape_cast %swap3A_1199 : vector<1x16xf32> to vector<16xf32>
        %swap3A_1201 = vector.shape_cast %add3A_1196 : vector<16xf32> to vector<1x16xf32>
        tpu.vector_store %arg10[%swap3A_1197, %swap3A_1198], %swap3A_1201 {strides = array<i32>} : memref<32x768xf32, #tpu.memory_space<vmem>>, vector<1x16xf32>,
        %get3A_1202 = arith.index_cast %scan3A_782 : i32 to index
        %get3A_1203 = arith.constant 672 : index
        %get3A_1204 = tpu.vector_load %arg8[%get3A_1202, %get3A_1203] {strides = array<i32>} : memref<32x768xf32, #tpu.memory_space<vmem>>, vector<1x16xf32>,
        %get3A_1205 = vector.shape_cast %get3A_1204 : vector<1x16xf32> to vector<16xf32>
        %add3A_1206 = arith.addf %get3A_1205, %get3A_220 : vector<16xf32>
        %swap3A_1207 = arith.index_cast %scan3A_782 : i32 to index
        %swap3A_1208 = arith.constant 672 : index
        %swap3A_1209 = tpu.vector_load %arg10[%swap3A_1207, %swap3A_1208] {strides = array<i32>} : memref<32x768xf32, #tpu.memory_space<vmem>>, vector<1x16xf32>,
        %swap3A_1210 = vector.shape_cast %swap3A_1209 : vector<1x16xf32> to vector<16xf32>
        %swap3A_1211 = vector.shape_cast %add3A_1206 : vector<16xf32> to vector<1x16xf32>
        tpu.vector_store %arg10[%swap3A_1207, %swap3A_1208], %swap3A_1211 {strides = array<i32>} : memref<32x768xf32, #tpu.memory_space<vmem>>, vector<1x16xf32>,
        %get3A_1212 = arith.index_cast %scan3A_782 : i32 to index
        %get3A_1213 = arith.constant 688 : index
        %get3A_1214 = tpu.vector_load %arg8[%get3A_1212, %get3A_1213] {strides = array<i32>} : memref<32x768xf32, #tpu.memory_space<vmem>>, vector<1x16xf32>,
        %get3A_1215 = vector.shape_cast %get3A_1214 : vector<1x16xf32> to vector<16xf32>
        %add3A_1216 = arith.addf %get3A_1215, %get3A_225 : vector<16xf32>
        %swap3A_1217 = arith.index_cast %scan3A_782 : i32 to index
        %swap3A_1218 = arith.constant 688 : index
        %swap3A_1219 = tpu.vector_load %arg10[%swap3A_1217, %swap3A_1218] {strides = array<i32>} : memref<32x768xf32, #tpu.memory_space<vmem>>, vector<1x16xf32>,
        %swap3A_1220 = vector.shape_cast %swap3A_1219 : vector<1x16xf32> to vector<16xf32>
        %swap3A_1221 = vector.shape_cast %add3A_1216 : vector<16xf32> to vector<1x16xf32>
        tpu.vector_store %arg10[%swap3A_1217, %swap3A_1218], %swap3A_1221 {strides = array<i32>} : memref<32x768xf32, #tpu.memory_space<vmem>>, vector<1x16xf32>,
        %get3A_1222 = arith.index_cast %scan3A_782 : i32 to index
        %get3A_1223 = arith.constant 704 : index
        %get3A_1224 = tpu.vector_load %arg8[%get3A_1222, %get3A_1223] {strides = array<i32>} : memref<32x768xf32, #tpu.memory_space<vmem>>, vector<1x16xf32>,
        %get3A_1225 = vector.shape_cast %get3A_1224 : vector<1x16xf32> to vector<16xf32>
        %add3A_1226 = arith.addf %get3A_1225, %get3A_230 : vector<16xf32>
        %swap3A_1227 = arith.index_cast %scan3A_782 : i32 to index
        %swap3A_1228 = arith.constant 704 : index
        %swap3A_1229 = tpu.vector_load %arg10[%swap3A_1227, %swap3A_1228] {strides = array<i32>} : memref<32x768xf32, #tpu.memory_space<vmem>>, vector<1x16xf32>,
        %swap3A_1230 = vector.shape_cast %swap3A_1229 : vector<1x16xf32> to vector<16xf32>
        %swap3A_1231 = vector.shape_cast %add3A_1226 : vector<16xf32> to vector<1x16xf32>
        tpu.vector_store %arg10[%swap3A_1227, %swap3A_1228], %swap3A_1231 {strides = array<i32>} : memref<32x768xf32, #tpu.memory_space<vmem>>, vector<1x16xf32>,
        %get3A_1232 = arith.index_cast %scan3A_782 : i32 to index
        %get3A_1233 = arith.constant 720 : index
        %get3A_1234 = tpu.vector_load %arg8[%get3A_1232, %get3A_1233] {strides = array<i32>} : memref<32x768xf32, #tpu.memory_space<vmem>>, vector<1x16xf32>,
        %get3A_1235 = vector.shape_cast %get3A_1234 : vector<1x16xf32> to vector<16xf32>
        %add3A_1236 = arith.addf %get3A_1235, %get3A_235 : vector<16xf32>
        %swap3A_1237 = arith.index_cast %scan3A_782 : i32 to index
        %swap3A_1238 = arith.constant 720 : index
        %swap3A_1239 = tpu.vector_load %arg10[%swap3A_1237, %swap3A_1238] {strides = array<i32>} : memref<32x768xf32, #tpu.memory_space<vmem>>, vector<1x16xf32>,
        %swap3A_1240 = vector.shape_cast %swap3A_1239 : vector<1x16xf32> to vector<16xf32>
        %swap3A_1241 = vector.shape_cast %add3A_1236 : vector<16xf32> to vector<1x16xf32>
        tpu.vector_store %arg10[%swap3A_1237, %swap3A_1238], %swap3A_1241 {strides = array<i32>} : memref<32x768xf32, #tpu.memory_space<vmem>>, vector<1x16xf32>,
        %get3A_1242 = arith.index_cast %scan3A_782 : i32 to index
        %get3A_1243 = arith.constant 736 : index
        %get3A_1244 = tpu.vector_load %arg8[%get3A_1242, %get3A_1243] {strides = array<i32>} : memref<32x768xf32, #tpu.memory_space<vmem>>, vector<1x16xf32>,
        %get3A_1245 = vector.shape_cast %get3A_1244 : vector<1x16xf32> to vector<16xf32>
        %add3A_1246 = arith.addf %get3A_1245, %get3A_240 : vector<16xf32>
        %swap3A_1247 = arith.index_cast %scan3A_782 : i32 to index
        %swap3A_1248 = arith.constant 736 : index
        %swap3A_1249 = tpu.vector_load %arg10[%swap3A_1247, %swap3A_1248] {strides = array<i32>} : memref<32x768xf32, #tpu.memory_space<vmem>>, vector<1x16xf32>,
        %swap3A_1250 = vector.shape_cast %swap3A_1249 : vector<1x16xf32> to vector<16xf32>
        %swap3A_1251 = vector.shape_cast %add3A_1246 : vector<16xf32> to vector<1x16xf32>
        tpu.vector_store %arg10[%swap3A_1247, %swap3A_1248], %swap3A_1251 {strides = array<i32>} : memref<32x768xf32, #tpu.memory_space<vmem>>, vector<1x16xf32>,
        %get3A_1252 = arith.index_cast %scan3A_782 : i32 to index
        %get3A_1253 = arith.constant 752 : index
        %get3A_1254 = tpu.vector_load %arg8[%get3A_1252, %get3A_1253] {strides = array<i32>} : memref<32x768xf32, #tpu.memory_space<vmem>>, vector<1x16xf32>,
        %get3A_1255 = vector.shape_cast %get3A_1254 : vector<1x16xf32> to vector<16xf32>
        %add3A_1256 = arith.addf %get3A_1255, %get3A_245 : vector<16xf32>
        %swap3A_1257 = arith.index_cast %scan3A_782 : i32 to index
        %swap3A_1258 = arith.constant 752 : index
        %swap3A_1259 = tpu.vector_load %arg10[%swap3A_1257, %swap3A_1258] {strides = array<i32>} : memref<32x768xf32, #tpu.memory_space<vmem>>, vector<1x16xf32>,
        %swap3A_1260 = vector.shape_cast %swap3A_1259 : vector<1x16xf32> to vector<16xf32>
        %swap3A_1261 = vector.shape_cast %add3A_1256 : vector<16xf32> to vector<1x16xf32>
        tpu.vector_store %arg10[%swap3A_1257, %swap3A_1258], %swap3A_1261 {strides = array<i32>} : memref<32x768xf32, #tpu.memory_space<vmem>>, vector<1x16xf32>,
      }
      %scan3A_663 = arith.constant 32 : i32
      %add3A_664 = arith.constant 2 : i32
      %add3A_665 = arith.addi %add3A_647, %add3A_664 : i32
      %min3A = arith.constant 126 : i32
      %min3A_666 = arith.minsi %add3A_665, %min3A : i32
      %mul3A_667 = arith.constant 32 : i32
      %mul3A_668 = arith.muli %min3A_666, %mul3A_667 : i32
      %add3A_669 = arith.constant 0 : i32
      %add3A_670 = arith.addi %add3A_669, %mul3A_668 : i32
      %dma_start3A_671 = tpu.memref_slice %arg6[%add3A_670] : memref<8192xi32, #tpu.memory_space<vmem>> -> memref<32xi32, #tpu.memory_space<vmem>>
      %dma_start3A_672 = arith.constant 0 : i32
      %dma_start3A_673 = arith.constant 0 : i32
      %dma_start3A_674 = tpu.memref_slice %arg3[%dma_start3A_672, %dma_start3A_673] : memref<28996x768xf32, #tpu.memory_space<hbm>> -> memref<28996x768xf32, #tpu.memory_space<hbm>>
      tpu.enqueue_indirect_dma source(%dma_start3A_674 : memref<28996x768xf32, #tpu.memory_space<hbm>>) target(%arg8 : memref<32x768xf32, #tpu.memory_space<vmem>>) offsets(%dma_start3A_671 : memref<32xi32, #tpu.memory_space<vmem>>) semaphore(%arg12 : memref<!tpu.dma_semaphore, #tpu.memory_space<semaphore_mem>>)
      %mul3A_675 = arith.constant 64 : i32
      %mul3A_676 = vector.broadcast %mul3A_675 : i32 to vector<16xi32>
      %mul3A_677 = arith.muli %iota3A, %mul3A_676 : vector<16xi32>
      %mul3A_678 = arith.constant 32 : i32
      %mul3A_679 = arith.muli %add3A_647, %mul3A_678 : i32
      %add3A_680 = arith.constant 0 : i32
      %add3A_681 = arith.addi %mul3A_679, %add3A_680 : i32
      %mul3A_682 = arith.constant 64 : i32
      %mul3A_683 = arith.muli %add3A_681, %mul3A_682 : i32
      %add3A_684 = arith.addi %mul3A_683, %add3A_6 : i32
      %add3A_685 = vector.broadcast %add3A_684 : i32 to vector<16xi32>
      %add3A_686 = arith.addi %mul3A_677, %add3A_685 : vector<16xi32>
      %dma_start3A_687 = arith.constant 0 : i32
      %dma_start3A_688 = arith.constant 0 : i32
      %dma_start3A_689 = tpu.memref_slice %arg10[%dma_start3A_687, %dma_start3A_688] : memref<32x768xf32, #tpu.memory_space<vmem>> -> memref<16x768xf32, #tpu.memory_space<vmem>>
      %dma_start3A_690 = arith.constant 0 : i32
      %dma_start3A_691 = arith.constant 0 : i32
      %dma_start3A_692 = tpu.memref_slice %arg5[%dma_start3A_690, %dma_start3A_691] : memref<262144x768xf32, #tpu.memory_space<hbm>> -> memref<262144x768xf32, #tpu.memory_space<hbm>>
      tpu.enqueue_indirect_dma source(%dma_start3A_689 : memref<16x768xf32, #tpu.memory_space<vmem>>) target(%dma_start3A_692 : memref<262144x768xf32, #tpu.memory_space<hbm>>) offsets(%add3A_686 : vector<16xi32>) semaphore(%arg14 : memref<!tpu.dma_semaphore, #tpu.memory_space<semaphore_mem>>)
      %mul3A_693 = arith.constant 64 : i32
      %mul3A_694 = vector.broadcast %mul3A_693 : i32 to vector<16xi32>
      %mul3A_695 = arith.muli %iota3A, %mul3A_694 : vector<16xi32>
      %mul3A_696 = arith.constant 32 : i32
      %mul3A_697 = arith.muli %add3A_647, %mul3A_696 : i32
      %add3A_698 = arith.constant 16 : i32
      %add3A_699 = arith.addi %mul3A_697, %add3A_698 : i32
      %mul3A_700 = arith.constant 64 : i32
      %mul3A_701 = arith.muli %add3A_699, %mul3A_700 : i32
      %add3A_702 = arith.addi %mul3A_701, %add3A_6 : i32
      %add3A_703 = vector.broadcast %add3A_702 : i32 to vector<16xi32>
      %add3A_704 = arith.addi %mul3A_695, %add3A_703 : vector<16xi32>
      %dma_start3A_705 = arith.constant 16 : i32
      %dma_start3A_706 = arith.constant 0 : i32
      %dma_start3A_707 = tpu.memref_slice %arg10[%dma_start3A_705, %dma_start3A_706] : memref<32x768xf32, #tpu.memory_space<vmem>> -> memref<16x768xf32, #tpu.memory_space<vmem>>
      %dma_start3A_708 = arith.constant 0 : i32
      %dma_start3A_709 = arith.constant 0 : i32
      %dma_start3A_710 = tpu.memref_slice %arg5[%dma_start3A_708, %dma_start3A_709] : memref<262144x768xf32, #tpu.memory_space<hbm>> -> memref<262144x768xf32, #tpu.memory_space<hbm>>
      tpu.enqueue_indirect_dma source(%dma_start3A_707 : memref<16x768xf32, #tpu.memory_space<vmem>>) target(%dma_start3A_710 : memref<262144x768xf32, #tpu.memory_space<hbm>>) offsets(%add3A_704 : vector<16xi32>) semaphore(%arg14 : memref<!tpu.dma_semaphore, #tpu.memory_space<semaphore_mem>>)
      %mul3A_711 = arith.constant 2 : i32
      %mul3A_712 = arith.muli %mul3A_711, %scan3A_643 : i32
      %add3A_713 = arith.constant 1 : i32
      %add3A_714 = arith.addi %mul3A_712, %add3A_713 : i32
      %mul3A_715 = arith.constant 32 : i32
      %mul3A_716 = arith.muli %add3A_714, %mul3A_715 : i32
      %add3A_717 = arith.constant 0 : i32
      %add3A_718 = arith.addi %add3A_717, %mul3A_716 : i32
      %dma_wait3A_719 = tpu.memref_slice %arg6[%add3A_718] : memref<8192xi32, #tpu.memory_space<vmem>> -> memref<32xi32, #tpu.memory_space<vmem>>
      %dma_wait3A_720 = arith.constant 0 : i32
      %dma_wait3A_721 = arith.constant 0 : i32
      %dma_wait3A_722 = tpu.memref_slice %arg3[%dma_wait3A_720, %dma_wait3A_721] : memref<28996x768xf32, #tpu.memory_space<hbm>> -> memref<28996x768xf32, #tpu.memory_space<hbm>>
      tpu.wait_indirect_dma semaphore(%arg13 : memref<!tpu.dma_semaphore, #tpu.memory_space<semaphore_mem>>) src(%dma_wait3A_722 : memref<28996x768xf32, #tpu.memory_space<hbm>>) dst(%arg9 : memref<32x768xf32, #tpu.memory_space<vmem>>)
      %ge3A_723 = arith.constant 1 : i32
      %ge3A_724 = arith.cmpi sge, %scan3A_643, %ge3A_723 : i32
      %convert_element_type3A_725 = arith.extui %ge3A_724 : i1 to i32
      %cond3A_726 = arith.constant 0 : i32
      %cond3A_727 = arith.cmpi ne, %convert_element_type3A_725, %cond3A_726 : i32
      scf.if %cond3A_727 {
        %mul3A_782 = arith.constant 64 : i32
        %mul3A_783 = vector.broadcast %mul3A_782 : i32 to vector<16xi32>
        %mul3A_784 = arith.muli %iota3A, %mul3A_783 : vector<16xi32>
        %mul3A_785 = arith.constant 32 : i32
        %mul3A_786 = arith.muli %add3A_714, %mul3A_785 : i32
        %add3A_787 = arith.constant 0 : i32
        %add3A_788 = arith.addi %mul3A_786, %add3A_787 : i32
        %mul3A_789 = arith.constant 64 : i32
        %mul3A_790 = arith.muli %add3A_788, %mul3A_789 : i32
        %add3A_791 = arith.addi %mul3A_790, %add3A_6 : i32
        %add3A_792 = vector.broadcast %add3A_791 : i32 to vector<16xi32>
        %add3A_793 = arith.addi %mul3A_784, %add3A_792 : vector<16xi32>
        %dma_wait3A_794 = arith.constant 0 : i32
        %dma_wait3A_795 = arith.constant 0 : i32
        %dma_wait3A_796 = tpu.memref_slice %arg11[%dma_wait3A_794, %dma_wait3A_795] : memref<32x768xf32, #tpu.memory_space<vmem>> -> memref<16x768xf32, #tpu.memory_space<vmem>>
        %dma_wait3A_797 = arith.constant 0 : i32
        %dma_wait3A_798 = arith.constant 0 : i32
        %dma_wait3A_799 = tpu.memref_slice %arg5[%dma_wait3A_797, %dma_wait3A_798] : memref<262144x768xf32, #tpu.memory_space<hbm>> -> memref<262144x768xf32, #tpu.memory_space<hbm>>
        tpu.wait_indirect_dma semaphore(%arg15 : memref<!tpu.dma_semaphore, #tpu.memory_space<semaphore_mem>>) src(%dma_wait3A_796 : memref<16x768xf32, #tpu.memory_space<vmem>>) dst(%dma_wait3A_799 : memref<262144x768xf32, #tpu.memory_space<hbm>>)
        %mul3A_800 = arith.constant 64 : i32
        %mul3A_801 = vector.broadcast %mul3A_800 : i32 to vector<16xi32>
        %mul3A_802 = arith.muli %iota3A, %mul3A_801 : vector<16xi32>
        %mul3A_803 = arith.constant 32 : i32
        %mul3A_804 = arith.muli %add3A_714, %mul3A_803 : i32
        %add3A_805 = arith.constant 16 : i32
        %add3A_806 = arith.addi %mul3A_804, %add3A_805 : i32
        %mul3A_807 = arith.constant 64 : i32
        %mul3A_808 = arith.muli %add3A_806, %mul3A_807 : i32
        %add3A_809 = arith.addi %mul3A_808, %add3A_6 : i32
        %add3A_810 = vector.broadcast %add3A_809 : i32 to vector<16xi32>
        %add3A_811 = arith.addi %mul3A_802, %add3A_810 : vector<16xi32>
        %dma_wait3A_812 = arith.constant 16 : i32
        %dma_wait3A_813 = arith.constant 0 : i32
        %dma_wait3A_814 = tpu.memref_slice %arg11[%dma_wait3A_812, %dma_wait3A_813] : memref<32x768xf32, #tpu.memory_space<vmem>> -> memref<16x768xf32, #tpu.memory_space<vmem>>
        %dma_wait3A_815 = arith.constant 0 : i32
        %dma_wait3A_816 = arith.constant 0 : i32
        %dma_wait3A_817 = tpu.memref_slice %arg5[%dma_wait3A_815, %dma_wait3A_816] : memref<262144x768xf32, #tpu.memory_space<hbm>> -> memref<262144x768xf32, #tpu.memory_space<hbm>>
        tpu.wait_indirect_dma semaphore(%arg15 : memref<!tpu.dma_semaphore, #tpu.memory_space<semaphore_mem>>) src(%dma_wait3A_814 : memref<16x768xf32, #tpu.memory_space<vmem>>) dst(%dma_wait3A_817 : memref<262144x768xf32, #tpu.memory_space<hbm>>)
      } else {
      }
      %scan3A_728 = arith.constant 0 : i32
      %scan3A_729 = arith.constant 0 : i32
      %scan3A_730 = arith.constant 32 : i32
      %scan3A_731 = arith.addi %scan3A_729, %scan3A_730 : i32
      %scan3A_732 = arith.constant 1 : i32
      scf.for %scan3A_782 = %scan3A_729 to %scan3A_731 step %scan3A_732  : i32 {
        %get3A_783 = arith.index_cast %scan3A_782 : i32 to index
        %get3A_784 = arith.constant 0 : index
        %get3A_785 = tpu.vector_load %arg9[%get3A_783, %get3A_784] {strides = array<i32>} : memref<32x768xf32, #tpu.memory_space<vmem>>, vector<1x16xf32>,
        %get3A_786 = vector.shape_cast %get3A_785 : vector<1x16xf32> to vector<16xf32>
        %add3A_787 = arith.addf %get3A_786, %get3A_10 : vector<16xf32>
        %swap3A = arith.index_cast %scan3A_782 : i32 to index
        %swap3A_788 = arith.constant 0 : index
        %swap3A_789 = tpu.vector_load %arg11[%swap3A, %swap3A_788] {strides = array<i32>} : memref<32x768xf32, #tpu.memory_space<vmem>>, vector<1x16xf32>,
        %swap3A_790 = vector.shape_cast %swap3A_789 : vector<1x16xf32> to vector<16xf32>
        %swap3A_791 = vector.shape_cast %add3A_787 : vector<16xf32> to vector<1x16xf32>
        tpu.vector_store %arg11[%swap3A, %swap3A_788], %swap3A_791 {strides = array<i32>} : memref<32x768xf32, #tpu.memory_space<vmem>>, vector<1x16xf32>,
        %get3A_792 = arith.index_cast %scan3A_782 : i32 to index
        %get3A_793 = arith.constant 16 : index
        %get3A_794 = tpu.vector_load %arg9[%get3A_792, %get3A_793] {strides = array<i32>} : memref<32x768xf32, #tpu.memory_space<vmem>>, vector<1x16xf32>,
        %get3A_795 = vector.shape_cast %get3A_794 : vector<1x16xf32> to vector<16xf32>
        %add3A_796 = arith.addf %get3A_795, %get3A_15 : vector<16xf32>
        %swap3A_797 = arith.index_cast %scan3A_782 : i32 to index
        %swap3A_798 = arith.constant 16 : index
        %swap3A_799 = tpu.vector_load %arg11[%swap3A_797, %swap3A_798] {strides = array<i32>} : memref<32x768xf32, #tpu.memory_space<vmem>>, vector<1x16xf32>,
        %swap3A_800 = vector.shape_cast %swap3A_799 : vector<1x16xf32> to vector<16xf32>
        %swap3A_801 = vector.shape_cast %add3A_796 : vector<16xf32> to vector<1x16xf32>
        tpu.vector_store %arg11[%swap3A_797, %swap3A_798], %swap3A_801 {strides = array<i32>} : memref<32x768xf32, #tpu.memory_space<vmem>>, vector<1x16xf32>,
        %get3A_802 = arith.index_cast %scan3A_782 : i32 to index
        %get3A_803 = arith.constant 32 : index
        %get3A_804 = tpu.vector_load %arg9[%get3A_802, %get3A_803] {strides = array<i32>} : memref<32x768xf32, #tpu.memory_space<vmem>>, vector<1x16xf32>,
        %get3A_805 = vector.shape_cast %get3A_804 : vector<1x16xf32> to vector<16xf32>
        %add3A_806 = arith.addf %get3A_805, %get3A_20 : vector<16xf32>
        %swap3A_807 = arith.index_cast %scan3A_782 : i32 to index
        %swap3A_808 = arith.constant 32 : index
        %swap3A_809 = tpu.vector_load %arg11[%swap3A_807, %swap3A_808] {strides = array<i32>} : memref<32x768xf32, #tpu.memory_space<vmem>>, vector<1x16xf32>,
        %swap3A_810 = vector.shape_cast %swap3A_809 : vector<1x16xf32> to vector<16xf32>
        %swap3A_811 = vector.shape_cast %add3A_806 : vector<16xf32> to vector<1x16xf32>
        tpu.vector_store %arg11[%swap3A_807, %swap3A_808], %swap3A_811 {strides = array<i32>} : memref<32x768xf32, #tpu.memory_space<vmem>>, vector<1x16xf32>,
        %get3A_812 = arith.index_cast %scan3A_782 : i32 to index
        %get3A_813 = arith.constant 48 : index
        %get3A_814 = tpu.vector_load %arg9[%get3A_812, %get3A_813] {strides = array<i32>} : memref<32x768xf32, #tpu.memory_space<vmem>>, vector<1x16xf32>,
        %get3A_815 = vector.shape_cast %get3A_814 : vector<1x16xf32> to vector<16xf32>
        %add3A_816 = arith.addf %get3A_815, %get3A_25 : vector<16xf32>
        %swap3A_817 = arith.index_cast %scan3A_782 : i32 to index
        %swap3A_818 = arith.constant 48 : index
        %swap3A_819 = tpu.vector_load %arg11[%swap3A_817, %swap3A_818] {strides = array<i32>} : memref<32x768xf32, #tpu.memory_space<vmem>>, vector<1x16xf32>,
        %swap3A_820 = vector.shape_cast %swap3A_819 : vector<1x16xf32> to vector<16xf32>
        %swap3A_821 = vector.shape_cast %add3A_816 : vector<16xf32> to vector<1x16xf32>
        tpu.vector_store %arg11[%swap3A_817, %swap3A_818], %swap3A_821 {strides = array<i32>} : memref<32x768xf32, #tpu.memory_space<vmem>>, vector<1x16xf32>,
        %get3A_822 = arith.index_cast %scan3A_782 : i32 to index
        %get3A_823 = arith.constant 64 : index
        %get3A_824 = tpu.vector_load %arg9[%get3A_822, %get3A_823] {strides = array<i32>} : memref<32x768xf32, #tpu.memory_space<vmem>>, vector<1x16xf32>,
        %get3A_825 = vector.shape_cast %get3A_824 : vector<1x16xf32> to vector<16xf32>
        %add3A_826 = arith.addf %get3A_825, %get3A_30 : vector<16xf32>
        %swap3A_827 = arith.index_cast %scan3A_782 : i32 to index
        %swap3A_828 = arith.constant 64 : index
        %swap3A_829 = tpu.vector_load %arg11[%swap3A_827, %swap3A_828] {strides = array<i32>} : memref<32x768xf32, #tpu.memory_space<vmem>>, vector<1x16xf32>,
        %swap3A_830 = vector.shape_cast %swap3A_829 : vector<1x16xf32> to vector<16xf32>
        %swap3A_831 = vector.shape_cast %add3A_826 : vector<16xf32> to vector<1x16xf32>
        tpu.vector_store %arg11[%swap3A_827, %swap3A_828], %swap3A_831 {strides = array<i32>} : memref<32x768xf32, #tpu.memory_space<vmem>>, vector<1x16xf32>,
        %get3A_832 = arith.index_cast %scan3A_782 : i32 to index
        %get3A_833 = arith.constant 80 : index
        %get3A_834 = tpu.vector_load %arg9[%get3A_832, %get3A_833] {strides = array<i32>} : memref<32x768xf32, #tpu.memory_space<vmem>>, vector<1x16xf32>,
        %get3A_835 = vector.shape_cast %get3A_834 : vector<1x16xf32> to vector<16xf32>
        %add3A_836 = arith.addf %get3A_835, %get3A_35 : vector<16xf32>
        %swap3A_837 = arith.index_cast %scan3A_782 : i32 to index
        %swap3A_838 = arith.constant 80 : index
        %swap3A_839 = tpu.vector_load %arg11[%swap3A_837, %swap3A_838] {strides = array<i32>} : memref<32x768xf32, #tpu.memory_space<vmem>>, vector<1x16xf32>,
        %swap3A_840 = vector.shape_cast %swap3A_839 : vector<1x16xf32> to vector<16xf32>
        %swap3A_841 = vector.shape_cast %add3A_836 : vector<16xf32> to vector<1x16xf32>
        tpu.vector_store %arg11[%swap3A_837, %swap3A_838], %swap3A_841 {strides = array<i32>} : memref<32x768xf32, #tpu.memory_space<vmem>>, vector<1x16xf32>,
        %get3A_842 = arith.index_cast %scan3A_782 : i32 to index
        %get3A_843 = arith.constant 96 : index
        %get3A_844 = tpu.vector_load %arg9[%get3A_842, %get3A_843] {strides = array<i32>} : memref<32x768xf32, #tpu.memory_space<vmem>>, vector<1x16xf32>,
        %get3A_845 = vector.shape_cast %get3A_844 : vector<1x16xf32> to vector<16xf32>
        %add3A_846 = arith.addf %get3A_845, %get3A_40 : vector<16xf32>
        %swap3A_847 = arith.index_cast %scan3A_782 : i32 to index
        %swap3A_848 = arith.constant 96 : index
        %swap3A_849 = tpu.vector_load %arg11[%swap3A_847, %swap3A_848] {strides = array<i32>} : memref<32x768xf32, #tpu.memory_space<vmem>>, vector<1x16xf32>,
        %swap3A_850 = vector.shape_cast %swap3A_849 : vector<1x16xf32> to vector<16xf32>
        %swap3A_851 = vector.shape_cast %add3A_846 : vector<16xf32> to vector<1x16xf32>
        tpu.vector_store %arg11[%swap3A_847, %swap3A_848], %swap3A_851 {strides = array<i32>} : memref<32x768xf32, #tpu.memory_space<vmem>>, vector<1x16xf32>,
        %get3A_852 = arith.index_cast %scan3A_782 : i32 to index
        %get3A_853 = arith.constant 112 : index
        %get3A_854 = tpu.vector_load %arg9[%get3A_852, %get3A_853] {strides = array<i32>} : memref<32x768xf32, #tpu.memory_space<vmem>>, vector<1x16xf32>,
        %get3A_855 = vector.shape_cast %get3A_854 : vector<1x16xf32> to vector<16xf32>
        %add3A_856 = arith.addf %get3A_855, %get3A_45 : vector<16xf32>
        %swap3A_857 = arith.index_cast %scan3A_782 : i32 to index
        %swap3A_858 = arith.constant 112 : index
        %swap3A_859 = tpu.vector_load %arg11[%swap3A_857, %swap3A_858] {strides = array<i32>} : memref<32x768xf32, #tpu.memory_space<vmem>>, vector<1x16xf32>,
        %swap3A_860 = vector.shape_cast %swap3A_859 : vector<1x16xf32> to vector<16xf32>
        %swap3A_861 = vector.shape_cast %add3A_856 : vector<16xf32> to vector<1x16xf32>
        tpu.vector_store %arg11[%swap3A_857, %swap3A_858], %swap3A_861 {strides = array<i32>} : memref<32x768xf32, #tpu.memory_space<vmem>>, vector<1x16xf32>,
        %get3A_862 = arith.index_cast %scan3A_782 : i32 to index
        %get3A_863 = arith.constant 128 : index
        %get3A_864 = tpu.vector_load %arg9[%get3A_862, %get3A_863] {strides = array<i32>} : memref<32x768xf32, #tpu.memory_space<vmem>>, vector<1x16xf32>,
        %get3A_865 = vector.shape_cast %get3A_864 : vector<1x16xf32> to vector<16xf32>
        %add3A_866 = arith.addf %get3A_865, %get3A_50 : vector<16xf32>
        %swap3A_867 = arith.index_cast %scan3A_782 : i32 to index
        %swap3A_868 = arith.constant 128 : index
        %swap3A_869 = tpu.vector_load %arg11[%swap3A_867, %swap3A_868] {strides = array<i32>} : memref<32x768xf32, #tpu.memory_space<vmem>>, vector<1x16xf32>,
        %swap3A_870 = vector.shape_cast %swap3A_869 : vector<1x16xf32> to vector<16xf32>
        %swap3A_871 = vector.shape_cast %add3A_866 : vector<16xf32> to vector<1x16xf32>
        tpu.vector_store %arg11[%swap3A_867, %swap3A_868], %swap3A_871 {strides = array<i32>} : memref<32x768xf32, #tpu.memory_space<vmem>>, vector<1x16xf32>,
        %get3A_872 = arith.index_cast %scan3A_782 : i32 to index
        %get3A_873 = arith.constant 144 : index
        %get3A_874 = tpu.vector_load %arg9[%get3A_872, %get3A_873] {strides = array<i32>} : memref<32x768xf32, #tpu.memory_space<vmem>>, vector<1x16xf32>,
        %get3A_875 = vector.shape_cast %get3A_874 : vector<1x16xf32> to vector<16xf32>
        %add3A_876 = arith.addf %get3A_875, %get3A_55 : vector<16xf32>
        %swap3A_877 = arith.index_cast %scan3A_782 : i32 to index
        %swap3A_878 = arith.constant 144 : index
        %swap3A_879 = tpu.vector_load %arg11[%swap3A_877, %swap3A_878] {strides = array<i32>} : memref<32x768xf32, #tpu.memory_space<vmem>>, vector<1x16xf32>,
        %swap3A_880 = vector.shape_cast %swap3A_879 : vector<1x16xf32> to vector<16xf32>
        %swap3A_881 = vector.shape_cast %add3A_876 : vector<16xf32> to vector<1x16xf32>
        tpu.vector_store %arg11[%swap3A_877, %swap3A_878], %swap3A_881 {strides = array<i32>} : memref<32x768xf32, #tpu.memory_space<vmem>>, vector<1x16xf32>,
        %get3A_882 = arith.index_cast %scan3A_782 : i32 to index
        %get3A_883 = arith.constant 160 : index
        %get3A_884 = tpu.vector_load %arg9[%get3A_882, %get3A_883] {strides = array<i32>} : memref<32x768xf32, #tpu.memory_space<vmem>>, vector<1x16xf32>,
        %get3A_885 = vector.shape_cast %get3A_884 : vector<1x16xf32> to vector<16xf32>
        %add3A_886 = arith.addf %get3A_885, %get3A_60 : vector<16xf32>
        %swap3A_887 = arith.index_cast %scan3A_782 : i32 to index
        %swap3A_888 = arith.constant 160 : index
        %swap3A_889 = tpu.vector_load %arg11[%swap3A_887, %swap3A_888] {strides = array<i32>} : memref<32x768xf32, #tpu.memory_space<vmem>>, vector<1x16xf32>,
        %swap3A_890 = vector.shape_cast %swap3A_889 : vector<1x16xf32> to vector<16xf32>
        %swap3A_891 = vector.shape_cast %add3A_886 : vector<16xf32> to vector<1x16xf32>
        tpu.vector_store %arg11[%swap3A_887, %swap3A_888], %swap3A_891 {strides = array<i32>} : memref<32x768xf32, #tpu.memory_space<vmem>>, vector<1x16xf32>,
        %get3A_892 = arith.index_cast %scan3A_782 : i32 to index
        %get3A_893 = arith.constant 176 : index
        %get3A_894 = tpu.vector_load %arg9[%get3A_892, %get3A_893] {strides = array<i32>} : memref<32x768xf32, #tpu.memory_space<vmem>>, vector<1x16xf32>,
        %get3A_895 = vector.shape_cast %get3A_894 : vector<1x16xf32> to vector<16xf32>
        %add3A_896 = arith.addf %get3A_895, %get3A_65 : vector<16xf32>
        %swap3A_897 = arith.index_cast %scan3A_782 : i32 to index
        %swap3A_898 = arith.constant 176 : index
        %swap3A_899 = tpu.vector_load %arg11[%swap3A_897, %swap3A_898] {strides = array<i32>} : memref<32x768xf32, #tpu.memory_space<vmem>>, vector<1x16xf32>,
        %swap3A_900 = vector.shape_cast %swap3A_899 : vector<1x16xf32> to vector<16xf32>
        %swap3A_901 = vector.shape_cast %add3A_896 : vector<16xf32> to vector<1x16xf32>
        tpu.vector_store %arg11[%swap3A_897, %swap3A_898], %swap3A_901 {strides = array<i32>} : memref<32x768xf32, #tpu.memory_space<vmem>>, vector<1x16xf32>,
        %get3A_902 = arith.index_cast %scan3A_782 : i32 to index
        %get3A_903 = arith.constant 192 : index
        %get3A_904 = tpu.vector_load %arg9[%get3A_902, %get3A_903] {strides = array<i32>} : memref<32x768xf32, #tpu.memory_space<vmem>>, vector<1x16xf32>,
        %get3A_905 = vector.shape_cast %get3A_904 : vector<1x16xf32> to vector<16xf32>
        %add3A_906 = arith.addf %get3A_905, %get3A_70 : vector<16xf32>
        %swap3A_907 = arith.index_cast %scan3A_782 : i32 to index
        %swap3A_908 = arith.constant 192 : index
        %swap3A_909 = tpu.vector_load %arg11[%swap3A_907, %swap3A_908] {strides = array<i32>} : memref<32x768xf32, #tpu.memory_space<vmem>>, vector<1x16xf32>,
        %swap3A_910 = vector.shape_cast %swap3A_909 : vector<1x16xf32> to vector<16xf32>
        %swap3A_911 = vector.shape_cast %add3A_906 : vector<16xf32> to vector<1x16xf32>
        tpu.vector_store %arg11[%swap3A_907, %swap3A_908], %swap3A_911 {strides = array<i32>} : memref<32x768xf32, #tpu.memory_space<vmem>>, vector<1x16xf32>,
        %get3A_912 = arith.index_cast %scan3A_782 : i32 to index
        %get3A_913 = arith.constant 208 : index
        %get3A_914 = tpu.vector_load %arg9[%get3A_912, %get3A_913] {strides = array<i32>} : memref<32x768xf32, #tpu.memory_space<vmem>>, vector<1x16xf32>,
        %get3A_915 = vector.shape_cast %get3A_914 : vector<1x16xf32> to vector<16xf32>
        %add3A_916 = arith.addf %get3A_915, %get3A_75 : vector<16xf32>
        %swap3A_917 = arith.index_cast %scan3A_782 : i32 to index
        %swap3A_918 = arith.constant 208 : index
        %swap3A_919 = tpu.vector_load %arg11[%swap3A_917, %swap3A_918] {strides = array<i32>} : memref<32x768xf32, #tpu.memory_space<vmem>>, vector<1x16xf32>,
        %swap3A_920 = vector.shape_cast %swap3A_919 : vector<1x16xf32> to vector<16xf32>
        %swap3A_921 = vector.shape_cast %add3A_916 : vector<16xf32> to vector<1x16xf32>
        tpu.vector_store %arg11[%swap3A_917, %swap3A_918], %swap3A_921 {strides = array<i32>} : memref<32x768xf32, #tpu.memory_space<vmem>>, vector<1x16xf32>,
        %get3A_922 = arith.index_cast %scan3A_782 : i32 to index
        %get3A_923 = arith.constant 224 : index
        %get3A_924 = tpu.vector_load %arg9[%get3A_922, %get3A_923] {strides = array<i32>} : memref<32x768xf32, #tpu.memory_space<vmem>>, vector<1x16xf32>,
        %get3A_925 = vector.shape_cast %get3A_924 : vector<1x16xf32> to vector<16xf32>
        %add3A_926 = arith.addf %get3A_925, %get3A_80 : vector<16xf32>
        %swap3A_927 = arith.index_cast %scan3A_782 : i32 to index
        %swap3A_928 = arith.constant 224 : index
        %swap3A_929 = tpu.vector_load %arg11[%swap3A_927, %swap3A_928] {strides = array<i32>} : memref<32x768xf32, #tpu.memory_space<vmem>>, vector<1x16xf32>,
        %swap3A_930 = vector.shape_cast %swap3A_929 : vector<1x16xf32> to vector<16xf32>
        %swap3A_931 = vector.shape_cast %add3A_926 : vector<16xf32> to vector<1x16xf32>
        tpu.vector_store %arg11[%swap3A_927, %swap3A_928], %swap3A_931 {strides = array<i32>} : memref<32x768xf32, #tpu.memory_space<vmem>>, vector<1x16xf32>,
        %get3A_932 = arith.index_cast %scan3A_782 : i32 to index
        %get3A_933 = arith.constant 240 : index
        %get3A_934 = tpu.vector_load %arg9[%get3A_932, %get3A_933] {strides = array<i32>} : memref<32x768xf32, #tpu.memory_space<vmem>>, vector<1x16xf32>,
        %get3A_935 = vector.shape_cast %get3A_934 : vector<1x16xf32> to vector<16xf32>
        %add3A_936 = arith.addf %get3A_935, %get3A_85 : vector<16xf32>
        %swap3A_937 = arith.index_cast %scan3A_782 : i32 to index
        %swap3A_938 = arith.constant 240 : index
        %swap3A_939 = tpu.vector_load %arg11[%swap3A_937, %swap3A_938] {strides = array<i32>} : memref<32x768xf32, #tpu.memory_space<vmem>>, vector<1x16xf32>,
        %swap3A_940 = vector.shape_cast %swap3A_939 : vector<1x16xf32> to vector<16xf32>
        %swap3A_941 = vector.shape_cast %add3A_936 : vector<16xf32> to vector<1x16xf32>
        tpu.vector_store %arg11[%swap3A_937, %swap3A_938], %swap3A_941 {strides = array<i32>} : memref<32x768xf32, #tpu.memory_space<vmem>>, vector<1x16xf32>,
        %get3A_942 = arith.index_cast %scan3A_782 : i32 to index
        %get3A_943 = arith.constant 256 : index
        %get3A_944 = tpu.vector_load %arg9[%get3A_942, %get3A_943] {strides = array<i32>} : memref<32x768xf32, #tpu.memory_space<vmem>>, vector<1x16xf32>,
        %get3A_945 = vector.shape_cast %get3A_944 : vector<1x16xf32> to vector<16xf32>
        %add3A_946 = arith.addf %get3A_945, %get3A_90 : vector<16xf32>
        %swap3A_947 = arith.index_cast %scan3A_782 : i32 to index
        %swap3A_948 = arith.constant 256 : index
        %swap3A_949 = tpu.vector_load %arg11[%swap3A_947, %swap3A_948] {strides = array<i32>} : memref<32x768xf32, #tpu.memory_space<vmem>>, vector<1x16xf32>,
        %swap3A_950 = vector.shape_cast %swap3A_949 : vector<1x16xf32> to vector<16xf32>
        %swap3A_951 = vector.shape_cast %add3A_946 : vector<16xf32> to vector<1x16xf32>
        tpu.vector_store %arg11[%swap3A_947, %swap3A_948], %swap3A_951 {strides = array<i32>} : memref<32x768xf32, #tpu.memory_space<vmem>>, vector<1x16xf32>,
        %get3A_952 = arith.index_cast %scan3A_782 : i32 to index
        %get3A_953 = arith.constant 272 : index
        %get3A_954 = tpu.vector_load %arg9[%get3A_952, %get3A_953] {strides = array<i32>} : memref<32x768xf32, #tpu.memory_space<vmem>>, vector<1x16xf32>,
        %get3A_955 = vector.shape_cast %get3A_954 : vector<1x16xf32> to vector<16xf32>
        %add3A_956 = arith.addf %get3A_955, %get3A_95 : vector<16xf32>
        %swap3A_957 = arith.index_cast %scan3A_782 : i32 to index
        %swap3A_958 = arith.constant 272 : index
        %swap3A_959 = tpu.vector_load %arg11[%swap3A_957, %swap3A_958] {strides = array<i32>} : memref<32x768xf32, #tpu.memory_space<vmem>>, vector<1x16xf32>,
        %swap3A_960 = vector.shape_cast %swap3A_959 : vector<1x16xf32> to vector<16xf32>
        %swap3A_961 = vector.shape_cast %add3A_956 : vector<16xf32> to vector<1x16xf32>
        tpu.vector_store %arg11[%swap3A_957, %swap3A_958], %swap3A_961 {strides = array<i32>} : memref<32x768xf32, #tpu.memory_space<vmem>>, vector<1x16xf32>,
        %get3A_962 = arith.index_cast %scan3A_782 : i32 to index
        %get3A_963 = arith.constant 288 : index
        %get3A_964 = tpu.vector_load %arg9[%get3A_962, %get3A_963] {strides = array<i32>} : memref<32x768xf32, #tpu.memory_space<vmem>>, vector<1x16xf32>,
        %get3A_965 = vector.shape_cast %get3A_964 : vector<1x16xf32> to vector<16xf32>
        %add3A_966 = arith.addf %get3A_965, %get3A_100 : vector<16xf32>
        %swap3A_967 = arith.index_cast %scan3A_782 : i32 to index
        %swap3A_968 = arith.constant 288 : index
        %swap3A_969 = tpu.vector_load %arg11[%swap3A_967, %swap3A_968] {strides = array<i32>} : memref<32x768xf32, #tpu.memory_space<vmem>>, vector<1x16xf32>,
        %swap3A_970 = vector.shape_cast %swap3A_969 : vector<1x16xf32> to vector<16xf32>
        %swap3A_971 = vector.shape_cast %add3A_966 : vector<16xf32> to vector<1x16xf32>
        tpu.vector_store %arg11[%swap3A_967, %swap3A_968], %swap3A_971 {strides = array<i32>} : memref<32x768xf32, #tpu.memory_space<vmem>>, vector<1x16xf32>,
        %get3A_972 = arith.index_cast %scan3A_782 : i32 to index
        %get3A_973 = arith.constant 304 : index
        %get3A_974 = tpu.vector_load %arg9[%get3A_972, %get3A_973] {strides = array<i32>} : memref<32x768xf32, #tpu.memory_space<vmem>>, vector<1x16xf32>,
        %get3A_975 = vector.shape_cast %get3A_974 : vector<1x16xf32> to vector<16xf32>
        %add3A_976 = arith.addf %get3A_975, %get3A_105 : vector<16xf32>
        %swap3A_977 = arith.index_cast %scan3A_782 : i32 to index
        %swap3A_978 = arith.constant 304 : index
        %swap3A_979 = tpu.vector_load %arg11[%swap3A_977, %swap3A_978] {strides = array<i32>} : memref<32x768xf32, #tpu.memory_space<vmem>>, vector<1x16xf32>,
        %swap3A_980 = vector.shape_cast %swap3A_979 : vector<1x16xf32> to vector<16xf32>
        %swap3A_981 = vector.shape_cast %add3A_976 : vector<16xf32> to vector<1x16xf32>
        tpu.vector_store %arg11[%swap3A_977, %swap3A_978], %swap3A_981 {strides = array<i32>} : memref<32x768xf32, #tpu.memory_space<vmem>>, vector<1x16xf32>,
        %get3A_982 = arith.index_cast %scan3A_782 : i32 to index
        %get3A_983 = arith.constant 320 : index
        %get3A_984 = tpu.vector_load %arg9[%get3A_982, %get3A_983] {strides = array<i32>} : memref<32x768xf32, #tpu.memory_space<vmem>>, vector<1x16xf32>,
        %get3A_985 = vector.shape_cast %get3A_984 : vector<1x16xf32> to vector<16xf32>
        %add3A_986 = arith.addf %get3A_985, %get3A_110 : vector<16xf32>
        %swap3A_987 = arith.index_cast %scan3A_782 : i32 to index
        %swap3A_988 = arith.constant 320 : index
        %swap3A_989 = tpu.vector_load %arg11[%swap3A_987, %swap3A_988] {strides = array<i32>} : memref<32x768xf32, #tpu.memory_space<vmem>>, vector<1x16xf32>,
        %swap3A_990 = vector.shape_cast %swap3A_989 : vector<1x16xf32> to vector<16xf32>
        %swap3A_991 = vector.shape_cast %add3A_986 : vector<16xf32> to vector<1x16xf32>
        tpu.vector_store %arg11[%swap3A_987, %swap3A_988], %swap3A_991 {strides = array<i32>} : memref<32x768xf32, #tpu.memory_space<vmem>>, vector<1x16xf32>,
        %get3A_992 = arith.index_cast %scan3A_782 : i32 to index
        %get3A_993 = arith.constant 336 : index
        %get3A_994 = tpu.vector_load %arg9[%get3A_992, %get3A_993] {strides = array<i32>} : memref<32x768xf32, #tpu.memory_space<vmem>>, vector<1x16xf32>,
        %get3A_995 = vector.shape_cast %get3A_994 : vector<1x16xf32> to vector<16xf32>
        %add3A_996 = arith.addf %get3A_995, %get3A_115 : vector<16xf32>
        %swap3A_997 = arith.index_cast %scan3A_782 : i32 to index
        %swap3A_998 = arith.constant 336 : index
        %swap3A_999 = tpu.vector_load %arg11[%swap3A_997, %swap3A_998] {strides = array<i32>} : memref<32x768xf32, #tpu.memory_space<vmem>>, vector<1x16xf32>,
        %swap3A_1000 = vector.shape_cast %swap3A_999 : vector<1x16xf32> to vector<16xf32>
        %swap3A_1001 = vector.shape_cast %add3A_996 : vector<16xf32> to vector<1x16xf32>
        tpu.vector_store %arg11[%swap3A_997, %swap3A_998], %swap3A_1001 {strides = array<i32>} : memref<32x768xf32, #tpu.memory_space<vmem>>, vector<1x16xf32>,
        %get3A_1002 = arith.index_cast %scan3A_782 : i32 to index
        %get3A_1003 = arith.constant 352 : index
        %get3A_1004 = tpu.vector_load %arg9[%get3A_1002, %get3A_1003] {strides = array<i32>} : memref<32x768xf32, #tpu.memory_space<vmem>>, vector<1x16xf32>,
        %get3A_1005 = vector.shape_cast %get3A_1004 : vector<1x16xf32> to vector<16xf32>
        %add3A_1006 = arith.addf %get3A_1005, %get3A_120 : vector<16xf32>
        %swap3A_1007 = arith.index_cast %scan3A_782 : i32 to index
        %swap3A_1008 = arith.constant 352 : index
        %swap3A_1009 = tpu.vector_load %arg11[%swap3A_1007, %swap3A_1008] {strides = array<i32>} : memref<32x768xf32, #tpu.memory_space<vmem>>, vector<1x16xf32>,
        %swap3A_1010 = vector.shape_cast %swap3A_1009 : vector<1x16xf32> to vector<16xf32>
        %swap3A_1011 = vector.shape_cast %add3A_1006 : vector<16xf32> to vector<1x16xf32>
        tpu.vector_store %arg11[%swap3A_1007, %swap3A_1008], %swap3A_1011 {strides = array<i32>} : memref<32x768xf32, #tpu.memory_space<vmem>>, vector<1x16xf32>,
        %get3A_1012 = arith.index_cast %scan3A_782 : i32 to index
        %get3A_1013 = arith.constant 368 : index
        %get3A_1014 = tpu.vector_load %arg9[%get3A_1012, %get3A_1013] {strides = array<i32>} : memref<32x768xf32, #tpu.memory_space<vmem>>, vector<1x16xf32>,
        %get3A_1015 = vector.shape_cast %get3A_1014 : vector<1x16xf32> to vector<16xf32>
        %add3A_1016 = arith.addf %get3A_1015, %get3A_125 : vector<16xf32>
        %swap3A_1017 = arith.index_cast %scan3A_782 : i32 to index
        %swap3A_1018 = arith.constant 368 : index
        %swap3A_1019 = tpu.vector_load %arg11[%swap3A_1017, %swap3A_1018] {strides = array<i32>} : memref<32x768xf32, #tpu.memory_space<vmem>>, vector<1x16xf32>,
        %swap3A_1020 = vector.shape_cast %swap3A_1019 : vector<1x16xf32> to vector<16xf32>
        %swap3A_1021 = vector.shape_cast %add3A_1016 : vector<16xf32> to vector<1x16xf32>
        tpu.vector_store %arg11[%swap3A_1017, %swap3A_1018], %swap3A_1021 {strides = array<i32>} : memref<32x768xf32, #tpu.memory_space<vmem>>, vector<1x16xf32>,
        %get3A_1022 = arith.index_cast %scan3A_782 : i32 to index
        %get3A_1023 = arith.constant 384 : index
        %get3A_1024 = tpu.vector_load %arg9[%get3A_1022, %get3A_1023] {strides = array<i32>} : memref<32x768xf32, #tpu.memory_space<vmem>>, vector<1x16xf32>,
        %get3A_1025 = vector.shape_cast %get3A_1024 : vector<1x16xf32> to vector<16xf32>
        %add3A_1026 = arith.addf %get3A_1025, %get3A_130 : vector<16xf32>
        %swap3A_1027 = arith.index_cast %scan3A_782 : i32 to index
        %swap3A_1028 = arith.constant 384 : index
        %swap3A_1029 = tpu.vector_load %arg11[%swap3A_1027, %swap3A_1028] {strides = array<i32>} : memref<32x768xf32, #tpu.memory_space<vmem>>, vector<1x16xf32>,
        %swap3A_1030 = vector.shape_cast %swap3A_1029 : vector<1x16xf32> to vector<16xf32>
        %swap3A_1031 = vector.shape_cast %add3A_1026 : vector<16xf32> to vector<1x16xf32>
        tpu.vector_store %arg11[%swap3A_1027, %swap3A_1028], %swap3A_1031 {strides = array<i32>} : memref<32x768xf32, #tpu.memory_space<vmem>>, vector<1x16xf32>,
        %get3A_1032 = arith.index_cast %scan3A_782 : i32 to index
        %get3A_1033 = arith.constant 400 : index
        %get3A_1034 = tpu.vector_load %arg9[%get3A_1032, %get3A_1033] {strides = array<i32>} : memref<32x768xf32, #tpu.memory_space<vmem>>, vector<1x16xf32>,
        %get3A_1035 = vector.shape_cast %get3A_1034 : vector<1x16xf32> to vector<16xf32>
        %add3A_1036 = arith.addf %get3A_1035, %get3A_135 : vector<16xf32>
        %swap3A_1037 = arith.index_cast %scan3A_782 : i32 to index
        %swap3A_1038 = arith.constant 400 : index
        %swap3A_1039 = tpu.vector_load %arg11[%swap3A_1037, %swap3A_1038] {strides = array<i32>} : memref<32x768xf32, #tpu.memory_space<vmem>>, vector<1x16xf32>,
        %swap3A_1040 = vector.shape_cast %swap3A_1039 : vector<1x16xf32> to vector<16xf32>
        %swap3A_1041 = vector.shape_cast %add3A_1036 : vector<16xf32> to vector<1x16xf32>
        tpu.vector_store %arg11[%swap3A_1037, %swap3A_1038], %swap3A_1041 {strides = array<i32>} : memref<32x768xf32, #tpu.memory_space<vmem>>, vector<1x16xf32>,
        %get3A_1042 = arith.index_cast %scan3A_782 : i32 to index
        %get3A_1043 = arith.constant 416 : index
        %get3A_1044 = tpu.vector_load %arg9[%get3A_1042, %get3A_1043] {strides = array<i32>} : memref<32x768xf32, #tpu.memory_space<vmem>>, vector<1x16xf32>,
        %get3A_1045 = vector.shape_cast %get3A_1044 : vector<1x16xf32> to vector<16xf32>
        %add3A_1046 = arith.addf %get3A_1045, %get3A_140 : vector<16xf32>
        %swap3A_1047 = arith.index_cast %scan3A_782 : i32 to index
        %swap3A_1048 = arith.constant 416 : index
        %swap3A_1049 = tpu.vector_load %arg11[%swap3A_1047, %swap3A_1048] {strides = array<i32>} : memref<32x768xf32, #tpu.memory_space<vmem>>, vector<1x16xf32>,
        %swap3A_1050 = vector.shape_cast %swap3A_1049 : vector<1x16xf32> to vector<16xf32>
        %swap3A_1051 = vector.shape_cast %add3A_1046 : vector<16xf32> to vector<1x16xf32>
        tpu.vector_store %arg11[%swap3A_1047, %swap3A_1048], %swap3A_1051 {strides = array<i32>} : memref<32x768xf32, #tpu.memory_space<vmem>>, vector<1x16xf32>,
        %get3A_1052 = arith.index_cast %scan3A_782 : i32 to index
        %get3A_1053 = arith.constant 432 : index
        %get3A_1054 = tpu.vector_load %arg9[%get3A_1052, %get3A_1053] {strides = array<i32>} : memref<32x768xf32, #tpu.memory_space<vmem>>, vector<1x16xf32>,
        %get3A_1055 = vector.shape_cast %get3A_1054 : vector<1x16xf32> to vector<16xf32>
        %add3A_1056 = arith.addf %get3A_1055, %get3A_145 : vector<16xf32>
        %swap3A_1057 = arith.index_cast %scan3A_782 : i32 to index
        %swap3A_1058 = arith.constant 432 : index
        %swap3A_1059 = tpu.vector_load %arg11[%swap3A_1057, %swap3A_1058] {strides = array<i32>} : memref<32x768xf32, #tpu.memory_space<vmem>>, vector<1x16xf32>,
        %swap3A_1060 = vector.shape_cast %swap3A_1059 : vector<1x16xf32> to vector<16xf32>
        %swap3A_1061 = vector.shape_cast %add3A_1056 : vector<16xf32> to vector<1x16xf32>
        tpu.vector_store %arg11[%swap3A_1057, %swap3A_1058], %swap3A_1061 {strides = array<i32>} : memref<32x768xf32, #tpu.memory_space<vmem>>, vector<1x16xf32>,
        %get3A_1062 = arith.index_cast %scan3A_782 : i32 to index
        %get3A_1063 = arith.constant 448 : index
        %get3A_1064 = tpu.vector_load %arg9[%get3A_1062, %get3A_1063] {strides = array<i32>} : memref<32x768xf32, #tpu.memory_space<vmem>>, vector<1x16xf32>,
        %get3A_1065 = vector.shape_cast %get3A_1064 : vector<1x16xf32> to vector<16xf32>
        %add3A_1066 = arith.addf %get3A_1065, %get3A_150 : vector<16xf32>
        %swap3A_1067 = arith.index_cast %scan3A_782 : i32 to index
        %swap3A_1068 = arith.constant 448 : index
        %swap3A_1069 = tpu.vector_load %arg11[%swap3A_1067, %swap3A_1068] {strides = array<i32>} : memref<32x768xf32, #tpu.memory_space<vmem>>, vector<1x16xf32>,
        %swap3A_1070 = vector.shape_cast %swap3A_1069 : vector<1x16xf32> to vector<16xf32>
        %swap3A_1071 = vector.shape_cast %add3A_1066 : vector<16xf32> to vector<1x16xf32>
        tpu.vector_store %arg11[%swap3A_1067, %swap3A_1068], %swap3A_1071 {strides = array<i32>} : memref<32x768xf32, #tpu.memory_space<vmem>>, vector<1x16xf32>,
        %get3A_1072 = arith.index_cast %scan3A_782 : i32 to index
        %get3A_1073 = arith.constant 464 : index
        %get3A_1074 = tpu.vector_load %arg9[%get3A_1072, %get3A_1073] {strides = array<i32>} : memref<32x768xf32, #tpu.memory_space<vmem>>, vector<1x16xf32>,
        %get3A_1075 = vector.shape_cast %get3A_1074 : vector<1x16xf32> to vector<16xf32>
        %add3A_1076 = arith.addf %get3A_1075, %get3A_155 : vector<16xf32>
        %swap3A_1077 = arith.index_cast %scan3A_782 : i32 to index
        %swap3A_1078 = arith.constant 464 : index
        %swap3A_1079 = tpu.vector_load %arg11[%swap3A_1077, %swap3A_1078] {strides = array<i32>} : memref<32x768xf32, #tpu.memory_space<vmem>>, vector<1x16xf32>,
        %swap3A_1080 = vector.shape_cast %swap3A_1079 : vector<1x16xf32> to vector<16xf32>
        %swap3A_1081 = vector.shape_cast %add3A_1076 : vector<16xf32> to vector<1x16xf32>
        tpu.vector_store %arg11[%swap3A_1077, %swap3A_1078], %swap3A_1081 {strides = array<i32>} : memref<32x768xf32, #tpu.memory_space<vmem>>, vector<1x16xf32>,
        %get3A_1082 = arith.index_cast %scan3A_782 : i32 to index
        %get3A_1083 = arith.constant 480 : index
        %get3A_1084 = tpu.vector_load %arg9[%get3A_1082, %get3A_1083] {strides = array<i32>} : memref<32x768xf32, #tpu.memory_space<vmem>>, vector<1x16xf32>,
        %get3A_1085 = vector.shape_cast %get3A_1084 : vector<1x16xf32> to vector<16xf32>
        %add3A_1086 = arith.addf %get3A_1085, %get3A_160 : vector<16xf32>
        %swap3A_1087 = arith.index_cast %scan3A_782 : i32 to index
        %swap3A_1088 = arith.constant 480 : index
        %swap3A_1089 = tpu.vector_load %arg11[%swap3A_1087, %swap3A_1088] {strides = array<i32>} : memref<32x768xf32, #tpu.memory_space<vmem>>, vector<1x16xf32>,
        %swap3A_1090 = vector.shape_cast %swap3A_1089 : vector<1x16xf32> to vector<16xf32>
        %swap3A_1091 = vector.shape_cast %add3A_1086 : vector<16xf32> to vector<1x16xf32>
        tpu.vector_store %arg11[%swap3A_1087, %swap3A_1088], %swap3A_1091 {strides = array<i32>} : memref<32x768xf32, #tpu.memory_space<vmem>>, vector<1x16xf32>,
        %get3A_1092 = arith.index_cast %scan3A_782 : i32 to index
        %get3A_1093 = arith.constant 496 : index
        %get3A_1094 = tpu.vector_load %arg9[%get3A_1092, %get3A_1093] {strides = array<i32>} : memref<32x768xf32, #tpu.memory_space<vmem>>, vector<1x16xf32>,
        %get3A_1095 = vector.shape_cast %get3A_1094 : vector<1x16xf32> to vector<16xf32>
        %add3A_1096 = arith.addf %get3A_1095, %get3A_165 : vector<16xf32>
        %swap3A_1097 = arith.index_cast %scan3A_782 : i32 to index
        %swap3A_1098 = arith.constant 496 : index
        %swap3A_1099 = tpu.vector_load %arg11[%swap3A_1097, %swap3A_1098] {strides = array<i32>} : memref<32x768xf32, #tpu.memory_space<vmem>>, vector<1x16xf32>,
        %swap3A_1100 = vector.shape_cast %swap3A_1099 : vector<1x16xf32> to vector<16xf32>
        %swap3A_1101 = vector.shape_cast %add3A_1096 : vector<16xf32> to vector<1x16xf32>
        tpu.vector_store %arg11[%swap3A_1097, %swap3A_1098], %swap3A_1101 {strides = array<i32>} : memref<32x768xf32, #tpu.memory_space<vmem>>, vector<1x16xf32>,
        %get3A_1102 = arith.index_cast %scan3A_782 : i32 to index
        %get3A_1103 = arith.constant 512 : index
        %get3A_1104 = tpu.vector_load %arg9[%get3A_1102, %get3A_1103] {strides = array<i32>} : memref<32x768xf32, #tpu.memory_space<vmem>>, vector<1x16xf32>,
        %get3A_1105 = vector.shape_cast %get3A_1104 : vector<1x16xf32> to vector<16xf32>
        %add3A_1106 = arith.addf %get3A_1105, %get3A_170 : vector<16xf32>
        %swap3A_1107 = arith.index_cast %scan3A_782 : i32 to index
        %swap3A_1108 = arith.constant 512 : index
        %swap3A_1109 = tpu.vector_load %arg11[%swap3A_1107, %swap3A_1108] {strides = array<i32>} : memref<32x768xf32, #tpu.memory_space<vmem>>, vector<1x16xf32>,
        %swap3A_1110 = vector.shape_cast %swap3A_1109 : vector<1x16xf32> to vector<16xf32>
        %swap3A_1111 = vector.shape_cast %add3A_1106 : vector<16xf32> to vector<1x16xf32>
        tpu.vector_store %arg11[%swap3A_1107, %swap3A_1108], %swap3A_1111 {strides = array<i32>} : memref<32x768xf32, #tpu.memory_space<vmem>>, vector<1x16xf32>,
        %get3A_1112 = arith.index_cast %scan3A_782 : i32 to index
        %get3A_1113 = arith.constant 528 : index
        %get3A_1114 = tpu.vector_load %arg9[%get3A_1112, %get3A_1113] {strides = array<i32>} : memref<32x768xf32, #tpu.memory_space<vmem>>, vector<1x16xf32>,
        %get3A_1115 = vector.shape_cast %get3A_1114 : vector<1x16xf32> to vector<16xf32>
        %add3A_1116 = arith.addf %get3A_1115, %get3A_175 : vector<16xf32>
        %swap3A_1117 = arith.index_cast %scan3A_782 : i32 to index
        %swap3A_1118 = arith.constant 528 : index
        %swap3A_1119 = tpu.vector_load %arg11[%swap3A_1117, %swap3A_1118] {strides = array<i32>} : memref<32x768xf32, #tpu.memory_space<vmem>>, vector<1x16xf32>,
        %swap3A_1120 = vector.shape_cast %swap3A_1119 : vector<1x16xf32> to vector<16xf32>
        %swap3A_1121 = vector.shape_cast %add3A_1116 : vector<16xf32> to vector<1x16xf32>
        tpu.vector_store %arg11[%swap3A_1117, %swap3A_1118], %swap3A_1121 {strides = array<i32>} : memref<32x768xf32, #tpu.memory_space<vmem>>, vector<1x16xf32>,
        %get3A_1122 = arith.index_cast %scan3A_782 : i32 to index
        %get3A_1123 = arith.constant 544 : index
        %get3A_1124 = tpu.vector_load %arg9[%get3A_1122, %get3A_1123] {strides = array<i32>} : memref<32x768xf32, #tpu.memory_space<vmem>>, vector<1x16xf32>,
        %get3A_1125 = vector.shape_cast %get3A_1124 : vector<1x16xf32> to vector<16xf32>
        %add3A_1126 = arith.addf %get3A_1125, %get3A_180 : vector<16xf32>
        %swap3A_1127 = arith.index_cast %scan3A_782 : i32 to index
        %swap3A_1128 = arith.constant 544 : index
        %swap3A_1129 = tpu.vector_load %arg11[%swap3A_1127, %swap3A_1128] {strides = array<i32>} : memref<32x768xf32, #tpu.memory_space<vmem>>, vector<1x16xf32>,
        %swap3A_1130 = vector.shape_cast %swap3A_1129 : vector<1x16xf32> to vector<16xf32>
        %swap3A_1131 = vector.shape_cast %add3A_1126 : vector<16xf32> to vector<1x16xf32>
        tpu.vector_store %arg11[%swap3A_1127, %swap3A_1128], %swap3A_1131 {strides = array<i32>} : memref<32x768xf32, #tpu.memory_space<vmem>>, vector<1x16xf32>,
        %get3A_1132 = arith.index_cast %scan3A_782 : i32 to index
        %get3A_1133 = arith.constant 560 : index
        %get3A_1134 = tpu.vector_load %arg9[%get3A_1132, %get3A_1133] {strides = array<i32>} : memref<32x768xf32, #tpu.memory_space<vmem>>, vector<1x16xf32>,
        %get3A_1135 = vector.shape_cast %get3A_1134 : vector<1x16xf32> to vector<16xf32>
        %add3A_1136 = arith.addf %get3A_1135, %get3A_185 : vector<16xf32>
        %swap3A_1137 = arith.index_cast %scan3A_782 : i32 to index
        %swap3A_1138 = arith.constant 560 : index
        %swap3A_1139 = tpu.vector_load %arg11[%swap3A_1137, %swap3A_1138] {strides = array<i32>} : memref<32x768xf32, #tpu.memory_space<vmem>>, vector<1x16xf32>,
        %swap3A_1140 = vector.shape_cast %swap3A_1139 : vector<1x16xf32> to vector<16xf32>
        %swap3A_1141 = vector.shape_cast %add3A_1136 : vector<16xf32> to vector<1x16xf32>
        tpu.vector_store %arg11[%swap3A_1137, %swap3A_1138], %swap3A_1141 {strides = array<i32>} : memref<32x768xf32, #tpu.memory_space<vmem>>, vector<1x16xf32>,
        %get3A_1142 = arith.index_cast %scan3A_782 : i32 to index
        %get3A_1143 = arith.constant 576 : index
        %get3A_1144 = tpu.vector_load %arg9[%get3A_1142, %get3A_1143] {strides = array<i32>} : memref<32x768xf32, #tpu.memory_space<vmem>>, vector<1x16xf32>,
        %get3A_1145 = vector.shape_cast %get3A_1144 : vector<1x16xf32> to vector<16xf32>
        %add3A_1146 = arith.addf %get3A_1145, %get3A_190 : vector<16xf32>
        %swap3A_1147 = arith.index_cast %scan3A_782 : i32 to index
        %swap3A_1148 = arith.constant 576 : index
        %swap3A_1149 = tpu.vector_load %arg11[%swap3A_1147, %swap3A_1148] {strides = array<i32>} : memref<32x768xf32, #tpu.memory_space<vmem>>, vector<1x16xf32>,
        %swap3A_1150 = vector.shape_cast %swap3A_1149 : vector<1x16xf32> to vector<16xf32>
        %swap3A_1151 = vector.shape_cast %add3A_1146 : vector<16xf32> to vector<1x16xf32>
        tpu.vector_store %arg11[%swap3A_1147, %swap3A_1148], %swap3A_1151 {strides = array<i32>} : memref<32x768xf32, #tpu.memory_space<vmem>>, vector<1x16xf32>,
        %get3A_1152 = arith.index_cast %scan3A_782 : i32 to index
        %get3A_1153 = arith.constant 592 : index
        %get3A_1154 = tpu.vector_load %arg9[%get3A_1152, %get3A_1153] {strides = array<i32>} : memref<32x768xf32, #tpu.memory_space<vmem>>, vector<1x16xf32>,
        %get3A_1155 = vector.shape_cast %get3A_1154 : vector<1x16xf32> to vector<16xf32>
        %add3A_1156 = arith.addf %get3A_1155, %get3A_195 : vector<16xf32>
        %swap3A_1157 = arith.index_cast %scan3A_782 : i32 to index
        %swap3A_1158 = arith.constant 592 : index
        %swap3A_1159 = tpu.vector_load %arg11[%swap3A_1157, %swap3A_1158] {strides = array<i32>} : memref<32x768xf32, #tpu.memory_space<vmem>>, vector<1x16xf32>,
        %swap3A_1160 = vector.shape_cast %swap3A_1159 : vector<1x16xf32> to vector<16xf32>
        %swap3A_1161 = vector.shape_cast %add3A_1156 : vector<16xf32> to vector<1x16xf32>
        tpu.vector_store %arg11[%swap3A_1157, %swap3A_1158], %swap3A_1161 {strides = array<i32>} : memref<32x768xf32, #tpu.memory_space<vmem>>, vector<1x16xf32>,
        %get3A_1162 = arith.index_cast %scan3A_782 : i32 to index
        %get3A_1163 = arith.constant 608 : index
        %get3A_1164 = tpu.vector_load %arg9[%get3A_1162, %get3A_1163] {strides = array<i32>} : memref<32x768xf32, #tpu.memory_space<vmem>>, vector<1x16xf32>,
        %get3A_1165 = vector.shape_cast %get3A_1164 : vector<1x16xf32> to vector<16xf32>
        %add3A_1166 = arith.addf %get3A_1165, %get3A_200 : vector<16xf32>
        %swap3A_1167 = arith.index_cast %scan3A_782 : i32 to index
        %swap3A_1168 = arith.constant 608 : index
        %swap3A_1169 = tpu.vector_load %arg11[%swap3A_1167, %swap3A_1168] {strides = array<i32>} : memref<32x768xf32, #tpu.memory_space<vmem>>, vector<1x16xf32>,
        %swap3A_1170 = vector.shape_cast %swap3A_1169 : vector<1x16xf32> to vector<16xf32>
        %swap3A_1171 = vector.shape_cast %add3A_1166 : vector<16xf32> to vector<1x16xf32>
        tpu.vector_store %arg11[%swap3A_1167, %swap3A_1168], %swap3A_1171 {strides = array<i32>} : memref<32x768xf32, #tpu.memory_space<vmem>>, vector<1x16xf32>,
        %get3A_1172 = arith.index_cast %scan3A_782 : i32 to index
        %get3A_1173 = arith.constant 624 : index
        %get3A_1174 = tpu.vector_load %arg9[%get3A_1172, %get3A_1173] {strides = array<i32>} : memref<32x768xf32, #tpu.memory_space<vmem>>, vector<1x16xf32>,
        %get3A_1175 = vector.shape_cast %get3A_1174 : vector<1x16xf32> to vector<16xf32>
        %add3A_1176 = arith.addf %get3A_1175, %get3A_205 : vector<16xf32>
        %swap3A_1177 = arith.index_cast %scan3A_782 : i32 to index
        %swap3A_1178 = arith.constant 624 : index
        %swap3A_1179 = tpu.vector_load %arg11[%swap3A_1177, %swap3A_1178] {strides = array<i32>} : memref<32x768xf32, #tpu.memory_space<vmem>>, vector<1x16xf32>,
        %swap3A_1180 = vector.shape_cast %swap3A_1179 : vector<1x16xf32> to vector<16xf32>
        %swap3A_1181 = vector.shape_cast %add3A_1176 : vector<16xf32> to vector<1x16xf32>
        tpu.vector_store %arg11[%swap3A_1177, %swap3A_1178], %swap3A_1181 {strides = array<i32>} : memref<32x768xf32, #tpu.memory_space<vmem>>, vector<1x16xf32>,
        %get3A_1182 = arith.index_cast %scan3A_782 : i32 to index
        %get3A_1183 = arith.constant 640 : index
        %get3A_1184 = tpu.vector_load %arg9[%get3A_1182, %get3A_1183] {strides = array<i32>} : memref<32x768xf32, #tpu.memory_space<vmem>>, vector<1x16xf32>,
        %get3A_1185 = vector.shape_cast %get3A_1184 : vector<1x16xf32> to vector<16xf32>
        %add3A_1186 = arith.addf %get3A_1185, %get3A_210 : vector<16xf32>
        %swap3A_1187 = arith.index_cast %scan3A_782 : i32 to index
        %swap3A_1188 = arith.constant 640 : index
        %swap3A_1189 = tpu.vector_load %arg11[%swap3A_1187, %swap3A_1188] {strides = array<i32>} : memref<32x768xf32, #tpu.memory_space<vmem>>, vector<1x16xf32>,
        %swap3A_1190 = vector.shape_cast %swap3A_1189 : vector<1x16xf32> to vector<16xf32>
        %swap3A_1191 = vector.shape_cast %add3A_1186 : vector<16xf32> to vector<1x16xf32>
        tpu.vector_store %arg11[%swap3A_1187, %swap3A_1188], %swap3A_1191 {strides = array<i32>} : memref<32x768xf32, #tpu.memory_space<vmem>>, vector<1x16xf32>,
        %get3A_1192 = arith.index_cast %scan3A_782 : i32 to index
        %get3A_1193 = arith.constant 656 : index
        %get3A_1194 = tpu.vector_load %arg9[%get3A_1192, %get3A_1193] {strides = array<i32>} : memref<32x768xf32, #tpu.memory_space<vmem>>, vector<1x16xf32>,
        %get3A_1195 = vector.shape_cast %get3A_1194 : vector<1x16xf32> to vector<16xf32>
        %add3A_1196 = arith.addf %get3A_1195, %get3A_215 : vector<16xf32>
        %swap3A_1197 = arith.index_cast %scan3A_782 : i32 to index
        %swap3A_1198 = arith.constant 656 : index
        %swap3A_1199 = tpu.vector_load %arg11[%swap3A_1197, %swap3A_1198] {strides = array<i32>} : memref<32x768xf32, #tpu.memory_space<vmem>>, vector<1x16xf32>,
        %swap3A_1200 = vector.shape_cast %swap3A_1199 : vector<1x16xf32> to vector<16xf32>
        %swap3A_1201 = vector.shape_cast %add3A_1196 : vector<16xf32> to vector<1x16xf32>
        tpu.vector_store %arg11[%swap3A_1197, %swap3A_1198], %swap3A_1201 {strides = array<i32>} : memref<32x768xf32, #tpu.memory_space<vmem>>, vector<1x16xf32>,
        %get3A_1202 = arith.index_cast %scan3A_782 : i32 to index
        %get3A_1203 = arith.constant 672 : index
        %get3A_1204 = tpu.vector_load %arg9[%get3A_1202, %get3A_1203] {strides = array<i32>} : memref<32x768xf32, #tpu.memory_space<vmem>>, vector<1x16xf32>,
        %get3A_1205 = vector.shape_cast %get3A_1204 : vector<1x16xf32> to vector<16xf32>
        %add3A_1206 = arith.addf %get3A_1205, %get3A_220 : vector<16xf32>
        %swap3A_1207 = arith.index_cast %scan3A_782 : i32 to index
        %swap3A_1208 = arith.constant 672 : index
        %swap3A_1209 = tpu.vector_load %arg11[%swap3A_1207, %swap3A_1208] {strides = array<i32>} : memref<32x768xf32, #tpu.memory_space<vmem>>, vector<1x16xf32>,
        %swap3A_1210 = vector.shape_cast %swap3A_1209 : vector<1x16xf32> to vector<16xf32>
        %swap3A_1211 = vector.shape_cast %add3A_1206 : vector<16xf32> to vector<1x16xf32>
        tpu.vector_store %arg11[%swap3A_1207, %swap3A_1208], %swap3A_1211 {strides = array<i32>} : memref<32x768xf32, #tpu.memory_space<vmem>>, vector<1x16xf32>,
        %get3A_1212 = arith.index_cast %scan3A_782 : i32 to index
        %get3A_1213 = arith.constant 688 : index
        %get3A_1214 = tpu.vector_load %arg9[%get3A_1212, %get3A_1213] {strides = array<i32>} : memref<32x768xf32, #tpu.memory_space<vmem>>, vector<1x16xf32>,
        %get3A_1215 = vector.shape_cast %get3A_1214 : vector<1x16xf32> to vector<16xf32>
        %add3A_1216 = arith.addf %get3A_1215, %get3A_225 : vector<16xf32>
        %swap3A_1217 = arith.index_cast %scan3A_782 : i32 to index
        %swap3A_1218 = arith.constant 688 : index
        %swap3A_1219 = tpu.vector_load %arg11[%swap3A_1217, %swap3A_1218] {strides = array<i32>} : memref<32x768xf32, #tpu.memory_space<vmem>>, vector<1x16xf32>,
        %swap3A_1220 = vector.shape_cast %swap3A_1219 : vector<1x16xf32> to vector<16xf32>
        %swap3A_1221 = vector.shape_cast %add3A_1216 : vector<16xf32> to vector<1x16xf32>
        tpu.vector_store %arg11[%swap3A_1217, %swap3A_1218], %swap3A_1221 {strides = array<i32>} : memref<32x768xf32, #tpu.memory_space<vmem>>, vector<1x16xf32>,
        %get3A_1222 = arith.index_cast %scan3A_782 : i32 to index
        %get3A_1223 = arith.constant 704 : index
        %get3A_1224 = tpu.vector_load %arg9[%get3A_1222, %get3A_1223] {strides = array<i32>} : memref<32x768xf32, #tpu.memory_space<vmem>>, vector<1x16xf32>,
        %get3A_1225 = vector.shape_cast %get3A_1224 : vector<1x16xf32> to vector<16xf32>
        %add3A_1226 = arith.addf %get3A_1225, %get3A_230 : vector<16xf32>
        %swap3A_1227 = arith.index_cast %scan3A_782 : i32 to index
        %swap3A_1228 = arith.constant 704 : index
        %swap3A_1229 = tpu.vector_load %arg11[%swap3A_1227, %swap3A_1228] {strides = array<i32>} : memref<32x768xf32, #tpu.memory_space<vmem>>, vector<1x16xf32>,
        %swap3A_1230 = vector.shape_cast %swap3A_1229 : vector<1x16xf32> to vector<16xf32>
        %swap3A_1231 = vector.shape_cast %add3A_1226 : vector<16xf32> to vector<1x16xf32>
        tpu.vector_store %arg11[%swap3A_1227, %swap3A_1228], %swap3A_1231 {strides = array<i32>} : memref<32x768xf32, #tpu.memory_space<vmem>>, vector<1x16xf32>,
        %get3A_1232 = arith.index_cast %scan3A_782 : i32 to index
        %get3A_1233 = arith.constant 720 : index
        %get3A_1234 = tpu.vector_load %arg9[%get3A_1232, %get3A_1233] {strides = array<i32>} : memref<32x768xf32, #tpu.memory_space<vmem>>, vector<1x16xf32>,
        %get3A_1235 = vector.shape_cast %get3A_1234 : vector<1x16xf32> to vector<16xf32>
        %add3A_1236 = arith.addf %get3A_1235, %get3A_235 : vector<16xf32>
        %swap3A_1237 = arith.index_cast %scan3A_782 : i32 to index
        %swap3A_1238 = arith.constant 720 : index
        %swap3A_1239 = tpu.vector_load %arg11[%swap3A_1237, %swap3A_1238] {strides = array<i32>} : memref<32x768xf32, #tpu.memory_space<vmem>>, vector<1x16xf32>,
        %swap3A_1240 = vector.shape_cast %swap3A_1239 : vector<1x16xf32> to vector<16xf32>
        %swap3A_1241 = vector.shape_cast %add3A_1236 : vector<16xf32> to vector<1x16xf32>
        tpu.vector_store %arg11[%swap3A_1237, %swap3A_1238], %swap3A_1241 {strides = array<i32>} : memref<32x768xf32, #tpu.memory_space<vmem>>, vector<1x16xf32>,
        %get3A_1242 = arith.index_cast %scan3A_782 : i32 to index
        %get3A_1243 = arith.constant 736 : index
        %get3A_1244 = tpu.vector_load %arg9[%get3A_1242, %get3A_1243] {strides = array<i32>} : memref<32x768xf32, #tpu.memory_space<vmem>>, vector<1x16xf32>,
        %get3A_1245 = vector.shape_cast %get3A_1244 : vector<1x16xf32> to vector<16xf32>
        %add3A_1246 = arith.addf %get3A_1245, %get3A_240 : vector<16xf32>
        %swap3A_1247 = arith.index_cast %scan3A_782 : i32 to index
        %swap3A_1248 = arith.constant 736 : index
        %swap3A_1249 = tpu.vector_load %arg11[%swap3A_1247, %swap3A_1248] {strides = array<i32>} : memref<32x768xf32, #tpu.memory_space<vmem>>, vector<1x16xf32>,
        %swap3A_1250 = vector.shape_cast %swap3A_1249 : vector<1x16xf32> to vector<16xf32>
        %swap3A_1251 = vector.shape_cast %add3A_1246 : vector<16xf32> to vector<1x16xf32>
        tpu.vector_store %arg11[%swap3A_1247, %swap3A_1248], %swap3A_1251 {strides = array<i32>} : memref<32x768xf32, #tpu.memory_space<vmem>>, vector<1x16xf32>,
        %get3A_1252 = arith.index_cast %scan3A_782 : i32 to index
        %get3A_1253 = arith.constant 752 : index
        %get3A_1254 = tpu.vector_load %arg9[%get3A_1252, %get3A_1253] {strides = array<i32>} : memref<32x768xf32, #tpu.memory_space<vmem>>, vector<1x16xf32>,
        %get3A_1255 = vector.shape_cast %get3A_1254 : vector<1x16xf32> to vector<16xf32>
        %add3A_1256 = arith.addf %get3A_1255, %get3A_245 : vector<16xf32>
        %swap3A_1257 = arith.index_cast %scan3A_782 : i32 to index
        %swap3A_1258 = arith.constant 752 : index
        %swap3A_1259 = tpu.vector_load %arg11[%swap3A_1257, %swap3A_1258] {strides = array<i32>} : memref<32x768xf32, #tpu.memory_space<vmem>>, vector<1x16xf32>,
        %swap3A_1260 = vector.shape_cast %swap3A_1259 : vector<1x16xf32> to vector<16xf32>
        %swap3A_1261 = vector.shape_cast %add3A_1256 : vector<16xf32> to vector<1x16xf32>
        tpu.vector_store %arg11[%swap3A_1257, %swap3A_1258], %swap3A_1261 {strides = array<i32>} : memref<32x768xf32, #tpu.memory_space<vmem>>, vector<1x16xf32>,
      }
      %scan3A_733 = arith.constant 32 : i32
      %add3A_734 = arith.constant 2 : i32
      %add3A_735 = arith.addi %add3A_714, %add3A_734 : i32
      %min3A_736 = arith.constant 127 : i32
      %min3A_737 = arith.minsi %add3A_735, %min3A_736 : i32
      %mul3A_738 = arith.constant 32 : i32
      %mul3A_739 = arith.muli %min3A_737, %mul3A_738 : i32
      %add3A_740 = arith.constant 0 : i32
      %add3A_741 = arith.addi %add3A_740, %mul3A_739 : i32
      %dma_start3A_742 = tpu.memref_slice %arg6[%add3A_741] : memref<8192xi32, #tpu.memory_space<vmem>> -> memref<32xi32, #tpu.memory_space<vmem>>
      %dma_start3A_743 = arith.constant 0 : i32
      %dma_start3A_744 = arith.constant 0 : i32
      %dma_start3A_745 = tpu.memref_slice %arg3[%dma_start3A_743, %dma_start3A_744] : memref<28996x768xf32, #tpu.memory_space<hbm>> -> memref<28996x768xf32, #tpu.memory_space<hbm>>
      tpu.enqueue_indirect_dma source(%dma_start3A_745 : memref<28996x768xf32, #tpu.memory_space<hbm>>) target(%arg9 : memref<32x768xf32, #tpu.memory_space<vmem>>) offsets(%dma_start3A_742 : memref<32xi32, #tpu.memory_space<vmem>>) semaphore(%arg13 : memref<!tpu.dma_semaphore, #tpu.memory_space<semaphore_mem>>)
      %mul3A_746 = arith.constant 64 : i32
      %mul3A_747 = vector.broadcast %mul3A_746 : i32 to vector<16xi32>
      %mul3A_748 = arith.muli %iota3A, %mul3A_747 : vector<16xi32>
      %mul3A_749 = arith.constant 32 : i32
      %mul3A_750 = arith.muli %add3A_714, %mul3A_749 : i32
      %add3A_751 = arith.constant 0 : i32
      %add3A_752 = arith.addi %mul3A_750, %add3A_751 : i32
      %mul3A_753 = arith.constant 64 : i32
      %mul3A_754 = arith.muli %add3A_752, %mul3A_753 : i32
      %add3A_755 = arith.addi %mul3A_754, %add3A_6 : i32
      %add3A_756 = vector.broadcast %add3A_755 : i32 to vector<16xi32>
      %add3A_757 = arith.addi %mul3A_748, %add3A_756 : vector<16xi32>
      %dma_start3A_758 = arith.constant 0 : i32
      %dma_start3A_759 = arith.constant 0 : i32
      %dma_start3A_760 = tpu.memref_slice %arg11[%dma_start3A_758, %dma_start3A_759] : memref<32x768xf32, #tpu.memory_space<vmem>> -> memref<16x768xf32, #tpu.memory_space<vmem>>
      %dma_start3A_761 = arith.constant 0 : i32
      %dma_start3A_762 = arith.constant 0 : i32
      %dma_start3A_763 = tpu.memref_slice %arg5[%dma_start3A_761, %dma_start3A_762] : memref<262144x768xf32, #tpu.memory_space<hbm>> -> memref<262144x768xf32, #tpu.memory_space<hbm>>
      tpu.enqueue_indirect_dma source(%dma_start3A_760 : memref<16x768xf32, #tpu.memory_space<vmem>>) target(%dma_start3A_763 : memref<262144x768xf32, #tpu.memory_space<hbm>>) offsets(%add3A_757 : vector<16xi32>) semaphore(%arg15 : memref<!tpu.dma_semaphore, #tpu.memory_space<semaphore_mem>>)
      %mul3A_764 = arith.constant 64 : i32
      %mul3A_765 = vector.broadcast %mul3A_764 : i32 to vector<16xi32>
      %mul3A_766 = arith.muli %iota3A, %mul3A_765 : vector<16xi32>
      %mul3A_767 = arith.constant 32 : i32
      %mul3A_768 = arith.muli %add3A_714, %mul3A_767 : i32
      %add3A_769 = arith.constant 16 : i32
      %add3A_770 = arith.addi %mul3A_768, %add3A_769 : i32
      %mul3A_771 = arith.constant 64 : i32
      %mul3A_772 = arith.muli %add3A_770, %mul3A_771 : i32
      %add3A_773 = arith.addi %mul3A_772, %add3A_6 : i32
      %add3A_774 = vector.broadcast %add3A_773 : i32 to vector<16xi32>
      %add3A_775 = arith.addi %mul3A_766, %add3A_774 : vector<16xi32>
      %dma_start3A_776 = arith.constant 16 : i32
      %dma_start3A_777 = arith.constant 0 : i32
      %dma_start3A_778 = tpu.memref_slice %arg11[%dma_start3A_776, %dma_start3A_777] : memref<32x768xf32, #tpu.memory_space<vmem>> -> memref<16x768xf32, #tpu.memory_space<vmem>>
      %dma_start3A_779 = arith.constant 0 : i32
      %dma_start3A_780 = arith.constant 0 : i32
      %dma_start3A_781 = tpu.memref_slice %arg5[%dma_start3A_779, %dma_start3A_780] : memref<262144x768xf32, #tpu.memory_space<hbm>> -> memref<262144x768xf32, #tpu.memory_space<hbm>>
      tpu.enqueue_indirect_dma source(%dma_start3A_778 : memref<16x768xf32, #tpu.memory_space<vmem>>) target(%dma_start3A_781 : memref<262144x768xf32, #tpu.memory_space<hbm>>) offsets(%add3A_775 : vector<16xi32>) semaphore(%arg15 : memref<!tpu.dma_semaphore, #tpu.memory_space<semaphore_mem>>)
    }
    %scan3A_259 = arith.constant 64 : i32
    %dma_wait3A = arith.constant 0 : i32
    %dma_wait3A_260 = tpu.memref_slice %arg6[%dma_wait3A] : memref<8192xi32, #tpu.memory_space<vmem>> -> memref<32xi32, #tpu.memory_space<vmem>>
    %dma_wait3A_261 = arith.constant 0 : i32
    %dma_wait3A_262 = arith.constant 0 : i32
    %dma_wait3A_263 = tpu.memref_slice %arg3[%dma_wait3A_261, %dma_wait3A_262] : memref<28996x768xf32, #tpu.memory_space<hbm>> -> memref<28996x768xf32, #tpu.memory_space<hbm>>
    tpu.wait_indirect_dma semaphore(%arg12 : memref<!tpu.dma_semaphore, #tpu.memory_space<semaphore_mem>>) src(%dma_wait3A_263 : memref<28996x768xf32, #tpu.memory_space<hbm>>) dst(%arg8 : memref<32x768xf32, #tpu.memory_space<vmem>>)
    %mul3A_264 = arith.constant 64 : i32
    %mul3A_265 = vector.broadcast %mul3A_264 : i32 to vector<16xi32>
    %mul3A_266 = arith.muli %iota3A, %mul3A_265 : vector<16xi32>
    %add3A_267 = arith.constant 0 : i32
    %add3A_268 = arith.addi %add3A_267, %add3A_6 : i32
    %add3A_269 = vector.broadcast %add3A_268 : i32 to vector<16xi32>
    %add3A_270 = arith.addi %mul3A_266, %add3A_269 : vector<16xi32>
    %dma_wait3A_271 = arith.constant 0 : i32
    %dma_wait3A_272 = arith.constant 0 : i32
    %dma_wait3A_273 = tpu.memref_slice %arg10[%dma_wait3A_271, %dma_wait3A_272] : memref<32x768xf32, #tpu.memory_space<vmem>> -> memref<16x768xf32, #tpu.memory_space<vmem>>
    %dma_wait3A_274 = arith.constant 0 : i32
    %dma_wait3A_275 = arith.constant 0 : i32
    %dma_wait3A_276 = tpu.memref_slice %arg5[%dma_wait3A_274, %dma_wait3A_275] : memref<262144x768xf32, #tpu.memory_space<hbm>> -> memref<262144x768xf32, #tpu.memory_space<hbm>>
    tpu.wait_indirect_dma semaphore(%arg14 : memref<!tpu.dma_semaphore, #tpu.memory_space<semaphore_mem>>) src(%dma_wait3A_273 : memref<16x768xf32, #tpu.memory_space<vmem>>) dst(%dma_wait3A_276 : memref<262144x768xf32, #tpu.memory_space<hbm>>)
    %mul3A_277 = arith.constant 64 : i32
    %mul3A_278 = vector.broadcast %mul3A_277 : i32 to vector<16xi32>
    %mul3A_279 = arith.muli %iota3A, %mul3A_278 : vector<16xi32>
    %add3A_280 = arith.constant 1024 : i32
    %add3A_281 = arith.addi %add3A_280, %add3A_6 : i32
    %add3A_282 = vector.broadcast %add3A_281 : i32 to vector<16xi32>
    %add3A_283 = arith.addi %mul3A_279, %add3A_282 : vector<16xi32>
    %dma_wait3A_284 = arith.constant 16 : i32
    %dma_wait3A_285 = arith.constant 0 : i32
    %dma_wait3A_286 = tpu.memref_slice %arg10[%dma_wait3A_284, %dma_wait3A_285] : memref<32x768xf32, #tpu.memory_space<vmem>> -> memref<16x768xf32, #tpu.memory_space<vmem>>
    %dma_wait3A_287 = arith.constant 0 : i32
    %dma_wait3A_288 = arith.constant 0 : i32
    %dma_wait3A_289 = tpu.memref_slice %arg5[%dma_wait3A_287, %dma_wait3A_288] : memref<262144x768xf32, #tpu.memory_space<hbm>> -> memref<262144x768xf32, #tpu.memory_space<hbm>>
    tpu.wait_indirect_dma semaphore(%arg14 : memref<!tpu.dma_semaphore, #tpu.memory_space<semaphore_mem>>) src(%dma_wait3A_286 : memref<16x768xf32, #tpu.memory_space<vmem>>) dst(%dma_wait3A_289 : memref<262144x768xf32, #tpu.memory_space<hbm>>)
    %dma_wait3A_290 = arith.constant 0 : i32
    %dma_wait3A_291 = tpu.memref_slice %arg6[%dma_wait3A_290] : memref<8192xi32, #tpu.memory_space<vmem>> -> memref<32xi32, #tpu.memory_space<vmem>>
    %dma_wait3A_292 = arith.constant 0 : i32
    %dma_wait3A_293 = arith.constant 0 : i32
    %dma_wait3A_294 = tpu.memref_slice %arg3[%dma_wait3A_292, %dma_wait3A_293] : memref<28996x768xf32, #tpu.memory_space<hbm>> -> memref<28996x768xf32, #tpu.memory_space<hbm>>
    tpu.wait_indirect_dma semaphore(%arg13 : memref<!tpu.dma_semaphore, #tpu.memory_space<semaphore_mem>>) src(%dma_wait3A_294 : memref<28996x768xf32, #tpu.memory_space<hbm>>) dst(%arg9 : memref<32x768xf32, #tpu.memory_space<vmem>>)
    %mul3A_295 = arith.constant 64 : i32
    %mul3A_296 = vector.broadcast %mul3A_295 : i32 to vector<16xi32>
    %mul3A_297 = arith.muli %iota3A, %mul3A_296 : vector<16xi32>
    %add3A_298 = arith.constant 0 : i32
    %add3A_299 = arith.addi %add3A_298, %add3A_6 : i32
    %add3A_300 = vector.broadcast %add3A_299 : i32 to vector<16xi32>
    %add3A_301 = arith.addi %mul3A_297, %add3A_300 : vector<16xi32>
    %dma_wait3A_302 = arith.constant 0 : i32
    %dma_wait3A_303 = arith.constant 0 : i32
    %dma_wait3A_304 = tpu.memref_slice %arg11[%dma_wait3A_302, %dma_wait3A_303] : memref<32x768xf32, #tpu.memory_space<vmem>> -> memref<16x768xf32, #tpu.memory_space<vmem>>
    %dma_wait3A_305 = arith.constant 0 : i32
    %dma_wait3A_306 = arith.constant 0 : i32
    %dma_wait3A_307 = tpu.memref_slice %arg5[%dma_wait3A_305, %dma_wait3A_306] : memref<262144x768xf32, #tpu.memory_space<hbm>> -> memref<262144x768xf32, #tpu.memory_space<hbm>>
    tpu.wait_indirect_dma semaphore(%arg15 : memref<!tpu.dma_semaphore, #tpu.memory_space<semaphore_mem>>) src(%dma_wait3A_304 : memref<16x768xf32, #tpu.memory_space<vmem>>) dst(%dma_wait3A_307 : memref<262144x768xf32, #tpu.memory_space<hbm>>)
    %mul3A_308 = arith.constant 64 : i32
    %mul3A_309 = vector.broadcast %mul3A_308 : i32 to vector<16xi32>
    %mul3A_310 = arith.muli %iota3A, %mul3A_309 : vector<16xi32>
    %add3A_311 = arith.constant 1024 : i32
    %add3A_312 = arith.addi %add3A_311, %add3A_6 : i32
    %add3A_313 = vector.broadcast %add3A_312 : i32 to vector<16xi32>
    %add3A_314 = arith.addi %mul3A_310, %add3A_313 : vector<16xi32>
    %dma_wait3A_315 = arith.constant 16 : i32
    %dma_wait3A_316 = arith.constant 0 : i32
    %dma_wait3A_317 = tpu.memref_slice %arg11[%dma_wait3A_315, %dma_wait3A_316] : memref<32x768xf32, #tpu.memory_space<vmem>> -> memref<16x768xf32, #tpu.memory_space<vmem>>
    %dma_wait3A_318 = arith.constant 0 : i32
    %dma_wait3A_319 = arith.constant 0 : i32
    %dma_wait3A_320 = tpu.memref_slice %arg5[%dma_wait3A_318, %dma_wait3A_319] : memref<262144x768xf32, #tpu.memory_space<hbm>> -> memref<262144x768xf32, #tpu.memory_space<hbm>>
    tpu.wait_indirect_dma semaphore(%arg15 : memref<!tpu.dma_semaphore, #tpu.memory_space<semaphore_mem>>) src(%dma_wait3A_317 : memref<16x768xf32, #tpu.memory_space<vmem>>) dst(%dma_wait3A_320 : memref<262144x768xf32, #tpu.memory_space<hbm>>)
    %mul3A_321 = arith.constant 2 : i32
    %mul3A_322 = arith.muli %mul3A_321, %add3A : i32
    %add3A_323 = arith.constant 1 : i32
    %add3A_324 = arith.addi %mul3A_322, %add3A_323 : i32
    %get3A_325 = arith.constant 1 : i32
    %get3A_326 = arith.index_cast %get3A_325 : i32 to index
    %get3A_327 = arith.constant 0 : index
    %get3A_328 = tpu.vector_load %arg7[%get3A_326, %get3A_327] {strides = array<i32>} : memref<2x768xf32, #tpu.memory_space<vmem>>, vector<1x16xf32>,
    %get3A_329 = vector.shape_cast %get3A_328 : vector<1x16xf32> to vector<16xf32>
    %get3A_330 = arith.constant 1 : i32
    %get3A_331 = arith.index_cast %get3A_330 : i32 to index
    %get3A_332 = arith.constant 16 : index
    %get3A_333 = tpu.vector_load %arg7[%get3A_331, %get3A_332] {strides = array<i32>} : memref<2x768xf32, #tpu.memory_space<vmem>>, vector<1x16xf32>,
    %get3A_334 = vector.shape_cast %get3A_333 : vector<1x16xf32> to vector<16xf32>
    %get3A_335 = arith.constant 1 : i32
    %get3A_336 = arith.index_cast %get3A_335 : i32 to index
    %get3A_337 = arith.constant 32 : index
    %get3A_338 = tpu.vector_load %arg7[%get3A_336, %get3A_337] {strides = array<i32>} : memref<2x768xf32, #tpu.memory_space<vmem>>, vector<1x16xf32>,
    %get3A_339 = vector.shape_cast %get3A_338 : vector<1x16xf32> to vector<16xf32>
    %get3A_340 = arith.constant 1 : i32
    %get3A_341 = arith.index_cast %get3A_340 : i32 to index
    %get3A_342 = arith.constant 48 : index
    %get3A_343 = tpu.vector_load %arg7[%get3A_341, %get3A_342] {strides = array<i32>} : memref<2x768xf32, #tpu.memory_space<vmem>>, vector<1x16xf32>,
    %get3A_344 = vector.shape_cast %get3A_343 : vector<1x16xf32> to vector<16xf32>
    %get3A_345 = arith.constant 1 : i32
    %get3A_346 = arith.index_cast %get3A_345 : i32 to index
    %get3A_347 = arith.constant 64 : index
    %get3A_348 = tpu.vector_load %arg7[%get3A_346, %get3A_347] {strides = array<i32>} : memref<2x768xf32, #tpu.memory_space<vmem>>, vector<1x16xf32>,
    %get3A_349 = vector.shape_cast %get3A_348 : vector<1x16xf32> to vector<16xf32>
    %get3A_350 = arith.constant 1 : i32
    %get3A_351 = arith.index_cast %get3A_350 : i32 to index
    %get3A_352 = arith.constant 80 : index
    %get3A_353 = tpu.vector_load %arg7[%get3A_351, %get3A_352] {strides = array<i32>} : memref<2x768xf32, #tpu.memory_space<vmem>>, vector<1x16xf32>,
    %get3A_354 = vector.shape_cast %get3A_353 : vector<1x16xf32> to vector<16xf32>
    %get3A_355 = arith.constant 1 : i32
    %get3A_356 = arith.index_cast %get3A_355 : i32 to index
    %get3A_357 = arith.constant 96 : index
    %get3A_358 = tpu.vector_load %arg7[%get3A_356, %get3A_357] {strides = array<i32>} : memref<2x768xf32, #tpu.memory_space<vmem>>, vector<1x16xf32>,
    %get3A_359 = vector.shape_cast %get3A_358 : vector<1x16xf32> to vector<16xf32>
    %get3A_360 = arith.constant 1 : i32
    %get3A_361 = arith.index_cast %get3A_360 : i32 to index
    %get3A_362 = arith.constant 112 : index
    %get3A_363 = tpu.vector_load %arg7[%get3A_361, %get3A_362] {strides = array<i32>} : memref<2x768xf32, #tpu.memory_space<vmem>>, vector<1x16xf32>,
    %get3A_364 = vector.shape_cast %get3A_363 : vector<1x16xf32> to vector<16xf32>
    %get3A_365 = arith.constant 1 : i32
    %get3A_366 = arith.index_cast %get3A_365 : i32 to index
    %get3A_367 = arith.constant 128 : index
    %get3A_368 = tpu.vector_load %arg7[%get3A_366, %get3A_367] {strides = array<i32>} : memref<2x768xf32, #tpu.memory_space<vmem>>, vector<1x16xf32>,
    %get3A_369 = vector.shape_cast %get3A_368 : vector<1x16xf32> to vector<16xf32>
    %get3A_370 = arith.constant 1 : i32
    %get3A_371 = arith.index_cast %get3A_370 : i32 to index
    %get3A_372 = arith.constant 144 : index
    %get3A_373 = tpu.vector_load %arg7[%get3A_371, %get3A_372] {strides = array<i32>} : memref<2x768xf32, #tpu.memory_space<vmem>>, vector<1x16xf32>,
    %get3A_374 = vector.shape_cast %get3A_373 : vector<1x16xf32> to vector<16xf32>
    %get3A_375 = arith.constant 1 : i32
    %get3A_376 = arith.index_cast %get3A_375 : i32 to index
    %get3A_377 = arith.constant 160 : index
    %get3A_378 = tpu.vector_load %arg7[%get3A_376, %get3A_377] {strides = array<i32>} : memref<2x768xf32, #tpu.memory_space<vmem>>, vector<1x16xf32>,
    %get3A_379 = vector.shape_cast %get3A_378 : vector<1x16xf32> to vector<16xf32>
    %get3A_380 = arith.constant 1 : i32
    %get3A_381 = arith.index_cast %get3A_380 : i32 to index
    %get3A_382 = arith.constant 176 : index
    %get3A_383 = tpu.vector_load %arg7[%get3A_381, %get3A_382] {strides = array<i32>} : memref<2x768xf32, #tpu.memory_space<vmem>>, vector<1x16xf32>,
    %get3A_384 = vector.shape_cast %get3A_383 : vector<1x16xf32> to vector<16xf32>
    %get3A_385 = arith.constant 1 : i32
    %get3A_386 = arith.index_cast %get3A_385 : i32 to index
    %get3A_387 = arith.constant 192 : index
    %get3A_388 = tpu.vector_load %arg7[%get3A_386, %get3A_387] {strides = array<i32>} : memref<2x768xf32, #tpu.memory_space<vmem>>, vector<1x16xf32>,
    %get3A_389 = vector.shape_cast %get3A_388 : vector<1x16xf32> to vector<16xf32>
    %get3A_390 = arith.constant 1 : i32
    %get3A_391 = arith.index_cast %get3A_390 : i32 to index
    %get3A_392 = arith.constant 208 : index
    %get3A_393 = tpu.vector_load %arg7[%get3A_391, %get3A_392] {strides = array<i32>} : memref<2x768xf32, #tpu.memory_space<vmem>>, vector<1x16xf32>,
    %get3A_394 = vector.shape_cast %get3A_393 : vector<1x16xf32> to vector<16xf32>
    %get3A_395 = arith.constant 1 : i32
    %get3A_396 = arith.index_cast %get3A_395 : i32 to index
    %get3A_397 = arith.constant 224 : index
    %get3A_398 = tpu.vector_load %arg7[%get3A_396, %get3A_397] {strides = array<i32>} : memref<2x768xf32, #tpu.memory_space<vmem>>, vector<1x16xf32>,
    %get3A_399 = vector.shape_cast %get3A_398 : vector<1x16xf32> to vector<16xf32>
    %get3A_400 = arith.constant 1 : i32
    %get3A_401 = arith.index_cast %get3A_400 : i32 to index
    %get3A_402 = arith.constant 240 : index
    %get3A_403 = tpu.vector_load %arg7[%get3A_401, %get3A_402] {strides = array<i32>} : memref<2x768xf32, #tpu.memory_space<vmem>>, vector<1x16xf32>,
    %get3A_404 = vector.shape_cast %get3A_403 : vector<1x16xf32> to vector<16xf32>
    %get3A_405 = arith.constant 1 : i32
    %get3A_406 = arith.index_cast %get3A_405 : i32 to index
    %get3A_407 = arith.constant 256 : index
    %get3A_408 = tpu.vector_load %arg7[%get3A_406, %get3A_407] {strides = array<i32>} : memref<2x768xf32, #tpu.memory_space<vmem>>, vector<1x16xf32>,
    %get3A_409 = vector.shape_cast %get3A_408 : vector<1x16xf32> to vector<16xf32>
    %get3A_410 = arith.constant 1 : i32
    %get3A_411 = arith.index_cast %get3A_410 : i32 to index
    %get3A_412 = arith.constant 272 : index
    %get3A_413 = tpu.vector_load %arg7[%get3A_411, %get3A_412] {strides = array<i32>} : memref<2x768xf32, #tpu.memory_space<vmem>>, vector<1x16xf32>,
    %get3A_414 = vector.shape_cast %get3A_413 : vector<1x16xf32> to vector<16xf32>
    %get3A_415 = arith.constant 1 : i32
    %get3A_416 = arith.index_cast %get3A_415 : i32 to index
    %get3A_417 = arith.constant 288 : index
    %get3A_418 = tpu.vector_load %arg7[%get3A_416, %get3A_417] {strides = array<i32>} : memref<2x768xf32, #tpu.memory_space<vmem>>, vector<1x16xf32>,
    %get3A_419 = vector.shape_cast %get3A_418 : vector<1x16xf32> to vector<16xf32>
    %get3A_420 = arith.constant 1 : i32
    %get3A_421 = arith.index_cast %get3A_420 : i32 to index
    %get3A_422 = arith.constant 304 : index
    %get3A_423 = tpu.vector_load %arg7[%get3A_421, %get3A_422] {strides = array<i32>} : memref<2x768xf32, #tpu.memory_space<vmem>>, vector<1x16xf32>,
    %get3A_424 = vector.shape_cast %get3A_423 : vector<1x16xf32> to vector<16xf32>
    %get3A_425 = arith.constant 1 : i32
    %get3A_426 = arith.index_cast %get3A_425 : i32 to index
    %get3A_427 = arith.constant 320 : index
    %get3A_428 = tpu.vector_load %arg7[%get3A_426, %get3A_427] {strides = array<i32>} : memref<2x768xf32, #tpu.memory_space<vmem>>, vector<1x16xf32>,
    %get3A_429 = vector.shape_cast %get3A_428 : vector<1x16xf32> to vector<16xf32>
    %get3A_430 = arith.constant 1 : i32
    %get3A_431 = arith.index_cast %get3A_430 : i32 to index
    %get3A_432 = arith.constant 336 : index
    %get3A_433 = tpu.vector_load %arg7[%get3A_431, %get3A_432] {strides = array<i32>} : memref<2x768xf32, #tpu.memory_space<vmem>>, vector<1x16xf32>,
    %get3A_434 = vector.shape_cast %get3A_433 : vector<1x16xf32> to vector<16xf32>
    %get3A_435 = arith.constant 1 : i32
    %get3A_436 = arith.index_cast %get3A_435 : i32 to index
    %get3A_437 = arith.constant 352 : index
    %get3A_438 = tpu.vector_load %arg7[%get3A_436, %get3A_437] {strides = array<i32>} : memref<2x768xf32, #tpu.memory_space<vmem>>, vector<1x16xf32>,
    %get3A_439 = vector.shape_cast %get3A_438 : vector<1x16xf32> to vector<16xf32>
    %get3A_440 = arith.constant 1 : i32
    %get3A_441 = arith.index_cast %get3A_440 : i32 to index
    %get3A_442 = arith.constant 368 : index
    %get3A_443 = tpu.vector_load %arg7[%get3A_441, %get3A_442] {strides = array<i32>} : memref<2x768xf32, #tpu.memory_space<vmem>>, vector<1x16xf32>,
    %get3A_444 = vector.shape_cast %get3A_443 : vector<1x16xf32> to vector<16xf32>
    %get3A_445 = arith.constant 1 : i32
    %get3A_446 = arith.index_cast %get3A_445 : i32 to index
    %get3A_447 = arith.constant 384 : index
    %get3A_448 = tpu.vector_load %arg7[%get3A_446, %get3A_447] {strides = array<i32>} : memref<2x768xf32, #tpu.memory_space<vmem>>, vector<1x16xf32>,
    %get3A_449 = vector.shape_cast %get3A_448 : vector<1x16xf32> to vector<16xf32>
    %get3A_450 = arith.constant 1 : i32
    %get3A_451 = arith.index_cast %get3A_450 : i32 to index
    %get3A_452 = arith.constant 400 : index
    %get3A_453 = tpu.vector_load %arg7[%get3A_451, %get3A_452] {strides = array<i32>} : memref<2x768xf32, #tpu.memory_space<vmem>>, vector<1x16xf32>,
    %get3A_454 = vector.shape_cast %get3A_453 : vector<1x16xf32> to vector<16xf32>
    %get3A_455 = arith.constant 1 : i32
    %get3A_456 = arith.index_cast %get3A_455 : i32 to index
    %get3A_457 = arith.constant 416 : index
    %get3A_458 = tpu.vector_load %arg7[%get3A_456, %get3A_457] {strides = array<i32>} : memref<2x768xf32, #tpu.memory_space<vmem>>, vector<1x16xf32>,
    %get3A_459 = vector.shape_cast %get3A_458 : vector<1x16xf32> to vector<16xf32>
    %get3A_460 = arith.constant 1 : i32
    %get3A_461 = arith.index_cast %get3A_460 : i32 to index
    %get3A_462 = arith.constant 432 : index
    %get3A_463 = tpu.vector_load %arg7[%get3A_461, %get3A_462] {strides = array<i32>} : memref<2x768xf32, #tpu.memory_space<vmem>>, vector<1x16xf32>,
    %get3A_464 = vector.shape_cast %get3A_463 : vector<1x16xf32> to vector<16xf32>
    %get3A_465 = arith.constant 1 : i32
    %get3A_466 = arith.index_cast %get3A_465 : i32 to index
    %get3A_467 = arith.constant 448 : index
    %get3A_468 = tpu.vector_load %arg7[%get3A_466, %get3A_467] {strides = array<i32>} : memref<2x768xf32, #tpu.memory_space<vmem>>, vector<1x16xf32>,
    %get3A_469 = vector.shape_cast %get3A_468 : vector<1x16xf32> to vector<16xf32>
    %get3A_470 = arith.constant 1 : i32
    %get3A_471 = arith.index_cast %get3A_470 : i32 to index
    %get3A_472 = arith.constant 464 : index
    %get3A_473 = tpu.vector_load %arg7[%get3A_471, %get3A_472] {strides = array<i32>} : memref<2x768xf32, #tpu.memory_space<vmem>>, vector<1x16xf32>,
    %get3A_474 = vector.shape_cast %get3A_473 : vector<1x16xf32> to vector<16xf32>
    %get3A_475 = arith.constant 1 : i32
    %get3A_476 = arith.index_cast %get3A_475 : i32 to index
    %get3A_477 = arith.constant 480 : index
    %get3A_478 = tpu.vector_load %arg7[%get3A_476, %get3A_477] {strides = array<i32>} : memref<2x768xf32, #tpu.memory_space<vmem>>, vector<1x16xf32>,
    %get3A_479 = vector.shape_cast %get3A_478 : vector<1x16xf32> to vector<16xf32>
    %get3A_480 = arith.constant 1 : i32
    %get3A_481 = arith.index_cast %get3A_480 : i32 to index
    %get3A_482 = arith.constant 496 : index
    %get3A_483 = tpu.vector_load %arg7[%get3A_481, %get3A_482] {strides = array<i32>} : memref<2x768xf32, #tpu.memory_space<vmem>>, vector<1x16xf32>,
    %get3A_484 = vector.shape_cast %get3A_483 : vector<1x16xf32> to vector<16xf32>
    %get3A_485 = arith.constant 1 : i32
    %get3A_486 = arith.index_cast %get3A_485 : i32 to index
    %get3A_487 = arith.constant 512 : index
    %get3A_488 = tpu.vector_load %arg7[%get3A_486, %get3A_487] {strides = array<i32>} : memref<2x768xf32, #tpu.memory_space<vmem>>, vector<1x16xf32>,
    %get3A_489 = vector.shape_cast %get3A_488 : vector<1x16xf32> to vector<16xf32>
    %get3A_490 = arith.constant 1 : i32
    %get3A_491 = arith.index_cast %get3A_490 : i32 to index
    %get3A_492 = arith.constant 528 : index
    %get3A_493 = tpu.vector_load %arg7[%get3A_491, %get3A_492] {strides = array<i32>} : memref<2x768xf32, #tpu.memory_space<vmem>>, vector<1x16xf32>,
    %get3A_494 = vector.shape_cast %get3A_493 : vector<1x16xf32> to vector<16xf32>
    %get3A_495 = arith.constant 1 : i32
    %get3A_496 = arith.index_cast %get3A_495 : i32 to index
    %get3A_497 = arith.constant 544 : index
    %get3A_498 = tpu.vector_load %arg7[%get3A_496, %get3A_497] {strides = array<i32>} : memref<2x768xf32, #tpu.memory_space<vmem>>, vector<1x16xf32>,
    %get3A_499 = vector.shape_cast %get3A_498 : vector<1x16xf32> to vector<16xf32>
    %get3A_500 = arith.constant 1 : i32
    %get3A_501 = arith.index_cast %get3A_500 : i32 to index
    %get3A_502 = arith.constant 560 : index
    %get3A_503 = tpu.vector_load %arg7[%get3A_501, %get3A_502] {strides = array<i32>} : memref<2x768xf32, #tpu.memory_space<vmem>>, vector<1x16xf32>,
    %get3A_504 = vector.shape_cast %get3A_503 : vector<1x16xf32> to vector<16xf32>
    %get3A_505 = arith.constant 1 : i32
    %get3A_506 = arith.index_cast %get3A_505 : i32 to index
    %get3A_507 = arith.constant 576 : index
    %get3A_508 = tpu.vector_load %arg7[%get3A_506, %get3A_507] {strides = array<i32>} : memref<2x768xf32, #tpu.memory_space<vmem>>, vector<1x16xf32>,
    %get3A_509 = vector.shape_cast %get3A_508 : vector<1x16xf32> to vector<16xf32>
    %get3A_510 = arith.constant 1 : i32
    %get3A_511 = arith.index_cast %get3A_510 : i32 to index
    %get3A_512 = arith.constant 592 : index
    %get3A_513 = tpu.vector_load %arg7[%get3A_511, %get3A_512] {strides = array<i32>} : memref<2x768xf32, #tpu.memory_space<vmem>>, vector<1x16xf32>,
    %get3A_514 = vector.shape_cast %get3A_513 : vector<1x16xf32> to vector<16xf32>
    %get3A_515 = arith.constant 1 : i32
    %get3A_516 = arith.index_cast %get3A_515 : i32 to index
    %get3A_517 = arith.constant 608 : index
    %get3A_518 = tpu.vector_load %arg7[%get3A_516, %get3A_517] {strides = array<i32>} : memref<2x768xf32, #tpu.memory_space<vmem>>, vector<1x16xf32>,
    %get3A_519 = vector.shape_cast %get3A_518 : vector<1x16xf32> to vector<16xf32>
    %get3A_520 = arith.constant 1 : i32
    %get3A_521 = arith.index_cast %get3A_520 : i32 to index
    %get3A_522 = arith.constant 624 : index
    %get3A_523 = tpu.vector_load %arg7[%get3A_521, %get3A_522] {strides = array<i32>} : memref<2x768xf32, #tpu.memory_space<vmem>>, vector<1x16xf32>,
    %get3A_524 = vector.shape_cast %get3A_523 : vector<1x16xf32> to vector<16xf32>
    %get3A_525 = arith.constant 1 : i32
    %get3A_526 = arith.index_cast %get3A_525 : i32 to index
    %get3A_527 = arith.constant 640 : index
    %get3A_528 = tpu.vector_load %arg7[%get3A_526, %get3A_527] {strides = array<i32>} : memref<2x768xf32, #tpu.memory_space<vmem>>, vector<1x16xf32>,
    %get3A_529 = vector.shape_cast %get3A_528 : vector<1x16xf32> to vector<16xf32>
    %get3A_530 = arith.constant 1 : i32
    %get3A_531 = arith.index_cast %get3A_530 : i32 to index
    %get3A_532 = arith.constant 656 : index
    %get3A_533 = tpu.vector_load %arg7[%get3A_531, %get3A_532] {strides = array<i32>} : memref<2x768xf32, #tpu.memory_space<vmem>>, vector<1x16xf32>,
    %get3A_534 = vector.shape_cast %get3A_533 : vector<1x16xf32> to vector<16xf32>
    %get3A_535 = arith.constant 1 : i32
    %get3A_536 = arith.index_cast %get3A_535 : i32 to index
    %get3A_537 = arith.constant 672 : index
    %get3A_538 = tpu.vector_load %arg7[%get3A_536, %get3A_537] {strides = array<i32>} : memref<2x768xf32, #tpu.memory_space<vmem>>, vector<1x16xf32>,
    %get3A_539 = vector.shape_cast %get3A_538 : vector<1x16xf32> to vector<16xf32>
    %get3A_540 = arith.constant 1 : i32
    %get3A_541 = arith.index_cast %get3A_540 : i32 to index
    %get3A_542 = arith.constant 688 : index
    %get3A_543 = tpu.vector_load %arg7[%get3A_541, %get3A_542] {strides = array<i32>} : memref<2x768xf32, #tpu.memory_space<vmem>>, vector<1x16xf32>,
    %get3A_544 = vector.shape_cast %get3A_543 : vector<1x16xf32> to vector<16xf32>
    %get3A_545 = arith.constant 1 : i32
    %get3A_546 = arith.index_cast %get3A_545 : i32 to index
    %get3A_547 = arith.constant 704 : index
    %get3A_548 = tpu.vector_load %arg7[%get3A_546, %get3A_547] {strides = array<i32>} : memref<2x768xf32, #tpu.memory_space<vmem>>, vector<1x16xf32>,
    %get3A_549 = vector.shape_cast %get3A_548 : vector<1x16xf32> to vector<16xf32>
    %get3A_550 = arith.constant 1 : i32
    %get3A_551 = arith.index_cast %get3A_550 : i32 to index
    %get3A_552 = arith.constant 720 : index
    %get3A_553 = tpu.vector_load %arg7[%get3A_551, %get3A_552] {strides = array<i32>} : memref<2x768xf32, #tpu.memory_space<vmem>>, vector<1x16xf32>,
    %get3A_554 = vector.shape_cast %get3A_553 : vector<1x16xf32> to vector<16xf32>
    %get3A_555 = arith.constant 1 : i32
    %get3A_556 = arith.index_cast %get3A_555 : i32 to index
    %get3A_557 = arith.constant 736 : index
    %get3A_558 = tpu.vector_load %arg7[%get3A_556, %get3A_557] {strides = array<i32>} : memref<2x768xf32, #tpu.memory_space<vmem>>, vector<1x16xf32>,
    %get3A_559 = vector.shape_cast %get3A_558 : vector<1x16xf32> to vector<16xf32>
    %get3A_560 = arith.constant 1 : i32
    %get3A_561 = arith.index_cast %get3A_560 : i32 to index
    %get3A_562 = arith.constant 752 : index
    %get3A_563 = tpu.vector_load %arg7[%get3A_561, %get3A_562] {strides = array<i32>} : memref<2x768xf32, #tpu.memory_space<vmem>>, vector<1x16xf32>,
    %get3A_564 = vector.shape_cast %get3A_563 : vector<1x16xf32> to vector<16xf32>
    %dma_start3A_565 = arith.constant 4096 : i32
    %dma_start3A_566 = tpu.memref_slice %arg6[%dma_start3A_565] : memref<8192xi32, #tpu.memory_space<vmem>> -> memref<32xi32, #tpu.memory_space<vmem>>
    %dma_start3A_567 = arith.constant 0 : i32
    %dma_start3A_568 = arith.constant 0 : i32
    %dma_start3A_569 = tpu.memref_slice %arg3[%dma_start3A_567, %dma_start3A_568] : memref<28996x768xf32, #tpu.memory_space<hbm>> -> memref<28996x768xf32, #tpu.memory_space<hbm>>
    tpu.enqueue_indirect_dma source(%dma_start3A_569 : memref<28996x768xf32, #tpu.memory_space<hbm>>) target(%arg8 : memref<32x768xf32, #tpu.memory_space<vmem>>) offsets(%dma_start3A_566 : memref<32xi32, #tpu.memory_space<vmem>>) semaphore(%arg12 : memref<!tpu.dma_semaphore, #tpu.memory_space<semaphore_mem>>)
    %dma_start3A_570 = arith.constant 4128 : i32
    %dma_start3A_571 = tpu.memref_slice %arg6[%dma_start3A_570] : memref<8192xi32, #tpu.memory_space<vmem>> -> memref<32xi32, #tpu.memory_space<vmem>>
    %dma_start3A_572 = arith.constant 0 : i32
    %dma_start3A_573 = arith.constant 0 : i32
    %dma_start3A_574 = tpu.memref_slice %arg3[%dma_start3A_572, %dma_start3A_573] : memref<28996x768xf32, #tpu.memory_space<hbm>> -> memref<28996x768xf32, #tpu.memory_space<hbm>>
    tpu.enqueue_indirect_dma source(%dma_start3A_574 : memref<28996x768xf32, #tpu.memory_space<hbm>>) target(%arg9 : memref<32x768xf32, #tpu.memory_space<vmem>>) offsets(%dma_start3A_571 : memref<32xi32, #tpu.memory_space<vmem>>) semaphore(%arg13 : memref<!tpu.dma_semaphore, #tpu.memory_space<semaphore_mem>>)
    %scan3A_575 = arith.constant 0 : i32
    %scan3A_576 = arith.constant 0 : i32
    %scan3A_577 = arith.constant 64 : i32
    %scan3A_578 = arith.addi %scan3A_576, %scan3A_577 : i32
    %scan3A_579 = arith.constant 1 : i32
    scf.for %scan3A_643 = %scan3A_576 to %scan3A_578 step %scan3A_579  : i32 {
      %mul3A_644 = arith.constant 2 : i32
      %mul3A_645 = arith.muli %mul3A_644, %scan3A_643 : i32
      %add3A_646 = arith.constant 0 : i32
      %add3A_647 = arith.addi %mul3A_645, %add3A_646 : i32
      %mul3A_648 = arith.constant 32 : i32
      %mul3A_649 = arith.muli %add3A_647, %mul3A_648 : i32
      %add3A_650 = arith.constant 4096 : i32
      %add3A_651 = arith.addi %add3A_650, %mul3A_649 : i32
      %dma_wait3A_652 = tpu.memref_slice %arg6[%add3A_651] : memref<8192xi32, #tpu.memory_space<vmem>> -> memref<32xi32, #tpu.memory_space<vmem>>
      %dma_wait3A_653 = arith.constant 0 : i32
      %dma_wait3A_654 = arith.constant 0 : i32
      %dma_wait3A_655 = tpu.memref_slice %arg3[%dma_wait3A_653, %dma_wait3A_654] : memref<28996x768xf32, #tpu.memory_space<hbm>> -> memref<28996x768xf32, #tpu.memory_space<hbm>>
      tpu.wait_indirect_dma semaphore(%arg12 : memref<!tpu.dma_semaphore, #tpu.memory_space<semaphore_mem>>) src(%dma_wait3A_655 : memref<28996x768xf32, #tpu.memory_space<hbm>>) dst(%arg8 : memref<32x768xf32, #tpu.memory_space<vmem>>)
      %ge3A = arith.constant 1 : i32
      %ge3A_656 = arith.cmpi sge, %scan3A_643, %ge3A : i32
      %convert_element_type3A = arith.extui %ge3A_656 : i1 to i32
      %cond3A = arith.constant 0 : i32
      %cond3A_657 = arith.cmpi ne, %convert_element_type3A, %cond3A : i32
      scf.if %cond3A_657 {
        %mul3A_782 = arith.constant 64 : i32
        %mul3A_783 = vector.broadcast %mul3A_782 : i32 to vector<16xi32>
        %mul3A_784 = arith.muli %iota3A, %mul3A_783 : vector<16xi32>
        %mul3A_785 = arith.constant 32 : i32
        %mul3A_786 = arith.muli %add3A_647, %mul3A_785 : i32
        %add3A_787 = arith.constant 0 : i32
        %add3A_788 = arith.addi %mul3A_786, %add3A_787 : i32
        %mul3A_789 = arith.constant 64 : i32
        %mul3A_790 = arith.muli %add3A_788, %mul3A_789 : i32
        %add3A_791 = arith.addi %mul3A_790, %add3A_324 : i32
        %add3A_792 = vector.broadcast %add3A_791 : i32 to vector<16xi32>
        %add3A_793 = arith.addi %mul3A_784, %add3A_792 : vector<16xi32>
        %dma_wait3A_794 = arith.constant 0 : i32
        %dma_wait3A_795 = arith.constant 0 : i32
        %dma_wait3A_796 = tpu.memref_slice %arg10[%dma_wait3A_794, %dma_wait3A_795] : memref<32x768xf32, #tpu.memory_space<vmem>> -> memref<16x768xf32, #tpu.memory_space<vmem>>
        %dma_wait3A_797 = arith.constant 0 : i32
        %dma_wait3A_798 = arith.constant 0 : i32
        %dma_wait3A_799 = tpu.memref_slice %arg5[%dma_wait3A_797, %dma_wait3A_798] : memref<262144x768xf32, #tpu.memory_space<hbm>> -> memref<262144x768xf32, #tpu.memory_space<hbm>>
        tpu.wait_indirect_dma semaphore(%arg14 : memref<!tpu.dma_semaphore, #tpu.memory_space<semaphore_mem>>) src(%dma_wait3A_796 : memref<16x768xf32, #tpu.memory_space<vmem>>) dst(%dma_wait3A_799 : memref<262144x768xf32, #tpu.memory_space<hbm>>)
        %mul3A_800 = arith.constant 64 : i32
        %mul3A_801 = vector.broadcast %mul3A_800 : i32 to vector<16xi32>
        %mul3A_802 = arith.muli %iota3A, %mul3A_801 : vector<16xi32>
        %mul3A_803 = arith.constant 32 : i32
        %mul3A_804 = arith.muli %add3A_647, %mul3A_803 : i32
        %add3A_805 = arith.constant 16 : i32
        %add3A_806 = arith.addi %mul3A_804, %add3A_805 : i32
        %mul3A_807 = arith.constant 64 : i32
        %mul3A_808 = arith.muli %add3A_806, %mul3A_807 : i32
        %add3A_809 = arith.addi %mul3A_808, %add3A_324 : i32
        %add3A_810 = vector.broadcast %add3A_809 : i32 to vector<16xi32>
        %add3A_811 = arith.addi %mul3A_802, %add3A_810 : vector<16xi32>
        %dma_wait3A_812 = arith.constant 16 : i32
        %dma_wait3A_813 = arith.constant 0 : i32
        %dma_wait3A_814 = tpu.memref_slice %arg10[%dma_wait3A_812, %dma_wait3A_813] : memref<32x768xf32, #tpu.memory_space<vmem>> -> memref<16x768xf32, #tpu.memory_space<vmem>>
        %dma_wait3A_815 = arith.constant 0 : i32
        %dma_wait3A_816 = arith.constant 0 : i32
        %dma_wait3A_817 = tpu.memref_slice %arg5[%dma_wait3A_815, %dma_wait3A_816] : memref<262144x768xf32, #tpu.memory_space<hbm>> -> memref<262144x768xf32, #tpu.memory_space<hbm>>
        tpu.wait_indirect_dma semaphore(%arg14 : memref<!tpu.dma_semaphore, #tpu.memory_space<semaphore_mem>>) src(%dma_wait3A_814 : memref<16x768xf32, #tpu.memory_space<vmem>>) dst(%dma_wait3A_817 : memref<262144x768xf32, #tpu.memory_space<hbm>>)
      } else {
      }
      %scan3A_658 = arith.constant 0 : i32
      %scan3A_659 = arith.constant 0 : i32
      %scan3A_660 = arith.constant 32 : i32
      %scan3A_661 = arith.addi %scan3A_659, %scan3A_660 : i32
      %scan3A_662 = arith.constant 1 : i32
      scf.for %scan3A_782 = %scan3A_659 to %scan3A_661 step %scan3A_662  : i32 {
        %get3A_783 = arith.index_cast %scan3A_782 : i32 to index
        %get3A_784 = arith.constant 0 : index
        %get3A_785 = tpu.vector_load %arg8[%get3A_783, %get3A_784] {strides = array<i32>} : memref<32x768xf32, #tpu.memory_space<vmem>>, vector<1x16xf32>,
        %get3A_786 = vector.shape_cast %get3A_785 : vector<1x16xf32> to vector<16xf32>
        %add3A_787 = arith.addf %get3A_786, %get3A_329 : vector<16xf32>
        %swap3A = arith.index_cast %scan3A_782 : i32 to index
        %swap3A_788 = arith.constant 0 : index
        %swap3A_789 = tpu.vector_load %arg10[%swap3A, %swap3A_788] {strides = array<i32>} : memref<32x768xf32, #tpu.memory_space<vmem>>, vector<1x16xf32>,
        %swap3A_790 = vector.shape_cast %swap3A_789 : vector<1x16xf32> to vector<16xf32>
        %swap3A_791 = vector.shape_cast %add3A_787 : vector<16xf32> to vector<1x16xf32>
        tpu.vector_store %arg10[%swap3A, %swap3A_788], %swap3A_791 {strides = array<i32>} : memref<32x768xf32, #tpu.memory_space<vmem>>, vector<1x16xf32>,
        %get3A_792 = arith.index_cast %scan3A_782 : i32 to index
        %get3A_793 = arith.constant 16 : index
        %get3A_794 = tpu.vector_load %arg8[%get3A_792, %get3A_793] {strides = array<i32>} : memref<32x768xf32, #tpu.memory_space<vmem>>, vector<1x16xf32>,
        %get3A_795 = vector.shape_cast %get3A_794 : vector<1x16xf32> to vector<16xf32>
        %add3A_796 = arith.addf %get3A_795, %get3A_334 : vector<16xf32>
        %swap3A_797 = arith.index_cast %scan3A_782 : i32 to index
        %swap3A_798 = arith.constant 16 : index
        %swap3A_799 = tpu.vector_load %arg10[%swap3A_797, %swap3A_798] {strides = array<i32>} : memref<32x768xf32, #tpu.memory_space<vmem>>, vector<1x16xf32>,
        %swap3A_800 = vector.shape_cast %swap3A_799 : vector<1x16xf32> to vector<16xf32>
        %swap3A_801 = vector.shape_cast %add3A_796 : vector<16xf32> to vector<1x16xf32>
        tpu.vector_store %arg10[%swap3A_797, %swap3A_798], %swap3A_801 {strides = array<i32>} : memref<32x768xf32, #tpu.memory_space<vmem>>, vector<1x16xf32>,
        %get3A_802 = arith.index_cast %scan3A_782 : i32 to index
        %get3A_803 = arith.constant 32 : index
        %get3A_804 = tpu.vector_load %arg8[%get3A_802, %get3A_803] {strides = array<i32>} : memref<32x768xf32, #tpu.memory_space<vmem>>, vector<1x16xf32>,
        %get3A_805 = vector.shape_cast %get3A_804 : vector<1x16xf32> to vector<16xf32>
        %add3A_806 = arith.addf %get3A_805, %get3A_339 : vector<16xf32>
        %swap3A_807 = arith.index_cast %scan3A_782 : i32 to index
        %swap3A_808 = arith.constant 32 : index
        %swap3A_809 = tpu.vector_load %arg10[%swap3A_807, %swap3A_808] {strides = array<i32>} : memref<32x768xf32, #tpu.memory_space<vmem>>, vector<1x16xf32>,
        %swap3A_810 = vector.shape_cast %swap3A_809 : vector<1x16xf32> to vector<16xf32>
        %swap3A_811 = vector.shape_cast %add3A_806 : vector<16xf32> to vector<1x16xf32>
        tpu.vector_store %arg10[%swap3A_807, %swap3A_808], %swap3A_811 {strides = array<i32>} : memref<32x768xf32, #tpu.memory_space<vmem>>, vector<1x16xf32>,
        %get3A_812 = arith.index_cast %scan3A_782 : i32 to index
        %get3A_813 = arith.constant 48 : index
        %get3A_814 = tpu.vector_load %arg8[%get3A_812, %get3A_813] {strides = array<i32>} : memref<32x768xf32, #tpu.memory_space<vmem>>, vector<1x16xf32>,
        %get3A_815 = vector.shape_cast %get3A_814 : vector<1x16xf32> to vector<16xf32>
        %add3A_816 = arith.addf %get3A_815, %get3A_344 : vector<16xf32>
        %swap3A_817 = arith.index_cast %scan3A_782 : i32 to index
        %swap3A_818 = arith.constant 48 : index
        %swap3A_819 = tpu.vector_load %arg10[%swap3A_817, %swap3A_818] {strides = array<i32>} : memref<32x768xf32, #tpu.memory_space<vmem>>, vector<1x16xf32>,
        %swap3A_820 = vector.shape_cast %swap3A_819 : vector<1x16xf32> to vector<16xf32>
        %swap3A_821 = vector.shape_cast %add3A_816 : vector<16xf32> to vector<1x16xf32>
        tpu.vector_store %arg10[%swap3A_817, %swap3A_818], %swap3A_821 {strides = array<i32>} : memref<32x768xf32, #tpu.memory_space<vmem>>, vector<1x16xf32>,
        %get3A_822 = arith.index_cast %scan3A_782 : i32 to index
        %get3A_823 = arith.constant 64 : index
        %get3A_824 = tpu.vector_load %arg8[%get3A_822, %get3A_823] {strides = array<i32>} : memref<32x768xf32, #tpu.memory_space<vmem>>, vector<1x16xf32>,
        %get3A_825 = vector.shape_cast %get3A_824 : vector<1x16xf32> to vector<16xf32>
        %add3A_826 = arith.addf %get3A_825, %get3A_349 : vector<16xf32>
        %swap3A_827 = arith.index_cast %scan3A_782 : i32 to index
        %swap3A_828 = arith.constant 64 : index
        %swap3A_829 = tpu.vector_load %arg10[%swap3A_827, %swap3A_828] {strides = array<i32>} : memref<32x768xf32, #tpu.memory_space<vmem>>, vector<1x16xf32>,
        %swap3A_830 = vector.shape_cast %swap3A_829 : vector<1x16xf32> to vector<16xf32>
        %swap3A_831 = vector.shape_cast %add3A_826 : vector<16xf32> to vector<1x16xf32>
        tpu.vector_store %arg10[%swap3A_827, %swap3A_828], %swap3A_831 {strides = array<i32>} : memref<32x768xf32, #tpu.memory_space<vmem>>, vector<1x16xf32>,
        %get3A_832 = arith.index_cast %scan3A_782 : i32 to index
        %get3A_833 = arith.constant 80 : index
        %get3A_834 = tpu.vector_load %arg8[%get3A_832, %get3A_833] {strides = array<i32>} : memref<32x768xf32, #tpu.memory_space<vmem>>, vector<1x16xf32>,
        %get3A_835 = vector.shape_cast %get3A_834 : vector<1x16xf32> to vector<16xf32>
        %add3A_836 = arith.addf %get3A_835, %get3A_354 : vector<16xf32>
        %swap3A_837 = arith.index_cast %scan3A_782 : i32 to index
        %swap3A_838 = arith.constant 80 : index
        %swap3A_839 = tpu.vector_load %arg10[%swap3A_837, %swap3A_838] {strides = array<i32>} : memref<32x768xf32, #tpu.memory_space<vmem>>, vector<1x16xf32>,
        %swap3A_840 = vector.shape_cast %swap3A_839 : vector<1x16xf32> to vector<16xf32>
        %swap3A_841 = vector.shape_cast %add3A_836 : vector<16xf32> to vector<1x16xf32>
        tpu.vector_store %arg10[%swap3A_837, %swap3A_838], %swap3A_841 {strides = array<i32>} : memref<32x768xf32, #tpu.memory_space<vmem>>, vector<1x16xf32>,
        %get3A_842 = arith.index_cast %scan3A_782 : i32 to index
        %get3A_843 = arith.constant 96 : index
        %get3A_844 = tpu.vector_load %arg8[%get3A_842, %get3A_843] {strides = array<i32>} : memref<32x768xf32, #tpu.memory_space<vmem>>, vector<1x16xf32>,
        %get3A_845 = vector.shape_cast %get3A_844 : vector<1x16xf32> to vector<16xf32>
        %add3A_846 = arith.addf %get3A_845, %get3A_359 : vector<16xf32>
        %swap3A_847 = arith.index_cast %scan3A_782 : i32 to index
        %swap3A_848 = arith.constant 96 : index
        %swap3A_849 = tpu.vector_load %arg10[%swap3A_847, %swap3A_848] {strides = array<i32>} : memref<32x768xf32, #tpu.memory_space<vmem>>, vector<1x16xf32>,
        %swap3A_850 = vector.shape_cast %swap3A_849 : vector<1x16xf32> to vector<16xf32>
        %swap3A_851 = vector.shape_cast %add3A_846 : vector<16xf32> to vector<1x16xf32>
        tpu.vector_store %arg10[%swap3A_847, %swap3A_848], %swap3A_851 {strides = array<i32>} : memref<32x768xf32, #tpu.memory_space<vmem>>, vector<1x16xf32>,
        %get3A_852 = arith.index_cast %scan3A_782 : i32 to index
        %get3A_853 = arith.constant 112 : index
        %get3A_854 = tpu.vector_load %arg8[%get3A_852, %get3A_853] {strides = array<i32>} : memref<32x768xf32, #tpu.memory_space<vmem>>, vector<1x16xf32>,
        %get3A_855 = vector.shape_cast %get3A_854 : vector<1x16xf32> to vector<16xf32>
        %add3A_856 = arith.addf %get3A_855, %get3A_364 : vector<16xf32>
        %swap3A_857 = arith.index_cast %scan3A_782 : i32 to index
        %swap3A_858 = arith.constant 112 : index
        %swap3A_859 = tpu.vector_load %arg10[%swap3A_857, %swap3A_858] {strides = array<i32>} : memref<32x768xf32, #tpu.memory_space<vmem>>, vector<1x16xf32>,
        %swap3A_860 = vector.shape_cast %swap3A_859 : vector<1x16xf32> to vector<16xf32>
        %swap3A_861 = vector.shape_cast %add3A_856 : vector<16xf32> to vector<1x16xf32>
        tpu.vector_store %arg10[%swap3A_857, %swap3A_858], %swap3A_861 {strides = array<i32>} : memref<32x768xf32, #tpu.memory_space<vmem>>, vector<1x16xf32>,
        %get3A_862 = arith.index_cast %scan3A_782 : i32 to index
        %get3A_863 = arith.constant 128 : index
        %get3A_864 = tpu.vector_load %arg8[%get3A_862, %get3A_863] {strides = array<i32>} : memref<32x768xf32, #tpu.memory_space<vmem>>, vector<1x16xf32>,
        %get3A_865 = vector.shape_cast %get3A_864 : vector<1x16xf32> to vector<16xf32>
        %add3A_866 = arith.addf %get3A_865, %get3A_369 : vector<16xf32>
        %swap3A_867 = arith.index_cast %scan3A_782 : i32 to index
        %swap3A_868 = arith.constant 128 : index
        %swap3A_869 = tpu.vector_load %arg10[%swap3A_867, %swap3A_868] {strides = array<i32>} : memref<32x768xf32, #tpu.memory_space<vmem>>, vector<1x16xf32>,
        %swap3A_870 = vector.shape_cast %swap3A_869 : vector<1x16xf32> to vector<16xf32>
        %swap3A_871 = vector.shape_cast %add3A_866 : vector<16xf32> to vector<1x16xf32>
        tpu.vector_store %arg10[%swap3A_867, %swap3A_868], %swap3A_871 {strides = array<i32>} : memref<32x768xf32, #tpu.memory_space<vmem>>, vector<1x16xf32>,
        %get3A_872 = arith.index_cast %scan3A_782 : i32 to index
        %get3A_873 = arith.constant 144 : index
        %get3A_874 = tpu.vector_load %arg8[%get3A_872, %get3A_873] {strides = array<i32>} : memref<32x768xf32, #tpu.memory_space<vmem>>, vector<1x16xf32>,
        %get3A_875 = vector.shape_cast %get3A_874 : vector<1x16xf32> to vector<16xf32>
        %add3A_876 = arith.addf %get3A_875, %get3A_374 : vector<16xf32>
        %swap3A_877 = arith.index_cast %scan3A_782 : i32 to index
        %swap3A_878 = arith.constant 144 : index
        %swap3A_879 = tpu.vector_load %arg10[%swap3A_877, %swap3A_878] {strides = array<i32>} : memref<32x768xf32, #tpu.memory_space<vmem>>, vector<1x16xf32>,
        %swap3A_880 = vector.shape_cast %swap3A_879 : vector<1x16xf32> to vector<16xf32>
        %swap3A_881 = vector.shape_cast %add3A_876 : vector<16xf32> to vector<1x16xf32>
        tpu.vector_store %arg10[%swap3A_877, %swap3A_878], %swap3A_881 {strides = array<i32>} : memref<32x768xf32, #tpu.memory_space<vmem>>, vector<1x16xf32>,
        %get3A_882 = arith.index_cast %scan3A_782 : i32 to index
        %get3A_883 = arith.constant 160 : index
        %get3A_884 = tpu.vector_load %arg8[%get3A_882, %get3A_883] {strides = array<i32>} : memref<32x768xf32, #tpu.memory_space<vmem>>, vector<1x16xf32>,
        %get3A_885 = vector.shape_cast %get3A_884 : vector<1x16xf32> to vector<16xf32>
        %add3A_886 = arith.addf %get3A_885, %get3A_379 : vector<16xf32>
        %swap3A_887 = arith.index_cast %scan3A_782 : i32 to index
        %swap3A_888 = arith.constant 160 : index
        %swap3A_889 = tpu.vector_load %arg10[%swap3A_887, %swap3A_888] {strides = array<i32>} : memref<32x768xf32, #tpu.memory_space<vmem>>, vector<1x16xf32>,
        %swap3A_890 = vector.shape_cast %swap3A_889 : vector<1x16xf32> to vector<16xf32>
        %swap3A_891 = vector.shape_cast %add3A_886 : vector<16xf32> to vector<1x16xf32>
        tpu.vector_store %arg10[%swap3A_887, %swap3A_888], %swap3A_891 {strides = array<i32>} : memref<32x768xf32, #tpu.memory_space<vmem>>, vector<1x16xf32>,
        %get3A_892 = arith.index_cast %scan3A_782 : i32 to index
        %get3A_893 = arith.constant 176 : index
        %get3A_894 = tpu.vector_load %arg8[%get3A_892, %get3A_893] {strides = array<i32>} : memref<32x768xf32, #tpu.memory_space<vmem>>, vector<1x16xf32>,
        %get3A_895 = vector.shape_cast %get3A_894 : vector<1x16xf32> to vector<16xf32>
        %add3A_896 = arith.addf %get3A_895, %get3A_384 : vector<16xf32>
        %swap3A_897 = arith.index_cast %scan3A_782 : i32 to index
        %swap3A_898 = arith.constant 176 : index
        %swap3A_899 = tpu.vector_load %arg10[%swap3A_897, %swap3A_898] {strides = array<i32>} : memref<32x768xf32, #tpu.memory_space<vmem>>, vector<1x16xf32>,
        %swap3A_900 = vector.shape_cast %swap3A_899 : vector<1x16xf32> to vector<16xf32>
        %swap3A_901 = vector.shape_cast %add3A_896 : vector<16xf32> to vector<1x16xf32>
        tpu.vector_store %arg10[%swap3A_897, %swap3A_898], %swap3A_901 {strides = array<i32>} : memref<32x768xf32, #tpu.memory_space<vmem>>, vector<1x16xf32>,
        %get3A_902 = arith.index_cast %scan3A_782 : i32 to index
        %get3A_903 = arith.constant 192 : index
        %get3A_904 = tpu.vector_load %arg8[%get3A_902, %get3A_903] {strides = array<i32>} : memref<32x768xf32, #tpu.memory_space<vmem>>, vector<1x16xf32>,
        %get3A_905 = vector.shape_cast %get3A_904 : vector<1x16xf32> to vector<16xf32>
        %add3A_906 = arith.addf %get3A_905, %get3A_389 : vector<16xf32>
        %swap3A_907 = arith.index_cast %scan3A_782 : i32 to index
        %swap3A_908 = arith.constant 192 : index
        %swap3A_909 = tpu.vector_load %arg10[%swap3A_907, %swap3A_908] {strides = array<i32>} : memref<32x768xf32, #tpu.memory_space<vmem>>, vector<1x16xf32>,
        %swap3A_910 = vector.shape_cast %swap3A_909 : vector<1x16xf32> to vector<16xf32>
        %swap3A_911 = vector.shape_cast %add3A_906 : vector<16xf32> to vector<1x16xf32>
        tpu.vector_store %arg10[%swap3A_907, %swap3A_908], %swap3A_911 {strides = array<i32>} : memref<32x768xf32, #tpu.memory_space<vmem>>, vector<1x16xf32>,
        %get3A_912 = arith.index_cast %scan3A_782 : i32 to index
        %get3A_913 = arith.constant 208 : index
        %get3A_914 = tpu.vector_load %arg8[%get3A_912, %get3A_913] {strides = array<i32>} : memref<32x768xf32, #tpu.memory_space<vmem>>, vector<1x16xf32>,
        %get3A_915 = vector.shape_cast %get3A_914 : vector<1x16xf32> to vector<16xf32>
        %add3A_916 = arith.addf %get3A_915, %get3A_394 : vector<16xf32>
        %swap3A_917 = arith.index_cast %scan3A_782 : i32 to index
        %swap3A_918 = arith.constant 208 : index
        %swap3A_919 = tpu.vector_load %arg10[%swap3A_917, %swap3A_918] {strides = array<i32>} : memref<32x768xf32, #tpu.memory_space<vmem>>, vector<1x16xf32>,
        %swap3A_920 = vector.shape_cast %swap3A_919 : vector<1x16xf32> to vector<16xf32>
        %swap3A_921 = vector.shape_cast %add3A_916 : vector<16xf32> to vector<1x16xf32>
        tpu.vector_store %arg10[%swap3A_917, %swap3A_918], %swap3A_921 {strides = array<i32>} : memref<32x768xf32, #tpu.memory_space<vmem>>, vector<1x16xf32>,
        %get3A_922 = arith.index_cast %scan3A_782 : i32 to index
        %get3A_923 = arith.constant 224 : index
        %get3A_924 = tpu.vector_load %arg8[%get3A_922, %get3A_923] {strides = array<i32>} : memref<32x768xf32, #tpu.memory_space<vmem>>, vector<1x16xf32>,
        %get3A_925 = vector.shape_cast %get3A_924 : vector<1x16xf32> to vector<16xf32>
        %add3A_926 = arith.addf %get3A_925, %get3A_399 : vector<16xf32>
        %swap3A_927 = arith.index_cast %scan3A_782 : i32 to index
        %swap3A_928 = arith.constant 224 : index
        %swap3A_929 = tpu.vector_load %arg10[%swap3A_927, %swap3A_928] {strides = array<i32>} : memref<32x768xf32, #tpu.memory_space<vmem>>, vector<1x16xf32>,
        %swap3A_930 = vector.shape_cast %swap3A_929 : vector<1x16xf32> to vector<16xf32>
        %swap3A_931 = vector.shape_cast %add3A_926 : vector<16xf32> to vector<1x16xf32>
        tpu.vector_store %arg10[%swap3A_927, %swap3A_928], %swap3A_931 {strides = array<i32>} : memref<32x768xf32, #tpu.memory_space<vmem>>, vector<1x16xf32>,
        %get3A_932 = arith.index_cast %scan3A_782 : i32 to index
        %get3A_933 = arith.constant 240 : index
        %get3A_934 = tpu.vector_load %arg8[%get3A_932, %get3A_933] {strides = array<i32>} : memref<32x768xf32, #tpu.memory_space<vmem>>, vector<1x16xf32>,
        %get3A_935 = vector.shape_cast %get3A_934 : vector<1x16xf32> to vector<16xf32>
        %add3A_936 = arith.addf %get3A_935, %get3A_404 : vector<16xf32>
        %swap3A_937 = arith.index_cast %scan3A_782 : i32 to index
        %swap3A_938 = arith.constant 240 : index
        %swap3A_939 = tpu.vector_load %arg10[%swap3A_937, %swap3A_938] {strides = array<i32>} : memref<32x768xf32, #tpu.memory_space<vmem>>, vector<1x16xf32>,
        %swap3A_940 = vector.shape_cast %swap3A_939 : vector<1x16xf32> to vector<16xf32>
        %swap3A_941 = vector.shape_cast %add3A_936 : vector<16xf32> to vector<1x16xf32>
        tpu.vector_store %arg10[%swap3A_937, %swap3A_938], %swap3A_941 {strides = array<i32>} : memref<32x768xf32, #tpu.memory_space<vmem>>, vector<1x16xf32>,
        %get3A_942 = arith.index_cast %scan3A_782 : i32 to index
        %get3A_943 = arith.constant 256 : index
        %get3A_944 = tpu.vector_load %arg8[%get3A_942, %get3A_943] {strides = array<i32>} : memref<32x768xf32, #tpu.memory_space<vmem>>, vector<1x16xf32>,
        %get3A_945 = vector.shape_cast %get3A_944 : vector<1x16xf32> to vector<16xf32>
        %add3A_946 = arith.addf %get3A_945, %get3A_409 : vector<16xf32>
        %swap3A_947 = arith.index_cast %scan3A_782 : i32 to index
        %swap3A_948 = arith.constant 256 : index
        %swap3A_949 = tpu.vector_load %arg10[%swap3A_947, %swap3A_948] {strides = array<i32>} : memref<32x768xf32, #tpu.memory_space<vmem>>, vector<1x16xf32>,
        %swap3A_950 = vector.shape_cast %swap3A_949 : vector<1x16xf32> to vector<16xf32>
        %swap3A_951 = vector.shape_cast %add3A_946 : vector<16xf32> to vector<1x16xf32>
        tpu.vector_store %arg10[%swap3A_947, %swap3A_948], %swap3A_951 {strides = array<i32>} : memref<32x768xf32, #tpu.memory_space<vmem>>, vector<1x16xf32>,
        %get3A_952 = arith.index_cast %scan3A_782 : i32 to index
        %get3A_953 = arith.constant 272 : index
        %get3A_954 = tpu.vector_load %arg8[%get3A_952, %get3A_953] {strides = array<i32>} : memref<32x768xf32, #tpu.memory_space<vmem>>, vector<1x16xf32>,
        %get3A_955 = vector.shape_cast %get3A_954 : vector<1x16xf32> to vector<16xf32>
        %add3A_956 = arith.addf %get3A_955, %get3A_414 : vector<16xf32>
        %swap3A_957 = arith.index_cast %scan3A_782 : i32 to index
        %swap3A_958 = arith.constant 272 : index
        %swap3A_959 = tpu.vector_load %arg10[%swap3A_957, %swap3A_958] {strides = array<i32>} : memref<32x768xf32, #tpu.memory_space<vmem>>, vector<1x16xf32>,
        %swap3A_960 = vector.shape_cast %swap3A_959 : vector<1x16xf32> to vector<16xf32>
        %swap3A_961 = vector.shape_cast %add3A_956 : vector<16xf32> to vector<1x16xf32>
        tpu.vector_store %arg10[%swap3A_957, %swap3A_958], %swap3A_961 {strides = array<i32>} : memref<32x768xf32, #tpu.memory_space<vmem>>, vector<1x16xf32>,
        %get3A_962 = arith.index_cast %scan3A_782 : i32 to index
        %get3A_963 = arith.constant 288 : index
        %get3A_964 = tpu.vector_load %arg8[%get3A_962, %get3A_963] {strides = array<i32>} : memref<32x768xf32, #tpu.memory_space<vmem>>, vector<1x16xf32>,
        %get3A_965 = vector.shape_cast %get3A_964 : vector<1x16xf32> to vector<16xf32>
        %add3A_966 = arith.addf %get3A_965, %get3A_419 : vector<16xf32>
        %swap3A_967 = arith.index_cast %scan3A_782 : i32 to index
        %swap3A_968 = arith.constant 288 : index
        %swap3A_969 = tpu.vector_load %arg10[%swap3A_967, %swap3A_968] {strides = array<i32>} : memref<32x768xf32, #tpu.memory_space<vmem>>, vector<1x16xf32>,
        %swap3A_970 = vector.shape_cast %swap3A_969 : vector<1x16xf32> to vector<16xf32>
        %swap3A_971 = vector.shape_cast %add3A_966 : vector<16xf32> to vector<1x16xf32>
        tpu.vector_store %arg10[%swap3A_967, %swap3A_968], %swap3A_971 {strides = array<i32>} : memref<32x768xf32, #tpu.memory_space<vmem>>, vector<1x16xf32>,
        %get3A_972 = arith.index_cast %scan3A_782 : i32 to index
        %get3A_973 = arith.constant 304 : index
        %get3A_974 = tpu.vector_load %arg8[%get3A_972, %get3A_973] {strides = array<i32>} : memref<32x768xf32, #tpu.memory_space<vmem>>, vector<1x16xf32>,
        %get3A_975 = vector.shape_cast %get3A_974 : vector<1x16xf32> to vector<16xf32>
        %add3A_976 = arith.addf %get3A_975, %get3A_424 : vector<16xf32>
        %swap3A_977 = arith.index_cast %scan3A_782 : i32 to index
        %swap3A_978 = arith.constant 304 : index
        %swap3A_979 = tpu.vector_load %arg10[%swap3A_977, %swap3A_978] {strides = array<i32>} : memref<32x768xf32, #tpu.memory_space<vmem>>, vector<1x16xf32>,
        %swap3A_980 = vector.shape_cast %swap3A_979 : vector<1x16xf32> to vector<16xf32>
        %swap3A_981 = vector.shape_cast %add3A_976 : vector<16xf32> to vector<1x16xf32>
        tpu.vector_store %arg10[%swap3A_977, %swap3A_978], %swap3A_981 {strides = array<i32>} : memref<32x768xf32, #tpu.memory_space<vmem>>, vector<1x16xf32>,
        %get3A_982 = arith.index_cast %scan3A_782 : i32 to index
        %get3A_983 = arith.constant 320 : index
        %get3A_984 = tpu.vector_load %arg8[%get3A_982, %get3A_983] {strides = array<i32>} : memref<32x768xf32, #tpu.memory_space<vmem>>, vector<1x16xf32>,
        %get3A_985 = vector.shape_cast %get3A_984 : vector<1x16xf32> to vector<16xf32>
        %add3A_986 = arith.addf %get3A_985, %get3A_429 : vector<16xf32>
        %swap3A_987 = arith.index_cast %scan3A_782 : i32 to index
        %swap3A_988 = arith.constant 320 : index
        %swap3A_989 = tpu.vector_load %arg10[%swap3A_987, %swap3A_988] {strides = array<i32>} : memref<32x768xf32, #tpu.memory_space<vmem>>, vector<1x16xf32>,
        %swap3A_990 = vector.shape_cast %swap3A_989 : vector<1x16xf32> to vector<16xf32>
        %swap3A_991 = vector.shape_cast %add3A_986 : vector<16xf32> to vector<1x16xf32>
        tpu.vector_store %arg10[%swap3A_987, %swap3A_988], %swap3A_991 {strides = array<i32>} : memref<32x768xf32, #tpu.memory_space<vmem>>, vector<1x16xf32>,
        %get3A_992 = arith.index_cast %scan3A_782 : i32 to index
        %get3A_993 = arith.constant 336 : index
        %get3A_994 = tpu.vector_load %arg8[%get3A_992, %get3A_993] {strides = array<i32>} : memref<32x768xf32, #tpu.memory_space<vmem>>, vector<1x16xf32>,
        %get3A_995 = vector.shape_cast %get3A_994 : vector<1x16xf32> to vector<16xf32>
        %add3A_996 = arith.addf %get3A_995, %get3A_434 : vector<16xf32>
        %swap3A_997 = arith.index_cast %scan3A_782 : i32 to index
        %swap3A_998 = arith.constant 336 : index
        %swap3A_999 = tpu.vector_load %arg10[%swap3A_997, %swap3A_998] {strides = array<i32>} : memref<32x768xf32, #tpu.memory_space<vmem>>, vector<1x16xf32>,
        %swap3A_1000 = vector.shape_cast %swap3A_999 : vector<1x16xf32> to vector<16xf32>
        %swap3A_1001 = vector.shape_cast %add3A_996 : vector<16xf32> to vector<1x16xf32>
        tpu.vector_store %arg10[%swap3A_997, %swap3A_998], %swap3A_1001 {strides = array<i32>} : memref<32x768xf32, #tpu.memory_space<vmem>>, vector<1x16xf32>,
        %get3A_1002 = arith.index_cast %scan3A_782 : i32 to index
        %get3A_1003 = arith.constant 352 : index
        %get3A_1004 = tpu.vector_load %arg8[%get3A_1002, %get3A_1003] {strides = array<i32>} : memref<32x768xf32, #tpu.memory_space<vmem>>, vector<1x16xf32>,
        %get3A_1005 = vector.shape_cast %get3A_1004 : vector<1x16xf32> to vector<16xf32>
        %add3A_1006 = arith.addf %get3A_1005, %get3A_439 : vector<16xf32>
        %swap3A_1007 = arith.index_cast %scan3A_782 : i32 to index
        %swap3A_1008 = arith.constant 352 : index
        %swap3A_1009 = tpu.vector_load %arg10[%swap3A_1007, %swap3A_1008] {strides = array<i32>} : memref<32x768xf32, #tpu.memory_space<vmem>>, vector<1x16xf32>,
        %swap3A_1010 = vector.shape_cast %swap3A_1009 : vector<1x16xf32> to vector<16xf32>
        %swap3A_1011 = vector.shape_cast %add3A_1006 : vector<16xf32> to vector<1x16xf32>
        tpu.vector_store %arg10[%swap3A_1007, %swap3A_1008], %swap3A_1011 {strides = array<i32>} : memref<32x768xf32, #tpu.memory_space<vmem>>, vector<1x16xf32>,
        %get3A_1012 = arith.index_cast %scan3A_782 : i32 to index
        %get3A_1013 = arith.constant 368 : index
        %get3A_1014 = tpu.vector_load %arg8[%get3A_1012, %get3A_1013] {strides = array<i32>} : memref<32x768xf32, #tpu.memory_space<vmem>>, vector<1x16xf32>,
        %get3A_1015 = vector.shape_cast %get3A_1014 : vector<1x16xf32> to vector<16xf32>
        %add3A_1016 = arith.addf %get3A_1015, %get3A_444 : vector<16xf32>
        %swap3A_1017 = arith.index_cast %scan3A_782 : i32 to index
        %swap3A_1018 = arith.constant 368 : index
        %swap3A_1019 = tpu.vector_load %arg10[%swap3A_1017, %swap3A_1018] {strides = array<i32>} : memref<32x768xf32, #tpu.memory_space<vmem>>, vector<1x16xf32>,
        %swap3A_1020 = vector.shape_cast %swap3A_1019 : vector<1x16xf32> to vector<16xf32>
        %swap3A_1021 = vector.shape_cast %add3A_1016 : vector<16xf32> to vector<1x16xf32>
        tpu.vector_store %arg10[%swap3A_1017, %swap3A_1018], %swap3A_1021 {strides = array<i32>} : memref<32x768xf32, #tpu.memory_space<vmem>>, vector<1x16xf32>,
        %get3A_1022 = arith.index_cast %scan3A_782 : i32 to index
        %get3A_1023 = arith.constant 384 : index
        %get3A_1024 = tpu.vector_load %arg8[%get3A_1022, %get3A_1023] {strides = array<i32>} : memref<32x768xf32, #tpu.memory_space<vmem>>, vector<1x16xf32>,
        %get3A_1025 = vector.shape_cast %get3A_1024 : vector<1x16xf32> to vector<16xf32>
        %add3A_1026 = arith.addf %get3A_1025, %get3A_449 : vector<16xf32>
        %swap3A_1027 = arith.index_cast %scan3A_782 : i32 to index
        %swap3A_1028 = arith.constant 384 : index
        %swap3A_1029 = tpu.vector_load %arg10[%swap3A_1027, %swap3A_1028] {strides = array<i32>} : memref<32x768xf32, #tpu.memory_space<vmem>>, vector<1x16xf32>,
        %swap3A_1030 = vector.shape_cast %swap3A_1029 : vector<1x16xf32> to vector<16xf32>
        %swap3A_1031 = vector.shape_cast %add3A_1026 : vector<16xf32> to vector<1x16xf32>
        tpu.vector_store %arg10[%swap3A_1027, %swap3A_1028], %swap3A_1031 {strides = array<i32>} : memref<32x768xf32, #tpu.memory_space<vmem>>, vector<1x16xf32>,
        %get3A_1032 = arith.index_cast %scan3A_782 : i32 to index
        %get3A_1033 = arith.constant 400 : index
        %get3A_1034 = tpu.vector_load %arg8[%get3A_1032, %get3A_1033] {strides = array<i32>} : memref<32x768xf32, #tpu.memory_space<vmem>>, vector<1x16xf32>,
        %get3A_1035 = vector.shape_cast %get3A_1034 : vector<1x16xf32> to vector<16xf32>
        %add3A_1036 = arith.addf %get3A_1035, %get3A_454 : vector<16xf32>
        %swap3A_1037 = arith.index_cast %scan3A_782 : i32 to index
        %swap3A_1038 = arith.constant 400 : index
        %swap3A_1039 = tpu.vector_load %arg10[%swap3A_1037, %swap3A_1038] {strides = array<i32>} : memref<32x768xf32, #tpu.memory_space<vmem>>, vector<1x16xf32>,
        %swap3A_1040 = vector.shape_cast %swap3A_1039 : vector<1x16xf32> to vector<16xf32>
        %swap3A_1041 = vector.shape_cast %add3A_1036 : vector<16xf32> to vector<1x16xf32>
        tpu.vector_store %arg10[%swap3A_1037, %swap3A_1038], %swap3A_1041 {strides = array<i32>} : memref<32x768xf32, #tpu.memory_space<vmem>>, vector<1x16xf32>,
        %get3A_1042 = arith.index_cast %scan3A_782 : i32 to index
        %get3A_1043 = arith.constant 416 : index
        %get3A_1044 = tpu.vector_load %arg8[%get3A_1042, %get3A_1043] {strides = array<i32>} : memref<32x768xf32, #tpu.memory_space<vmem>>, vector<1x16xf32>,
        %get3A_1045 = vector.shape_cast %get3A_1044 : vector<1x16xf32> to vector<16xf32>
        %add3A_1046 = arith.addf %get3A_1045, %get3A_459 : vector<16xf32>
        %swap3A_1047 = arith.index_cast %scan3A_782 : i32 to index
        %swap3A_1048 = arith.constant 416 : index
        %swap3A_1049 = tpu.vector_load %arg10[%swap3A_1047, %swap3A_1048] {strides = array<i32>} : memref<32x768xf32, #tpu.memory_space<vmem>>, vector<1x16xf32>,
        %swap3A_1050 = vector.shape_cast %swap3A_1049 : vector<1x16xf32> to vector<16xf32>
        %swap3A_1051 = vector.shape_cast %add3A_1046 : vector<16xf32> to vector<1x16xf32>
        tpu.vector_store %arg10[%swap3A_1047, %swap3A_1048], %swap3A_1051 {strides = array<i32>} : memref<32x768xf32, #tpu.memory_space<vmem>>, vector<1x16xf32>,
        %get3A_1052 = arith.index_cast %scan3A_782 : i32 to index
        %get3A_1053 = arith.constant 432 : index
        %get3A_1054 = tpu.vector_load %arg8[%get3A_1052, %get3A_1053] {strides = array<i32>} : memref<32x768xf32, #tpu.memory_space<vmem>>, vector<1x16xf32>,
        %get3A_1055 = vector.shape_cast %get3A_1054 : vector<1x16xf32> to vector<16xf32>
        %add3A_1056 = arith.addf %get3A_1055, %get3A_464 : vector<16xf32>
        %swap3A_1057 = arith.index_cast %scan3A_782 : i32 to index
        %swap3A_1058 = arith.constant 432 : index
        %swap3A_1059 = tpu.vector_load %arg10[%swap3A_1057, %swap3A_1058] {strides = array<i32>} : memref<32x768xf32, #tpu.memory_space<vmem>>, vector<1x16xf32>,
        %swap3A_1060 = vector.shape_cast %swap3A_1059 : vector<1x16xf32> to vector<16xf32>
        %swap3A_1061 = vector.shape_cast %add3A_1056 : vector<16xf32> to vector<1x16xf32>
        tpu.vector_store %arg10[%swap3A_1057, %swap3A_1058], %swap3A_1061 {strides = array<i32>} : memref<32x768xf32, #tpu.memory_space<vmem>>, vector<1x16xf32>,
        %get3A_1062 = arith.index_cast %scan3A_782 : i32 to index
        %get3A_1063 = arith.constant 448 : index
        %get3A_1064 = tpu.vector_load %arg8[%get3A_1062, %get3A_1063] {strides = array<i32>} : memref<32x768xf32, #tpu.memory_space<vmem>>, vector<1x16xf32>,
        %get3A_1065 = vector.shape_cast %get3A_1064 : vector<1x16xf32> to vector<16xf32>
        %add3A_1066 = arith.addf %get3A_1065, %get3A_469 : vector<16xf32>
        %swap3A_1067 = arith.index_cast %scan3A_782 : i32 to index
        %swap3A_1068 = arith.constant 448 : index
        %swap3A_1069 = tpu.vector_load %arg10[%swap3A_1067, %swap3A_1068] {strides = array<i32>} : memref<32x768xf32, #tpu.memory_space<vmem>>, vector<1x16xf32>,
        %swap3A_1070 = vector.shape_cast %swap3A_1069 : vector<1x16xf32> to vector<16xf32>
        %swap3A_1071 = vector.shape_cast %add3A_1066 : vector<16xf32> to vector<1x16xf32>
        tpu.vector_store %arg10[%swap3A_1067, %swap3A_1068], %swap3A_1071 {strides = array<i32>} : memref<32x768xf32, #tpu.memory_space<vmem>>, vector<1x16xf32>,
        %get3A_1072 = arith.index_cast %scan3A_782 : i32 to index
        %get3A_1073 = arith.constant 464 : index
        %get3A_1074 = tpu.vector_load %arg8[%get3A_1072, %get3A_1073] {strides = array<i32>} : memref<32x768xf32, #tpu.memory_space<vmem>>, vector<1x16xf32>,
        %get3A_1075 = vector.shape_cast %get3A_1074 : vector<1x16xf32> to vector<16xf32>
        %add3A_1076 = arith.addf %get3A_1075, %get3A_474 : vector<16xf32>
        %swap3A_1077 = arith.index_cast %scan3A_782 : i32 to index
        %swap3A_1078 = arith.constant 464 : index
        %swap3A_1079 = tpu.vector_load %arg10[%swap3A_1077, %swap3A_1078] {strides = array<i32>} : memref<32x768xf32, #tpu.memory_space<vmem>>, vector<1x16xf32>,
        %swap3A_1080 = vector.shape_cast %swap3A_1079 : vector<1x16xf32> to vector<16xf32>
        %swap3A_1081 = vector.shape_cast %add3A_1076 : vector<16xf32> to vector<1x16xf32>
        tpu.vector_store %arg10[%swap3A_1077, %swap3A_1078], %swap3A_1081 {strides = array<i32>} : memref<32x768xf32, #tpu.memory_space<vmem>>, vector<1x16xf32>,
        %get3A_1082 = arith.index_cast %scan3A_782 : i32 to index
        %get3A_1083 = arith.constant 480 : index
        %get3A_1084 = tpu.vector_load %arg8[%get3A_1082, %get3A_1083] {strides = array<i32>} : memref<32x768xf32, #tpu.memory_space<vmem>>, vector<1x16xf32>,
        %get3A_1085 = vector.shape_cast %get3A_1084 : vector<1x16xf32> to vector<16xf32>
        %add3A_1086 = arith.addf %get3A_1085, %get3A_479 : vector<16xf32>
        %swap3A_1087 = arith.index_cast %scan3A_782 : i32 to index
        %swap3A_1088 = arith.constant 480 : index
        %swap3A_1089 = tpu.vector_load %arg10[%swap3A_1087, %swap3A_1088] {strides = array<i32>} : memref<32x768xf32, #tpu.memory_space<vmem>>, vector<1x16xf32>,
        %swap3A_1090 = vector.shape_cast %swap3A_1089 : vector<1x16xf32> to vector<16xf32>
        %swap3A_1091 = vector.shape_cast %add3A_1086 : vector<16xf32> to vector<1x16xf32>
        tpu.vector_store %arg10[%swap3A_1087, %swap3A_1088], %swap3A_1091 {strides = array<i32>} : memref<32x768xf32, #tpu.memory_space<vmem>>, vector<1x16xf32>,
        %get3A_1092 = arith.index_cast %scan3A_782 : i32 to index
        %get3A_1093 = arith.constant 496 : index
        %get3A_1094 = tpu.vector_load %arg8[%get3A_1092, %get3A_1093] {strides = array<i32>} : memref<32x768xf32, #tpu.memory_space<vmem>>, vector<1x16xf32>,
        %get3A_1095 = vector.shape_cast %get3A_1094 : vector<1x16xf32> to vector<16xf32>
        %add3A_1096 = arith.addf %get3A_1095, %get3A_484 : vector<16xf32>
        %swap3A_1097 = arith.index_cast %scan3A_782 : i32 to index
        %swap3A_1098 = arith.constant 496 : index
        %swap3A_1099 = tpu.vector_load %arg10[%swap3A_1097, %swap3A_1098] {strides = array<i32>} : memref<32x768xf32, #tpu.memory_space<vmem>>, vector<1x16xf32>,
        %swap3A_1100 = vector.shape_cast %swap3A_1099 : vector<1x16xf32> to vector<16xf32>
        %swap3A_1101 = vector.shape_cast %add3A_1096 : vector<16xf32> to vector<1x16xf32>
        tpu.vector_store %arg10[%swap3A_1097, %swap3A_1098], %swap3A_1101 {strides = array<i32>} : memref<32x768xf32, #tpu.memory_space<vmem>>, vector<1x16xf32>,
        %get3A_1102 = arith.index_cast %scan3A_782 : i32 to index
        %get3A_1103 = arith.constant 512 : index
        %get3A_1104 = tpu.vector_load %arg8[%get3A_1102, %get3A_1103] {strides = array<i32>} : memref<32x768xf32, #tpu.memory_space<vmem>>, vector<1x16xf32>,
        %get3A_1105 = vector.shape_cast %get3A_1104 : vector<1x16xf32> to vector<16xf32>
        %add3A_1106 = arith.addf %get3A_1105, %get3A_489 : vector<16xf32>
        %swap3A_1107 = arith.index_cast %scan3A_782 : i32 to index
        %swap3A_1108 = arith.constant 512 : index
        %swap3A_1109 = tpu.vector_load %arg10[%swap3A_1107, %swap3A_1108] {strides = array<i32>} : memref<32x768xf32, #tpu.memory_space<vmem>>, vector<1x16xf32>,
        %swap3A_1110 = vector.shape_cast %swap3A_1109 : vector<1x16xf32> to vector<16xf32>
        %swap3A_1111 = vector.shape_cast %add3A_1106 : vector<16xf32> to vector<1x16xf32>
        tpu.vector_store %arg10[%swap3A_1107, %swap3A_1108], %swap3A_1111 {strides = array<i32>} : memref<32x768xf32, #tpu.memory_space<vmem>>, vector<1x16xf32>,
        %get3A_1112 = arith.index_cast %scan3A_782 : i32 to index
        %get3A_1113 = arith.constant 528 : index
        %get3A_1114 = tpu.vector_load %arg8[%get3A_1112, %get3A_1113] {strides = array<i32>} : memref<32x768xf32, #tpu.memory_space<vmem>>, vector<1x16xf32>,
        %get3A_1115 = vector.shape_cast %get3A_1114 : vector<1x16xf32> to vector<16xf32>
        %add3A_1116 = arith.addf %get3A_1115, %get3A_494 : vector<16xf32>
        %swap3A_1117 = arith.index_cast %scan3A_782 : i32 to index
        %swap3A_1118 = arith.constant 528 : index
        %swap3A_1119 = tpu.vector_load %arg10[%swap3A_1117, %swap3A_1118] {strides = array<i32>} : memref<32x768xf32, #tpu.memory_space<vmem>>, vector<1x16xf32>,
        %swap3A_1120 = vector.shape_cast %swap3A_1119 : vector<1x16xf32> to vector<16xf32>
        %swap3A_1121 = vector.shape_cast %add3A_1116 : vector<16xf32> to vector<1x16xf32>
        tpu.vector_store %arg10[%swap3A_1117, %swap3A_1118], %swap3A_1121 {strides = array<i32>} : memref<32x768xf32, #tpu.memory_space<vmem>>, vector<1x16xf32>,
        %get3A_1122 = arith.index_cast %scan3A_782 : i32 to index
        %get3A_1123 = arith.constant 544 : index
        %get3A_1124 = tpu.vector_load %arg8[%get3A_1122, %get3A_1123] {strides = array<i32>} : memref<32x768xf32, #tpu.memory_space<vmem>>, vector<1x16xf32>,
        %get3A_1125 = vector.shape_cast %get3A_1124 : vector<1x16xf32> to vector<16xf32>
        %add3A_1126 = arith.addf %get3A_1125, %get3A_499 : vector<16xf32>
        %swap3A_1127 = arith.index_cast %scan3A_782 : i32 to index
        %swap3A_1128 = arith.constant 544 : index
        %swap3A_1129 = tpu.vector_load %arg10[%swap3A_1127, %swap3A_1128] {strides = array<i32>} : memref<32x768xf32, #tpu.memory_space<vmem>>, vector<1x16xf32>,
        %swap3A_1130 = vector.shape_cast %swap3A_1129 : vector<1x16xf32> to vector<16xf32>
        %swap3A_1131 = vector.shape_cast %add3A_1126 : vector<16xf32> to vector<1x16xf32>
        tpu.vector_store %arg10[%swap3A_1127, %swap3A_1128], %swap3A_1131 {strides = array<i32>} : memref<32x768xf32, #tpu.memory_space<vmem>>, vector<1x16xf32>,
        %get3A_1132 = arith.index_cast %scan3A_782 : i32 to index
        %get3A_1133 = arith.constant 560 : index
        %get3A_1134 = tpu.vector_load %arg8[%get3A_1132, %get3A_1133] {strides = array<i32>} : memref<32x768xf32, #tpu.memory_space<vmem>>, vector<1x16xf32>,
        %get3A_1135 = vector.shape_cast %get3A_1134 : vector<1x16xf32> to vector<16xf32>
        %add3A_1136 = arith.addf %get3A_1135, %get3A_504 : vector<16xf32>
        %swap3A_1137 = arith.index_cast %scan3A_782 : i32 to index
        %swap3A_1138 = arith.constant 560 : index
        %swap3A_1139 = tpu.vector_load %arg10[%swap3A_1137, %swap3A_1138] {strides = array<i32>} : memref<32x768xf32, #tpu.memory_space<vmem>>, vector<1x16xf32>,
        %swap3A_1140 = vector.shape_cast %swap3A_1139 : vector<1x16xf32> to vector<16xf32>
        %swap3A_1141 = vector.shape_cast %add3A_1136 : vector<16xf32> to vector<1x16xf32>
        tpu.vector_store %arg10[%swap3A_1137, %swap3A_1138], %swap3A_1141 {strides = array<i32>} : memref<32x768xf32, #tpu.memory_space<vmem>>, vector<1x16xf32>,
        %get3A_1142 = arith.index_cast %scan3A_782 : i32 to index
        %get3A_1143 = arith.constant 576 : index
        %get3A_1144 = tpu.vector_load %arg8[%get3A_1142, %get3A_1143] {strides = array<i32>} : memref<32x768xf32, #tpu.memory_space<vmem>>, vector<1x16xf32>,
        %get3A_1145 = vector.shape_cast %get3A_1144 : vector<1x16xf32> to vector<16xf32>
        %add3A_1146 = arith.addf %get3A_1145, %get3A_509 : vector<16xf32>
        %swap3A_1147 = arith.index_cast %scan3A_782 : i32 to index
        %swap3A_1148 = arith.constant 576 : index
        %swap3A_1149 = tpu.vector_load %arg10[%swap3A_1147, %swap3A_1148] {strides = array<i32>} : memref<32x768xf32, #tpu.memory_space<vmem>>, vector<1x16xf32>,
        %swap3A_1150 = vector.shape_cast %swap3A_1149 : vector<1x16xf32> to vector<16xf32>
        %swap3A_1151 = vector.shape_cast %add3A_1146 : vector<16xf32> to vector<1x16xf32>
        tpu.vector_store %arg10[%swap3A_1147, %swap3A_1148], %swap3A_1151 {strides = array<i32>} : memref<32x768xf32, #tpu.memory_space<vmem>>, vector<1x16xf32>,
        %get3A_1152 = arith.index_cast %scan3A_782 : i32 to index
        %get3A_1153 = arith.constant 592 : index
        %get3A_1154 = tpu.vector_load %arg8[%get3A_1152, %get3A_1153] {strides = array<i32>} : memref<32x768xf32, #tpu.memory_space<vmem>>, vector<1x16xf32>,
        %get3A_1155 = vector.shape_cast %get3A_1154 : vector<1x16xf32> to vector<16xf32>
        %add3A_1156 = arith.addf %get3A_1155, %get3A_514 : vector<16xf32>
        %swap3A_1157 = arith.index_cast %scan3A_782 : i32 to index
        %swap3A_1158 = arith.constant 592 : index
        %swap3A_1159 = tpu.vector_load %arg10[%swap3A_1157, %swap3A_1158] {strides = array<i32>} : memref<32x768xf32, #tpu.memory_space<vmem>>, vector<1x16xf32>,
        %swap3A_1160 = vector.shape_cast %swap3A_1159 : vector<1x16xf32> to vector<16xf32>
        %swap3A_1161 = vector.shape_cast %add3A_1156 : vector<16xf32> to vector<1x16xf32>
        tpu.vector_store %arg10[%swap3A_1157, %swap3A_1158], %swap3A_1161 {strides = array<i32>} : memref<32x768xf32, #tpu.memory_space<vmem>>, vector<1x16xf32>,
        %get3A_1162 = arith.index_cast %scan3A_782 : i32 to index
        %get3A_1163 = arith.constant 608 : index
        %get3A_1164 = tpu.vector_load %arg8[%get3A_1162, %get3A_1163] {strides = array<i32>} : memref<32x768xf32, #tpu.memory_space<vmem>>, vector<1x16xf32>,
        %get3A_1165 = vector.shape_cast %get3A_1164 : vector<1x16xf32> to vector<16xf32>
        %add3A_1166 = arith.addf %get3A_1165, %get3A_519 : vector<16xf32>
        %swap3A_1167 = arith.index_cast %scan3A_782 : i32 to index
        %swap3A_1168 = arith.constant 608 : index
        %swap3A_1169 = tpu.vector_load %arg10[%swap3A_1167, %swap3A_1168] {strides = array<i32>} : memref<32x768xf32, #tpu.memory_space<vmem>>, vector<1x16xf32>,
        %swap3A_1170 = vector.shape_cast %swap3A_1169 : vector<1x16xf32> to vector<16xf32>
        %swap3A_1171 = vector.shape_cast %add3A_1166 : vector<16xf32> to vector<1x16xf32>
        tpu.vector_store %arg10[%swap3A_1167, %swap3A_1168], %swap3A_1171 {strides = array<i32>} : memref<32x768xf32, #tpu.memory_space<vmem>>, vector<1x16xf32>,
        %get3A_1172 = arith.index_cast %scan3A_782 : i32 to index
        %get3A_1173 = arith.constant 624 : index
        %get3A_1174 = tpu.vector_load %arg8[%get3A_1172, %get3A_1173] {strides = array<i32>} : memref<32x768xf32, #tpu.memory_space<vmem>>, vector<1x16xf32>,
        %get3A_1175 = vector.shape_cast %get3A_1174 : vector<1x16xf32> to vector<16xf32>
        %add3A_1176 = arith.addf %get3A_1175, %get3A_524 : vector<16xf32>
        %swap3A_1177 = arith.index_cast %scan3A_782 : i32 to index
        %swap3A_1178 = arith.constant 624 : index
        %swap3A_1179 = tpu.vector_load %arg10[%swap3A_1177, %swap3A_1178] {strides = array<i32>} : memref<32x768xf32, #tpu.memory_space<vmem>>, vector<1x16xf32>,
        %swap3A_1180 = vector.shape_cast %swap3A_1179 : vector<1x16xf32> to vector<16xf32>
        %swap3A_1181 = vector.shape_cast %add3A_1176 : vector<16xf32> to vector<1x16xf32>
        tpu.vector_store %arg10[%swap3A_1177, %swap3A_1178], %swap3A_1181 {strides = array<i32>} : memref<32x768xf32, #tpu.memory_space<vmem>>, vector<1x16xf32>,
        %get3A_1182 = arith.index_cast %scan3A_782 : i32 to index
        %get3A_1183 = arith.constant 640 : index
        %get3A_1184 = tpu.vector_load %arg8[%get3A_1182, %get3A_1183] {strides = array<i32>} : memref<32x768xf32, #tpu.memory_space<vmem>>, vector<1x16xf32>,
        %get3A_1185 = vector.shape_cast %get3A_1184 : vector<1x16xf32> to vector<16xf32>
        %add3A_1186 = arith.addf %get3A_1185, %get3A_529 : vector<16xf32>
        %swap3A_1187 = arith.index_cast %scan3A_782 : i32 to index
        %swap3A_1188 = arith.constant 640 : index
        %swap3A_1189 = tpu.vector_load %arg10[%swap3A_1187, %swap3A_1188] {strides = array<i32>} : memref<32x768xf32, #tpu.memory_space<vmem>>, vector<1x16xf32>,
        %swap3A_1190 = vector.shape_cast %swap3A_1189 : vector<1x16xf32> to vector<16xf32>
        %swap3A_1191 = vector.shape_cast %add3A_1186 : vector<16xf32> to vector<1x16xf32>
        tpu.vector_store %arg10[%swap3A_1187, %swap3A_1188], %swap3A_1191 {strides = array<i32>} : memref<32x768xf32, #tpu.memory_space<vmem>>, vector<1x16xf32>,
        %get3A_1192 = arith.index_cast %scan3A_782 : i32 to index
        %get3A_1193 = arith.constant 656 : index
        %get3A_1194 = tpu.vector_load %arg8[%get3A_1192, %get3A_1193] {strides = array<i32>} : memref<32x768xf32, #tpu.memory_space<vmem>>, vector<1x16xf32>,
        %get3A_1195 = vector.shape_cast %get3A_1194 : vector<1x16xf32> to vector<16xf32>
        %add3A_1196 = arith.addf %get3A_1195, %get3A_534 : vector<16xf32>
        %swap3A_1197 = arith.index_cast %scan3A_782 : i32 to index
        %swap3A_1198 = arith.constant 656 : index
        %swap3A_1199 = tpu.vector_load %arg10[%swap3A_1197, %swap3A_1198] {strides = array<i32>} : memref<32x768xf32, #tpu.memory_space<vmem>>, vector<1x16xf32>,
        %swap3A_1200 = vector.shape_cast %swap3A_1199 : vector<1x16xf32> to vector<16xf32>
        %swap3A_1201 = vector.shape_cast %add3A_1196 : vector<16xf32> to vector<1x16xf32>
        tpu.vector_store %arg10[%swap3A_1197, %swap3A_1198], %swap3A_1201 {strides = array<i32>} : memref<32x768xf32, #tpu.memory_space<vmem>>, vector<1x16xf32>,
        %get3A_1202 = arith.index_cast %scan3A_782 : i32 to index
        %get3A_1203 = arith.constant 672 : index
        %get3A_1204 = tpu.vector_load %arg8[%get3A_1202, %get3A_1203] {strides = array<i32>} : memref<32x768xf32, #tpu.memory_space<vmem>>, vector<1x16xf32>,
        %get3A_1205 = vector.shape_cast %get3A_1204 : vector<1x16xf32> to vector<16xf32>
        %add3A_1206 = arith.addf %get3A_1205, %get3A_539 : vector<16xf32>
        %swap3A_1207 = arith.index_cast %scan3A_782 : i32 to index
        %swap3A_1208 = arith.constant 672 : index
        %swap3A_1209 = tpu.vector_load %arg10[%swap3A_1207, %swap3A_1208] {strides = array<i32>} : memref<32x768xf32, #tpu.memory_space<vmem>>, vector<1x16xf32>,
        %swap3A_1210 = vector.shape_cast %swap3A_1209 : vector<1x16xf32> to vector<16xf32>
        %swap3A_1211 = vector.shape_cast %add3A_1206 : vector<16xf32> to vector<1x16xf32>
        tpu.vector_store %arg10[%swap3A_1207, %swap3A_1208], %swap3A_1211 {strides = array<i32>} : memref<32x768xf32, #tpu.memory_space<vmem>>, vector<1x16xf32>,
        %get3A_1212 = arith.index_cast %scan3A_782 : i32 to index
        %get3A_1213 = arith.constant 688 : index
        %get3A_1214 = tpu.vector_load %arg8[%get3A_1212, %get3A_1213] {strides = array<i32>} : memref<32x768xf32, #tpu.memory_space<vmem>>, vector<1x16xf32>,
        %get3A_1215 = vector.shape_cast %get3A_1214 : vector<1x16xf32> to vector<16xf32>
        %add3A_1216 = arith.addf %get3A_1215, %get3A_544 : vector<16xf32>
        %swap3A_1217 = arith.index_cast %scan3A_782 : i32 to index
        %swap3A_1218 = arith.constant 688 : index
        %swap3A_1219 = tpu.vector_load %arg10[%swap3A_1217, %swap3A_1218] {strides = array<i32>} : memref<32x768xf32, #tpu.memory_space<vmem>>, vector<1x16xf32>,
        %swap3A_1220 = vector.shape_cast %swap3A_1219 : vector<1x16xf32> to vector<16xf32>
        %swap3A_1221 = vector.shape_cast %add3A_1216 : vector<16xf32> to vector<1x16xf32>
        tpu.vector_store %arg10[%swap3A_1217, %swap3A_1218], %swap3A_1221 {strides = array<i32>} : memref<32x768xf32, #tpu.memory_space<vmem>>, vector<1x16xf32>,
        %get3A_1222 = arith.index_cast %scan3A_782 : i32 to index
        %get3A_1223 = arith.constant 704 : index
        %get3A_1224 = tpu.vector_load %arg8[%get3A_1222, %get3A_1223] {strides = array<i32>} : memref<32x768xf32, #tpu.memory_space<vmem>>, vector<1x16xf32>,
        %get3A_1225 = vector.shape_cast %get3A_1224 : vector<1x16xf32> to vector<16xf32>
        %add3A_1226 = arith.addf %get3A_1225, %get3A_549 : vector<16xf32>
        %swap3A_1227 = arith.index_cast %scan3A_782 : i32 to index
        %swap3A_1228 = arith.constant 704 : index
        %swap3A_1229 = tpu.vector_load %arg10[%swap3A_1227, %swap3A_1228] {strides = array<i32>} : memref<32x768xf32, #tpu.memory_space<vmem>>, vector<1x16xf32>,
        %swap3A_1230 = vector.shape_cast %swap3A_1229 : vector<1x16xf32> to vector<16xf32>
        %swap3A_1231 = vector.shape_cast %add3A_1226 : vector<16xf32> to vector<1x16xf32>
        tpu.vector_store %arg10[%swap3A_1227, %swap3A_1228], %swap3A_1231 {strides = array<i32>} : memref<32x768xf32, #tpu.memory_space<vmem>>, vector<1x16xf32>,
        %get3A_1232 = arith.index_cast %scan3A_782 : i32 to index
        %get3A_1233 = arith.constant 720 : index
        %get3A_1234 = tpu.vector_load %arg8[%get3A_1232, %get3A_1233] {strides = array<i32>} : memref<32x768xf32, #tpu.memory_space<vmem>>, vector<1x16xf32>,
        %get3A_1235 = vector.shape_cast %get3A_1234 : vector<1x16xf32> to vector<16xf32>
        %add3A_1236 = arith.addf %get3A_1235, %get3A_554 : vector<16xf32>
        %swap3A_1237 = arith.index_cast %scan3A_782 : i32 to index
        %swap3A_1238 = arith.constant 720 : index
        %swap3A_1239 = tpu.vector_load %arg10[%swap3A_1237, %swap3A_1238] {strides = array<i32>} : memref<32x768xf32, #tpu.memory_space<vmem>>, vector<1x16xf32>,
        %swap3A_1240 = vector.shape_cast %swap3A_1239 : vector<1x16xf32> to vector<16xf32>
        %swap3A_1241 = vector.shape_cast %add3A_1236 : vector<16xf32> to vector<1x16xf32>
        tpu.vector_store %arg10[%swap3A_1237, %swap3A_1238], %swap3A_1241 {strides = array<i32>} : memref<32x768xf32, #tpu.memory_space<vmem>>, vector<1x16xf32>,
        %get3A_1242 = arith.index_cast %scan3A_782 : i32 to index
        %get3A_1243 = arith.constant 736 : index
        %get3A_1244 = tpu.vector_load %arg8[%get3A_1242, %get3A_1243] {strides = array<i32>} : memref<32x768xf32, #tpu.memory_space<vmem>>, vector<1x16xf32>,
        %get3A_1245 = vector.shape_cast %get3A_1244 : vector<1x16xf32> to vector<16xf32>
        %add3A_1246 = arith.addf %get3A_1245, %get3A_559 : vector<16xf32>
        %swap3A_1247 = arith.index_cast %scan3A_782 : i32 to index
        %swap3A_1248 = arith.constant 736 : index
        %swap3A_1249 = tpu.vector_load %arg10[%swap3A_1247, %swap3A_1248] {strides = array<i32>} : memref<32x768xf32, #tpu.memory_space<vmem>>, vector<1x16xf32>,
        %swap3A_1250 = vector.shape_cast %swap3A_1249 : vector<1x16xf32> to vector<16xf32>
        %swap3A_1251 = vector.shape_cast %add3A_1246 : vector<16xf32> to vector<1x16xf32>
        tpu.vector_store %arg10[%swap3A_1247, %swap3A_1248], %swap3A_1251 {strides = array<i32>} : memref<32x768xf32, #tpu.memory_space<vmem>>, vector<1x16xf32>,
        %get3A_1252 = arith.index_cast %scan3A_782 : i32 to index
        %get3A_1253 = arith.constant 752 : index
        %get3A_1254 = tpu.vector_load %arg8[%get3A_1252, %get3A_1253] {strides = array<i32>} : memref<32x768xf32, #tpu.memory_space<vmem>>, vector<1x16xf32>,
        %get3A_1255 = vector.shape_cast %get3A_1254 : vector<1x16xf32> to vector<16xf32>
        %add3A_1256 = arith.addf %get3A_1255, %get3A_564 : vector<16xf32>
        %swap3A_1257 = arith.index_cast %scan3A_782 : i32 to index
        %swap3A_1258 = arith.constant 752 : index
        %swap3A_1259 = tpu.vector_load %arg10[%swap3A_1257, %swap3A_1258] {strides = array<i32>} : memref<32x768xf32, #tpu.memory_space<vmem>>, vector<1x16xf32>,
        %swap3A_1260 = vector.shape_cast %swap3A_1259 : vector<1x16xf32> to vector<16xf32>
        %swap3A_1261 = vector.shape_cast %add3A_1256 : vector<16xf32> to vector<1x16xf32>
        tpu.vector_store %arg10[%swap3A_1257, %swap3A_1258], %swap3A_1261 {strides = array<i32>} : memref<32x768xf32, #tpu.memory_space<vmem>>, vector<1x16xf32>,
      }
      %scan3A_663 = arith.constant 32 : i32
      %add3A_664 = arith.constant 2 : i32
      %add3A_665 = arith.addi %add3A_647, %add3A_664 : i32
      %min3A = arith.constant 126 : i32
      %min3A_666 = arith.minsi %add3A_665, %min3A : i32
      %mul3A_667 = arith.constant 32 : i32
      %mul3A_668 = arith.muli %min3A_666, %mul3A_667 : i32
      %add3A_669 = arith.constant 4096 : i32
      %add3A_670 = arith.addi %add3A_669, %mul3A_668 : i32
      %dma_start3A_671 = tpu.memref_slice %arg6[%add3A_670] : memref<8192xi32, #tpu.memory_space<vmem>> -> memref<32xi32, #tpu.memory_space<vmem>>
      %dma_start3A_672 = arith.constant 0 : i32
      %dma_start3A_673 = arith.constant 0 : i32
      %dma_start3A_674 = tpu.memref_slice %arg3[%dma_start3A_672, %dma_start3A_673] : memref<28996x768xf32, #tpu.memory_space<hbm>> -> memref<28996x768xf32, #tpu.memory_space<hbm>>
      tpu.enqueue_indirect_dma source(%dma_start3A_674 : memref<28996x768xf32, #tpu.memory_space<hbm>>) target(%arg8 : memref<32x768xf32, #tpu.memory_space<vmem>>) offsets(%dma_start3A_671 : memref<32xi32, #tpu.memory_space<vmem>>) semaphore(%arg12 : memref<!tpu.dma_semaphore, #tpu.memory_space<semaphore_mem>>)
      %mul3A_675 = arith.constant 64 : i32
      %mul3A_676 = vector.broadcast %mul3A_675 : i32 to vector<16xi32>
      %mul3A_677 = arith.muli %iota3A, %mul3A_676 : vector<16xi32>
      %mul3A_678 = arith.constant 32 : i32
      %mul3A_679 = arith.muli %add3A_647, %mul3A_678 : i32
      %add3A_680 = arith.constant 0 : i32
      %add3A_681 = arith.addi %mul3A_679, %add3A_680 : i32
      %mul3A_682 = arith.constant 64 : i32
      %mul3A_683 = arith.muli %add3A_681, %mul3A_682 : i32
      %add3A_684 = arith.addi %mul3A_683, %add3A_324 : i32
      %add3A_685 = vector.broadcast %add3A_684 : i32 to vector<16xi32>
      %add3A_686 = arith.addi %mul3A_677, %add3A_685 : vector<16xi32>
      %dma_start3A_687 = arith.constant 0 : i32
      %dma_start3A_688 = arith.constant 0 : i32
      %dma_start3A_689 = tpu.memref_slice %arg10[%dma_start3A_687, %dma_start3A_688] : memref<32x768xf32, #tpu.memory_space<vmem>> -> memref<16x768xf32, #tpu.memory_space<vmem>>
      %dma_start3A_690 = arith.constant 0 : i32
      %dma_start3A_691 = arith.constant 0 : i32
      %dma_start3A_692 = tpu.memref_slice %arg5[%dma_start3A_690, %dma_start3A_691] : memref<262144x768xf32, #tpu.memory_space<hbm>> -> memref<262144x768xf32, #tpu.memory_space<hbm>>
      tpu.enqueue_indirect_dma source(%dma_start3A_689 : memref<16x768xf32, #tpu.memory_space<vmem>>) target(%dma_start3A_692 : memref<262144x768xf32, #tpu.memory_space<hbm>>) offsets(%add3A_686 : vector<16xi32>) semaphore(%arg14 : memref<!tpu.dma_semaphore, #tpu.memory_space<semaphore_mem>>)
      %mul3A_693 = arith.constant 64 : i32
      %mul3A_694 = vector.broadcast %mul3A_693 : i32 to vector<16xi32>
      %mul3A_695 = arith.muli %iota3A, %mul3A_694 : vector<16xi32>
      %mul3A_696 = arith.constant 32 : i32
      %mul3A_697 = arith.muli %add3A_647, %mul3A_696 : i32
      %add3A_698 = arith.constant 16 : i32
      %add3A_699 = arith.addi %mul3A_697, %add3A_698 : i32
      %mul3A_700 = arith.constant 64 : i32
      %mul3A_701 = arith.muli %add3A_699, %mul3A_700 : i32
      %add3A_702 = arith.addi %mul3A_701, %add3A_324 : i32
      %add3A_703 = vector.broadcast %add3A_702 : i32 to vector<16xi32>
      %add3A_704 = arith.addi %mul3A_695, %add3A_703 : vector<16xi32>
      %dma_start3A_705 = arith.constant 16 : i32
      %dma_start3A_706 = arith.constant 0 : i32
      %dma_start3A_707 = tpu.memref_slice %arg10[%dma_start3A_705, %dma_start3A_706] : memref<32x768xf32, #tpu.memory_space<vmem>> -> memref<16x768xf32, #tpu.memory_space<vmem>>
      %dma_start3A_708 = arith.constant 0 : i32
      %dma_start3A_709 = arith.constant 0 : i32
      %dma_start3A_710 = tpu.memref_slice %arg5[%dma_start3A_708, %dma_start3A_709] : memref<262144x768xf32, #tpu.memory_space<hbm>> -> memref<262144x768xf32, #tpu.memory_space<hbm>>
      tpu.enqueue_indirect_dma source(%dma_start3A_707 : memref<16x768xf32, #tpu.memory_space<vmem>>) target(%dma_start3A_710 : memref<262144x768xf32, #tpu.memory_space<hbm>>) offsets(%add3A_704 : vector<16xi32>) semaphore(%arg14 : memref<!tpu.dma_semaphore, #tpu.memory_space<semaphore_mem>>)
      %mul3A_711 = arith.constant 2 : i32
      %mul3A_712 = arith.muli %mul3A_711, %scan3A_643 : i32
      %add3A_713 = arith.constant 1 : i32
      %add3A_714 = arith.addi %mul3A_712, %add3A_713 : i32
      %mul3A_715 = arith.constant 32 : i32
      %mul3A_716 = arith.muli %add3A_714, %mul3A_715 : i32
      %add3A_717 = arith.constant 4096 : i32
      %add3A_718 = arith.addi %add3A_717, %mul3A_716 : i32
      %dma_wait3A_719 = tpu.memref_slice %arg6[%add3A_718] : memref<8192xi32, #tpu.memory_space<vmem>> -> memref<32xi32, #tpu.memory_space<vmem>>
      %dma_wait3A_720 = arith.constant 0 : i32
      %dma_wait3A_721 = arith.constant 0 : i32
      %dma_wait3A_722 = tpu.memref_slice %arg3[%dma_wait3A_720, %dma_wait3A_721] : memref<28996x768xf32, #tpu.memory_space<hbm>> -> memref<28996x768xf32, #tpu.memory_space<hbm>>
      tpu.wait_indirect_dma semaphore(%arg13 : memref<!tpu.dma_semaphore, #tpu.memory_space<semaphore_mem>>) src(%dma_wait3A_722 : memref<28996x768xf32, #tpu.memory_space<hbm>>) dst(%arg9 : memref<32x768xf32, #tpu.memory_space<vmem>>)
      %ge3A_723 = arith.constant 1 : i32
      %ge3A_724 = arith.cmpi sge, %scan3A_643, %ge3A_723 : i32
      %convert_element_type3A_725 = arith.extui %ge3A_724 : i1 to i32
      %cond3A_726 = arith.constant 0 : i32
      %cond3A_727 = arith.cmpi ne, %convert_element_type3A_725, %cond3A_726 : i32
      scf.if %cond3A_727 {
        %mul3A_782 = arith.constant 64 : i32
        %mul3A_783 = vector.broadcast %mul3A_782 : i32 to vector<16xi32>
        %mul3A_784 = arith.muli %iota3A, %mul3A_783 : vector<16xi32>
        %mul3A_785 = arith.constant 32 : i32
        %mul3A_786 = arith.muli %add3A_714, %mul3A_785 : i32
        %add3A_787 = arith.constant 0 : i32
        %add3A_788 = arith.addi %mul3A_786, %add3A_787 : i32
        %mul3A_789 = arith.constant 64 : i32
        %mul3A_790 = arith.muli %add3A_788, %mul3A_789 : i32
        %add3A_791 = arith.addi %mul3A_790, %add3A_324 : i32
        %add3A_792 = vector.broadcast %add3A_791 : i32 to vector<16xi32>
        %add3A_793 = arith.addi %mul3A_784, %add3A_792 : vector<16xi32>
        %dma_wait3A_794 = arith.constant 0 : i32
        %dma_wait3A_795 = arith.constant 0 : i32
        %dma_wait3A_796 = tpu.memref_slice %arg11[%dma_wait3A_794, %dma_wait3A_795] : memref<32x768xf32, #tpu.memory_space<vmem>> -> memref<16x768xf32, #tpu.memory_space<vmem>>
        %dma_wait3A_797 = arith.constant 0 : i32
        %dma_wait3A_798 = arith.constant 0 : i32
        %dma_wait3A_799 = tpu.memref_slice %arg5[%dma_wait3A_797, %dma_wait3A_798] : memref<262144x768xf32, #tpu.memory_space<hbm>> -> memref<262144x768xf32, #tpu.memory_space<hbm>>
        tpu.wait_indirect_dma semaphore(%arg15 : memref<!tpu.dma_semaphore, #tpu.memory_space<semaphore_mem>>) src(%dma_wait3A_796 : memref<16x768xf32, #tpu.memory_space<vmem>>) dst(%dma_wait3A_799 : memref<262144x768xf32, #tpu.memory_space<hbm>>)
        %mul3A_800 = arith.constant 64 : i32
        %mul3A_801 = vector.broadcast %mul3A_800 : i32 to vector<16xi32>
        %mul3A_802 = arith.muli %iota3A, %mul3A_801 : vector<16xi32>
        %mul3A_803 = arith.constant 32 : i32
        %mul3A_804 = arith.muli %add3A_714, %mul3A_803 : i32
        %add3A_805 = arith.constant 16 : i32
        %add3A_806 = arith.addi %mul3A_804, %add3A_805 : i32
        %mul3A_807 = arith.constant 64 : i32
        %mul3A_808 = arith.muli %add3A_806, %mul3A_807 : i32
        %add3A_809 = arith.addi %mul3A_808, %add3A_324 : i32
        %add3A_810 = vector.broadcast %add3A_809 : i32 to vector<16xi32>
        %add3A_811 = arith.addi %mul3A_802, %add3A_810 : vector<16xi32>
        %dma_wait3A_812 = arith.constant 16 : i32
        %dma_wait3A_813 = arith.constant 0 : i32
        %dma_wait3A_814 = tpu.memref_slice %arg11[%dma_wait3A_812, %dma_wait3A_813] : memref<32x768xf32, #tpu.memory_space<vmem>> -> memref<16x768xf32, #tpu.memory_space<vmem>>
        %dma_wait3A_815 = arith.constant 0 : i32
        %dma_wait3A_816 = arith.constant 0 : i32
        %dma_wait3A_817 = tpu.memref_slice %arg5[%dma_wait3A_815, %dma_wait3A_816] : memref<262144x768xf32, #tpu.memory_space<hbm>> -> memref<262144x768xf32, #tpu.memory_space<hbm>>
        tpu.wait_indirect_dma semaphore(%arg15 : memref<!tpu.dma_semaphore, #tpu.memory_space<semaphore_mem>>) src(%dma_wait3A_814 : memref<16x768xf32, #tpu.memory_space<vmem>>) dst(%dma_wait3A_817 : memref<262144x768xf32, #tpu.memory_space<hbm>>)
      } else {
      }
      %scan3A_728 = arith.constant 0 : i32
      %scan3A_729 = arith.constant 0 : i32
      %scan3A_730 = arith.constant 32 : i32
      %scan3A_731 = arith.addi %scan3A_729, %scan3A_730 : i32
      %scan3A_732 = arith.constant 1 : i32
      scf.for %scan3A_782 = %scan3A_729 to %scan3A_731 step %scan3A_732  : i32 {
        %get3A_783 = arith.index_cast %scan3A_782 : i32 to index
        %get3A_784 = arith.constant 0 : index
        %get3A_785 = tpu.vector_load %arg9[%get3A_783, %get3A_784] {strides = array<i32>} : memref<32x768xf32, #tpu.memory_space<vmem>>, vector<1x16xf32>,
        %get3A_786 = vector.shape_cast %get3A_785 : vector<1x16xf32> to vector<16xf32>
        %add3A_787 = arith.addf %get3A_786, %get3A_329 : vector<16xf32>
        %swap3A = arith.index_cast %scan3A_782 : i32 to index
        %swap3A_788 = arith.constant 0 : index
        %swap3A_789 = tpu.vector_load %arg11[%swap3A, %swap3A_788] {strides = array<i32>} : memref<32x768xf32, #tpu.memory_space<vmem>>, vector<1x16xf32>,
        %swap3A_790 = vector.shape_cast %swap3A_789 : vector<1x16xf32> to vector<16xf32>
        %swap3A_791 = vector.shape_cast %add3A_787 : vector<16xf32> to vector<1x16xf32>
        tpu.vector_store %arg11[%swap3A, %swap3A_788], %swap3A_791 {strides = array<i32>} : memref<32x768xf32, #tpu.memory_space<vmem>>, vector<1x16xf32>,
        %get3A_792 = arith.index_cast %scan3A_782 : i32 to index
        %get3A_793 = arith.constant 16 : index
        %get3A_794 = tpu.vector_load %arg9[%get3A_792, %get3A_793] {strides = array<i32>} : memref<32x768xf32, #tpu.memory_space<vmem>>, vector<1x16xf32>,
        %get3A_795 = vector.shape_cast %get3A_794 : vector<1x16xf32> to vector<16xf32>
        %add3A_796 = arith.addf %get3A_795, %get3A_334 : vector<16xf32>
        %swap3A_797 = arith.index_cast %scan3A_782 : i32 to index
        %swap3A_798 = arith.constant 16 : index
        %swap3A_799 = tpu.vector_load %arg11[%swap3A_797, %swap3A_798] {strides = array<i32>} : memref<32x768xf32, #tpu.memory_space<vmem>>, vector<1x16xf32>,
        %swap3A_800 = vector.shape_cast %swap3A_799 : vector<1x16xf32> to vector<16xf32>
        %swap3A_801 = vector.shape_cast %add3A_796 : vector<16xf32> to vector<1x16xf32>
        tpu.vector_store %arg11[%swap3A_797, %swap3A_798], %swap3A_801 {strides = array<i32>} : memref<32x768xf32, #tpu.memory_space<vmem>>, vector<1x16xf32>,
        %get3A_802 = arith.index_cast %scan3A_782 : i32 to index
        %get3A_803 = arith.constant 32 : index
        %get3A_804 = tpu.vector_load %arg9[%get3A_802, %get3A_803] {strides = array<i32>} : memref<32x768xf32, #tpu.memory_space<vmem>>, vector<1x16xf32>,
        %get3A_805 = vector.shape_cast %get3A_804 : vector<1x16xf32> to vector<16xf32>
        %add3A_806 = arith.addf %get3A_805, %get3A_339 : vector<16xf32>
        %swap3A_807 = arith.index_cast %scan3A_782 : i32 to index
        %swap3A_808 = arith.constant 32 : index
        %swap3A_809 = tpu.vector_load %arg11[%swap3A_807, %swap3A_808] {strides = array<i32>} : memref<32x768xf32, #tpu.memory_space<vmem>>, vector<1x16xf32>,
        %swap3A_810 = vector.shape_cast %swap3A_809 : vector<1x16xf32> to vector<16xf32>
        %swap3A_811 = vector.shape_cast %add3A_806 : vector<16xf32> to vector<1x16xf32>
        tpu.vector_store %arg11[%swap3A_807, %swap3A_808], %swap3A_811 {strides = array<i32>} : memref<32x768xf32, #tpu.memory_space<vmem>>, vector<1x16xf32>,
        %get3A_812 = arith.index_cast %scan3A_782 : i32 to index
        %get3A_813 = arith.constant 48 : index
        %get3A_814 = tpu.vector_load %arg9[%get3A_812, %get3A_813] {strides = array<i32>} : memref<32x768xf32, #tpu.memory_space<vmem>>, vector<1x16xf32>,
        %get3A_815 = vector.shape_cast %get3A_814 : vector<1x16xf32> to vector<16xf32>
        %add3A_816 = arith.addf %get3A_815, %get3A_344 : vector<16xf32>
        %swap3A_817 = arith.index_cast %scan3A_782 : i32 to index
        %swap3A_818 = arith.constant 48 : index
        %swap3A_819 = tpu.vector_load %arg11[%swap3A_817, %swap3A_818] {strides = array<i32>} : memref<32x768xf32, #tpu.memory_space<vmem>>, vector<1x16xf32>,
        %swap3A_820 = vector.shape_cast %swap3A_819 : vector<1x16xf32> to vector<16xf32>
        %swap3A_821 = vector.shape_cast %add3A_816 : vector<16xf32> to vector<1x16xf32>
        tpu.vector_store %arg11[%swap3A_817, %swap3A_818], %swap3A_821 {strides = array<i32>} : memref<32x768xf32, #tpu.memory_space<vmem>>, vector<1x16xf32>,
        %get3A_822 = arith.index_cast %scan3A_782 : i32 to index
        %get3A_823 = arith.constant 64 : index
        %get3A_824 = tpu.vector_load %arg9[%get3A_822, %get3A_823] {strides = array<i32>} : memref<32x768xf32, #tpu.memory_space<vmem>>, vector<1x16xf32>,
        %get3A_825 = vector.shape_cast %get3A_824 : vector<1x16xf32> to vector<16xf32>
        %add3A_826 = arith.addf %get3A_825, %get3A_349 : vector<16xf32>
        %swap3A_827 = arith.index_cast %scan3A_782 : i32 to index
        %swap3A_828 = arith.constant 64 : index
        %swap3A_829 = tpu.vector_load %arg11[%swap3A_827, %swap3A_828] {strides = array<i32>} : memref<32x768xf32, #tpu.memory_space<vmem>>, vector<1x16xf32>,
        %swap3A_830 = vector.shape_cast %swap3A_829 : vector<1x16xf32> to vector<16xf32>
        %swap3A_831 = vector.shape_cast %add3A_826 : vector<16xf32> to vector<1x16xf32>
        tpu.vector_store %arg11[%swap3A_827, %swap3A_828], %swap3A_831 {strides = array<i32>} : memref<32x768xf32, #tpu.memory_space<vmem>>, vector<1x16xf32>,
        %get3A_832 = arith.index_cast %scan3A_782 : i32 to index
        %get3A_833 = arith.constant 80 : index
        %get3A_834 = tpu.vector_load %arg9[%get3A_832, %get3A_833] {strides = array<i32>} : memref<32x768xf32, #tpu.memory_space<vmem>>, vector<1x16xf32>,
        %get3A_835 = vector.shape_cast %get3A_834 : vector<1x16xf32> to vector<16xf32>
        %add3A_836 = arith.addf %get3A_835, %get3A_354 : vector<16xf32>
        %swap3A_837 = arith.index_cast %scan3A_782 : i32 to index
        %swap3A_838 = arith.constant 80 : index
        %swap3A_839 = tpu.vector_load %arg11[%swap3A_837, %swap3A_838] {strides = array<i32>} : memref<32x768xf32, #tpu.memory_space<vmem>>, vector<1x16xf32>,
        %swap3A_840 = vector.shape_cast %swap3A_839 : vector<1x16xf32> to vector<16xf32>
        %swap3A_841 = vector.shape_cast %add3A_836 : vector<16xf32> to vector<1x16xf32>
        tpu.vector_store %arg11[%swap3A_837, %swap3A_838], %swap3A_841 {strides = array<i32>} : memref<32x768xf32, #tpu.memory_space<vmem>>, vector<1x16xf32>,
        %get3A_842 = arith.index_cast %scan3A_782 : i32 to index
        %get3A_843 = arith.constant 96 : index
        %get3A_844 = tpu.vector_load %arg9[%get3A_842, %get3A_843] {strides = array<i32>} : memref<32x768xf32, #tpu.memory_space<vmem>>, vector<1x16xf32>,
        %get3A_845 = vector.shape_cast %get3A_844 : vector<1x16xf32> to vector<16xf32>
        %add3A_846 = arith.addf %get3A_845, %get3A_359 : vector<16xf32>
        %swap3A_847 = arith.index_cast %scan3A_782 : i32 to index
        %swap3A_848 = arith.constant 96 : index
        %swap3A_849 = tpu.vector_load %arg11[%swap3A_847, %swap3A_848] {strides = array<i32>} : memref<32x768xf32, #tpu.memory_space<vmem>>, vector<1x16xf32>,
        %swap3A_850 = vector.shape_cast %swap3A_849 : vector<1x16xf32> to vector<16xf32>
        %swap3A_851 = vector.shape_cast %add3A_846 : vector<16xf32> to vector<1x16xf32>
        tpu.vector_store %arg11[%swap3A_847, %swap3A_848], %swap3A_851 {strides = array<i32>} : memref<32x768xf32, #tpu.memory_space<vmem>>, vector<1x16xf32>,
        %get3A_852 = arith.index_cast %scan3A_782 : i32 to index
        %get3A_853 = arith.constant 112 : index
        %get3A_854 = tpu.vector_load %arg9[%get3A_852, %get3A_853] {strides = array<i32>} : memref<32x768xf32, #tpu.memory_space<vmem>>, vector<1x16xf32>,
        %get3A_855 = vector.shape_cast %get3A_854 : vector<1x16xf32> to vector<16xf32>
        %add3A_856 = arith.addf %get3A_855, %get3A_364 : vector<16xf32>
        %swap3A_857 = arith.index_cast %scan3A_782 : i32 to index
        %swap3A_858 = arith.constant 112 : index
        %swap3A_859 = tpu.vector_load %arg11[%swap3A_857, %swap3A_858] {strides = array<i32>} : memref<32x768xf32, #tpu.memory_space<vmem>>, vector<1x16xf32>,
        %swap3A_860 = vector.shape_cast %swap3A_859 : vector<1x16xf32> to vector<16xf32>
        %swap3A_861 = vector.shape_cast %add3A_856 : vector<16xf32> to vector<1x16xf32>
        tpu.vector_store %arg11[%swap3A_857, %swap3A_858], %swap3A_861 {strides = array<i32>} : memref<32x768xf32, #tpu.memory_space<vmem>>, vector<1x16xf32>,
        %get3A_862 = arith.index_cast %scan3A_782 : i32 to index
        %get3A_863 = arith.constant 128 : index
        %get3A_864 = tpu.vector_load %arg9[%get3A_862, %get3A_863] {strides = array<i32>} : memref<32x768xf32, #tpu.memory_space<vmem>>, vector<1x16xf32>,
        %get3A_865 = vector.shape_cast %get3A_864 : vector<1x16xf32> to vector<16xf32>
        %add3A_866 = arith.addf %get3A_865, %get3A_369 : vector<16xf32>
        %swap3A_867 = arith.index_cast %scan3A_782 : i32 to index
        %swap3A_868 = arith.constant 128 : index
        %swap3A_869 = tpu.vector_load %arg11[%swap3A_867, %swap3A_868] {strides = array<i32>} : memref<32x768xf32, #tpu.memory_space<vmem>>, vector<1x16xf32>,
        %swap3A_870 = vector.shape_cast %swap3A_869 : vector<1x16xf32> to vector<16xf32>
        %swap3A_871 = vector.shape_cast %add3A_866 : vector<16xf32> to vector<1x16xf32>
        tpu.vector_store %arg11[%swap3A_867, %swap3A_868], %swap3A_871 {strides = array<i32>} : memref<32x768xf32, #tpu.memory_space<vmem>>, vector<1x16xf32>,
        %get3A_872 = arith.index_cast %scan3A_782 : i32 to index
        %get3A_873 = arith.constant 144 : index
        %get3A_874 = tpu.vector_load %arg9[%get3A_872, %get3A_873] {strides = array<i32>} : memref<32x768xf32, #tpu.memory_space<vmem>>, vector<1x16xf32>,
        %get3A_875 = vector.shape_cast %get3A_874 : vector<1x16xf32> to vector<16xf32>
        %add3A_876 = arith.addf %get3A_875, %get3A_374 : vector<16xf32>
        %swap3A_877 = arith.index_cast %scan3A_782 : i32 to index
        %swap3A_878 = arith.constant 144 : index
        %swap3A_879 = tpu.vector_load %arg11[%swap3A_877, %swap3A_878] {strides = array<i32>} : memref<32x768xf32, #tpu.memory_space<vmem>>, vector<1x16xf32>,
        %swap3A_880 = vector.shape_cast %swap3A_879 : vector<1x16xf32> to vector<16xf32>
        %swap3A_881 = vector.shape_cast %add3A_876 : vector<16xf32> to vector<1x16xf32>
        tpu.vector_store %arg11[%swap3A_877, %swap3A_878], %swap3A_881 {strides = array<i32>} : memref<32x768xf32, #tpu.memory_space<vmem>>, vector<1x16xf32>,
        %get3A_882 = arith.index_cast %scan3A_782 : i32 to index
        %get3A_883 = arith.constant 160 : index
        %get3A_884 = tpu.vector_load %arg9[%get3A_882, %get3A_883] {strides = array<i32>} : memref<32x768xf32, #tpu.memory_space<vmem>>, vector<1x16xf32>,
        %get3A_885 = vector.shape_cast %get3A_884 : vector<1x16xf32> to vector<16xf32>
        %add3A_886 = arith.addf %get3A_885, %get3A_379 : vector<16xf32>
        %swap3A_887 = arith.index_cast %scan3A_782 : i32 to index
        %swap3A_888 = arith.constant 160 : index
        %swap3A_889 = tpu.vector_load %arg11[%swap3A_887, %swap3A_888] {strides = array<i32>} : memref<32x768xf32, #tpu.memory_space<vmem>>, vector<1x16xf32>,
        %swap3A_890 = vector.shape_cast %swap3A_889 : vector<1x16xf32> to vector<16xf32>
        %swap3A_891 = vector.shape_cast %add3A_886 : vector<16xf32> to vector<1x16xf32>
        tpu.vector_store %arg11[%swap3A_887, %swap3A_888], %swap3A_891 {strides = array<i32>} : memref<32x768xf32, #tpu.memory_space<vmem>>, vector<1x16xf32>,
        %get3A_892 = arith.index_cast %scan3A_782 : i32 to index
        %get3A_893 = arith.constant 176 : index
        %get3A_894 = tpu.vector_load %arg9[%get3A_892, %get3A_893] {strides = array<i32>} : memref<32x768xf32, #tpu.memory_space<vmem>>, vector<1x16xf32>,
        %get3A_895 = vector.shape_cast %get3A_894 : vector<1x16xf32> to vector<16xf32>
        %add3A_896 = arith.addf %get3A_895, %get3A_384 : vector<16xf32>
        %swap3A_897 = arith.index_cast %scan3A_782 : i32 to index
        %swap3A_898 = arith.constant 176 : index
        %swap3A_899 = tpu.vector_load %arg11[%swap3A_897, %swap3A_898] {strides = array<i32>} : memref<32x768xf32, #tpu.memory_space<vmem>>, vector<1x16xf32>,
        %swap3A_900 = vector.shape_cast %swap3A_899 : vector<1x16xf32> to vector<16xf32>
        %swap3A_901 = vector.shape_cast %add3A_896 : vector<16xf32> to vector<1x16xf32>
        tpu.vector_store %arg11[%swap3A_897, %swap3A_898], %swap3A_901 {strides = array<i32>} : memref<32x768xf32, #tpu.memory_space<vmem>>, vector<1x16xf32>,
        %get3A_902 = arith.index_cast %scan3A_782 : i32 to index
        %get3A_903 = arith.constant 192 : index
        %get3A_904 = tpu.vector_load %arg9[%get3A_902, %get3A_903] {strides = array<i32>} : memref<32x768xf32, #tpu.memory_space<vmem>>, vector<1x16xf32>,
        %get3A_905 = vector.shape_cast %get3A_904 : vector<1x16xf32> to vector<16xf32>
        %add3A_906 = arith.addf %get3A_905, %get3A_389 : vector<16xf32>
        %swap3A_907 = arith.index_cast %scan3A_782 : i32 to index
        %swap3A_908 = arith.constant 192 : index
        %swap3A_909 = tpu.vector_load %arg11[%swap3A_907, %swap3A_908] {strides = array<i32>} : memref<32x768xf32, #tpu.memory_space<vmem>>, vector<1x16xf32>,
        %swap3A_910 = vector.shape_cast %swap3A_909 : vector<1x16xf32> to vector<16xf32>
        %swap3A_911 = vector.shape_cast %add3A_906 : vector<16xf32> to vector<1x16xf32>
        tpu.vector_store %arg11[%swap3A_907, %swap3A_908], %swap3A_911 {strides = array<i32>} : memref<32x768xf32, #tpu.memory_space<vmem>>, vector<1x16xf32>,
        %get3A_912 = arith.index_cast %scan3A_782 : i32 to index
        %get3A_913 = arith.constant 208 : index
        %get3A_914 = tpu.vector_load %arg9[%get3A_912, %get3A_913] {strides = array<i32>} : memref<32x768xf32, #tpu.memory_space<vmem>>, vector<1x16xf32>,
        %get3A_915 = vector.shape_cast %get3A_914 : vector<1x16xf32> to vector<16xf32>
        %add3A_916 = arith.addf %get3A_915, %get3A_394 : vector<16xf32>
        %swap3A_917 = arith.index_cast %scan3A_782 : i32 to index
        %swap3A_918 = arith.constant 208 : index
        %swap3A_919 = tpu.vector_load %arg11[%swap3A_917, %swap3A_918] {strides = array<i32>} : memref<32x768xf32, #tpu.memory_space<vmem>>, vector<1x16xf32>,
        %swap3A_920 = vector.shape_cast %swap3A_919 : vector<1x16xf32> to vector<16xf32>
        %swap3A_921 = vector.shape_cast %add3A_916 : vector<16xf32> to vector<1x16xf32>
        tpu.vector_store %arg11[%swap3A_917, %swap3A_918], %swap3A_921 {strides = array<i32>} : memref<32x768xf32, #tpu.memory_space<vmem>>, vector<1x16xf32>,
        %get3A_922 = arith.index_cast %scan3A_782 : i32 to index
        %get3A_923 = arith.constant 224 : index
        %get3A_924 = tpu.vector_load %arg9[%get3A_922, %get3A_923] {strides = array<i32>} : memref<32x768xf32, #tpu.memory_space<vmem>>, vector<1x16xf32>,
        %get3A_925 = vector.shape_cast %get3A_924 : vector<1x16xf32> to vector<16xf32>
        %add3A_926 = arith.addf %get3A_925, %get3A_399 : vector<16xf32>
        %swap3A_927 = arith.index_cast %scan3A_782 : i32 to index
        %swap3A_928 = arith.constant 224 : index
        %swap3A_929 = tpu.vector_load %arg11[%swap3A_927, %swap3A_928] {strides = array<i32>} : memref<32x768xf32, #tpu.memory_space<vmem>>, vector<1x16xf32>,
        %swap3A_930 = vector.shape_cast %swap3A_929 : vector<1x16xf32> to vector<16xf32>
        %swap3A_931 = vector.shape_cast %add3A_926 : vector<16xf32> to vector<1x16xf32>
        tpu.vector_store %arg11[%swap3A_927, %swap3A_928], %swap3A_931 {strides = array<i32>} : memref<32x768xf32, #tpu.memory_space<vmem>>, vector<1x16xf32>,
        %get3A_932 = arith.index_cast %scan3A_782 : i32 to index
        %get3A_933 = arith.constant 240 : index
        %get3A_934 = tpu.vector_load %arg9[%get3A_932, %get3A_933] {strides = array<i32>} : memref<32x768xf32, #tpu.memory_space<vmem>>, vector<1x16xf32>,
        %get3A_935 = vector.shape_cast %get3A_934 : vector<1x16xf32> to vector<16xf32>
        %add3A_936 = arith.addf %get3A_935, %get3A_404 : vector<16xf32>
        %swap3A_937 = arith.index_cast %scan3A_782 : i32 to index
        %swap3A_938 = arith.constant 240 : index
        %swap3A_939 = tpu.vector_load %arg11[%swap3A_937, %swap3A_938] {strides = array<i32>} : memref<32x768xf32, #tpu.memory_space<vmem>>, vector<1x16xf32>,
        %swap3A_940 = vector.shape_cast %swap3A_939 : vector<1x16xf32> to vector<16xf32>
        %swap3A_941 = vector.shape_cast %add3A_936 : vector<16xf32> to vector<1x16xf32>
        tpu.vector_store %arg11[%swap3A_937, %swap3A_938], %swap3A_941 {strides = array<i32>} : memref<32x768xf32, #tpu.memory_space<vmem>>, vector<1x16xf32>,
        %get3A_942 = arith.index_cast %scan3A_782 : i32 to index
        %get3A_943 = arith.constant 256 : index
        %get3A_944 = tpu.vector_load %arg9[%get3A_942, %get3A_943] {strides = array<i32>} : memref<32x768xf32, #tpu.memory_space<vmem>>, vector<1x16xf32>,
        %get3A_945 = vector.shape_cast %get3A_944 : vector<1x16xf32> to vector<16xf32>
        %add3A_946 = arith.addf %get3A_945, %get3A_409 : vector<16xf32>
        %swap3A_947 = arith.index_cast %scan3A_782 : i32 to index
        %swap3A_948 = arith.constant 256 : index
        %swap3A_949 = tpu.vector_load %arg11[%swap3A_947, %swap3A_948] {strides = array<i32>} : memref<32x768xf32, #tpu.memory_space<vmem>>, vector<1x16xf32>,
        %swap3A_950 = vector.shape_cast %swap3A_949 : vector<1x16xf32> to vector<16xf32>
        %swap3A_951 = vector.shape_cast %add3A_946 : vector<16xf32> to vector<1x16xf32>
        tpu.vector_store %arg11[%swap3A_947, %swap3A_948], %swap3A_951 {strides = array<i32>} : memref<32x768xf32, #tpu.memory_space<vmem>>, vector<1x16xf32>,
        %get3A_952 = arith.index_cast %scan3A_782 : i32 to index
        %get3A_953 = arith.constant 272 : index
        %get3A_954 = tpu.vector_load %arg9[%get3A_952, %get3A_953] {strides = array<i32>} : memref<32x768xf32, #tpu.memory_space<vmem>>, vector<1x16xf32>,
        %get3A_955 = vector.shape_cast %get3A_954 : vector<1x16xf32> to vector<16xf32>
        %add3A_956 = arith.addf %get3A_955, %get3A_414 : vector<16xf32>
        %swap3A_957 = arith.index_cast %scan3A_782 : i32 to index
        %swap3A_958 = arith.constant 272 : index
        %swap3A_959 = tpu.vector_load %arg11[%swap3A_957, %swap3A_958] {strides = array<i32>} : memref<32x768xf32, #tpu.memory_space<vmem>>, vector<1x16xf32>,
        %swap3A_960 = vector.shape_cast %swap3A_959 : vector<1x16xf32> to vector<16xf32>
        %swap3A_961 = vector.shape_cast %add3A_956 : vector<16xf32> to vector<1x16xf32>
        tpu.vector_store %arg11[%swap3A_957, %swap3A_958], %swap3A_961 {strides = array<i32>} : memref<32x768xf32, #tpu.memory_space<vmem>>, vector<1x16xf32>,
        %get3A_962 = arith.index_cast %scan3A_782 : i32 to index
        %get3A_963 = arith.constant 288 : index
        %get3A_964 = tpu.vector_load %arg9[%get3A_962, %get3A_963] {strides = array<i32>} : memref<32x768xf32, #tpu.memory_space<vmem>>, vector<1x16xf32>,
        %get3A_965 = vector.shape_cast %get3A_964 : vector<1x16xf32> to vector<16xf32>
        %add3A_966 = arith.addf %get3A_965, %get3A_419 : vector<16xf32>
        %swap3A_967 = arith.index_cast %scan3A_782 : i32 to index
        %swap3A_968 = arith.constant 288 : index
        %swap3A_969 = tpu.vector_load %arg11[%swap3A_967, %swap3A_968] {strides = array<i32>} : memref<32x768xf32, #tpu.memory_space<vmem>>, vector<1x16xf32>,
        %swap3A_970 = vector.shape_cast %swap3A_969 : vector<1x16xf32> to vector<16xf32>
        %swap3A_971 = vector.shape_cast %add3A_966 : vector<16xf32> to vector<1x16xf32>
        tpu.vector_store %arg11[%swap3A_967, %swap3A_968], %swap3A_971 {strides = array<i32>} : memref<32x768xf32, #tpu.memory_space<vmem>>, vector<1x16xf32>,
        %get3A_972 = arith.index_cast %scan3A_782 : i32 to index
        %get3A_973 = arith.constant 304 : index
        %get3A_974 = tpu.vector_load %arg9[%get3A_972, %get3A_973] {strides = array<i32>} : memref<32x768xf32, #tpu.memory_space<vmem>>, vector<1x16xf32>,
        %get3A_975 = vector.shape_cast %get3A_974 : vector<1x16xf32> to vector<16xf32>
        %add3A_976 = arith.addf %get3A_975, %get3A_424 : vector<16xf32>
        %swap3A_977 = arith.index_cast %scan3A_782 : i32 to index
        %swap3A_978 = arith.constant 304 : index
        %swap3A_979 = tpu.vector_load %arg11[%swap3A_977, %swap3A_978] {strides = array<i32>} : memref<32x768xf32, #tpu.memory_space<vmem>>, vector<1x16xf32>,
        %swap3A_980 = vector.shape_cast %swap3A_979 : vector<1x16xf32> to vector<16xf32>
        %swap3A_981 = vector.shape_cast %add3A_976 : vector<16xf32> to vector<1x16xf32>
        tpu.vector_store %arg11[%swap3A_977, %swap3A_978], %swap3A_981 {strides = array<i32>} : memref<32x768xf32, #tpu.memory_space<vmem>>, vector<1x16xf32>,
        %get3A_982 = arith.index_cast %scan3A_782 : i32 to index
        %get3A_983 = arith.constant 320 : index
        %get3A_984 = tpu.vector_load %arg9[%get3A_982, %get3A_983] {strides = array<i32>} : memref<32x768xf32, #tpu.memory_space<vmem>>, vector<1x16xf32>,
        %get3A_985 = vector.shape_cast %get3A_984 : vector<1x16xf32> to vector<16xf32>
        %add3A_986 = arith.addf %get3A_985, %get3A_429 : vector<16xf32>
        %swap3A_987 = arith.index_cast %scan3A_782 : i32 to index
        %swap3A_988 = arith.constant 320 : index
        %swap3A_989 = tpu.vector_load %arg11[%swap3A_987, %swap3A_988] {strides = array<i32>} : memref<32x768xf32, #tpu.memory_space<vmem>>, vector<1x16xf32>,
        %swap3A_990 = vector.shape_cast %swap3A_989 : vector<1x16xf32> to vector<16xf32>
        %swap3A_991 = vector.shape_cast %add3A_986 : vector<16xf32> to vector<1x16xf32>
        tpu.vector_store %arg11[%swap3A_987, %swap3A_988], %swap3A_991 {strides = array<i32>} : memref<32x768xf32, #tpu.memory_space<vmem>>, vector<1x16xf32>,
        %get3A_992 = arith.index_cast %scan3A_782 : i32 to index
        %get3A_993 = arith.constant 336 : index
        %get3A_994 = tpu.vector_load %arg9[%get3A_992, %get3A_993] {strides = array<i32>} : memref<32x768xf32, #tpu.memory_space<vmem>>, vector<1x16xf32>,
        %get3A_995 = vector.shape_cast %get3A_994 : vector<1x16xf32> to vector<16xf32>
        %add3A_996 = arith.addf %get3A_995, %get3A_434 : vector<16xf32>
        %swap3A_997 = arith.index_cast %scan3A_782 : i32 to index
        %swap3A_998 = arith.constant 336 : index
        %swap3A_999 = tpu.vector_load %arg11[%swap3A_997, %swap3A_998] {strides = array<i32>} : memref<32x768xf32, #tpu.memory_space<vmem>>, vector<1x16xf32>,
        %swap3A_1000 = vector.shape_cast %swap3A_999 : vector<1x16xf32> to vector<16xf32>
        %swap3A_1001 = vector.shape_cast %add3A_996 : vector<16xf32> to vector<1x16xf32>
        tpu.vector_store %arg11[%swap3A_997, %swap3A_998], %swap3A_1001 {strides = array<i32>} : memref<32x768xf32, #tpu.memory_space<vmem>>, vector<1x16xf32>,
        %get3A_1002 = arith.index_cast %scan3A_782 : i32 to index
        %get3A_1003 = arith.constant 352 : index
        %get3A_1004 = tpu.vector_load %arg9[%get3A_1002, %get3A_1003] {strides = array<i32>} : memref<32x768xf32, #tpu.memory_space<vmem>>, vector<1x16xf32>,
        %get3A_1005 = vector.shape_cast %get3A_1004 : vector<1x16xf32> to vector<16xf32>
        %add3A_1006 = arith.addf %get3A_1005, %get3A_439 : vector<16xf32>
        %swap3A_1007 = arith.index_cast %scan3A_782 : i32 to index
        %swap3A_1008 = arith.constant 352 : index
        %swap3A_1009 = tpu.vector_load %arg11[%swap3A_1007, %swap3A_1008] {strides = array<i32>} : memref<32x768xf32, #tpu.memory_space<vmem>>, vector<1x16xf32>,
        %swap3A_1010 = vector.shape_cast %swap3A_1009 : vector<1x16xf32> to vector<16xf32>
        %swap3A_1011 = vector.shape_cast %add3A_1006 : vector<16xf32> to vector<1x16xf32>
        tpu.vector_store %arg11[%swap3A_1007, %swap3A_1008], %swap3A_1011 {strides = array<i32>} : memref<32x768xf32, #tpu.memory_space<vmem>>, vector<1x16xf32>,
        %get3A_1012 = arith.index_cast %scan3A_782 : i32 to index
        %get3A_1013 = arith.constant 368 : index
        %get3A_1014 = tpu.vector_load %arg9[%get3A_1012, %get3A_1013] {strides = array<i32>} : memref<32x768xf32, #tpu.memory_space<vmem>>, vector<1x16xf32>,
        %get3A_1015 = vector.shape_cast %get3A_1014 : vector<1x16xf32> to vector<16xf32>
        %add3A_1016 = arith.addf %get3A_1015, %get3A_444 : vector<16xf32>
        %swap3A_1017 = arith.index_cast %scan3A_782 : i32 to index
        %swap3A_1018 = arith.constant 368 : index
        %swap3A_1019 = tpu.vector_load %arg11[%swap3A_1017, %swap3A_1018] {strides = array<i32>} : memref<32x768xf32, #tpu.memory_space<vmem>>, vector<1x16xf32>,
        %swap3A_1020 = vector.shape_cast %swap3A_1019 : vector<1x16xf32> to vector<16xf32>
        %swap3A_1021 = vector.shape_cast %add3A_1016 : vector<16xf32> to vector<1x16xf32>
        tpu.vector_store %arg11[%swap3A_1017, %swap3A_1018], %swap3A_1021 {strides = array<i32>} : memref<32x768xf32, #tpu.memory_space<vmem>>, vector<1x16xf32>,
        %get3A_1022 = arith.index_cast %scan3A_782 : i32 to index
        %get3A_1023 = arith.constant 384 : index
        %get3A_1024 = tpu.vector_load %arg9[%get3A_1022, %get3A_1023] {strides = array<i32>} : memref<32x768xf32, #tpu.memory_space<vmem>>, vector<1x16xf32>,
        %get3A_1025 = vector.shape_cast %get3A_1024 : vector<1x16xf32> to vector<16xf32>
        %add3A_1026 = arith.addf %get3A_1025, %get3A_449 : vector<16xf32>
        %swap3A_1027 = arith.index_cast %scan3A_782 : i32 to index
        %swap3A_1028 = arith.constant 384 : index
        %swap3A_1029 = tpu.vector_load %arg11[%swap3A_1027, %swap3A_1028] {strides = array<i32>} : memref<32x768xf32, #tpu.memory_space<vmem>>, vector<1x16xf32>,
        %swap3A_1030 = vector.shape_cast %swap3A_1029 : vector<1x16xf32> to vector<16xf32>
        %swap3A_1031 = vector.shape_cast %add3A_1026 : vector<16xf32> to vector<1x16xf32>
        tpu.vector_store %arg11[%swap3A_1027, %swap3A_1028], %swap3A_1031 {strides = array<i32>} : memref<32x768xf32, #tpu.memory_space<vmem>>, vector<1x16xf32>,
        %get3A_1032 = arith.index_cast %scan3A_782 : i32 to index
        %get3A_1033 = arith.constant 400 : index
        %get3A_1034 = tpu.vector_load %arg9[%get3A_1032, %get3A_1033] {strides = array<i32>} : memref<32x768xf32, #tpu.memory_space<vmem>>, vector<1x16xf32>,
        %get3A_1035 = vector.shape_cast %get3A_1034 : vector<1x16xf32> to vector<16xf32>
        %add3A_1036 = arith.addf %get3A_1035, %get3A_454 : vector<16xf32>
        %swap3A_1037 = arith.index_cast %scan3A_782 : i32 to index
        %swap3A_1038 = arith.constant 400 : index
        %swap3A_1039 = tpu.vector_load %arg11[%swap3A_1037, %swap3A_1038] {strides = array<i32>} : memref<32x768xf32, #tpu.memory_space<vmem>>, vector<1x16xf32>,
        %swap3A_1040 = vector.shape_cast %swap3A_1039 : vector<1x16xf32> to vector<16xf32>
        %swap3A_1041 = vector.shape_cast %add3A_1036 : vector<16xf32> to vector<1x16xf32>
        tpu.vector_store %arg11[%swap3A_1037, %swap3A_1038], %swap3A_1041 {strides = array<i32>} : memref<32x768xf32, #tpu.memory_space<vmem>>, vector<1x16xf32>,
        %get3A_1042 = arith.index_cast %scan3A_782 : i32 to index
        %get3A_1043 = arith.constant 416 : index
        %get3A_1044 = tpu.vector_load %arg9[%get3A_1042, %get3A_1043] {strides = array<i32>} : memref<32x768xf32, #tpu.memory_space<vmem>>, vector<1x16xf32>,
        %get3A_1045 = vector.shape_cast %get3A_1044 : vector<1x16xf32> to vector<16xf32>
        %add3A_1046 = arith.addf %get3A_1045, %get3A_459 : vector<16xf32>
        %swap3A_1047 = arith.index_cast %scan3A_782 : i32 to index
        %swap3A_1048 = arith.constant 416 : index
        %swap3A_1049 = tpu.vector_load %arg11[%swap3A_1047, %swap3A_1048] {strides = array<i32>} : memref<32x768xf32, #tpu.memory_space<vmem>>, vector<1x16xf32>,
        %swap3A_1050 = vector.shape_cast %swap3A_1049 : vector<1x16xf32> to vector<16xf32>
        %swap3A_1051 = vector.shape_cast %add3A_1046 : vector<16xf32> to vector<1x16xf32>
        tpu.vector_store %arg11[%swap3A_1047, %swap3A_1048], %swap3A_1051 {strides = array<i32>} : memref<32x768xf32, #tpu.memory_space<vmem>>, vector<1x16xf32>,
        %get3A_1052 = arith.index_cast %scan3A_782 : i32 to index
        %get3A_1053 = arith.constant 432 : index
        %get3A_1054 = tpu.vector_load %arg9[%get3A_1052, %get3A_1053] {strides = array<i32>} : memref<32x768xf32, #tpu.memory_space<vmem>>, vector<1x16xf32>,
        %get3A_1055 = vector.shape_cast %get3A_1054 : vector<1x16xf32> to vector<16xf32>
        %add3A_1056 = arith.addf %get3A_1055, %get3A_464 : vector<16xf32>
        %swap3A_1057 = arith.index_cast %scan3A_782 : i32 to index
        %swap3A_1058 = arith.constant 432 : index
        %swap3A_1059 = tpu.vector_load %arg11[%swap3A_1057, %swap3A_1058] {strides = array<i32>} : memref<32x768xf32, #tpu.memory_space<vmem>>, vector<1x16xf32>,
        %swap3A_1060 = vector.shape_cast %swap3A_1059 : vector<1x16xf32> to vector<16xf32>
        %swap3A_1061 = vector.shape_cast %add3A_1056 : vector<16xf32> to vector<1x16xf32>
        tpu.vector_store %arg11[%swap3A_1057, %swap3A_1058], %swap3A_1061 {strides = array<i32>} : memref<32x768xf32, #tpu.memory_space<vmem>>, vector<1x16xf32>,
        %get3A_1062 = arith.index_cast %scan3A_782 : i32 to index
        %get3A_1063 = arith.constant 448 : index
        %get3A_1064 = tpu.vector_load %arg9[%get3A_1062, %get3A_1063] {strides = array<i32>} : memref<32x768xf32, #tpu.memory_space<vmem>>, vector<1x16xf32>,
        %get3A_1065 = vector.shape_cast %get3A_1064 : vector<1x16xf32> to vector<16xf32>
        %add3A_1066 = arith.addf %get3A_1065, %get3A_469 : vector<16xf32>
        %swap3A_1067 = arith.index_cast %scan3A_782 : i32 to index
        %swap3A_1068 = arith.constant 448 : index
        %swap3A_1069 = tpu.vector_load %arg11[%swap3A_1067, %swap3A_1068] {strides = array<i32>} : memref<32x768xf32, #tpu.memory_space<vmem>>, vector<1x16xf32>,
        %swap3A_1070 = vector.shape_cast %swap3A_1069 : vector<1x16xf32> to vector<16xf32>
        %swap3A_1071 = vector.shape_cast %add3A_1066 : vector<16xf32> to vector<1x16xf32>
        tpu.vector_store %arg11[%swap3A_1067, %swap3A_1068], %swap3A_1071 {strides = array<i32>} : memref<32x768xf32, #tpu.memory_space<vmem>>, vector<1x16xf32>,
        %get3A_1072 = arith.index_cast %scan3A_782 : i32 to index
        %get3A_1073 = arith.constant 464 : index
        %get3A_1074 = tpu.vector_load %arg9[%get3A_1072, %get3A_1073] {strides = array<i32>} : memref<32x768xf32, #tpu.memory_space<vmem>>, vector<1x16xf32>,
        %get3A_1075 = vector.shape_cast %get3A_1074 : vector<1x16xf32> to vector<16xf32>
        %add3A_1076 = arith.addf %get3A_1075, %get3A_474 : vector<16xf32>
        %swap3A_1077 = arith.index_cast %scan3A_782 : i32 to index
        %swap3A_1078 = arith.constant 464 : index
        %swap3A_1079 = tpu.vector_load %arg11[%swap3A_1077, %swap3A_1078] {strides = array<i32>} : memref<32x768xf32, #tpu.memory_space<vmem>>, vector<1x16xf32>,
        %swap3A_1080 = vector.shape_cast %swap3A_1079 : vector<1x16xf32> to vector<16xf32>
        %swap3A_1081 = vector.shape_cast %add3A_1076 : vector<16xf32> to vector<1x16xf32>
        tpu.vector_store %arg11[%swap3A_1077, %swap3A_1078], %swap3A_1081 {strides = array<i32>} : memref<32x768xf32, #tpu.memory_space<vmem>>, vector<1x16xf32>,
        %get3A_1082 = arith.index_cast %scan3A_782 : i32 to index
        %get3A_1083 = arith.constant 480 : index
        %get3A_1084 = tpu.vector_load %arg9[%get3A_1082, %get3A_1083] {strides = array<i32>} : memref<32x768xf32, #tpu.memory_space<vmem>>, vector<1x16xf32>,
        %get3A_1085 = vector.shape_cast %get3A_1084 : vector<1x16xf32> to vector<16xf32>
        %add3A_1086 = arith.addf %get3A_1085, %get3A_479 : vector<16xf32>
        %swap3A_1087 = arith.index_cast %scan3A_782 : i32 to index
        %swap3A_1088 = arith.constant 480 : index
        %swap3A_1089 = tpu.vector_load %arg11[%swap3A_1087, %swap3A_1088] {strides = array<i32>} : memref<32x768xf32, #tpu.memory_space<vmem>>, vector<1x16xf32>,
        %swap3A_1090 = vector.shape_cast %swap3A_1089 : vector<1x16xf32> to vector<16xf32>
        %swap3A_1091 = vector.shape_cast %add3A_1086 : vector<16xf32> to vector<1x16xf32>
        tpu.vector_store %arg11[%swap3A_1087, %swap3A_1088], %swap3A_1091 {strides = array<i32>} : memref<32x768xf32, #tpu.memory_space<vmem>>, vector<1x16xf32>,
        %get3A_1092 = arith.index_cast %scan3A_782 : i32 to index
        %get3A_1093 = arith.constant 496 : index
        %get3A_1094 = tpu.vector_load %arg9[%get3A_1092, %get3A_1093] {strides = array<i32>} : memref<32x768xf32, #tpu.memory_space<vmem>>, vector<1x16xf32>,
        %get3A_1095 = vector.shape_cast %get3A_1094 : vector<1x16xf32> to vector<16xf32>
        %add3A_1096 = arith.addf %get3A_1095, %get3A_484 : vector<16xf32>
        %swap3A_1097 = arith.index_cast %scan3A_782 : i32 to index
        %swap3A_1098 = arith.constant 496 : index
        %swap3A_1099 = tpu.vector_load %arg11[%swap3A_1097, %swap3A_1098] {strides = array<i32>} : memref<32x768xf32, #tpu.memory_space<vmem>>, vector<1x16xf32>,
        %swap3A_1100 = vector.shape_cast %swap3A_1099 : vector<1x16xf32> to vector<16xf32>
        %swap3A_1101 = vector.shape_cast %add3A_1096 : vector<16xf32> to vector<1x16xf32>
        tpu.vector_store %arg11[%swap3A_1097, %swap3A_1098], %swap3A_1101 {strides = array<i32>} : memref<32x768xf32, #tpu.memory_space<vmem>>, vector<1x16xf32>,
        %get3A_1102 = arith.index_cast %scan3A_782 : i32 to index
        %get3A_1103 = arith.constant 512 : index
        %get3A_1104 = tpu.vector_load %arg9[%get3A_1102, %get3A_1103] {strides = array<i32>} : memref<32x768xf32, #tpu.memory_space<vmem>>, vector<1x16xf32>,
        %get3A_1105 = vector.shape_cast %get3A_1104 : vector<1x16xf32> to vector<16xf32>
        %add3A_1106 = arith.addf %get3A_1105, %get3A_489 : vector<16xf32>
        %swap3A_1107 = arith.index_cast %scan3A_782 : i32 to index
        %swap3A_1108 = arith.constant 512 : index
        %swap3A_1109 = tpu.vector_load %arg11[%swap3A_1107, %swap3A_1108] {strides = array<i32>} : memref<32x768xf32, #tpu.memory_space<vmem>>, vector<1x16xf32>,
        %swap3A_1110 = vector.shape_cast %swap3A_1109 : vector<1x16xf32> to vector<16xf32>
        %swap3A_1111 = vector.shape_cast %add3A_1106 : vector<16xf32> to vector<1x16xf32>
        tpu.vector_store %arg11[%swap3A_1107, %swap3A_1108], %swap3A_1111 {strides = array<i32>} : memref<32x768xf32, #tpu.memory_space<vmem>>, vector<1x16xf32>,
        %get3A_1112 = arith.index_cast %scan3A_782 : i32 to index
        %get3A_1113 = arith.constant 528 : index
        %get3A_1114 = tpu.vector_load %arg9[%get3A_1112, %get3A_1113] {strides = array<i32>} : memref<32x768xf32, #tpu.memory_space<vmem>>, vector<1x16xf32>,
        %get3A_1115 = vector.shape_cast %get3A_1114 : vector<1x16xf32> to vector<16xf32>
        %add3A_1116 = arith.addf %get3A_1115, %get3A_494 : vector<16xf32>
        %swap3A_1117 = arith.index_cast %scan3A_782 : i32 to index
        %swap3A_1118 = arith.constant 528 : index
        %swap3A_1119 = tpu.vector_load %arg11[%swap3A_1117, %swap3A_1118] {strides = array<i32>} : memref<32x768xf32, #tpu.memory_space<vmem>>, vector<1x16xf32>,
        %swap3A_1120 = vector.shape_cast %swap3A_1119 : vector<1x16xf32> to vector<16xf32>
        %swap3A_1121 = vector.shape_cast %add3A_1116 : vector<16xf32> to vector<1x16xf32>
        tpu.vector_store %arg11[%swap3A_1117, %swap3A_1118], %swap3A_1121 {strides = array<i32>} : memref<32x768xf32, #tpu.memory_space<vmem>>, vector<1x16xf32>,
        %get3A_1122 = arith.index_cast %scan3A_782 : i32 to index
        %get3A_1123 = arith.constant 544 : index
        %get3A_1124 = tpu.vector_load %arg9[%get3A_1122, %get3A_1123] {strides = array<i32>} : memref<32x768xf32, #tpu.memory_space<vmem>>, vector<1x16xf32>,
        %get3A_1125 = vector.shape_cast %get3A_1124 : vector<1x16xf32> to vector<16xf32>
        %add3A_1126 = arith.addf %get3A_1125, %get3A_499 : vector<16xf32>
        %swap3A_1127 = arith.index_cast %scan3A_782 : i32 to index
        %swap3A_1128 = arith.constant 544 : index
        %swap3A_1129 = tpu.vector_load %arg11[%swap3A_1127, %swap3A_1128] {strides = array<i32>} : memref<32x768xf32, #tpu.memory_space<vmem>>, vector<1x16xf32>,
        %swap3A_1130 = vector.shape_cast %swap3A_1129 : vector<1x16xf32> to vector<16xf32>
        %swap3A_1131 = vector.shape_cast %add3A_1126 : vector<16xf32> to vector<1x16xf32>
        tpu.vector_store %arg11[%swap3A_1127, %swap3A_1128], %swap3A_1131 {strides = array<i32>} : memref<32x768xf32, #tpu.memory_space<vmem>>, vector<1x16xf32>,
        %get3A_1132 = arith.index_cast %scan3A_782 : i32 to index
        %get3A_1133 = arith.constant 560 : index
        %get3A_1134 = tpu.vector_load %arg9[%get3A_1132, %get3A_1133] {strides = array<i32>} : memref<32x768xf32, #tpu.memory_space<vmem>>, vector<1x16xf32>,
        %get3A_1135 = vector.shape_cast %get3A_1134 : vector<1x16xf32> to vector<16xf32>
        %add3A_1136 = arith.addf %get3A_1135, %get3A_504 : vector<16xf32>
        %swap3A_1137 = arith.index_cast %scan3A_782 : i32 to index
        %swap3A_1138 = arith.constant 560 : index
        %swap3A_1139 = tpu.vector_load %arg11[%swap3A_1137, %swap3A_1138] {strides = array<i32>} : memref<32x768xf32, #tpu.memory_space<vmem>>, vector<1x16xf32>,
        %swap3A_1140 = vector.shape_cast %swap3A_1139 : vector<1x16xf32> to vector<16xf32>
        %swap3A_1141 = vector.shape_cast %add3A_1136 : vector<16xf32> to vector<1x16xf32>
        tpu.vector_store %arg11[%swap3A_1137, %swap3A_1138], %swap3A_1141 {strides = array<i32>} : memref<32x768xf32, #tpu.memory_space<vmem>>, vector<1x16xf32>,
        %get3A_1142 = arith.index_cast %scan3A_782 : i32 to index
        %get3A_1143 = arith.constant 576 : index
        %get3A_1144 = tpu.vector_load %arg9[%get3A_1142, %get3A_1143] {strides = array<i32>} : memref<32x768xf32, #tpu.memory_space<vmem>>, vector<1x16xf32>,
        %get3A_1145 = vector.shape_cast %get3A_1144 : vector<1x16xf32> to vector<16xf32>
        %add3A_1146 = arith.addf %get3A_1145, %get3A_509 : vector<16xf32>
        %swap3A_1147 = arith.index_cast %scan3A_782 : i32 to index
        %swap3A_1148 = arith.constant 576 : index
        %swap3A_1149 = tpu.vector_load %arg11[%swap3A_1147, %swap3A_1148] {strides = array<i32>} : memref<32x768xf32, #tpu.memory_space<vmem>>, vector<1x16xf32>,
        %swap3A_1150 = vector.shape_cast %swap3A_1149 : vector<1x16xf32> to vector<16xf32>
        %swap3A_1151 = vector.shape_cast %add3A_1146 : vector<16xf32> to vector<1x16xf32>
        tpu.vector_store %arg11[%swap3A_1147, %swap3A_1148], %swap3A_1151 {strides = array<i32>} : memref<32x768xf32, #tpu.memory_space<vmem>>, vector<1x16xf32>,
        %get3A_1152 = arith.index_cast %scan3A_782 : i32 to index
        %get3A_1153 = arith.constant 592 : index
        %get3A_1154 = tpu.vector_load %arg9[%get3A_1152, %get3A_1153] {strides = array<i32>} : memref<32x768xf32, #tpu.memory_space<vmem>>, vector<1x16xf32>,
        %get3A_1155 = vector.shape_cast %get3A_1154 : vector<1x16xf32> to vector<16xf32>
        %add3A_1156 = arith.addf %get3A_1155, %get3A_514 : vector<16xf32>
        %swap3A_1157 = arith.index_cast %scan3A_782 : i32 to index
        %swap3A_1158 = arith.constant 592 : index
        %swap3A_1159 = tpu.vector_load %arg11[%swap3A_1157, %swap3A_1158] {strides = array<i32>} : memref<32x768xf32, #tpu.memory_space<vmem>>, vector<1x16xf32>,
        %swap3A_1160 = vector.shape_cast %swap3A_1159 : vector<1x16xf32> to vector<16xf32>
        %swap3A_1161 = vector.shape_cast %add3A_1156 : vector<16xf32> to vector<1x16xf32>
        tpu.vector_store %arg11[%swap3A_1157, %swap3A_1158], %swap3A_1161 {strides = array<i32>} : memref<32x768xf32, #tpu.memory_space<vmem>>, vector<1x16xf32>,
        %get3A_1162 = arith.index_cast %scan3A_782 : i32 to index
        %get3A_1163 = arith.constant 608 : index
        %get3A_1164 = tpu.vector_load %arg9[%get3A_1162, %get3A_1163] {strides = array<i32>} : memref<32x768xf32, #tpu.memory_space<vmem>>, vector<1x16xf32>,
        %get3A_1165 = vector.shape_cast %get3A_1164 : vector<1x16xf32> to vector<16xf32>
        %add3A_1166 = arith.addf %get3A_1165, %get3A_519 : vector<16xf32>
        %swap3A_1167 = arith.index_cast %scan3A_782 : i32 to index
        %swap3A_1168 = arith.constant 608 : index
        %swap3A_1169 = tpu.vector_load %arg11[%swap3A_1167, %swap3A_1168] {strides = array<i32>} : memref<32x768xf32, #tpu.memory_space<vmem>>, vector<1x16xf32>,
        %swap3A_1170 = vector.shape_cast %swap3A_1169 : vector<1x16xf32> to vector<16xf32>
        %swap3A_1171 = vector.shape_cast %add3A_1166 : vector<16xf32> to vector<1x16xf32>
        tpu.vector_store %arg11[%swap3A_1167, %swap3A_1168], %swap3A_1171 {strides = array<i32>} : memref<32x768xf32, #tpu.memory_space<vmem>>, vector<1x16xf32>,
        %get3A_1172 = arith.index_cast %scan3A_782 : i32 to index
        %get3A_1173 = arith.constant 624 : index
        %get3A_1174 = tpu.vector_load %arg9[%get3A_1172, %get3A_1173] {strides = array<i32>} : memref<32x768xf32, #tpu.memory_space<vmem>>, vector<1x16xf32>,
        %get3A_1175 = vector.shape_cast %get3A_1174 : vector<1x16xf32> to vector<16xf32>
        %add3A_1176 = arith.addf %get3A_1175, %get3A_524 : vector<16xf32>
        %swap3A_1177 = arith.index_cast %scan3A_782 : i32 to index
        %swap3A_1178 = arith.constant 624 : index
        %swap3A_1179 = tpu.vector_load %arg11[%swap3A_1177, %swap3A_1178] {strides = array<i32>} : memref<32x768xf32, #tpu.memory_space<vmem>>, vector<1x16xf32>,
        %swap3A_1180 = vector.shape_cast %swap3A_1179 : vector<1x16xf32> to vector<16xf32>
        %swap3A_1181 = vector.shape_cast %add3A_1176 : vector<16xf32> to vector<1x16xf32>
        tpu.vector_store %arg11[%swap3A_1177, %swap3A_1178], %swap3A_1181 {strides = array<i32>} : memref<32x768xf32, #tpu.memory_space<vmem>>, vector<1x16xf32>,
        %get3A_1182 = arith.index_cast %scan3A_782 : i32 to index
        %get3A_1183 = arith.constant 640 : index
        %get3A_1184 = tpu.vector_load %arg9[%get3A_1182, %get3A_1183] {strides = array<i32>} : memref<32x768xf32, #tpu.memory_space<vmem>>, vector<1x16xf32>,
        %get3A_1185 = vector.shape_cast %get3A_1184 : vector<1x16xf32> to vector<16xf32>
        %add3A_1186 = arith.addf %get3A_1185, %get3A_529 : vector<16xf32>
        %swap3A_1187 = arith.index_cast %scan3A_782 : i32 to index
        %swap3A_1188 = arith.constant 640 : index
        %swap3A_1189 = tpu.vector_load %arg11[%swap3A_1187, %swap3A_1188] {strides = array<i32>} : memref<32x768xf32, #tpu.memory_space<vmem>>, vector<1x16xf32>,
        %swap3A_1190 = vector.shape_cast %swap3A_1189 : vector<1x16xf32> to vector<16xf32>
        %swap3A_1191 = vector.shape_cast %add3A_1186 : vector<16xf32> to vector<1x16xf32>
        tpu.vector_store %arg11[%swap3A_1187, %swap3A_1188], %swap3A_1191 {strides = array<i32>} : memref<32x768xf32, #tpu.memory_space<vmem>>, vector<1x16xf32>,
        %get3A_1192 = arith.index_cast %scan3A_782 : i32 to index
        %get3A_1193 = arith.constant 656 : index
        %get3A_1194 = tpu.vector_load %arg9[%get3A_1192, %get3A_1193] {strides = array<i32>} : memref<32x768xf32, #tpu.memory_space<vmem>>, vector<1x16xf32>,
        %get3A_1195 = vector.shape_cast %get3A_1194 : vector<1x16xf32> to vector<16xf32>
        %add3A_1196 = arith.addf %get3A_1195, %get3A_534 : vector<16xf32>
        %swap3A_1197 = arith.index_cast %scan3A_782 : i32 to index
        %swap3A_1198 = arith.constant 656 : index
        %swap3A_1199 = tpu.vector_load %arg11[%swap3A_1197, %swap3A_1198] {strides = array<i32>} : memref<32x768xf32, #tpu.memory_space<vmem>>, vector<1x16xf32>,
        %swap3A_1200 = vector.shape_cast %swap3A_1199 : vector<1x16xf32> to vector<16xf32>
        %swap3A_1201 = vector.shape_cast %add3A_1196 : vector<16xf32> to vector<1x16xf32>
        tpu.vector_store %arg11[%swap3A_1197, %swap3A_1198], %swap3A_1201 {strides = array<i32>} : memref<32x768xf32, #tpu.memory_space<vmem>>, vector<1x16xf32>,
        %get3A_1202 = arith.index_cast %scan3A_782 : i32 to index
        %get3A_1203 = arith.constant 672 : index
        %get3A_1204 = tpu.vector_load %arg9[%get3A_1202, %get3A_1203] {strides = array<i32>} : memref<32x768xf32, #tpu.memory_space<vmem>>, vector<1x16xf32>,
        %get3A_1205 = vector.shape_cast %get3A_1204 : vector<1x16xf32> to vector<16xf32>
        %add3A_1206 = arith.addf %get3A_1205, %get3A_539 : vector<16xf32>
        %swap3A_1207 = arith.index_cast %scan3A_782 : i32 to index
        %swap3A_1208 = arith.constant 672 : index
        %swap3A_1209 = tpu.vector_load %arg11[%swap3A_1207, %swap3A_1208] {strides = array<i32>} : memref<32x768xf32, #tpu.memory_space<vmem>>, vector<1x16xf32>,
        %swap3A_1210 = vector.shape_cast %swap3A_1209 : vector<1x16xf32> to vector<16xf32>
        %swap3A_1211 = vector.shape_cast %add3A_1206 : vector<16xf32> to vector<1x16xf32>
        tpu.vector_store %arg11[%swap3A_1207, %swap3A_1208], %swap3A_1211 {strides = array<i32>} : memref<32x768xf32, #tpu.memory_space<vmem>>, vector<1x16xf32>,
        %get3A_1212 = arith.index_cast %scan3A_782 : i32 to index
        %get3A_1213 = arith.constant 688 : index
        %get3A_1214 = tpu.vector_load %arg9[%get3A_1212, %get3A_1213] {strides = array<i32>} : memref<32x768xf32, #tpu.memory_space<vmem>>, vector<1x16xf32>,
        %get3A_1215 = vector.shape_cast %get3A_1214 : vector<1x16xf32> to vector<16xf32>
        %add3A_1216 = arith.addf %get3A_1215, %get3A_544 : vector<16xf32>
        %swap3A_1217 = arith.index_cast %scan3A_782 : i32 to index
        %swap3A_1218 = arith.constant 688 : index
        %swap3A_1219 = tpu.vector_load %arg11[%swap3A_1217, %swap3A_1218] {strides = array<i32>} : memref<32x768xf32, #tpu.memory_space<vmem>>, vector<1x16xf32>,
        %swap3A_1220 = vector.shape_cast %swap3A_1219 : vector<1x16xf32> to vector<16xf32>
        %swap3A_1221 = vector.shape_cast %add3A_1216 : vector<16xf32> to vector<1x16xf32>
        tpu.vector_store %arg11[%swap3A_1217, %swap3A_1218], %swap3A_1221 {strides = array<i32>} : memref<32x768xf32, #tpu.memory_space<vmem>>, vector<1x16xf32>,
        %get3A_1222 = arith.index_cast %scan3A_782 : i32 to index
        %get3A_1223 = arith.constant 704 : index
        %get3A_1224 = tpu.vector_load %arg9[%get3A_1222, %get3A_1223] {strides = array<i32>} : memref<32x768xf32, #tpu.memory_space<vmem>>, vector<1x16xf32>,
        %get3A_1225 = vector.shape_cast %get3A_1224 : vector<1x16xf32> to vector<16xf32>
        %add3A_1226 = arith.addf %get3A_1225, %get3A_549 : vector<16xf32>
        %swap3A_1227 = arith.index_cast %scan3A_782 : i32 to index
        %swap3A_1228 = arith.constant 704 : index
        %swap3A_1229 = tpu.vector_load %arg11[%swap3A_1227, %swap3A_1228] {strides = array<i32>} : memref<32x768xf32, #tpu.memory_space<vmem>>, vector<1x16xf32>,
        %swap3A_1230 = vector.shape_cast %swap3A_1229 : vector<1x16xf32> to vector<16xf32>
        %swap3A_1231 = vector.shape_cast %add3A_1226 : vector<16xf32> to vector<1x16xf32>
        tpu.vector_store %arg11[%swap3A_1227, %swap3A_1228], %swap3A_1231 {strides = array<i32>} : memref<32x768xf32, #tpu.memory_space<vmem>>, vector<1x16xf32>,
        %get3A_1232 = arith.index_cast %scan3A_782 : i32 to index
        %get3A_1233 = arith.constant 720 : index
        %get3A_1234 = tpu.vector_load %arg9[%get3A_1232, %get3A_1233] {strides = array<i32>} : memref<32x768xf32, #tpu.memory_space<vmem>>, vector<1x16xf32>,
        %get3A_1235 = vector.shape_cast %get3A_1234 : vector<1x16xf32> to vector<16xf32>
        %add3A_1236 = arith.addf %get3A_1235, %get3A_554 : vector<16xf32>
        %swap3A_1237 = arith.index_cast %scan3A_782 : i32 to index
        %swap3A_1238 = arith.constant 720 : index
        %swap3A_1239 = tpu.vector_load %arg11[%swap3A_1237, %swap3A_1238] {strides = array<i32>} : memref<32x768xf32, #tpu.memory_space<vmem>>, vector<1x16xf32>,
        %swap3A_1240 = vector.shape_cast %swap3A_1239 : vector<1x16xf32> to vector<16xf32>
        %swap3A_1241 = vector.shape_cast %add3A_1236 : vector<16xf32> to vector<1x16xf32>
        tpu.vector_store %arg11[%swap3A_1237, %swap3A_1238], %swap3A_1241 {strides = array<i32>} : memref<32x768xf32, #tpu.memory_space<vmem>>, vector<1x16xf32>,
        %get3A_1242 = arith.index_cast %scan3A_782 : i32 to index
        %get3A_1243 = arith.constant 736 : index
        %get3A_1244 = tpu.vector_load %arg9[%get3A_1242, %get3A_1243] {strides = array<i32>} : memref<32x768xf32, #tpu.memory_space<vmem>>, vector<1x16xf32>,
        %get3A_1245 = vector.shape_cast %get3A_1244 : vector<1x16xf32> to vector<16xf32>
        %add3A_1246 = arith.addf %get3A_1245, %get3A_559 : vector<16xf32>
        %swap3A_1247 = arith.index_cast %scan3A_782 : i32 to index
        %swap3A_1248 = arith.constant 736 : index
        %swap3A_1249 = tpu.vector_load %arg11[%swap3A_1247, %swap3A_1248] {strides = array<i32>} : memref<32x768xf32, #tpu.memory_space<vmem>>, vector<1x16xf32>,
        %swap3A_1250 = vector.shape_cast %swap3A_1249 : vector<1x16xf32> to vector<16xf32>
        %swap3A_1251 = vector.shape_cast %add3A_1246 : vector<16xf32> to vector<1x16xf32>
        tpu.vector_store %arg11[%swap3A_1247, %swap3A_1248], %swap3A_1251 {strides = array<i32>} : memref<32x768xf32, #tpu.memory_space<vmem>>, vector<1x16xf32>,
        %get3A_1252 = arith.index_cast %scan3A_782 : i32 to index
        %get3A_1253 = arith.constant 752 : index
        %get3A_1254 = tpu.vector_load %arg9[%get3A_1252, %get3A_1253] {strides = array<i32>} : memref<32x768xf32, #tpu.memory_space<vmem>>, vector<1x16xf32>,
        %get3A_1255 = vector.shape_cast %get3A_1254 : vector<1x16xf32> to vector<16xf32>
        %add3A_1256 = arith.addf %get3A_1255, %get3A_564 : vector<16xf32>
        %swap3A_1257 = arith.index_cast %scan3A_782 : i32 to index
        %swap3A_1258 = arith.constant 752 : index
        %swap3A_1259 = tpu.vector_load %arg11[%swap3A_1257, %swap3A_1258] {strides = array<i32>} : memref<32x768xf32, #tpu.memory_space<vmem>>, vector<1x16xf32>,
        %swap3A_1260 = vector.shape_cast %swap3A_1259 : vector<1x16xf32> to vector<16xf32>
        %swap3A_1261 = vector.shape_cast %add3A_1256 : vector<16xf32> to vector<1x16xf32>
        tpu.vector_store %arg11[%swap3A_1257, %swap3A_1258], %swap3A_1261 {strides = array<i32>} : memref<32x768xf32, #tpu.memory_space<vmem>>, vector<1x16xf32>,
      }
      %scan3A_733 = arith.constant 32 : i32
      %add3A_734 = arith.constant 2 : i32
      %add3A_735 = arith.addi %add3A_714, %add3A_734 : i32
      %min3A_736 = arith.constant 127 : i32
      %min3A_737 = arith.minsi %add3A_735, %min3A_736 : i32
      %mul3A_738 = arith.constant 32 : i32
      %mul3A_739 = arith.muli %min3A_737, %mul3A_738 : i32
      %add3A_740 = arith.constant 4096 : i32
      %add3A_741 = arith.addi %add3A_740, %mul3A_739 : i32
      %dma_start3A_742 = tpu.memref_slice %arg6[%add3A_741] : memref<8192xi32, #tpu.memory_space<vmem>> -> memref<32xi32, #tpu.memory_space<vmem>>
      %dma_start3A_743 = arith.constant 0 : i32
      %dma_start3A_744 = arith.constant 0 : i32
      %dma_start3A_745 = tpu.memref_slice %arg3[%dma_start3A_743, %dma_start3A_744] : memref<28996x768xf32, #tpu.memory_space<hbm>> -> memref<28996x768xf32, #tpu.memory_space<hbm>>
      tpu.enqueue_indirect_dma source(%dma_start3A_745 : memref<28996x768xf32, #tpu.memory_space<hbm>>) target(%arg9 : memref<32x768xf32, #tpu.memory_space<vmem>>) offsets(%dma_start3A_742 : memref<32xi32, #tpu.memory_space<vmem>>) semaphore(%arg13 : memref<!tpu.dma_semaphore, #tpu.memory_space<semaphore_mem>>)
      %mul3A_746 = arith.constant 64 : i32
      %mul3A_747 = vector.broadcast %mul3A_746 : i32 to vector<16xi32>
      %mul3A_748 = arith.muli %iota3A, %mul3A_747 : vector<16xi32>
      %mul3A_749 = arith.constant 32 : i32
      %mul3A_750 = arith.muli %add3A_714, %mul3A_749 : i32
      %add3A_751 = arith.constant 0 : i32
      %add3A_752 = arith.addi %mul3A_750, %add3A_751 : i32
      %mul3A_753 = arith.constant 64 : i32
      %mul3A_754 = arith.muli %add3A_752, %mul3A_753 : i32
      %add3A_755 = arith.addi %mul3A_754, %add3A_324 : i32
      %add3A_756 = vector.broadcast %add3A_755 : i32 to vector<16xi32>
      %add3A_757 = arith.addi %mul3A_748, %add3A_756 : vector<16xi32>
      %dma_start3A_758 = arith.constant 0 : i32
      %dma_start3A_759 = arith.constant 0 : i32
      %dma_start3A_760 = tpu.memref_slice %arg11[%dma_start3A_758, %dma_start3A_759] : memref<32x768xf32, #tpu.memory_space<vmem>> -> memref<16x768xf32, #tpu.memory_space<vmem>>
      %dma_start3A_761 = arith.constant 0 : i32
      %dma_start3A_762 = arith.constant 0 : i32
      %dma_start3A_763 = tpu.memref_slice %arg5[%dma_start3A_761, %dma_start3A_762] : memref<262144x768xf32, #tpu.memory_space<hbm>> -> memref<262144x768xf32, #tpu.memory_space<hbm>>
      tpu.enqueue_indirect_dma source(%dma_start3A_760 : memref<16x768xf32, #tpu.memory_space<vmem>>) target(%dma_start3A_763 : memref<262144x768xf32, #tpu.memory_space<hbm>>) offsets(%add3A_757 : vector<16xi32>) semaphore(%arg15 : memref<!tpu.dma_semaphore, #tpu.memory_space<semaphore_mem>>)
      %mul3A_764 = arith.constant 64 : i32
      %mul3A_765 = vector.broadcast %mul3A_764 : i32 to vector<16xi32>
      %mul3A_766 = arith.muli %iota3A, %mul3A_765 : vector<16xi32>
      %mul3A_767 = arith.constant 32 : i32
      %mul3A_768 = arith.muli %add3A_714, %mul3A_767 : i32
      %add3A_769 = arith.constant 16 : i32
      %add3A_770 = arith.addi %mul3A_768, %add3A_769 : i32
      %mul3A_771 = arith.constant 64 : i32
      %mul3A_772 = arith.muli %add3A_770, %mul3A_771 : i32
      %add3A_773 = arith.addi %mul3A_772, %add3A_324 : i32
      %add3A_774 = vector.broadcast %add3A_773 : i32 to vector<16xi32>
      %add3A_775 = arith.addi %mul3A_766, %add3A_774 : vector<16xi32>
      %dma_start3A_776 = arith.constant 16 : i32
      %dma_start3A_777 = arith.constant 0 : i32
      %dma_start3A_778 = tpu.memref_slice %arg11[%dma_start3A_776, %dma_start3A_777] : memref<32x768xf32, #tpu.memory_space<vmem>> -> memref<16x768xf32, #tpu.memory_space<vmem>>
      %dma_start3A_779 = arith.constant 0 : i32
      %dma_start3A_780 = arith.constant 0 : i32
      %dma_start3A_781 = tpu.memref_slice %arg5[%dma_start3A_779, %dma_start3A_780] : memref<262144x768xf32, #tpu.memory_space<hbm>> -> memref<262144x768xf32, #tpu.memory_space<hbm>>
      tpu.enqueue_indirect_dma source(%dma_start3A_778 : memref<16x768xf32, #tpu.memory_space<vmem>>) target(%dma_start3A_781 : memref<262144x768xf32, #tpu.memory_space<hbm>>) offsets(%add3A_775 : vector<16xi32>) semaphore(%arg15 : memref<!tpu.dma_semaphore, #tpu.memory_space<semaphore_mem>>)
    }
    %scan3A_580 = arith.constant 64 : i32
    %dma_wait3A_581 = arith.constant 4096 : i32
    %dma_wait3A_582 = tpu.memref_slice %arg6[%dma_wait3A_581] : memref<8192xi32, #tpu.memory_space<vmem>> -> memref<32xi32, #tpu.memory_space<vmem>>
    %dma_wait3A_583 = arith.constant 0 : i32
    %dma_wait3A_584 = arith.constant 0 : i32
    %dma_wait3A_585 = tpu.memref_slice %arg3[%dma_wait3A_583, %dma_wait3A_584] : memref<28996x768xf32, #tpu.memory_space<hbm>> -> memref<28996x768xf32, #tpu.memory_space<hbm>>
    tpu.wait_indirect_dma semaphore(%arg12 : memref<!tpu.dma_semaphore, #tpu.memory_space<semaphore_mem>>) src(%dma_wait3A_585 : memref<28996x768xf32, #tpu.memory_space<hbm>>) dst(%arg8 : memref<32x768xf32, #tpu.memory_space<vmem>>)
    %mul3A_586 = arith.constant 64 : i32
    %mul3A_587 = vector.broadcast %mul3A_586 : i32 to vector<16xi32>
    %mul3A_588 = arith.muli %iota3A, %mul3A_587 : vector<16xi32>
    %add3A_589 = arith.constant 0 : i32
    %add3A_590 = arith.addi %add3A_589, %add3A_324 : i32
    %add3A_591 = vector.broadcast %add3A_590 : i32 to vector<16xi32>
    %add3A_592 = arith.addi %mul3A_588, %add3A_591 : vector<16xi32>
    %dma_wait3A_593 = arith.constant 0 : i32
    %dma_wait3A_594 = arith.constant 0 : i32
    %dma_wait3A_595 = tpu.memref_slice %arg10[%dma_wait3A_593, %dma_wait3A_594] : memref<32x768xf32, #tpu.memory_space<vmem>> -> memref<16x768xf32, #tpu.memory_space<vmem>>
    %dma_wait3A_596 = arith.constant 0 : i32
    %dma_wait3A_597 = arith.constant 0 : i32
    %dma_wait3A_598 = tpu.memref_slice %arg5[%dma_wait3A_596, %dma_wait3A_597] : memref<262144x768xf32, #tpu.memory_space<hbm>> -> memref<262144x768xf32, #tpu.memory_space<hbm>>
    tpu.wait_indirect_dma semaphore(%arg14 : memref<!tpu.dma_semaphore, #tpu.memory_space<semaphore_mem>>) src(%dma_wait3A_595 : memref<16x768xf32, #tpu.memory_space<vmem>>) dst(%dma_wait3A_598 : memref<262144x768xf32, #tpu.memory_space<hbm>>)
    %mul3A_599 = arith.constant 64 : i32
    %mul3A_600 = vector.broadcast %mul3A_599 : i32 to vector<16xi32>
    %mul3A_601 = arith.muli %iota3A, %mul3A_600 : vector<16xi32>
    %add3A_602 = arith.constant 1024 : i32
    %add3A_603 = arith.addi %add3A_602, %add3A_324 : i32
    %add3A_604 = vector.broadcast %add3A_603 : i32 to vector<16xi32>
    %add3A_605 = arith.addi %mul3A_601, %add3A_604 : vector<16xi32>
    %dma_wait3A_606 = arith.constant 16 : i32
    %dma_wait3A_607 = arith.constant 0 : i32
    %dma_wait3A_608 = tpu.memref_slice %arg10[%dma_wait3A_606, %dma_wait3A_607] : memref<32x768xf32, #tpu.memory_space<vmem>> -> memref<16x768xf32, #tpu.memory_space<vmem>>
    %dma_wait3A_609 = arith.constant 0 : i32
    %dma_wait3A_610 = arith.constant 0 : i32
    %dma_wait3A_611 = tpu.memref_slice %arg5[%dma_wait3A_609, %dma_wait3A_610] : memref<262144x768xf32, #tpu.memory_space<hbm>> -> memref<262144x768xf32, #tpu.memory_space<hbm>>
    tpu.wait_indirect_dma semaphore(%arg14 : memref<!tpu.dma_semaphore, #tpu.memory_space<semaphore_mem>>) src(%dma_wait3A_608 : memref<16x768xf32, #tpu.memory_space<vmem>>) dst(%dma_wait3A_611 : memref<262144x768xf32, #tpu.memory_space<hbm>>)
    %dma_wait3A_612 = arith.constant 4096 : i32
    %dma_wait3A_613 = tpu.memref_slice %arg6[%dma_wait3A_612] : memref<8192xi32, #tpu.memory_space<vmem>> -> memref<32xi32, #tpu.memory_space<vmem>>
    %dma_wait3A_614 = arith.constant 0 : i32
    %dma_wait3A_615 = arith.constant 0 : i32
    %dma_wait3A_616 = tpu.memref_slice %arg3[%dma_wait3A_614, %dma_wait3A_615] : memref<28996x768xf32, #tpu.memory_space<hbm>> -> memref<28996x768xf32, #tpu.memory_space<hbm>>
    tpu.wait_indirect_dma semaphore(%arg13 : memref<!tpu.dma_semaphore, #tpu.memory_space<semaphore_mem>>) src(%dma_wait3A_616 : memref<28996x768xf32, #tpu.memory_space<hbm>>) dst(%arg9 : memref<32x768xf32, #tpu.memory_space<vmem>>)
    %mul3A_617 = arith.constant 64 : i32
    %mul3A_618 = vector.broadcast %mul3A_617 : i32 to vector<16xi32>
    %mul3A_619 = arith.muli %iota3A, %mul3A_618 : vector<16xi32>
    %add3A_620 = arith.constant 0 : i32
    %add3A_621 = arith.addi %add3A_620, %add3A_324 : i32
    %add3A_622 = vector.broadcast %add3A_621 : i32 to vector<16xi32>
    %add3A_623 = arith.addi %mul3A_619, %add3A_622 : vector<16xi32>
    %dma_wait3A_624 = arith.constant 0 : i32
    %dma_wait3A_625 = arith.constant 0 : i32
    %dma_wait3A_626 = tpu.memref_slice %arg11[%dma_wait3A_624, %dma_wait3A_625] : memref<32x768xf32, #tpu.memory_space<vmem>> -> memref<16x768xf32, #tpu.memory_space<vmem>>
    %dma_wait3A_627 = arith.constant 0 : i32
    %dma_wait3A_628 = arith.constant 0 : i32
    %dma_wait3A_629 = tpu.memref_slice %arg5[%dma_wait3A_627, %dma_wait3A_628] : memref<262144x768xf32, #tpu.memory_space<hbm>> -> memref<262144x768xf32, #tpu.memory_space<hbm>>
    tpu.wait_indirect_dma semaphore(%arg15 : memref<!tpu.dma_semaphore, #tpu.memory_space<semaphore_mem>>) src(%dma_wait3A_626 : memref<16x768xf32, #tpu.memory_space<vmem>>) dst(%dma_wait3A_629 : memref<262144x768xf32, #tpu.memory_space<hbm>>)
    %mul3A_630 = arith.constant 64 : i32
    %mul3A_631 = vector.broadcast %mul3A_630 : i32 to vector<16xi32>
    %mul3A_632 = arith.muli %iota3A, %mul3A_631 : vector<16xi32>
    %add3A_633 = arith.constant 1024 : i32
    %add3A_634 = arith.addi %add3A_633, %add3A_324 : i32
    %add3A_635 = vector.broadcast %add3A_634 : i32 to vector<16xi32>
    %add3A_636 = arith.addi %mul3A_632, %add3A_635 : vector<16xi32>
    %dma_wait3A_637 = arith.constant 16 : i32
    %dma_wait3A_638 = arith.constant 0 : i32
    %dma_wait3A_639 = tpu.memref_slice %arg11[%dma_wait3A_637, %dma_wait3A_638] : memref<32x768xf32, #tpu.memory_space<vmem>> -> memref<16x768xf32, #tpu.memory_space<vmem>>
    %dma_wait3A_640 = arith.constant 0 : i32
    %dma_wait3A_641 = arith.constant 0 : i32
    %dma_wait3A_642 = tpu.memref_slice %arg5[%dma_wait3A_640, %dma_wait3A_641] : memref<262144x768xf32, #tpu.memory_space<hbm>> -> memref<262144x768xf32, #tpu.memory_space<hbm>>
    tpu.wait_indirect_dma semaphore(%arg15 : memref<!tpu.dma_semaphore, #tpu.memory_space<semaphore_mem>>) src(%dma_wait3A_639 : memref<16x768xf32, #tpu.memory_space<vmem>>) dst(%dma_wait3A_642 : memref<262144x768xf32, #tpu.memory_space<hbm>>)
    return
  }
}

</mosaic_0001>

<sc_bundles>
// kernel: kernel.3.cloned.1.call-start
scs
__scs_entry_jumppad:
0x0: {  	(pc) =	sbr.rel $0x88, $3  }
0x1: {  	(tag) =	ssettag $0x0;
	lr =	simm.s32 $0x1  }
0x2: {  	[smem:$0x3F9E] =	sst lr;
	_ =	strace $0xD0000000  }
0x3: {  	_ = 	snop  }
0x4: {  	_ = 	snop  }
0x5: {  	_ = 	snop  }
0x6: {  	_ = 	snop  }
0x7: {  	_ = 	snop  }
__scs_overlays_trampoline_lowered:
0x8: {  	[smem:$0x3FAD] =	sst s0  }
0x9: {  	[smem:$0x3FAE] =	sst s1  }
0xa: {  	[smem:$0x3FAF] =	sst s2  }
0xb: {  	[smem:$0x3FB0] =	sst s3  }
0xc: {  	[smem:$0x3FB1] =	sst s4  }
0xd: {  	[smem:$0x3FB2] =	sst s5  }
0xe: {  	[smem:$0x3FB3] =	sst s6  }
0xf: {  	[smem:$0x3FB4] =	sst s7  }
0x10: {  	[smem:$0x3FB5] =	sst s8  }
0x11: {  	[smem:$0x3FB6] =	sst s9;
	s0 =	simm.s32 @!p0 $0x0  }
0x12: {  	s1 =	sld [smem:$0x3F9C];
	s0 =	simm.s32 @p0 $0x1  }
0x13: {  	[smem:$0x3FB7] =	sst s0;
	s0 =	simm.s32 @!p1 $0x0  }
0x14: {  	s2 =	sld [smem:$0x3F9B];
	s0 =	simm.s32 @p1 $0x1  }
0x15: {  	[smem:$0x3FB8] =	sst s0;
	s0 =	simm.s32 @!p2 $0x0  }
0x16: {  	s3 =	sld [smem:$0x3FDB];
	s0 =	simm.s32 @p2 $0x1  }
0x17: {  	s4 =	simm.s32 $0x1BF5;
	[smem:$0x3FBA] =	sst s0  }
0x18: {  	s0 =	sld [smem:$0x3F9D];
	_ =	swait.ge [sflag:s4], $0x0  }
0x19: {  	s7 =	sld [smem:$0x3F9E]  }
0x1a: {  	s8 =	sadd.s32 $0xFFFFE003, lr  }
0x1b: {  	s9 =	sadd.s32 $0xFFFFFEF7, lr;
	s5 =	simm.s32 $0xFFFFFFFF;
	p2 =	slt.u32 s8, $0xFFFFF086  }
0x1c: {  	p1 =	slt.u32 s9, $0xF7A;
	s5 =	simm.s32 @!p2 $0x0  }
0x1d: {  	s5 =	simm.s32 @p1 $0x1;
	p0 =	seq.s32 s7, s2  }
0x1e: {  	s7 =	smul.u32 @!p0 $0xF7A, s2;
	p2 =	seq.s32 @!p0 s5, $0x0  }
0x1f: {  	s9 =	smul.u32 $0xF7A, s1;
	s8 =	simm.s32 @!p0 $0x1BF5;
	p2 =	por !p2, p0  }
0x20: {  	[sflag:s8] =	ssyncset.s32 @!p0 $0xFFFFF086;
	s6 =	sadd.s32 @!p0 s3, s7;
	s7 =	simm.s32 @!p0 $0x108  }
0x21: {  	s3 =	sadd.s32 s3, s9;
	s6 =	sadd.s32 @!p0 $0x88, s6;
	s7 =	simm.s32 @p2 $0x1082  }
0x22: {  	[simem:s7], [sflag:s8] =	dma.local @!p0 [hbm:s6], $0xF7A  }
0x23: {  	s9 =	sor.u32 $0xD0000000, s2;
	s6 =	simm.s32 $0x108;
	_ =	swait.ge @!p0 [sflag:s8], $0x0  }
0x24: {  	s3 =	sadd.s32 $0x88, s3;
	s6 =	simm.s32 @!p1 $0x1082;
	[sflag:s4] =	ssyncset.s32 $0xFFFFF086  }
0x25: {  	[simem:s6], [sflag:s4] =	dma.local [hbm:s3], $0xF7A  }
0x26: {  	[smem:$0x3F9E] =	sst s1;
	(tag) =	ssettag s2;
	_ =	strace s9  }
0x27: {  	s1 =	sld [smem:$0x3FAE]  }
0x28: {  	s2 =	sld [smem:$0x3FAF]  }
0x29: {  	s4 =	sld [smem:$0x3FB1]  }
0x2a: {  	p0 =	seq.s32 s5, $0x0;
	s5 =	sld [smem:$0x3FB2]  }
0x2b: {  	s6 =	sld [smem:$0x3FB3]  }
0x2c: {  	s7 =	sld [smem:$0x3FB4]  }
0x2d: {  	s3 =	simm.s32 $0x108;
	s8 =	sld [smem:$0x3FB5]  }
0x2e: {  	s3 =	simm.s32 @!p0 $0x1082;
	s9 =	sld [smem:$0x3FB6]  }
0x2f: {  	lr =	sadd.s32 s0, s3;
	s0 =	sld [smem:$0x3FAD]  }
0x30: {  	s3 =	sld [smem:$0x3FB0]  }
0x31: {  	[smem:$0x3FB9] =	sst s10  }
0x32: {  	s10 =	sld [smem:$0x3FB7];
	_ =	sdelay $0x3  }
0x33: {  	p0 =	seq.s32 s10, $0x1;
	s10 =	sld [smem:$0x3FB9];
	_ =	sdelay $0x3  }
0x34: {  	[smem:$0x3FB9] =	sst s10  }
0x35: {  	s10 =	sld [smem:$0x3FB8];
	_ =	sdelay $0x3  }
0x36: {  	p1 =	seq.s32 s10, $0x1;
	s10 =	sld [smem:$0x3FB9];
	_ =	sdelay $0x3  }
0x37: {  	[smem:$0x3FB9] =	sst s10  }
0x38: {  	s10 =	sld [smem:$0x3FBA]  }
0x39: {  	_ = 	snop;
	(pc) =	sbr.ind lr, $3  }
0x3a: {  	_ = 	snop  }
0x3b: {  	_ = 	snop  }
0x3c: {  	p2 =	seq.s32 s10, $0x1;
	s10 =	sld [smem:$0x3FB9]  }
0x3d: {  	_ =	shalt  }
0x3e: {  	_ =	shalt  }
0x3f: {  	_ =	shalt  }
0x40: {  	_ =	shalt  }
0x41: {  	_ =	shalt  }
0x42: {  	_ =	shalt  }
0x43: {  	_ =	shalt  }
0x44: {  	_ =	shalt  }
0x45: {  	_ =	shalt  }
0x46: {  	_ =	shalt  }
0x47: {  	_ =	shalt  }
0x48: {  	_ =	shalt  }
0x49: {  	_ =	shalt  }
0x4a: {  	_ =	shalt  }
0x4b: {  	_ =	shalt  }
0x4c: {  	_ =	shalt  }
0x4d: {  	_ =	shalt  }
0x4e: {  	_ =	shalt  }
0x4f: {  	_ =	shalt  }
0x50: {  	_ =	shalt  }
0x51: {  	_ =	shalt  }
0x52: {  	_ =	shalt  }
0x53: {  	_ =	shalt  }
0x54: {  	_ =	shalt  }
0x55: {  	_ =	shalt  }
0x56: {  	_ =	shalt  }
0x57: {  	_ =	shalt  }
0x58: {  	_ =	shalt  }
0x59: {  	_ =	shalt  }
0x5a: {  	_ =	shalt  }
0x5b: {  	_ =	shalt  }
0x5c: {  	_ =	shalt  }
0x5d: {  	_ =	shalt  }
0x5e: {  	_ =	shalt  }
0x5f: {  	_ =	shalt  }
0x60: {  	_ =	shalt  }
0x61: {  	_ =	shalt  }
0x62: {  	_ =	shalt  }
0x63: {  	_ =	shalt  }
0x64: {  	_ =	shalt  }
0x65: {  	_ =	shalt  }
0x66: {  	_ =	shalt  }
0x67: {  	_ =	shalt  }
0x68: {  	_ =	shalt  }
0x69: {  	_ =	shalt  }
0x6a: {  	_ =	shalt  }
0x6b: {  	_ =	shalt  }
0x6c: {  	_ =	shalt  }
0x6d: {  	_ =	shalt  }
0x6e: {  	_ =	shalt  }
0x6f: {  	_ =	shalt  }
0x70: {  	_ =	shalt  }
0x71: {  	_ =	shalt  }
0x72: {  	_ =	shalt  }
0x73: {  	_ =	shalt  }
0x74: {  	_ =	shalt  }
0x75: {  	_ =	shalt  }
0x76: {  	_ =	shalt  }
0x77: {  	_ =	shalt  }
0x78: {  	_ =	shalt  }
0x79: {  	_ =	shalt  }
0x7a: {  	_ =	shalt  }
0x7b: {  	_ =	shalt  }
0x7c: {  	_ =	shalt  }
0x7d: {  	_ =	shalt  }
0x7e: {  	_ =	shalt  }
0x7f: {  	_ =	shalt  }
0x80: {  	_ =	shalt  }
0x81: {  	_ =	shalt  }
0x82: {  	_ =	shalt  }
0x83: {  	_ =	shalt  }
0x84: {  	_ =	shalt  }
0x85: {  	_ =	shalt  }
0x86: {  	_ =	shalt  }
0x87: {  	_ =	shalt  }
.Lfunc_end0:
.L_simem_size_0:
called_computation_lowered:
.L_overlay_start_0:
0x88: {  	s2 =	sld [smem:$0x3FD9]  }
0x89: {  	s3 =	sld [smem:$0x3FFE];
	_ =	sdelay $0x1  }
0x8a: {  	s1 =	srdreg.scid  }
0x8b: {  	s0 =	sand.u32 $0x1, s1  }
0x8c: {  	s17 =	sshll.u32 s0, $0xA;
	s2 =	sadd.s32 s3, s2  }
0x8d: {  	s2 =	sadd.s32 s2, s17  }
0x8e: {  	[smem:$0x3FC5] =	sst s2  }
0x8f: {  	_ = 	snop  }
0x90: {  	s2 =	sld [smem:$0x3FC8]  }
0x91: {  	s18 =	sld [smem:$0x3FD0];
	(tm) =	ssettm $0x1  }
0x92: {  	s4 =	sld [smem:$0x3FFB];
	_ =	sdelay $0x3  }
0x93: {  	_ =	strace s4  }
0x94: {  	s4 =	sld [smem:$0x3FFC];
	_ =	sdelay $0x3  }
0x95: {  	_ =	strace s4  }
0x96: {  	s4 =	sld [smem:$0x3FFD];
	_ =	sdelay $0x3  }
0x97: {  	_ =	strace s4  }
0x98: {  	_ =	strace $0x8FFFFFFF  }
0x99: {  	s19 =	sld [smem:$0x3FDB];
	_ =	sdelay $0x1  }
0x9a: {  	s5 =	simm.s32 $_scs_section_size  }
0x9b: {  	s6 =	simm.s32 $_size__tile_overlayer_lowered;
	s7 =	simm.s32 $_tile_overlayer_lowered  }
0x9c: {  	s22 =	simm.s32 $0x1BFF;
	s21 =	sshll.u32 s7, $0x1;
	s4 =	sadd.s32 s5, s19  }
0x9d: {  	s8 =	simm.s32 $0x0;
	s20 =	sshll.u32 s6, $0x1;
	s6 =	sadd.s32 s21, s4  }
0x9e: {  	[timem:s8], [sflag:s22] =	dma.local [hbm:s6], s20  }
0x9f: {  	_ =	swait.ge [sflag:s22], s20  }
0xa0: {  	s5 =	ssub.s32 $0x0, s20;
	[sflag:s22] =	ssyncset.done $0x0  }
0xa1: {  	[sflag:s22] =	ssyncadd.s32 s5;
	_ =	sdelay $0x1  }
0xa2: {  	s23 =	simm.s32 $0x1B8B  }
0xa3: {  	_ =	swait.ge [sflag:s23], $0x1  }
0xa4: {  	[sflag:s23] =	ssyncset.done $0x0  }
0xa5: {  	s25 =	simm.s32 $0x1B8E;
	s24 =	sld [smem:$0x3FFE];
	[sflag:s23] =	ssyncadd.s32 $0xFFFFFFFF  }
0xa6: {  	s26 =	simm.s32 $execute0_lowered;
	[smem:$0x3FD2] =	sst s25  }
0xa7: {  	s6 =	sshll.u32 s26, $0x1;
	_ =	strace $0x80000046;
	[dreg:$0x1] =	wrdreg $0xFFFFFFFF  }
0xa8: {  	s28 =	simm.s32 $_size_execute0_lowered;
	s4 =	sadd.s32 s4, s6;
	[dreg:$0x0] =	wrdreg $0x0  }
0xa9: {  	s6 =	sshll.u32 s28, $0x1;
	[dreg:$0x2] =	wrdreg s4  }
0xaa: {  	[dreg:$0x3] =	wrdreg s6  }
0xab: {  	[dreg:$0x4] =	wrdreg $0xC0  }
0xac: {  	_ =	task [dreg:s8], $0x5FFFF  }
0xad: {  	[dreg:$0x1] =	wrdreg $0xFFFFFFFF  }
0xae: {  	[dreg:$0x0] =	wrdreg $0x60  }
0xaf: {  	[dreg:$0x2] =	wrdreg s24  }
0xb0: {  	[dreg:$0x3] =	wrdreg s2  }
0xb1: {  	[dreg:$0x4] =	wrdreg s18  }
0xb2: {  	[dreg:$0x5] =	wrdreg $0x9  }
0xb3: {  	_ =	task.clear_ibuf [dreg:s8], $0x6FFFF;
	_ =	strace $0x90000046  }
0xb4: {  	s29 =	simm.s32 $0x9;
	_ =	strace $0x80000048  }
0xb5: {  	_ =	swait.ge [sflag:s29], $0x1  }
0xb6: {  	[sflag:s29] =	ssyncadd.s32 $0xFFFFFFFF  }
0xb7: {  	_ =	strace $0x90000048  }
0xb8: {  	_ =	sfence  }
0xb9: {  	s30 =	sld [smem:$0x0];
	_ =	sdelay $0x2  }
0xba: {  	s31 =	sshll.u32 s1, $0xD;
	s1 =	sshrl.u32 s1, $0x2  }
0xbb: {  	s3 =	sand.u32 $0x4000, s31;
	s1 =	sadd.s32 s1, s30  }
0xbc: {  	s0 =	sor.u32 s3, s0;
	s1 =	sshll.u32 s1, $0x11  }
0xbd: {  	s0 =	sor.u32 s1, s0  }
0xbe: {  	s0 =	sadd.s32 $0x8F2B, s0  }
0xbf: {  	[sflag:s0] =	ssyncadd.remote.s32 $0x1  }
0xc0: {  	_ =	sfence.sel $0xFFFF  }
0xc1: {  	[dreg:$0x0] =	wrdreg $0xFFFFFFFF;
	(pc) =	sbr.abs _section_cstart, $3  }
0xc2: {  	[dreg:$0x1] =	wrdreg $0xFFFFFFFF  }
0xc3: {  	_ =	task.clear_ibuf [dreg:s8], $0x2FFFF;
	_ =	strace $0x9FFFFFFF  }
0xc4: {  	(tm) =	ssettm $0x7FFFFFFF  }
0xc5: {  	_ =	shalt  }
tec
execute0_lowered:
.L_overlay_start_1:
0x0: {  	(tag) =	ssettag $0x1  }
0x1: {  	s0 =	rddreg [dreg:$0x0]  }
0x2: {  	s1 =	rddreg [dreg:$0x1]  }
0x3: {  	s3 =	rddreg [dreg:$0x2]  }
0x4: {  	s4 =	simm.s32 $0x0;
	s7 =	stileid.u32;
	s2 =	srdreg.scid  }
0x5: {  	s31 =	simm.s32 $0x7E00;
	s14 =	simm.s32 $0x9600;
	s17 =	simm.s32 $0x9E00  }
0x6: {  	s18 =	simm.s32 $0xA600;
	s15 =	simm.s32 $0xAE00;
	s13 =	simm.s32 $0xC600  }
0x7: {  	s16 =	simm.s32 $0xCE00;
	s12 =	simm.s32 $0xDE00;
	s19 =	simm.s32 $0x1  }
0x8: {  	s20 =	simm.s32 $0x2;
	s23 =	simm.s32 $0x0;
	[smem:$0x7FF] =	sst s4  }
0x9: {  	s2 =	sand.u32 $0x1, s2;
	s5 =	sshll.u32 s7, $0x1;
	s6 =	sshll.u32 s7, $0xB  }
0xa: {  	s7 =	sshrl.u32 s7, $0x1;
	s10 =	sadd.s32 $0x100, s3;
	s11 =	sadd.s32 $0x200, s3  }
0xb: {  	_ =	strace $0x80000047;
	s5 =	sor.u32 s2, s5;
	s6 =	sand.u32 $0x6000, s6  }
0xc: {  	s7 =	smul.u32 $0x1800, s7;
	s2 =	ssub.s32 $0x2, s2;
	s8 =	sshll.u32 s5, $0x8  }
0xd: {  	s6 =	sadd.s32 s6, s0;
	s9 =	sshll.u32 s5, $0x4;
	s26 =	sshrl.u32 s2, $0x1  }
0xe: {  	s30 =	sshll.u32 s5, $0x1;
	s28 =	sshllo.u32 s5, $0x1;
	s5 =	simm.s32 $0xB600  }
0xf: {  	s8 =	sand.u32 $0x300, s8;
	s25 =	sand.u32 $0x70, s9;
	[dreg:$0x7] =	wrdreg s28  }
0x10: {  	s2 =	ssub.s32 s2, s26;
	s9 =	sadd.s32 $0x200, s1;
	[dreg:$0x5] =	wrdreg s30  }
0x11: {  	s7 =	sor.u32 s7, s8;
	s6 =	sadd.s32 s25, s6;
	s8 =	sadd.s32 $0x100, s1  }
0x12: {  	s29 =	smax.u32 s2, $0x1;
	s2 =	simm.s32 $0x8E00;
	s7 =	sshrl.u32 s7, $0x3  }
0x13: {  	v0 =	vlaneseq.u32;
	s6 =	sadd.s32 $0x1C00, s6;
	[dreg:$0x8] =	wrdreg s29;
	s0 =	sadd.s32 s7, s0  }
0x14: {  	vm0 =	vmmov $0xffff;
	v2 =	vshrl.u32 v0, $0x3;
	[dreg:$0x4] =	wrdreg s6;
	s7 =	simm.s32 $0xBE00;
	s0 =	sadd.s32 $0x400, s0  }
0x15: {  	v1 =	vand.u32 $0x7, v0;
	v3 =	vor.u32 $0x8, v0;
	v2 =	vmul.u32 $0x8, v2;
	s6 =	simm.s32 $0xD600;
	[dreg:$0x6] =	wrdreg s0;
	s0 =	simm.s32 $0x8600  }
.LBB2_1:
0x16: {  	[dreg:$0x9] =	wrdreg s23  }
0x17: {  	s21 =	rddreg [dreg:$0x4]  }
0x18: {  	s22 =	simm.s32 $0x80;
	s26 =	simm.s32 $0x400;
	s28 =	simm.s32 $0x5  }
0x19: {  	[tilespmem:s4], [sflag:$0x5] =	stream.strided.gather [hbm4b:s21+s22], $0x2000, s26, s22, $0x38;
	[tilespmem:$0x1A600] =	vst v63  }
0x1a: {  	_ =	swait.ge [sflag:s28], $0x2000  }
0x1b: {  	s24 =	simm.s32 $0x100;
	[sflag:s28] =	ssyncset.done $0x0  }
0x1c: {  	s25 =	simm.s32 $0x2000;
	s29 =	rddreg [dreg:$0x6];
	[sflag:s28] =	ssyncadd.s32 $0xFFFFE000  }
0x1d: {  	[tilespmem:s25], [sflag:$0x5] =	stream.strided.gather [hbm4b:s29+s24], $0x600, s26, s24, $0x38;
	[tilespmem:$0x1A600] =	vst v63  }
0x1e: {  	_ =	swait.ge [sflag:s28], $0x600  }
0x1f: {  	[sflag:s28] =	ssyncset.done $0x0  }
0x20: {  	[sflag:s28] =	ssyncadd.s32 $0xFFFFFA00  }
0x21: {  	v5 =	vld [tilespmem:$0x2000]  }
0x22: {  	v6 =	vld [tilespmem:$0x2010]  }
0x23: {  	v7 =	vld [tilespmem:$0x2020]  }
0x24: {  	v8 =	vld [tilespmem:$0x2030]  }
0x25: {  	v9 =	vld [tilespmem:$0x2040]  }
0x26: {  	v10 =	vld [tilespmem:$0x2050]  }
0x27: {  	v11 =	vld [tilespmem:$0x2060]  }
0x28: {  	v12 =	vld [tilespmem:$0x2070]  }
0x29: {  	v13 =	vld [tilespmem:$0x2100]  }
0x2a: {  	v14 =	vld [tilespmem:$0x2110]  }
0x2b: {  	v15 =	vld [tilespmem:$0x2120]  }
0x2c: {  	v16 =	vld [tilespmem:$0x2130]  }
0x2d: {  	v17 =	vld [tilespmem:$0x2140]  }
0x2e: {  	v18 =	vld [tilespmem:$0x2150]  }
0x2f: {  	v19 =	vld [tilespmem:$0x2160]  }
0x30: {  	v20 =	vld [tilespmem:$0x2170]  }
0x31: {  	v21 =	vld [tilespmem:$0x2200]  }
0x32: {  	v22 =	vld [tilespmem:$0x2210]  }
0x33: {  	v23 =	vld [tilespmem:$0x2220]  }
0x34: {  	v24 =	vld [tilespmem:$0x2230]  }
0x35: {  	v25 =	vld [tilespmem:$0x2240]  }
0x36: {  	v26 =	vld [tilespmem:$0x2250]  }
0x37: {  	v27 =	vld [tilespmem:$0x2260]  }
0x38: {  	v28 =	vld [tilespmem:$0x2270]  }
0x39: {  	v29 =	vld [tilespmem:$0x2300]  }
0x3a: {  	v30 =	vld [tilespmem:$0x2310]  }
0x3b: {  	v31 =	vld [tilespmem:$0x2320]  }
0x3c: {  	v32 =	vld [tilespmem:$0x2330]  }
0x3d: {  	v33 =	vld [tilespmem:$0x2340]  }
0x3e: {  	v34 =	vld [tilespmem:$0x2350]  }
0x3f: {  	v35 =	vld [tilespmem:$0x2360]  }
0x40: {  	v36 =	vld [tilespmem:$0x2370]  }
0x41: {  	v4 =	vld [tilespmem:$0x0]  }
0x42: {  	v37 =	vld [tilespmem:$0x2400]  }
0x43: {  	v38 =	vld [tilespmem:$0x2410]  }
0x44: {  	v39 =	vld [tilespmem:$0x2420]  }
0x45: {  	v40 =	vld [tilespmem:$0x2430]  }
0x46: {  	v41 =	vld [tilespmem:$0x2440];
	v44 =	vshrl.u32 v4, $0x3  }
0x47: {  	v42 =	vld [tilespmem:$0x2450];
	v46 =	vmul.u32 $0x30, v44  }
0x48: {  	v43 =	vld [tilespmem:$0x2460];
	v4 =	vand.u32 $0x7, v4  }
0x49: {  	v45 =	vld [tilespmem:$0x2500];
	v4 =	vor.u32 v4, v46  }
0x4a: {  	v47 =	vld [tilespmem:$0x2520];
	v49 =	vperm.xlane v4, v1  }
0x4b: {  	v48 =	vld [tilespmem:$0x2530]  }
0x4c: {  	v50 =	vld [tilespmem:$0x2550];
	v53 =	vadd.s32 v2, v49  }
0x4d: {  	v51 =	vld [tilespmem:$0x2560]  }
0x4e: {  	v52 =	vld [tilespmem:$0x2570]  }
0x4f: {  	v44 =	vld [tilespmem:$0x2470]  }
0x50: {  	s25 =	simm.s32 $0x2600;
	v46 =	vld [tilespmem:$0x2510];
	v4 =	vperm.xlane v4, v3  }
0x51: {  	v49 =	vld [tilespmem:$0x2540];
	[tilespmem:s25], [sflag:$0x1] =	stream.indirect_vreg.gather [hbm4b:s1+s4], $0x80, v53, vm0, $0xb8  }
0x52: {  	s26 =	simm.s32 $0x2E00;
	v4 =	vadd.s32 v2, v4  }
0x53: {  	[tilespmem:s26], [sflag:$0x1] =	stream.indirect_vreg.gather [hbm4b:s8+s4], $0x80, v53, vm0, $0xb8;
	[tilespmem:$0x1A600] =	vst v63  }
0x54: {  	s28 =	simm.s32 $0x3600  }
0x55: {  	[tilespmem:s28], [sflag:$0x1] =	stream.indirect_vreg.gather [hbm4b:s9+s4], $0x80, v53, vm0, $0xb8;
	[tilespmem:$0x1A600] =	vst v63  }
0x56: {  	s29 =	simm.s32 $0x3E00  }
0x57: {  	[tilespmem:s29], [sflag:$0x1] =	stream.indirect_vreg.gather [hbm4b:s1+s4], $0x80, v4, vm0, $0xb8;
	[tilespmem:$0x1A600] =	vst v63  }
0x58: {  	s22 =	simm.s32 $0x4600  }
0x59: {  	[tilespmem:s22], [sflag:$0x1] =	stream.indirect_vreg.gather [hbm4b:s8+s4], $0x80, v4, vm0, $0xb8;
	[tilespmem:$0x1A600] =	vst v63  }
0x5a: {  	s23 =	simm.s32 $0x4E00  }
0x5b: {  	[tilespmem:s23], [sflag:$0x1] =	stream.indirect_vreg.gather [hbm4b:s9+s4], $0x80, v4, vm0, $0xb8;
	[tilespmem:$0x1A600] =	vst v63  }
0x5c: {  	v4 =	vld [tilespmem:$0x10];
	_ =	sdelay $0x4  }
0x5d: {  	v61 =	vshrl.u32 v4, $0x3  }
0x5e: {  	v53 =	vmul.u32 $0x30, v61  }
0x5f: {  	v4 =	vand.u32 $0x7, v4  }
0x60: {  	v4 =	vor.u32 v4, v53  }
0x61: {  	v53 =	vperm.xlane v4, v1;
	_ =	sdelay $0x1  }
0x62: {  	v53 =	vadd.s32 v2, v53;
	_ =	sdelay $0x3  }
0x63: {  	s24 =	simm.s32 $0x5600;
	v4 =	vperm.xlane v4, v3  }
0x64: {  	[tilespmem:s24], [sflag:$0x1] =	stream.indirect_vreg.gather [hbm4b:s1+s4], $0x80, v53, vm0, $0xb8;
	[tilespmem:$0x1A600] =	vst v63  }
0x65: {  	s25 =	simm.s32 $0x5E00;
	v4 =	vadd.s32 v2, v4  }
0x66: {  	[tilespmem:s25], [sflag:$0x1] =	stream.indirect_vreg.gather [hbm4b:s8+s4], $0x80, v53, vm0, $0xb8;
	[tilespmem:$0x1A600] =	vst v63  }
0x67: {  	s26 =	simm.s32 $0x6600  }
0x68: {  	[tilespmem:s26], [sflag:$0x1] =	stream.indirect_vreg.gather [hbm4b:s9+s4], $0x80, v53, vm0, $0xb8;
	[tilespmem:$0x1A600] =	vst v63  }
0x69: {  	s28 =	simm.s32 $0x6E00  }
0x6a: {  	[tilespmem:s28], [sflag:$0x1] =	stream.indirect_vreg.gather [hbm4b:s1+s4], $0x80, v4, vm0, $0xb8;
	[tilespmem:$0x1A600] =	vst v63  }
0x6b: {  	s29 =	simm.s32 $0x7600  }
0x6c: {  	[tilespmem:s29], [sflag:$0x1] =	stream.indirect_vreg.gather [hbm4b:s8+s4], $0x80, v4, vm0, $0xb8;
	[tilespmem:$0x1A600] =	vst v63  }
0x6d: {  	_ = 	snop  }
0x6e: {  	[tilespmem:s31], [sflag:$0x1] =	stream.indirect_vreg.gather [hbm4b:s9+s4], $0x80, v4, vm0, $0xb8;
	[tilespmem:$0x1A600] =	vst v63  }
0x6f: {  	v4 =	vld [tilespmem:$0x20];
	_ =	sdelay $0x4  }
0x70: {  	v62 =	vshrl.u32 v4, $0x3  }
0x71: {  	v53 =	vmul.u32 $0x30, v62  }
0x72: {  	v4 =	vand.u32 $0x7, v4  }
0x73: {  	v4 =	vor.u32 v4, v53  }
0x74: {  	v53 =	vperm.xlane v4, v1;
	_ =	sdelay $0x1  }
0x75: {  	v53 =	vadd.s32 v2, v53;
	_ =	sdelay $0x3  }
0x76: {  	v4 =	vperm.xlane v4, v3  }
0x77: {  	[tilespmem:s0], [sflag:$0x2] =	stream.indirect_vreg.gather [hbm4b:s1+s4], $0x80, v53, vm0, $0xb8;
	[tilespmem:$0x1A600] =	vst v63  }
0x78: {  	v4 =	vadd.s32 v2, v4  }
0x79: {  	[tilespmem:s2], [sflag:$0x2] =	stream.indirect_vreg.gather [hbm4b:s8+s4], $0x80, v53, vm0, $0xb8;
	[tilespmem:$0x1A600] =	vst v63  }
0x7a: {  	_ = 	snop  }
0x7b: {  	[tilespmem:s14], [sflag:$0x2] =	stream.indirect_vreg.gather [hbm4b:s9+s4], $0x80, v53, vm0, $0xb8;
	[tilespmem:$0x1A600] =	vst v63  }
0x7c: {  	_ = 	snop  }
0x7d: {  	[tilespmem:s17], [sflag:$0x2] =	stream.indirect_vreg.gather [hbm4b:s1+s4], $0x80, v4, vm0, $0xb8;
	[tilespmem:$0x1A600] =	vst v63  }
0x7e: {  	_ = 	snop  }
0x7f: {  	[tilespmem:s18], [sflag:$0x2] =	stream.indirect_vreg.gather [hbm4b:s8+s4], $0x80, v4, vm0, $0xb8;
	[tilespmem:$0x1A600] =	vst v63  }
0x80: {  	_ = 	snop  }
0x81: {  	[tilespmem:s15], [sflag:$0x2] =	stream.indirect_vreg.gather [hbm4b:s9+s4], $0x80, v4, vm0, $0xb8;
	[tilespmem:$0x1A600] =	vst v63  }
0x82: {  	v4 =	vld [tilespmem:$0x30];
	_ =	sdelay $0x4  }
0x83: {  	v63 =	vshrl.u32 v4, $0x3  }
0x84: {  	v53 =	vmul.u32 $0x30, v63  }
0x85: {  	v4 =	vand.u32 $0x7, v4  }
0x86: {  	v4 =	vor.u32 v4, v53  }
0x87: {  	v53 =	vperm.xlane v4, v1;
	_ =	sdelay $0x1  }
0x88: {  	v53 =	vadd.s32 v2, v53;
	_ =	sdelay $0x3  }
0x89: {  	v4 =	vperm.xlane v4, v3  }
0x8a: {  	[tilespmem:s5], [sflag:$0x2] =	stream.indirect_vreg.gather [hbm4b:s1+s4], $0x80, v53, vm0, $0xb8;
	[tilespmem:$0x1A600] =	vst v63  }
0x8b: {  	v4 =	vadd.s32 v2, v4  }
0x8c: {  	[tilespmem:s7], [sflag:$0x2] =	stream.indirect_vreg.gather [hbm4b:s8+s4], $0x80, v53, vm0, $0xb8;
	[tilespmem:$0x1A600] =	vst v63  }
0x8d: {  	_ = 	snop  }
0x8e: {  	[tilespmem:s13], [sflag:$0x2] =	stream.indirect_vreg.gather [hbm4b:s9+s4], $0x80, v53, vm0, $0xb8;
	[tilespmem:$0x1A600] =	vst v63  }
0x8f: {  	_ = 	snop  }
0x90: {  	[tilespmem:s16], [sflag:$0x2] =	stream.indirect_vreg.gather [hbm4b:s1+s4], $0x80, v4, vm0, $0xb8;
	[tilespmem:$0x1A600] =	vst v63  }
0x91: {  	_ = 	snop  }
0x92: {  	[tilespmem:s6], [sflag:$0x2] =	stream.indirect_vreg.gather [hbm4b:s8+s4], $0x80, v4, vm0, $0xb8;
	[tilespmem:$0x1A600] =	vst v63  }
0x93: {  	s21 =	simm.s32 $0x0  }
0x94: {  	[tilespmem:s12], [sflag:$0x2] =	stream.indirect_vreg.gather [hbm4b:s9+s4], $0x80, v4, vm0, $0xb8;
	[tilespmem:$0x1A600] =	vst v63  }
.LBB2_2:
0x95: {  	_ =	swait.ge [sflag:s19], $0x6000  }
0x96: {  	p0 =	seq.s32 s21, $0x0;
	[sflag:s19] =	ssyncset.done $0x0  }
0x97: {  	s22 =	simm.s32 @!p0 $0x3;
	[sflag:s19] =	ssyncadd.s32 $0xFFFFA000  }
0x98: {  	_ =	swait.ge @!p0 [sflag:s22], $0x3000  }
0x99: {  	[sflag:s22] =	ssyncset.done @!p0 $0x0  }
0x9a: {  	s23 =	simm.s32 $0x0;
	[sflag:s22] =	ssyncadd.s32 @!p0 $0xFFFFD000  }
0x9b: {  	s24 =	simm.s32 $0x0;
	s23 =	smul.u32 $0x1800, s23;
	_ =	swait.ge @!p0 [sflag:s22], $0x3000  }
0x9c: {  	s25 =	sand.u32 $0x380, s24;
	[sflag:s22] =	ssyncset.done @!p0 $0x0  }
0x9d: {  	s23 =	sor.u32 s25, s23;
	[sflag:s22] =	ssyncadd.s32 @!p0 $0xFFFFD000  }
0x9e: {  	v4 =	vld [tilespmem:s23+$0x3A70]  }
0x9f: {  	v53 =	vld [tilespmem:s23+$0x2600]  }
0xa0: {  	v54 =	vld [tilespmem:s23+$0x2610]  }
0xa1: {  	v55 =	vld [tilespmem:s23+$0x2620]  }
0xa2: {  	v56 =	vld [tilespmem:s23+$0x2630]  }
0xa3: {  	v57 =	vld [tilespmem:s23+$0x2640];
	v4 =	vadd.f32 v4, v52  }
0xa4: {  	v58 =	vld [tilespmem:s23+$0x2650];
	v53 =	vadd.f32 v53, v5  }
0xa5: {  	v59 =	vld [tilespmem:s23+$0x2660];
	[tilespmem:s23+$0xFA70] =	vst v4;
	v4 =	vadd.f32 v54, v6  }
0xa6: {  	v60 =	vadd.f32 v55, v7;
	v55 =	vld [tilespmem:s23+$0x2A20];
	[tilespmem:s23+$0xE600] =	vst v53  }
0xa7: {  	v61 =	vadd.f32 v56, v8;
	[tilespmem:s23+$0xE610] =	vst v4;
	v4 =	vld [tilespmem:s23+$0x2A00]  }
0xa8: {  	v62 =	vadd.f32 v57, v9;
	v56 =	vld [tilespmem:s23+$0x2A30];
	[tilespmem:s23+$0xE620] =	vst v60  }
0xa9: {  	v63 =	vadd.f32 v58, v10;
	v53 =	vld [tilespmem:s23+$0x2670];
	[tilespmem:s23+$0xE630] =	vst v61  }
0xaa: {  	v54 =	vld [tilespmem:s23+$0x2A10];
	[tilespmem:s23+$0xE640] =	vst v62;
	v60 =	vadd.f32 v59, v11  }
0xab: {  	[tilespmem:s23+$0xE650] =	vst v63;
	v61 =	vld [tilespmem:s23+$0x2A40];
	v55 =	vadd.f32 v55, v15  }
0xac: {  	v62 =	vld [tilespmem:s23+$0x2A50];
	[tilespmem:s23+$0xE660] =	vst v60;
	v4 =	vadd.f32 v4, v13  }
0xad: {  	v63 =	vld [tilespmem:s23+$0x2A60];
	v56 =	vadd.f32 v56, v16;
	[tilespmem:s23+$0xEA20] =	vst v55  }
0xae: {  	v53 =	vadd.f32 v53, v12;
	[tilespmem:s23+$0xEA00] =	vst v4;
	v4 =	vld [tilespmem:s23+$0x2A70]  }
0xaf: {  	v60 =	vld [tilespmem:s23+$0x2E20];
	v54 =	vadd.f32 v54, v14;
	[tilespmem:s23+$0xEA30] =	vst v56  }
0xb0: {  	v55 =	vld [tilespmem:s23+$0x2E10];
	v57 =	vadd.f32 v61, v17;
	[tilespmem:s23+$0xE670] =	vst v53  }
0xb1: {  	v58 =	vadd.f32 v62, v18;
	v61 =	vld [tilespmem:s23+$0x2E30];
	[tilespmem:s23+$0xEA10] =	vst v54  }
0xb2: {  	v54 =	vld [tilespmem:s23+$0x2E00];
	[tilespmem:s23+$0xEA40] =	vst v57;
	v53 =	vadd.f32 v63, v19  }
0xb3: {  	v62 =	vld [tilespmem:s23+$0x2E40];
	[tilespmem:s23+$0xEA50] =	vst v58;
	v4 =	vadd.f32 v4, v20  }
0xb4: {  	v63 =	vld [tilespmem:s23+$0x2E50];
	v56 =	vadd.f32 v60, v23;
	[tilespmem:s23+$0xEA60] =	vst v53  }
0xb5: {  	v55 =	vadd.f32 v55, v22;
	[tilespmem:s23+$0xEA70] =	vst v4;
	v4 =	vld [tilespmem:s23+$0x2E60]  }
0xb6: {  	v60 =	vld [tilespmem:s23+$0x3210];
	[tilespmem:s23+$0xEE20] =	vst v56;
	v57 =	vadd.f32 v61, v24  }
0xb7: {  	v61 =	vld [tilespmem:s23+$0x3220];
	v54 =	vadd.f32 v54, v21;
	[tilespmem:s23+$0xEE10] =	vst v55  }
0xb8: {  	v58 =	vadd.f32 v62, v25;
	v62 =	vld [tilespmem:s23+$0x3230];
	[tilespmem:s23+$0xEE30] =	vst v57  }
0xb9: {  	v53 =	vadd.f32 v63, v26;
	[tilespmem:s23+$0xEE00] =	vst v54;
	v54 =	vld [tilespmem:s23+$0x2E70]  }
0xba: {  	v55 =	vld [tilespmem:s23+$0x3200];
	[tilespmem:s23+$0xEE40] =	vst v58;
	v4 =	vadd.f32 v4, v27  }
0xbb: {  	v63 =	vld [tilespmem:s23+$0x3240];
	v56 =	vadd.f32 v60, v30;
	[tilespmem:s23+$0xEE50] =	vst v53  }
0xbc: {  	v57 =	vadd.f32 v61, v31;
	[tilespmem:s23+$0xEE60] =	vst v4;
	v4 =	vld [tilespmem:s23+$0x3250]  }
0xbd: {  	v60 =	vld [tilespmem:s23+$0x3270];
	[tilespmem:s23+$0xF210] =	vst v56;
	v58 =	vadd.f32 v62, v32  }
0xbe: {  	v61 =	vld [tilespmem:s23+$0x3600];
	[tilespmem:s23+$0xF220] =	vst v57;
	v54 =	vadd.f32 v54, v28  }
0xbf: {  	v62 =	vld [tilespmem:s23+$0x3620];
	v55 =	vadd.f32 v55, v29;
	[tilespmem:s23+$0xF230] =	vst v58  }
0xc0: {  	v53 =	vadd.f32 v63, v33;
	[tilespmem:s23+$0xEE70] =	vst v54;
	v54 =	vld [tilespmem:s23+$0x3260]  }
0xc1: {  	v57 =	vld [tilespmem:s23+$0x3610];
	[tilespmem:s23+$0xF200] =	vst v55;
	v4 =	vadd.f32 v4, v34  }
0xc2: {  	v63 =	vld [tilespmem:s23+$0x3630];
	[tilespmem:s23+$0xF240] =	vst v53;
	v55 =	vadd.f32 v60, v36  }
0xc3: {  	v60 =	vadd.f32 v61, v37;
	[tilespmem:s23+$0xF250] =	vst v4;
	v4 =	vld [tilespmem:s23+$0x3640]  }
0xc4: {  	v59 =	vld [tilespmem:s23+$0x3650];
	v58 =	vadd.f32 v62, v39;
	[tilespmem:s23+$0xF270] =	vst v55  }
0xc5: {  	v61 =	vld [tilespmem:s23+$0x3660];
	[tilespmem:s23+$0xF600] =	vst v60;
	v54 =	vadd.f32 v54, v35  }
0xc6: {  	v56 =	vld [tilespmem:s23+$0x3670];
	v57 =	vadd.f32 v57, v38;
	[tilespmem:s23+$0xF620] =	vst v58  }
0xc7: {  	v62 =	vadd.f32 v63, v40;
	[tilespmem:s23+$0xF260] =	vst v54;
	v54 =	vld [tilespmem:s23+$0x3A00]  }
0xc8: {  	v53 =	vld [tilespmem:s23+$0x3A10];
	[tilespmem:s23+$0xF610] =	vst v57;
	v63 =	vadd.f32 v4, v41  }
0xc9: {  	[tilespmem:s23+$0xF630] =	vst v62;
	v57 =	vadd.f32 v59, v42;
	v4 =	vld [tilespmem:s23+$0x3A20]  }
0xca: {  	s26 =	simm.s32 $0x0;
	s25 =	simm.s32 $0x2;
	s22 =	sshll.u32 s21, $0x1;
	v55 =	vld [tilespmem:s23+$0x3A30];
	v58 =	vadd.f32 v61, v43;
	[tilespmem:s23+$0xF640] =	vst v63  }
.LBB2_3:
0xcb: {  	p1 =	sne.s32 s25, $0x1F;
	s26 =	smul.u32 $0x1800, s26;
	[tilespmem:s23+$0xF650] =	vst v57;
	v56 =	vadd.f32 v56, v44;
	v57 =	vld [tilespmem:s23+$0x3A40];
	s24 =	sadd.s32 $0x80, s24  }
0xcc: {  	s28 =	sand.u32 $0x380, s24;
	[tilespmem:s23+$0xF660] =	vst v58;
	v54 =	vadd.f32 v54, v45;
	v58 =	vld [tilespmem:s23+$0x3A50]  }
0xcd: {  	s26 =	sor.u32 s28, s26;
	[tilespmem:s23+$0xF670] =	vst v56;
	v53 =	vadd.f32 v53, v46;
	v56 =	vld [tilespmem:s23+$0x3A60]  }
0xce: {  	v59 =	vld [tilespmem:s26+$0x3A70];
	[tilespmem:s23+$0xFA00] =	vst v54;
	v4 =	vadd.f32 v4, v47  }
0xcf: {  	v54 =	vld [tilespmem:s26+$0x2600];
	[tilespmem:s23+$0xFA10] =	vst v53;
	v53 =	vadd.f32 v55, v48  }
0xd0: {  	v55 =	vld [tilespmem:s26+$0x2610];
	[tilespmem:s23+$0xFA20] =	vst v4;
	v4 =	vadd.f32 v57, v49  }
0xd1: {  	v57 =	vld [tilespmem:s26+$0x2620];
	[tilespmem:s23+$0xFA30] =	vst v53;
	v53 =	vadd.f32 v58, v50  }
0xd2: {  	v58 =	vld [tilespmem:s26+$0x2630];
	[tilespmem:s23+$0xFA40] =	vst v4;
	v4 =	vadd.f32 v56, v51  }
0xd3: {  	v56 =	vld [tilespmem:s26+$0x2640];
	v59 =	vadd.f32 v59, v52;
	[tilespmem:s23+$0xFA50] =	vst v53  }
0xd4: {  	v53 =	vadd.f32 v54, v5;
	v54 =	vld [tilespmem:s26+$0x2650];
	[tilespmem:s23+$0xFA60] =	vst v4;
	s23 =	smov.u32 s26  }
0xd5: {  	v4 =	vadd.f32 v55, v6;
	v55 =	vld [tilespmem:s23+$0x2660];
	[tilespmem:s23+$0xFA70] =	vst v59  }
0xd6: {  	[tilespmem:s23+$0xE600] =	vst v53;
	v53 =	vadd.f32 v57, v7;
	v57 =	vld [tilespmem:s23+$0x2670]  }
0xd7: {  	[tilespmem:s23+$0xE610] =	vst v4;
	v4 =	vadd.f32 v58, v8;
	v58 =	vld [tilespmem:s23+$0x2A00]  }
0xd8: {  	[tilespmem:s23+$0xE620] =	vst v53;
	v53 =	vadd.f32 v56, v9;
	v56 =	vld [tilespmem:s23+$0x2A10]  }
0xd9: {  	[tilespmem:s23+$0xE630] =	vst v4;
	v4 =	vadd.f32 v54, v10;
	v54 =	vld [tilespmem:s23+$0x2A20]  }
0xda: {  	[tilespmem:s23+$0xE640] =	vst v53;
	v53 =	vadd.f32 v55, v11;
	v55 =	vld [tilespmem:s23+$0x2A30]  }
0xdb: {  	[tilespmem:s23+$0xE650] =	vst v4;
	v4 =	vadd.f32 v57, v12;
	v57 =	vld [tilespmem:s23+$0x2A40]  }
0xdc: {  	[tilespmem:s23+$0xE660] =	vst v53;
	v53 =	vadd.f32 v58, v13;
	v58 =	vld [tilespmem:s23+$0x2A50]  }
0xdd: {  	[tilespmem:s23+$0xE670] =	vst v4;
	v4 =	vadd.f32 v56, v14;
	v56 =	vld [tilespmem:s23+$0x2A60]  }
0xde: {  	[tilespmem:s23+$0xEA00] =	vst v53;
	v53 =	vadd.f32 v54, v15;
	v54 =	vld [tilespmem:s23+$0x2A70]  }
0xdf: {  	[tilespmem:s23+$0xEA10] =	vst v4;
	v4 =	vadd.f32 v55, v16;
	v55 =	vld [tilespmem:s23+$0x2E00]  }
0xe0: {  	[tilespmem:s23+$0xEA20] =	vst v53;
	v53 =	vadd.f32 v57, v17;
	v57 =	vld [tilespmem:s23+$0x2E10]  }
0xe1: {  	[tilespmem:s23+$0xEA30] =	vst v4;
	v4 =	vadd.f32 v58, v18;
	v58 =	vld [tilespmem:s23+$0x2E20]  }
0xe2: {  	[tilespmem:s23+$0xEA40] =	vst v53;
	v53 =	vadd.f32 v56, v19;
	v56 =	vld [tilespmem:s23+$0x2E30]  }
0xe3: {  	[tilespmem:s23+$0xEA50] =	vst v4;
	v4 =	vadd.f32 v54, v20;
	v54 =	vld [tilespmem:s23+$0x2E40]  }
0xe4: {  	[tilespmem:s23+$0xEA60] =	vst v53;
	v53 =	vadd.f32 v55, v21;
	v55 =	vld [tilespmem:s23+$0x2E50]  }
0xe5: {  	[tilespmem:s23+$0xEA70] =	vst v4;
	v4 =	vadd.f32 v57, v22;
	v57 =	vld [tilespmem:s23+$0x2E60]  }
0xe6: {  	[tilespmem:s23+$0xEE00] =	vst v53;
	v53 =	vadd.f32 v58, v23;
	v58 =	vld [tilespmem:s23+$0x2E70]  }
0xe7: {  	[tilespmem:s23+$0xEE10] =	vst v4;
	v4 =	vadd.f32 v56, v24;
	v56 =	vld [tilespmem:s23+$0x3200]  }
0xe8: {  	[tilespmem:s23+$0xEE20] =	vst v53;
	v53 =	vadd.f32 v54, v25;
	v54 =	vld [tilespmem:s23+$0x3210]  }
0xe9: {  	[tilespmem:s23+$0xEE30] =	vst v4;
	v4 =	vadd.f32 v55, v26;
	v55 =	vld [tilespmem:s23+$0x3220]  }
0xea: {  	[tilespmem:s23+$0xEE40] =	vst v53;
	v53 =	vadd.f32 v57, v27;
	v57 =	vld [tilespmem:s23+$0x3230]  }
0xeb: {  	[tilespmem:s23+$0xEE50] =	vst v4;
	v4 =	vadd.f32 v58, v28;
	v58 =	vld [tilespmem:s23+$0x3240]  }
0xec: {  	[tilespmem:s23+$0xEE60] =	vst v53;
	v53 =	vadd.f32 v56, v29;
	v56 =	vld [tilespmem:s23+$0x3250]  }
0xed: {  	[tilespmem:s23+$0xEE70] =	vst v4;
	v4 =	vadd.f32 v54, v30;
	v54 =	vld [tilespmem:s23+$0x3260]  }
0xee: {  	[tilespmem:s23+$0xF200] =	vst v53;
	v53 =	vadd.f32 v55, v31;
	v55 =	vld [tilespmem:s23+$0x3270]  }
0xef: {  	[tilespmem:s23+$0xF210] =	vst v4;
	v4 =	vadd.f32 v57, v32;
	v57 =	vld [tilespmem:s23+$0x3600]  }
0xf0: {  	[tilespmem:s23+$0xF220] =	vst v53;
	v53 =	vadd.f32 v58, v33;
	v58 =	vld [tilespmem:s23+$0x3610]  }
0xf1: {  	[tilespmem:s23+$0xF230] =	vst v4;
	v4 =	vadd.f32 v56, v34;
	v56 =	vld [tilespmem:s23+$0x3620]  }
0xf2: {  	[tilespmem:s23+$0xF240] =	vst v53;
	v53 =	vadd.f32 v54, v35;
	v54 =	vld [tilespmem:s23+$0x3630]  }
0xf3: {  	[tilespmem:s23+$0xF250] =	vst v4;
	v4 =	vadd.f32 v55, v36;
	v55 =	vld [tilespmem:s23+$0x3640]  }
0xf4: {  	[tilespmem:s23+$0xF260] =	vst v53;
	v53 =	vadd.f32 v57, v37;
	v57 =	vld [tilespmem:s23+$0x3650]  }
0xf5: {  	[tilespmem:s23+$0xF270] =	vst v4;
	v4 =	vadd.f32 v58, v38;
	v58 =	vld [tilespmem:s23+$0x3660]  }
.Ltmp0:
0xf6: {  	[tilespmem:s23+$0xF600] =	vst v53;
	v53 =	vadd.f32 v56, v39;
	v56 =	vld [tilespmem:s23+$0x3670];
	(pc) =	sbr.rel @p1 .LBB2_3-.Ltmp0, $4  }
0xf7: {  	[tilespmem:s23+$0xF610] =	vst v4;
	v4 =	vadd.f32 v54, v40;
	v54 =	vld [tilespmem:s23+$0x3A00]  }
0xf8: {  	[tilespmem:s23+$0xF620] =	vst v53;
	v55 =	vadd.f32 v55, v41;
	v53 =	vld [tilespmem:s23+$0x3A10]  }
0xf9: {  	[tilespmem:s23+$0xF630] =	vst v4;
	v57 =	vadd.f32 v57, v42;
	v4 =	vld [tilespmem:s23+$0x3A20]  }
0xfa: {  	s26 =	sshrl.u32 s25, $0x3;
	s25 =	sadd.s32 $0x1, s25;
	[tilespmem:s23+$0xF640] =	vst v55;
	v58 =	vadd.f32 v58, v43;
	v55 =	vld [tilespmem:s23+$0x3A30]  }
0xfb: {  	[tilespmem:s23+$0xF650] =	vst v57;
	v62 =	vld [tilespmem:s23+$0x3A40];
	v56 =	vadd.f32 v56, v44;
	s25 =	smul.u32 $0x1800, s26;
	s24 =	sadd.s32 $0x80, s24  }
0xfc: {  	v63 =	vld [tilespmem:s23+$0x3A50];
	[tilespmem:s23+$0xF660] =	vst v58;
	s24 =	sand.u32 $0x380, s24;
	v54 =	vadd.f32 v54, v45  }
0xfd: {  	v60 =	vld [tilespmem:s23+$0x3A60];
	[tilespmem:s23+$0xF670] =	vst v56;
	s24 =	sor.u32 s24, s25;
	v53 =	vadd.f32 v53, v46  }
0xfe: {  	v59 =	vld [tilespmem:s24+$0x3A70];
	[tilespmem:s23+$0xFA00] =	vst v54;
	v4 =	vadd.f32 v4, v47  }
0xff: {  	v54 =	vld [tilespmem:s24+$0x2600];
	[tilespmem:s23+$0xFA10] =	vst v53;
	v55 =	vadd.f32 v55, v48  }
0x100: {  	v53 =	vld [tilespmem:s24+$0x2610];
	[tilespmem:s23+$0xFA20] =	vst v4;
	v57 =	vadd.f32 v62, v49  }
0x101: {  	v58 =	vadd.f32 v63, v50;
	v4 =	vld [tilespmem:s24+$0x2620];
	[tilespmem:s23+$0xFA30] =	vst v55  }
0x102: {  	v56 =	vadd.f32 v60, v51;
	v55 =	vld [tilespmem:s24+$0x2630];
	[tilespmem:s23+$0xFA40] =	vst v57  }
0x103: {  	v57 =	vld [tilespmem:s24+$0x2640];
	[tilespmem:s23+$0xFA50] =	vst v58  }
0x104: {  	v62 =	vld [tilespmem:s24+$0x2650];
	v54 =	vadd.f32 v54, v5;
	[tilespmem:s23+$0xFA60] =	vst v56  }
0x105: {  	v61 =	vadd.f32 v59, v52;
	v56 =	vld [tilespmem:s24+$0x2660]  }
0x106: {  	v53 =	vadd.f32 v53, v6;
	[tilespmem:s24+$0xE600] =	vst v54;
	v54 =	vld [tilespmem:s24+$0x2670]  }
0x107: {  	[tilespmem:s24+$0xFA70] =	vst v61;
	v60 =	vld [tilespmem:s24+$0x2A10];
	v4 =	vadd.f32 v4, v7  }
0x108: {  	[tilespmem:s24+$0xE610] =	vst v53;
	v63 =	vadd.f32 v55, v8;
	v55 =	vld [tilespmem:s24+$0x2A00]  }
0x109: {  	[tilespmem:s24+$0xE620] =	vst v4;
	v4 =	vadd.f32 v57, v9;
	v61 =	vadd.f32 v62, v10;
	v62 =	vld [tilespmem:s24+$0x2A20]  }
0x10a: {  	[tilespmem:s24+$0xE630] =	vst v63;
	v63 =	vld [tilespmem:s24+$0x2A30]  }
0x10b: {  	[tilespmem:s24+$0xE640] =	vst v4;
	v4 =	vadd.f32 v56, v11;
	v59 =	vadd.f32 v54, v12;
	v54 =	vld [tilespmem:s24+$0x2A40]  }
0x10c: {  	v60 =	vadd.f32 v60, v14;
	[tilespmem:s24+$0xE650] =	vst v61;
	v61 =	vld [tilespmem:s24+$0x2A70]  }
0x10d: {  	[tilespmem:s24+$0xE660] =	vst v4;
	v4 =	vadd.f32 v55, v13;
	v55 =	vld [tilespmem:s24+$0x2A50]  }
0x10e: {  	v57 =	vld [tilespmem:s24+$0x2A60];
	[tilespmem:s24+$0xEA10] =	vst v60  }
0x10f: {  	[tilespmem:s24+$0xEA00] =	vst v4;
	v4 =	vadd.f32 v62, v15  }
0x110: {  	[tilespmem:s24+$0xE670] =	vst v59;
	v62 =	vadd.f32 v63, v16;
	v63 =	vld [tilespmem:s24+$0x2E00]  }
0x111: {  	[tilespmem:s24+$0xEA20] =	vst v4;
	v4 =	vadd.f32 v54, v17;
	v54 =	vld [tilespmem:s24+$0x2E10]  }
0x112: {  	[tilespmem:s24+$0xEA30] =	vst v62;
	v61 =	vadd.f32 v61, v20;
	v60 =	vadd.f32 v55, v18;
	v55 =	vld [tilespmem:s24+$0x2E20]  }
0x113: {  	[tilespmem:s24+$0xEA40] =	vst v4;
	v4 =	vadd.f32 v57, v19;
	v57 =	vld [tilespmem:s24+$0x2E30]  }
0x114: {  	v62 =	vld [tilespmem:s24+$0x2E40];
	[tilespmem:s24+$0xEA70] =	vst v61  }
0x115: {  	[tilespmem:s24+$0xEA60] =	vst v4;
	v4 =	vadd.f32 v63, v21;
	v63 =	vld [tilespmem:s24+$0x2E50]  }
0x116: {  	[tilespmem:s24+$0xEA50] =	vst v60;
	v60 =	vadd.f32 v54, v22;
	v54 =	vld [tilespmem:s24+$0x2E60]  }
0x117: {  	[tilespmem:s24+$0xEE00] =	vst v4;
	v4 =	vadd.f32 v55, v23;
	v55 =	vld [tilespmem:s24+$0x2E70]  }
0x118: {  	[tilespmem:s24+$0xEE10] =	vst v60;
	v61 =	vadd.f32 v57, v24;
	v57 =	vld [tilespmem:s24+$0x3200]  }
0x119: {  	[tilespmem:s24+$0xEE20] =	vst v4;
	v4 =	vadd.f32 v62, v25;
	v62 =	vld [tilespmem:s24+$0x3210]  }
0x11a: {  	v60 =	vld [tilespmem:s24+$0x3220];
	[tilespmem:s24+$0xEE30] =	vst v61;
	v63 =	vadd.f32 v63, v26  }
0x11b: {  	[tilespmem:s24+$0xEE40] =	vst v4;
	v4 =	vadd.f32 v54, v27;
	v54 =	vld [tilespmem:s24+$0x3230]  }
0x11c: {  	[tilespmem:s24+$0xEE50] =	vst v63;
	v61 =	vadd.f32 v55, v28;
	v55 =	vld [tilespmem:s24+$0x3240]  }
0x11d: {  	[tilespmem:s24+$0xEE60] =	vst v4;
	v4 =	vadd.f32 v57, v29;
	v57 =	vld [tilespmem:s24+$0x3250]  }
0x11e: {  	v63 =	vld [tilespmem:s24+$0x3260];
	[tilespmem:s24+$0xEE70] =	vst v61;
	v62 =	vadd.f32 v62, v30  }
0x11f: {  	[tilespmem:s24+$0xF200] =	vst v4;
	v4 =	vadd.f32 v60, v31;
	v60 =	vld [tilespmem:s24+$0x3270]  }
0x120: {  	[tilespmem:s24+$0xF210] =	vst v62;
	v61 =	vadd.f32 v54, v32;
	v54 =	vld [tilespmem:s24+$0x3600]  }
0x121: {  	[tilespmem:s24+$0xF220] =	vst v4;
	v4 =	vadd.f32 v55, v33;
	v55 =	vld [tilespmem:s24+$0x3610]  }
0x122: {  	[tilespmem:s24+$0xF230] =	vst v61;
	v62 =	vadd.f32 v57, v34;
	v57 =	vld [tilespmem:s24+$0x3620]  }
0x123: {  	[tilespmem:s24+$0xF240] =	vst v4;
	v4 =	vadd.f32 v63, v35;
	v63 =	vld [tilespmem:s24+$0x3630]  }
0x124: {  	v61 =	vld [tilespmem:s24+$0x3640];
	[tilespmem:s24+$0xF250] =	vst v62;
	v60 =	vadd.f32 v60, v36  }
0x125: {  	[tilespmem:s24+$0xF260] =	vst v4;
	v4 =	vadd.f32 v54, v37;
	v54 =	vld [tilespmem:s24+$0x3650]  }
0x126: {  	[tilespmem:s24+$0xF270] =	vst v60;
	v62 =	vadd.f32 v55, v38;
	v55 =	vld [tilespmem:s24+$0x3660]  }
0x127: {  	[tilespmem:s24+$0xF600] =	vst v4;
	v4 =	vadd.f32 v57, v39;
	v57 =	vld [tilespmem:s24+$0x3670]  }
0x128: {  	v60 =	vld [tilespmem:s24+$0x3A00];
	[tilespmem:s24+$0xF610] =	vst v62;
	v63 =	vadd.f32 v63, v40  }
0x129: {  	[tilespmem:s24+$0xF620] =	vst v4;
	v4 =	vadd.f32 v61, v41;
	v61 =	vld [tilespmem:s24+$0x3A10]  }
0x12a: {  	[tilespmem:s24+$0xF630] =	vst v63;
	v62 =	vadd.f32 v54, v42;
	v54 =	vld [tilespmem:s24+$0x3A20]  }
0x12b: {  	[tilespmem:s24+$0xF640] =	vst v4;
	v4 =	vadd.f32 v55, v43;
	v55 =	vld [tilespmem:s24+$0x3A30]  }
0x12c: {  	[tilespmem:s24+$0xF650] =	vst v62;
	v63 =	vadd.f32 v57, v44;
	v57 =	vld [tilespmem:s24+$0x3A40]  }
0x12d: {  	[tilespmem:s24+$0xF660] =	vst v4;
	v4 =	vadd.f32 v60, v45;
	v60 =	vld [tilespmem:s24+$0x3A50]  }
0x12e: {  	v62 =	vld [tilespmem:s24+$0x3A60];
	[tilespmem:s24+$0xF670] =	vst v63;
	v61 =	vadd.f32 v61, v46  }
0x12f: {  	[tilespmem:s24+$0xFA00] =	vst v4;
	v4 =	vadd.f32 v54, v47  }
0x130: {  	[tilespmem:s24+$0xFA10] =	vst v61;
	v63 =	vadd.f32 v55, v48  }
0x131: {  	[tilespmem:s24+$0xFA20] =	vst v4;
	v4 =	vadd.f32 v57, v49  }
0x132: {  	[tilespmem:s24+$0xFA30] =	vst v63;
	v58 =	vadd.f32 v60, v50  }
0x133: {  	[tilespmem:s24+$0xFA40] =	vst v4;
	v4 =	vadd.f32 v62, v51  }
0x134: {  	s22 =	smin.u32 s22, $0x7C;
	[tilespmem:s24+$0xFA50] =	vst v58  }
0x135: {  	s22 =	sshll.u32 s22, $0x5;
	[tilespmem:s24+$0xFA60] =	vst v4  }
0x136: {  	v4 =	vld [tilespmem:s22+$0x40];
	_ =	sdelay $0x4  }
0x137: {  	v59 =	vshrl.u32 v4, $0x3  }
0x138: {  	v53 =	vmul.u32 $0x30, v59  }
0x139: {  	v4 =	vand.u32 $0x7, v4  }
0x13a: {  	v4 =	vor.u32 v4, v53  }
0x13b: {  	v53 =	vperm.xlane v4, v1;
	_ =	sdelay $0x1  }
0x13c: {  	v53 =	vadd.s32 v2, v53;
	_ =	sdelay $0x3  }
0x13d: {  	s24 =	simm.s32 $0x2600;
	v4 =	vperm.xlane v4, v3  }
0x13e: {  	[tilespmem:s24], [sflag:$0x1] =	stream.indirect_vreg.gather [hbm4b:s1+s4], $0x80, v53, vm0, $0xb8;
	[tilespmem:$0x1A600] =	vst v63  }
0x13f: {  	s25 =	simm.s32 $0x2E00;
	v4 =	vadd.s32 v2, v4  }
0x140: {  	[tilespmem:s25], [sflag:$0x1] =	stream.indirect_vreg.gather [hbm4b:s8+s4], $0x80, v53, vm0, $0xb8;
	[tilespmem:$0x1A600] =	vst v63  }
0x141: {  	s26 =	simm.s32 $0x3600  }
0x142: {  	[tilespmem:s26], [sflag:$0x1] =	stream.indirect_vreg.gather [hbm4b:s9+s4], $0x80, v53, vm0, $0xb8;
	[tilespmem:$0x1A600] =	vst v63  }
0x143: {  	s29 =	simm.s32 $0x3E00  }
0x144: {  	[tilespmem:s29], [sflag:$0x1] =	stream.indirect_vreg.gather [hbm4b:s1+s4], $0x80, v4, vm0, $0xb8;
	[tilespmem:$0x1A600] =	vst v63  }
0x145: {  	s24 =	simm.s32 $0x4600  }
0x146: {  	[tilespmem:s24], [sflag:$0x1] =	stream.indirect_vreg.gather [hbm4b:s8+s4], $0x80, v4, vm0, $0xb8;
	[tilespmem:$0x1A600] =	vst v63  }
0x147: {  	s25 =	simm.s32 $0x4E00  }
0x148: {  	[tilespmem:s25], [sflag:$0x1] =	stream.indirect_vreg.gather [hbm4b:s9+s4], $0x80, v4, vm0, $0xb8;
	[tilespmem:$0x1A600] =	vst v63  }
0x149: {  	v4 =	vld [tilespmem:s22+$0x50];
	_ =	sdelay $0x4  }
0x14a: {  	v60 =	vshrl.u32 v4, $0x3  }
0x14b: {  	v53 =	vmul.u32 $0x30, v60  }
0x14c: {  	v4 =	vand.u32 $0x7, v4  }
0x14d: {  	v53 =	vor.u32 v4, v53  }
0x14e: {  	v4 =	vperm.xlane v53, v1;
	_ =	sdelay $0x1  }
0x14f: {  	v61 =	vadd.s32 v2, v4;
	_ =	sdelay $0x2  }
0x150: {  	s26 =	sshll.u32 s21, $0xC;
	v4 =	vmul.u32 $0x40, v0  }
0x151: {  	s23 =	sor.u32 s30, s26;
	s29 =	simm.s32 $0x5600;
	v53 =	vperm.xlane v53, v3  }
0x152: {  	v62 =	vor.u32 s23, v4;
	[tilespmem:s29], [sflag:$0x1] =	stream.indirect_vreg.gather [hbm4b:s1+s4], $0x80, v61, vm0, $0xb8;
	[tilespmem:$0x1A600] =	vst v63  }
0x153: {  	s25 =	simm.s32 $0x5E00;
	v53 =	vadd.s32 v2, v53;
	v55 =	vshrl.u32 v62, $0x3  }
0x154: {  	v63 =	vmov s23;
	v55 =	vmul.u32 $0x30, v55;
	[tilespmem:s25], [sflag:$0x1] =	stream.indirect_vreg.gather [hbm4b:s8+s4], $0x80, v61, vm0, $0xb8;
	[tilespmem:$0x1A600] =	vst v63  }
0x155: {  	s26 =	simm.s32 $0x6600;
	v56 =	vand.u32 $0x6, v63  }
0x156: {  	v60 =	vor.u32 v56, v55;
	[tilespmem:s26], [sflag:$0x1] =	stream.indirect_vreg.gather [hbm4b:s9+s4], $0x80, v61, vm0, $0xb8;
	[tilespmem:$0x1A600] =	vst v63  }
0x157: {  	s29 =	simm.s32 $0x6E00;
	v55 =	vperm.xlane v60, v1  }
0x158: {  	[tilespmem:s29], [sflag:$0x1] =	stream.indirect_vreg.gather [hbm4b:s1+s4], $0x80, v53, vm0, $0xb8;
	[tilespmem:$0x1A600] =	vst v63  }
0x159: {  	s25 =	simm.s32 $0x7600;
	v55 =	vadd.s32 v2, v55  }
0x15a: {  	[tilespmem:s25], [sflag:$0x1] =	stream.indirect_vreg.gather [hbm4b:s8+s4], $0x80, v53, vm0, $0xb8;
	[tilespmem:$0x1A600] =	vst v63  }
0x15b: {  	_ = 	snop  }
0x15c: {  	[tilespmem:s31], [sflag:$0x1] =	stream.indirect_vreg.gather [hbm4b:s9+s4], $0x80, v53, vm0, $0xb8;
	[tilespmem:$0x1A600] =	vst v63  }
0x15d: {  	s24 =	sor.u32 $0x400, s23;
	v61 =	vperm.xlane v60, v3;
	s26 =	simm.s32 $0xE600  }
0x15e: {  	v62 =	vor.u32 s24, v4;
	[hbm4b:s3+s4] =	stream.indirect_vreg.scatter [tilespmem:s26], [sflag:$0x3], $0x80, v55, vm0, $0xb8;
	[tilespmem:$0x1A600] =	vst v63  }
0x15f: {  	v54 =	vshrl.u32 v62, $0x3;
	s29 =	simm.s32 $0xEE00;
	v53 =	vadd.s32 v2, v61  }
0x160: {  	v63 =	vmov s24;
	v54 =	vmul.u32 $0x30, v54;
	[hbm4b:s10+s4] =	stream.indirect_vreg.scatter [tilespmem:s29], [sflag:$0x3], $0x80, v55, vm0, $0xb8;
	[tilespmem:$0x1A600] =	vst v63  }
0x161: {  	v56 =	vand.u32 $0x6, v63;
	s26 =	simm.s32 $0xF600  }
0x162: {  	v54 =	vor.u32 v56, v54;
	[hbm4b:s11+s4] =	stream.indirect_vreg.scatter [tilespmem:s26], [sflag:$0x3], $0x80, v55, vm0, $0xb8;
	[tilespmem:$0x1A600] =	vst v63  }
0x163: {  	v58 =	vperm.xlane v54, v1;
	s29 =	simm.s32 $0xFE00  }
0x164: {  	[hbm4b:s3+s4] =	stream.indirect_vreg.scatter [tilespmem:s29], [sflag:$0x3], $0x80, v53, vm0, $0xb8;
	[tilespmem:$0x1A600] =	vst v63  }
0x165: {  	s25 =	simm.s32 $0x10600;
	v55 =	vadd.s32 v2, v58  }
0x166: {  	[hbm4b:s10+s4] =	stream.indirect_vreg.scatter [tilespmem:s25], [sflag:$0x3], $0x80, v53, vm0, $0xb8;
	[tilespmem:$0x1A600] =	vst v63  }
0x167: {  	s26 =	simm.s32 $0x10E00  }
0x168: {  	[hbm4b:s11+s4] =	stream.indirect_vreg.scatter [tilespmem:s26], [sflag:$0x3], $0x80, v53, vm0, $0xb8;
	[tilespmem:$0x1A600] =	vst v63  }
0x169: {  	v59 =	vperm.xlane v54, v3;
	s29 =	simm.s32 $0x11600  }
0x16a: {  	[hbm4b:s3+s4] =	stream.indirect_vreg.scatter [tilespmem:s29], [sflag:$0x3], $0x80, v55, vm0, $0xb8;
	[tilespmem:$0x1A600] =	vst v63  }
0x16b: {  	s25 =	simm.s32 $0x11E00;
	v53 =	vadd.s32 v2, v59  }
0x16c: {  	[hbm4b:s10+s4] =	stream.indirect_vreg.scatter [tilespmem:s25], [sflag:$0x3], $0x80, v55, vm0, $0xb8;
	[tilespmem:$0x1A600] =	vst v63  }
0x16d: {  	s26 =	simm.s32 $0x12600  }
0x16e: {  	[hbm4b:s11+s4] =	stream.indirect_vreg.scatter [tilespmem:s26], [sflag:$0x3], $0x80, v55, vm0, $0xb8;
	[tilespmem:$0x1A600] =	vst v63  }
0x16f: {  	s29 =	simm.s32 $0x12E00  }
0x170: {  	[hbm4b:s3+s4] =	stream.indirect_vreg.scatter [tilespmem:s29], [sflag:$0x3], $0x80, v53, vm0, $0xb8;
	[tilespmem:$0x1A600] =	vst v63  }
0x171: {  	s25 =	simm.s32 $0x13600  }
0x172: {  	[hbm4b:s10+s4] =	stream.indirect_vreg.scatter [tilespmem:s25], [sflag:$0x3], $0x80, v53, vm0, $0xb8;
	[tilespmem:$0x1A600] =	vst v63  }
0x173: {  	s26 =	simm.s32 $0x13E00  }
0x174: {  	[hbm4b:s11+s4] =	stream.indirect_vreg.scatter [tilespmem:s26], [sflag:$0x3], $0x80, v53, vm0, $0xb8;
	[tilespmem:$0x1A600] =	vst v63  }
0x175: {  	_ =	swait.ge [sflag:s20], $0x6000  }
0x176: {  	[sflag:s20] =	ssyncset.done $0x0  }
0x177: {  	s24 =	simm.s32 @!p0 $0x4;
	[sflag:s20] =	ssyncadd.s32 $0xFFFFA000  }
0x178: {  	_ =	swait.ge @!p0 [sflag:s24], $0x3000  }
0x179: {  	[sflag:s24] =	ssyncset.done @!p0 $0x0  }
0x17a: {  	s29 =	simm.s32 $0x0;
	[sflag:s24] =	ssyncadd.s32 @!p0 $0xFFFFD000  }
0x17b: {  	s25 =	simm.s32 $0x0;
	s26 =	smul.u32 $0x1800, s29;
	_ =	swait.ge @!p0 [sflag:s24], $0x3000  }
0x17c: {  	s28 =	sand.u32 $0x380, s25;
	[sflag:s24] =	ssyncset.done @!p0 $0x0  }
0x17d: {  	[sflag:s24] =	ssyncadd.s32 @!p0 $0xFFFFD000;
	s24 =	sor.u32 s28, s26  }
0x17e: {  	v60 =	vld [tilespmem:s24+$0x9A70]  }
0x17f: {  	v61 =	vld [tilespmem:s24+$0x8600]  }
0x180: {  	v55 =	vld [tilespmem:s24+$0x8610]  }
0x181: {  	v56 =	vld [tilespmem:s24+$0x8620]  }
0x182: {  	v57 =	vld [tilespmem:s24+$0x8630]  }
0x183: {  	v58 =	vld [tilespmem:s24+$0x8640]  }
0x184: {  	v59 =	vld [tilespmem:s24+$0x8650];
	v53 =	vadd.f32 v60, v52  }
0x185: {  	v54 =	vadd.f32 v61, v5;
	v60 =	vld [tilespmem:s24+$0x8660]  }
0x186: {  	v62 =	vadd.f32 v55, v6;
	v55 =	vld [tilespmem:s24+$0x8A10];
	[tilespmem:s24+$0x15A70] =	vst v53  }
0x187: {  	v63 =	vadd.f32 v56, v7;
	v56 =	vld [tilespmem:s24+$0x8A20];
	[tilespmem:s24+$0x14600] =	vst v54  }
0x188: {  	v61 =	vadd.f32 v57, v8;
	v57 =	vld [tilespmem:s24+$0x8A30];
	[tilespmem:s24+$0x14610] =	vst v62  }
0x189: {  	v54 =	vld [tilespmem:s24+$0x8670];
	[tilespmem:s24+$0x14620] =	vst v63;
	v62 =	vadd.f32 v58, v9  }
0x18a: {  	v53 =	vld [tilespmem:s24+$0x8A00];
	[tilespmem:s24+$0x14630] =	vst v61;
	v63 =	vadd.f32 v59, v10  }
0x18b: {  	v61 =	vld [tilespmem:s24+$0x8A40];
	[tilespmem:s24+$0x14640] =	vst v62;
	v60 =	vadd.f32 v60, v11  }
0x18c: {  	[tilespmem:s24+$0x14650] =	vst v63;
	v55 =	vadd.f32 v55, v14  }
0x18d: {  	v62 =	vld [tilespmem:s24+$0x8A50];
	v56 =	vadd.f32 v56, v15;
	[tilespmem:s24+$0x14660] =	vst v60  }
0x18e: {  	v63 =	vld [tilespmem:s24+$0x8E00];
	v57 =	vadd.f32 v57, v16;
	[tilespmem:s24+$0x14A10] =	vst v55  }
0x18f: {  	v54 =	vadd.f32 v54, v12;
	[tilespmem:s24+$0x14A20] =	vst v56;
	v60 =	vld [tilespmem:s24+$0x8E10]  }
0x190: {  	v53 =	vadd.f32 v53, v13;
	v58 =	vadd.f32 v61, v17;
	[tilespmem:s24+$0x14A30] =	vst v57;
	v61 =	vld [tilespmem:s24+$0x8E20]  }
0x191: {  	[tilespmem:s24+$0x14670] =	vst v54;
	v54 =	vld [tilespmem:s24+$0x8A60]  }
0x192: {  	[tilespmem:s24+$0x14A00] =	vst v53;
	v53 =	vld [tilespmem:s24+$0x8A70];
	v59 =	vadd.f32 v62, v18  }
0x193: {  	[tilespmem:s24+$0x14A40] =	vst v58;
	v62 =	vld [tilespmem:s24+$0x8E30];
	v55 =	vadd.f32 v63, v21  }
0x194: {  	[tilespmem:s24+$0x14A50] =	vst v59;
	v59 =	vld [tilespmem:s24+$0x8E40];
	v56 =	vadd.f32 v60, v22  }
0x195: {  	v63 =	vld [tilespmem:s24+$0x8E60];
	[tilespmem:s24+$0x14E00] =	vst v55;
	v57 =	vadd.f32 v61, v23  }
0x196: {  	v60 =	vld [tilespmem:s24+$0x8E70];
	v54 =	vadd.f32 v54, v19;
	[tilespmem:s24+$0x14E10] =	vst v56  }
0x197: {  	v61 =	vld [tilespmem:s24+$0x9200];
	v53 =	vadd.f32 v53, v20;
	[tilespmem:s24+$0x14E20] =	vst v57  }
0x198: {  	v58 =	vadd.f32 v62, v24;
	v62 =	vld [tilespmem:s24+$0x9210];
	[tilespmem:s24+$0x14A60] =	vst v54  }
0x199: {  	v54 =	vld [tilespmem:s24+$0x8E50];
	[tilespmem:s24+$0x14A70] =	vst v53;
	v59 =	vadd.f32 v59, v25  }
0x19a: {  	[tilespmem:s24+$0x14E30] =	vst v58;
	v58 =	vld [tilespmem:s24+$0x9220];
	v53 =	vadd.f32 v63, v27  }
0x19b: {  	v55 =	vadd.f32 v60, v28;
	v60 =	vld [tilespmem:s24+$0x9250];
	[tilespmem:s24+$0x14E40] =	vst v59  }
0x19c: {  	v56 =	vadd.f32 v61, v29;
	v59 =	vld [tilespmem:s24+$0x9230];
	[tilespmem:s24+$0x14E60] =	vst v53  }
0x19d: {  	v63 =	vld [tilespmem:s24+$0x9240];
	[tilespmem:s24+$0x14E70] =	vst v55;
	v57 =	vadd.f32 v62, v30  }
0x19e: {  	v61 =	vld [tilespmem:s24+$0x9260];
	[tilespmem:s24+$0x15200] =	vst v56;
	v54 =	vadd.f32 v54, v26  }
0x19f: {  	v62 =	vld [tilespmem:s24+$0x9270];
	v58 =	vadd.f32 v58, v31;
	[tilespmem:s24+$0x15210] =	vst v57  }
0x1a0: {  	v57 =	vld [tilespmem:s24+$0x9600];
	v53 =	vadd.f32 v60, v34;
	[tilespmem:s24+$0x14E50] =	vst v54  }
0x1a1: {  	v59 =	vadd.f32 v59, v32;
	[tilespmem:s24+$0x15220] =	vst v58;
	v58 =	vld [tilespmem:s24+$0x9610]  }
0x1a2: {  	v54 =	vadd.f32 v63, v33;
	[tilespmem:s24+$0x15250] =	vst v53;
	v53 =	vld [tilespmem:s24+$0x9640]  }
0x1a3: {  	v55 =	vadd.f32 v61, v35;
	[tilespmem:s24+$0x15230] =	vst v59;
	v59 =	vld [tilespmem:s24+$0x9620]  }
0x1a4: {  	v56 =	vadd.f32 v62, v36;
	[tilespmem:s24+$0x15240] =	vst v54;
	v54 =	vld [tilespmem:s24+$0x9630]  }
0x1a5: {  	v60 =	vld [tilespmem:s24+$0x9650];
	[tilespmem:s24+$0x15260] =	vst v55;
	v63 =	vadd.f32 v57, v37  }
0x1a6: {  	v61 =	vld [tilespmem:s24+$0x9660];
	[tilespmem:s24+$0x15270] =	vst v56;
	v58 =	vadd.f32 v58, v38  }
0x1a7: {  	v57 =	vld [tilespmem:s24+$0x9670];
	[tilespmem:s24+$0x15600] =	vst v63;
	v63 =	vadd.f32 v53, v41  }
0x1a8: {  	v55 =	vld [tilespmem:s24+$0x9A00];
	v59 =	vadd.f32 v59, v39;
	[tilespmem:s24+$0x15610] =	vst v58  }
0x1a9: {  	v62 =	vadd.f32 v54, v40;
	v54 =	vld [tilespmem:s24+$0x9A10];
	[tilespmem:s24+$0x15640] =	vst v63  }
0x1aa: {  	v53 =	vld [tilespmem:s24+$0x9A20];
	v58 =	vadd.f32 v60, v42;
	[tilespmem:s24+$0x15620] =	vst v59  }
0x1ab: {  	s28 =	simm.s32 $0x0;
	s26 =	simm.s32 $0x2;
	v56 =	vld [tilespmem:s24+$0x9A30];
	[tilespmem:s24+$0x15630] =	vst v62;
	v59 =	vadd.f32 v61, v43  }
.LBB2_5:
0x1ac: {  	p0 =	sne.s32 s26, $0x1F;
	s28 =	smul.u32 $0x1800, s28;
	[tilespmem:s24+$0x15650] =	vst v58;
	v57 =	vadd.f32 v57, v44;
	v58 =	vld [tilespmem:s24+$0x9A40];
	s25 =	sadd.s32 $0x80, s25  }
0x1ad: {  	s29 =	sand.u32 $0x380, s25;
	[tilespmem:s24+$0x15660] =	vst v59;
	v55 =	vadd.f32 v55, v45;
	v59 =	vld [tilespmem:s24+$0x9A50]  }
0x1ae: {  	s28 =	sor.u32 s29, s28;
	[tilespmem:s24+$0x15670] =	vst v57;
	v54 =	vadd.f32 v54, v46;
	v57 =	vld [tilespmem:s24+$0x9A60]  }
0x1af: {  	v60 =	vld [tilespmem:s28+$0x9A70];
	[tilespmem:s24+$0x15A00] =	vst v55;
	v53 =	vadd.f32 v53, v47  }
0x1b0: {  	v55 =	vld [tilespmem:s28+$0x8600];
	[tilespmem:s24+$0x15A10] =	vst v54;
	v54 =	vadd.f32 v56, v48  }
0x1b1: {  	v56 =	vld [tilespmem:s28+$0x8610];
	[tilespmem:s24+$0x15A20] =	vst v53;
	v53 =	vadd.f32 v58, v49  }
0x1b2: {  	v58 =	vld [tilespmem:s28+$0x8620];
	[tilespmem:s24+$0x15A30] =	vst v54;
	v54 =	vadd.f32 v59, v50  }
0x1b3: {  	v59 =	vld [tilespmem:s28+$0x8630];
	[tilespmem:s24+$0x15A40] =	vst v53;
	v53 =	vadd.f32 v57, v51  }
0x1b4: {  	v57 =	vld [tilespmem:s28+$0x8640];
	v60 =	vadd.f32 v60, v52;
	[tilespmem:s24+$0x15A50] =	vst v54  }
0x1b5: {  	v54 =	vadd.f32 v55, v5;
	v55 =	vld [tilespmem:s28+$0x8650];
	[tilespmem:s24+$0x15A60] =	vst v53;
	s24 =	smov.u32 s28  }
0x1b6: {  	v53 =	vadd.f32 v56, v6;
	v56 =	vld [tilespmem:s24+$0x8660];
	[tilespmem:s24+$0x15A70] =	vst v60  }
0x1b7: {  	[tilespmem:s24+$0x14600] =	vst v54;
	v54 =	vadd.f32 v58, v7;
	v58 =	vld [tilespmem:s24+$0x8670]  }
0x1b8: {  	[tilespmem:s24+$0x14610] =	vst v53;
	v53 =	vadd.f32 v59, v8;
	v59 =	vld [tilespmem:s24+$0x8A00]  }
0x1b9: {  	[tilespmem:s24+$0x14620] =	vst v54;
	v54 =	vadd.f32 v57, v9;
	v57 =	vld [tilespmem:s24+$0x8A10]  }
0x1ba: {  	[tilespmem:s24+$0x14630] =	vst v53;
	v53 =	vadd.f32 v55, v10;
	v55 =	vld [tilespmem:s24+$0x8A20]  }
0x1bb: {  	[tilespmem:s24+$0x14640] =	vst v54;
	v54 =	vadd.f32 v56, v11;
	v56 =	vld [tilespmem:s24+$0x8A30]  }
0x1bc: {  	[tilespmem:s24+$0x14650] =	vst v53;
	v53 =	vadd.f32 v58, v12;
	v58 =	vld [tilespmem:s24+$0x8A40]  }
0x1bd: {  	[tilespmem:s24+$0x14660] =	vst v54;
	v54 =	vadd.f32 v59, v13;
	v59 =	vld [tilespmem:s24+$0x8A50]  }
0x1be: {  	[tilespmem:s24+$0x14670] =	vst v53;
	v53 =	vadd.f32 v57, v14;
	v57 =	vld [tilespmem:s24+$0x8A60]  }
0x1bf: {  	[tilespmem:s24+$0x14A00] =	vst v54;
	v54 =	vadd.f32 v55, v15;
	v55 =	vld [tilespmem:s24+$0x8A70]  }
0x1c0: {  	[tilespmem:s24+$0x14A10] =	vst v53;
	v53 =	vadd.f32 v56, v16;
	v56 =	vld [tilespmem:s24+$0x8E00]  }
0x1c1: {  	[tilespmem:s24+$0x14A20] =	vst v54;
	v54 =	vadd.f32 v58, v17;
	v58 =	vld [tilespmem:s24+$0x8E10]  }
0x1c2: {  	[tilespmem:s24+$0x14A30] =	vst v53;
	v53 =	vadd.f32 v59, v18;
	v59 =	vld [tilespmem:s24+$0x8E20]  }
0x1c3: {  	[tilespmem:s24+$0x14A40] =	vst v54;
	v54 =	vadd.f32 v57, v19;
	v57 =	vld [tilespmem:s24+$0x8E30]  }
0x1c4: {  	[tilespmem:s24+$0x14A50] =	vst v53;
	v53 =	vadd.f32 v55, v20;
	v55 =	vld [tilespmem:s24+$0x8E40]  }
0x1c5: {  	[tilespmem:s24+$0x14A60] =	vst v54;
	v54 =	vadd.f32 v56, v21;
	v56 =	vld [tilespmem:s24+$0x8E50]  }
0x1c6: {  	[tilespmem:s24+$0x14A70] =	vst v53;
	v53 =	vadd.f32 v58, v22;
	v58 =	vld [tilespmem:s24+$0x8E60]  }
0x1c7: {  	[tilespmem:s24+$0x14E00] =	vst v54;
	v54 =	vadd.f32 v59, v23;
	v59 =	vld [tilespmem:s24+$0x8E70]  }
0x1c8: {  	[tilespmem:s24+$0x14E10] =	vst v53;
	v53 =	vadd.f32 v57, v24;
	v57 =	vld [tilespmem:s24+$0x9200]  }
0x1c9: {  	[tilespmem:s24+$0x14E20] =	vst v54;
	v54 =	vadd.f32 v55, v25;
	v55 =	vld [tilespmem:s24+$0x9210]  }
0x1ca: {  	[tilespmem:s24+$0x14E30] =	vst v53;
	v53 =	vadd.f32 v56, v26;
	v56 =	vld [tilespmem:s24+$0x9220]  }
0x1cb: {  	[tilespmem:s24+$0x14E40] =	vst v54;
	v54 =	vadd.f32 v58, v27;
	v58 =	vld [tilespmem:s24+$0x9230]  }
0x1cc: {  	[tilespmem:s24+$0x14E50] =	vst v53;
	v53 =	vadd.f32 v59, v28;
	v59 =	vld [tilespmem:s24+$0x9240]  }
0x1cd: {  	[tilespmem:s24+$0x14E60] =	vst v54;
	v54 =	vadd.f32 v57, v29;
	v57 =	vld [tilespmem:s24+$0x9250]  }
0x1ce: {  	[tilespmem:s24+$0x14E70] =	vst v53;
	v53 =	vadd.f32 v55, v30;
	v55 =	vld [tilespmem:s24+$0x9260]  }
0x1cf: {  	[tilespmem:s24+$0x15200] =	vst v54;
	v54 =	vadd.f32 v56, v31;
	v56 =	vld [tilespmem:s24+$0x9270]  }
0x1d0: {  	[tilespmem:s24+$0x15210] =	vst v53;
	v53 =	vadd.f32 v58, v32;
	v58 =	vld [tilespmem:s24+$0x9600]  }
0x1d1: {  	[tilespmem:s24+$0x15220] =	vst v54;
	v54 =	vadd.f32 v59, v33;
	v59 =	vld [tilespmem:s24+$0x9610]  }
0x1d2: {  	[tilespmem:s24+$0x15230] =	vst v53;
	v53 =	vadd.f32 v57, v34;
	v57 =	vld [tilespmem:s24+$0x9620]  }
0x1d3: {  	[tilespmem:s24+$0x15240] =	vst v54;
	v54 =	vadd.f32 v55, v35;
	v55 =	vld [tilespmem:s24+$0x9630]  }
0x1d4: {  	[tilespmem:s24+$0x15250] =	vst v53;
	v53 =	vadd.f32 v56, v36;
	v56 =	vld [tilespmem:s24+$0x9640]  }
0x1d5: {  	[tilespmem:s24+$0x15260] =	vst v54;
	v54 =	vadd.f32 v58, v37;
	v58 =	vld [tilespmem:s24+$0x9650]  }
0x1d6: {  	[tilespmem:s24+$0x15270] =	vst v53;
	v53 =	vadd.f32 v59, v38;
	v59 =	vld [tilespmem:s24+$0x9660]  }
.Ltmp1:
0x1d7: {  	[tilespmem:s24+$0x15600] =	vst v54;
	v54 =	vadd.f32 v57, v39;
	v57 =	vld [tilespmem:s24+$0x9670];
	(pc) =	sbr.rel @p0 .LBB2_5-.Ltmp1, $4  }
0x1d8: {  	[tilespmem:s24+$0x15610] =	vst v53;
	v53 =	vadd.f32 v55, v40;
	v55 =	vld [tilespmem:s24+$0x9A00]  }
0x1d9: {  	[tilespmem:s24+$0x15620] =	vst v54;
	v56 =	vadd.f32 v56, v41;
	v54 =	vld [tilespmem:s24+$0x9A10]  }
0x1da: {  	[tilespmem:s24+$0x15630] =	vst v53;
	v58 =	vadd.f32 v58, v42;
	v53 =	vld [tilespmem:s24+$0x9A20]  }
0x1db: {  	s28 =	sshrl.u32 s26, $0x3;
	s26 =	sadd.s32 $0x1, s26;
	[tilespmem:s24+$0x15640] =	vst v56;
	v59 =	vadd.f32 v59, v43;
	v56 =	vld [tilespmem:s24+$0x9A30]  }
0x1dc: {  	[tilespmem:s24+$0x15650] =	vst v58;
	v58 =	vld [tilespmem:s24+$0x9A40];
	v57 =	vadd.f32 v57, v44;
	s26 =	smul.u32 $0x1800, s28;
	s25 =	sadd.s32 $0x80, s25  }
0x1dd: {  	[tilespmem:s24+$0x15660] =	vst v59;
	v59 =	vld [tilespmem:s24+$0x9A50];
	s25 =	sand.u32 $0x380, s25;
	v55 =	vadd.f32 v55, v45  }
0x1de: {  	[tilespmem:s24+$0x15670] =	vst v57;
	s25 =	sor.u32 s25, s26;
	v57 =	vld [tilespmem:s24+$0x9A60];
	v54 =	vadd.f32 v54, v46  }
0x1df: {  	v60 =	vld [tilespmem:s25+$0x9A70];
	[tilespmem:s24+$0x15A00] =	vst v55;
	v53 =	vadd.f32 v53, v47  }
0x1e0: {  	v55 =	vld [tilespmem:s25+$0x8600];
	[tilespmem:s24+$0x15A10] =	vst v54;
	v56 =	vadd.f32 v56, v48  }
0x1e1: {  	v54 =	vld [tilespmem:s25+$0x8610];
	[tilespmem:s24+$0x15A20] =	vst v53;
	v58 =	vadd.f32 v58, v49  }
0x1e2: {  	v53 =	vld [tilespmem:s25+$0x8620];
	[tilespmem:s24+$0x15A30] =	vst v56;
	v59 =	vadd.f32 v59, v50  }
0x1e3: {  	v56 =	vld [tilespmem:s25+$0x8630];
	[tilespmem:s24+$0x15A40] =	vst v58;
	v57 =	vadd.f32 v57, v51  }
0x1e4: {  	v58 =	vld [tilespmem:s25+$0x8640];
	[tilespmem:s24+$0x15A50] =	vst v59  }
0x1e5: {  	v59 =	vadd.f32 v60, v52;
	v60 =	vld [tilespmem:s25+$0x8650];
	[tilespmem:s24+$0x15A60] =	vst v57;
	v55 =	vadd.f32 v55, v5  }
0x1e6: {  	v57 =	vld [tilespmem:s25+$0x8660]  }
0x1e7: {  	v54 =	vadd.f32 v54, v6;
	[tilespmem:s25+$0x14600] =	vst v55;
	v55 =	vld [tilespmem:s25+$0x8670]  }
0x1e8: {  	[tilespmem:s25+$0x15A70] =	vst v59;
	v53 =	vadd.f32 v53, v7;
	v61 =	vadd.f32 v56, v8;
	v56 =	vld [tilespmem:s25+$0x8A00]  }
0x1e9: {  	v59 =	vld [tilespmem:s25+$0x8A20];
	[tilespmem:s25+$0x14610] =	vst v54  }
0x1ea: {  	[tilespmem:s25+$0x14620] =	vst v53;
	v62 =	vadd.f32 v58, v9;
	v58 =	vld [tilespmem:s25+$0x8A10]  }
0x1eb: {  	[tilespmem:s25+$0x14630] =	vst v61;
	v63 =	vadd.f32 v60, v10;
	v60 =	vadd.f32 v57, v11;
	v57 =	vld [tilespmem:s25+$0x8A30]  }
0x1ec: {  	[tilespmem:s25+$0x14640] =	vst v62;
	v61 =	vadd.f32 v55, v12;
	v55 =	vld [tilespmem:s25+$0x8A40]  }
0x1ed: {  	[tilespmem:s25+$0x14650] =	vst v63;
	v62 =	vadd.f32 v56, v13;
	v56 =	vld [tilespmem:s25+$0x8A50]  }
0x1ee: {  	[tilespmem:s25+$0x14660] =	vst v60;
	v60 =	vadd.f32 v59, v15;
	v59 =	vld [tilespmem:s25+$0x8A70]  }
0x1ef: {  	[tilespmem:s25+$0x14670] =	vst v61;
	v63 =	vadd.f32 v58, v14;
	v58 =	vld [tilespmem:s25+$0x8A60]  }
0x1f0: {  	[tilespmem:s25+$0x14A00] =	vst v62;
	v61 =	vadd.f32 v57, v16;
	v57 =	vld [tilespmem:s25+$0x8E00]  }
0x1f1: {  	[tilespmem:s25+$0x14A20] =	vst v60;
	v62 =	vadd.f32 v55, v17;
	v55 =	vld [tilespmem:s25+$0x8E10]  }
0x1f2: {  	[tilespmem:s25+$0x14A10] =	vst v63;
	v63 =	vadd.f32 v56, v18;
	v56 =	vld [tilespmem:s25+$0x8E20]  }
0x1f3: {  	[tilespmem:s25+$0x14A30] =	vst v61;
	v61 =	vadd.f32 v59, v20;
	v59 =	vld [tilespmem:s25+$0x8E40]  }
0x1f4: {  	[tilespmem:s25+$0x14A40] =	vst v62;
	v60 =	vadd.f32 v58, v19;
	v58 =	vld [tilespmem:s25+$0x8E30]  }
0x1f5: {  	[tilespmem:s25+$0x14A50] =	vst v63;
	v62 =	vadd.f32 v57, v21;
	v57 =	vld [tilespmem:s25+$0x8E50]  }
0x1f6: {  	[tilespmem:s25+$0x14A70] =	vst v61;
	v63 =	vadd.f32 v55, v22;
	v55 =	vld [tilespmem:s25+$0x8E60]  }
0x1f7: {  	[tilespmem:s25+$0x14A60] =	vst v60;
	v60 =	vadd.f32 v56, v23;
	v56 =	vld [tilespmem:s25+$0x8E70]  }
0x1f8: {  	[tilespmem:s25+$0x14E00] =	vst v62;
	v62 =	vadd.f32 v59, v25;
	v59 =	vld [tilespmem:s25+$0x9210]  }
0x1f9: {  	[tilespmem:s25+$0x14E10] =	vst v63;
	v61 =	vadd.f32 v58, v24;
	v58 =	vld [tilespmem:s25+$0x9200]  }
0x1fa: {  	[tilespmem:s25+$0x14E20] =	vst v60;
	v63 =	vadd.f32 v57, v26;
	v57 =	vld [tilespmem:s25+$0x9220]  }
0x1fb: {  	[tilespmem:s25+$0x14E40] =	vst v62;
	v60 =	vadd.f32 v55, v27;
	v55 =	vld [tilespmem:s25+$0x9230]  }
0x1fc: {  	[tilespmem:s25+$0x14E30] =	vst v61;
	v61 =	vadd.f32 v56, v28;
	v56 =	vld [tilespmem:s25+$0x9240]  }
0x1fd: {  	[tilespmem:s25+$0x14E50] =	vst v63;
	v63 =	vadd.f32 v59, v30;
	v59 =	vld [tilespmem:s25+$0x9260]  }
0x1fe: {  	[tilespmem:s25+$0x14E60] =	vst v60;
	v62 =	vadd.f32 v58, v29;
	v58 =	vld [tilespmem:s25+$0x9250]  }
0x1ff: {  	[tilespmem:s25+$0x14E70] =	vst v61;
	v60 =	vadd.f32 v57, v31;
	v57 =	vld [tilespmem:s25+$0x9270]  }
0x200: {  	[tilespmem:s25+$0x15210] =	vst v63;
	v61 =	vadd.f32 v55, v32;
	v55 =	vld [tilespmem:s25+$0x9600]  }
0x201: {  	[tilespmem:s25+$0x15200] =	vst v62;
	v62 =	vadd.f32 v56, v33;
	v56 =	vld [tilespmem:s25+$0x9610]  }
0x202: {  	[tilespmem:s25+$0x15220] =	vst v60;
	v60 =	vadd.f32 v59, v35;
	v59 =	vld [tilespmem:s25+$0x9630]  }
0x203: {  	[tilespmem:s25+$0x15230] =	vst v61;
	v63 =	vadd.f32 v58, v34;
	v58 =	vld [tilespmem:s25+$0x9620]  }
0x204: {  	[tilespmem:s25+$0x15240] =	vst v62;
	v61 =	vadd.f32 v57, v36;
	v57 =	vld [tilespmem:s25+$0x9640]  }
0x205: {  	[tilespmem:s25+$0x15260] =	vst v60;
	v62 =	vadd.f32 v55, v37;
	v55 =	vld [tilespmem:s25+$0x9650]  }
0x206: {  	[tilespmem:s25+$0x15250] =	vst v63;
	v63 =	vadd.f32 v56, v38;
	v56 =	vld [tilespmem:s25+$0x9660]  }
0x207: {  	[tilespmem:s25+$0x15270] =	vst v61;
	v61 =	vadd.f32 v59, v40;
	v59 =	vld [tilespmem:s25+$0x9A00]  }
0x208: {  	[tilespmem:s25+$0x15600] =	vst v62;
	v60 =	vadd.f32 v58, v39;
	v58 =	vld [tilespmem:s25+$0x9670]  }
0x209: {  	[tilespmem:s25+$0x15610] =	vst v63  }
0x20a: {  	[tilespmem:s25+$0x15630] =	vst v61;
	v62 =	vadd.f32 v57, v41;
	v57 =	vld [tilespmem:s25+$0x9A10]  }
0x20b: {  	[tilespmem:s25+$0x15620] =	vst v60;
	v63 =	vadd.f32 v55, v42;
	v55 =	vld [tilespmem:s25+$0x9A20]  }
0x20c: {  	[tilespmem:s25+$0x15640] =	vst v62;
	v60 =	vadd.f32 v56, v43;
	v56 =	vld [tilespmem:s25+$0x9A30]  }
0x20d: {  	v62 =	vadd.f32 v59, v45;
	[tilespmem:s25+$0x15650] =	vst v63;
	v61 =	vadd.f32 v58, v44;
	v58 =	vld [tilespmem:s25+$0x9A40]  }
0x20e: {  	v59 =	vld [tilespmem:s25+$0x9A50];
	[tilespmem:s25+$0x15660] =	vst v60  }
0x20f: {  	v60 =	vld [tilespmem:s25+$0x9A60];
	[tilespmem:s25+$0x15A00] =	vst v62;
	v63 =	vadd.f32 v57, v46  }
0x210: {  	[tilespmem:s25+$0x15670] =	vst v61;
	v61 =	vadd.f32 v55, v47  }
0x211: {  	[tilespmem:s25+$0x15A10] =	vst v63;
	v62 =	vadd.f32 v56, v48  }
0x212: {  	[tilespmem:s25+$0x15A20] =	vst v61;
	v63 =	vadd.f32 v58, v49  }
0x213: {  	v58 =	vadd.f32 v59, v50;
	[tilespmem:s25+$0x15A30] =	vst v62  }
0x214: {  	v59 =	vadd.f32 v60, v51;
	[tilespmem:s25+$0x15A40] =	vst v63  }
0x215: {  	[tilespmem:s25+$0x15A50] =	vst v58  }
0x216: {  	[tilespmem:s25+$0x15A60] =	vst v59  }
0x217: {  	v53 =	vld [tilespmem:s22+$0x60];
	_ =	sdelay $0x4  }
0x218: {  	v60 =	vshrl.u32 v53, $0x3  }
0x219: {  	v54 =	vmul.u32 $0x30, v60  }
0x21a: {  	v53 =	vand.u32 $0x7, v53  }
0x21b: {  	v53 =	vor.u32 v53, v54  }
0x21c: {  	v54 =	vperm.xlane v53, v1;
	_ =	sdelay $0x1  }
0x21d: {  	v54 =	vadd.s32 v2, v54;
	_ =	sdelay $0x3  }
0x21e: {  	v53 =	vperm.xlane v53, v3  }
0x21f: {  	[tilespmem:s0], [sflag:$0x2] =	stream.indirect_vreg.gather [hbm4b:s1+s4], $0x80, v54, vm0, $0xb8;
	[tilespmem:$0x1A600] =	vst v63  }
0x220: {  	v53 =	vadd.s32 v2, v53  }
0x221: {  	[tilespmem:s2], [sflag:$0x2] =	stream.indirect_vreg.gather [hbm4b:s8+s4], $0x80, v54, vm0, $0xb8;
	[tilespmem:$0x1A600] =	vst v63  }
0x222: {  	_ = 	snop  }
0x223: {  	[tilespmem:s14], [sflag:$0x2] =	stream.indirect_vreg.gather [hbm4b:s9+s4], $0x80, v54, vm0, $0xb8;
	[tilespmem:$0x1A600] =	vst v63  }
0x224: {  	_ = 	snop  }
0x225: {  	[tilespmem:s17], [sflag:$0x2] =	stream.indirect_vreg.gather [hbm4b:s1+s4], $0x80, v53, vm0, $0xb8;
	[tilespmem:$0x1A600] =	vst v63  }
0x226: {  	_ = 	snop  }
0x227: {  	[tilespmem:s18], [sflag:$0x2] =	stream.indirect_vreg.gather [hbm4b:s8+s4], $0x80, v53, vm0, $0xb8;
	[tilespmem:$0x1A600] =	vst v63  }
0x228: {  	_ = 	snop  }
0x229: {  	[tilespmem:s15], [sflag:$0x2] =	stream.indirect_vreg.gather [hbm4b:s9+s4], $0x80, v53, vm0, $0xb8;
	[tilespmem:$0x1A600] =	vst v63  }
0x22a: {  	v53 =	vld [tilespmem:s22+$0x70];
	_ =	sdelay $0x4  }
0x22b: {  	v61 =	vshrl.u32 v53, $0x3  }
0x22c: {  	v54 =	vmul.u32 $0x30, v61  }
0x22d: {  	v53 =	vand.u32 $0x7, v53  }
0x22e: {  	v53 =	vor.u32 v53, v54  }
0x22f: {  	v54 =	vperm.xlane v53, v1;
	_ =	sdelay $0x1  }
0x230: {  	v54 =	vadd.s32 v2, v54;
	_ =	sdelay $0x3  }
0x231: {  	s26 =	sor.u32 $0x800, s23;
	v53 =	vperm.xlane v53, v3  }
0x232: {  	v62 =	vor.u32 s26, v4;
	[tilespmem:s5], [sflag:$0x2] =	stream.indirect_vreg.gather [hbm4b:s1+s4], $0x80, v54, vm0, $0xb8;
	[tilespmem:$0x1A600] =	vst v63  }
0x233: {  	v55 =	vshrl.u32 v62, $0x3;
	v53 =	vadd.s32 v2, v53  }
0x234: {  	v63 =	vmov s26;
	v55 =	vmul.u32 $0x30, v55;
	[tilespmem:s7], [sflag:$0x2] =	stream.indirect_vreg.gather [hbm4b:s8+s4], $0x80, v54, vm0, $0xb8;
	[tilespmem:$0x1A600] =	vst v63  }
0x235: {  	v56 =	vand.u32 $0x6, v63  }
0x236: {  	v58 =	vor.u32 v56, v55;
	[tilespmem:s13], [sflag:$0x2] =	stream.indirect_vreg.gather [hbm4b:s9+s4], $0x80, v54, vm0, $0xb8;
	[tilespmem:$0x1A600] =	vst v63  }
0x237: {  	v55 =	vperm.xlane v58, v1  }
0x238: {  	[tilespmem:s16], [sflag:$0x2] =	stream.indirect_vreg.gather [hbm4b:s1+s4], $0x80, v53, vm0, $0xb8;
	[tilespmem:$0x1A600] =	vst v63  }
0x239: {  	v55 =	vadd.s32 v2, v55  }
0x23a: {  	[tilespmem:s6], [sflag:$0x2] =	stream.indirect_vreg.gather [hbm4b:s8+s4], $0x80, v53, vm0, $0xb8;
	[tilespmem:$0x1A600] =	vst v63  }
0x23b: {  	_ = 	snop  }
0x23c: {  	[tilespmem:s12], [sflag:$0x2] =	stream.indirect_vreg.gather [hbm4b:s9+s4], $0x80, v53, vm0, $0xb8;
	[tilespmem:$0x1A600] =	vst v63  }
0x23d: {  	s28 =	sor.u32 $0xC00, s23;
	s29 =	simm.s32 $0x14600;
	v59 =	vperm.xlane v58, v3  }
0x23e: {  	v60 =	vadd.s32 s28, v4;
	[hbm4b:s3+s4] =	stream.indirect_vreg.scatter [tilespmem:s29], [sflag:$0x4], $0x80, v55, vm0, $0xb8;
	[tilespmem:$0x1A600] =	vst v63  }
0x23f: {  	s24 =	simm.s32 $0x14E00;
	v54 =	vshrl.u32 v60, $0x3;
	v53 =	vadd.s32 v2, v59  }
0x240: {  	v61 =	vmov s28;
	v54 =	vmul.u32 $0x30, v54;
	[hbm4b:s10+s4] =	stream.indirect_vreg.scatter [tilespmem:s24], [sflag:$0x4], $0x80, v55, vm0, $0xb8;
	[tilespmem:$0x1A600] =	vst v63  }
0x241: {  	s25 =	simm.s32 $0x15600;
	v56 =	vand.u32 $0x6, v61  }
0x242: {  	v54 =	vor.u32 v56, v54;
	[hbm4b:s11+s4] =	stream.indirect_vreg.scatter [tilespmem:s25], [sflag:$0x4], $0x80, v55, vm0, $0xb8;
	[tilespmem:$0x1A600] =	vst v63  }
0x243: {  	s26 =	simm.s32 $0x15E00;
	v62 =	vperm.xlane v54, v1  }
0x244: {  	[hbm4b:s3+s4] =	stream.indirect_vreg.scatter [tilespmem:s26], [sflag:$0x4], $0x80, v53, vm0, $0xb8;
	[tilespmem:$0x1A600] =	vst v63  }
0x245: {  	s28 =	simm.s32 $0x16600;
	v55 =	vadd.s32 v2, v62  }
0x246: {  	[hbm4b:s10+s4] =	stream.indirect_vreg.scatter [tilespmem:s28], [sflag:$0x4], $0x80, v53, vm0, $0xb8;
	[tilespmem:$0x1A600] =	vst v63  }
0x247: {  	s29 =	simm.s32 $0x16E00  }
0x248: {  	[hbm4b:s11+s4] =	stream.indirect_vreg.scatter [tilespmem:s29], [sflag:$0x4], $0x80, v53, vm0, $0xb8;
	[tilespmem:$0x1A600] =	vst v63  }
0x249: {  	s23 =	simm.s32 $0x17600;
	v63 =	vperm.xlane v54, v3  }
0x24a: {  	[hbm4b:s3+s4] =	stream.indirect_vreg.scatter [tilespmem:s23], [sflag:$0x4], $0x80, v55, vm0, $0xb8;
	[tilespmem:$0x1A600] =	vst v63  }
0x24b: {  	s24 =	simm.s32 $0x17E00;
	v53 =	vadd.s32 v2, v63  }
0x24c: {  	[hbm4b:s10+s4] =	stream.indirect_vreg.scatter [tilespmem:s24], [sflag:$0x4], $0x80, v55, vm0, $0xb8;
	[tilespmem:$0x1A600] =	vst v63  }
0x24d: {  	s21 =	sadd.s32 $0x1, s21;
	s25 =	simm.s32 $0x18600  }
0x24e: {  	[hbm4b:s11+s4] =	stream.indirect_vreg.scatter [tilespmem:s25], [sflag:$0x4], $0x80, v55, vm0, $0xb8;
	[tilespmem:$0x1A600] =	vst v63  }
0x24f: {  	p0 =	sne.s32 s21, $0x40;
	s26 =	simm.s32 $0x18E00  }
0x250: {  	[hbm4b:s3+s4] =	stream.indirect_vreg.scatter [tilespmem:s26], [sflag:$0x4], $0x80, v53, vm0, $0xb8;
	[tilespmem:$0x1A600] =	vst v63  }
.Ltmp2:
0x251: {  	_ = 	snop;
	(pc) =	sbr.rel @p0 .LBB2_2-.Ltmp2, $4  }
0x252: {  	s28 =	simm.s32 $0x19600  }
0x253: {  	[hbm4b:s10+s4] =	stream.indirect_vreg.scatter [tilespmem:s28], [sflag:$0x4], $0x80, v53, vm0, $0xb8;
	[tilespmem:$0x1A600] =	vst v63  }
0x254: {  	s29 =	simm.s32 $0x19E00  }
0x255: {  	[hbm4b:s11+s4] =	stream.indirect_vreg.scatter [tilespmem:s29], [sflag:$0x4], $0x80, v53, vm0, $0xb8;
	[tilespmem:$0x1A600] =	vst v63  }
0x256: {  	_ =	swait.ge [sflag:s19], $0x6000  }
0x257: {  	[sflag:s19] =	ssyncset.done $0x0  }
0x258: {  	s21 =	simm.s32 $0x3;
	[sflag:s19] =	ssyncadd.s32 $0xFFFFA000  }
0x259: {  	_ =	swait.ge [sflag:s21], $0x3000  }
0x25a: {  	[sflag:s21] =	ssyncset.done $0x0  }
0x25b: {  	[sflag:s21] =	ssyncadd.s32 $0xFFFFD000  }
0x25c: {  	_ =	swait.ge [sflag:s21], $0x3000  }
0x25d: {  	[sflag:s21] =	ssyncset.done $0x0  }
0x25e: {  	[sflag:s21] =	ssyncadd.s32 $0xFFFFD000  }
0x25f: {  	_ =	swait.ge [sflag:s20], $0x6000  }
0x260: {  	[sflag:s20] =	ssyncset.done $0x0  }
0x261: {  	s26 =	simm.s32 $0x4;
	[sflag:s20] =	ssyncadd.s32 $0xFFFFA000  }
0x262: {  	_ =	swait.ge [sflag:s26], $0x3000  }
0x263: {  	[sflag:s26] =	ssyncset.done $0x0  }
0x264: {  	[sflag:s26] =	ssyncadd.s32 $0xFFFFD000  }
0x265: {  	_ =	swait.ge [sflag:s26], $0x3000  }
0x266: {  	[sflag:s26] =	ssyncset.done $0x0  }
0x267: {  	[sflag:s26] =	ssyncadd.s32 $0xFFFFD000  }
0x268: {  	v5 =	vld [tilespmem:$0x2080]  }
0x269: {  	v6 =	vld [tilespmem:$0x2090]  }
0x26a: {  	v7 =	vld [tilespmem:$0x20A0]  }
0x26b: {  	v8 =	vld [tilespmem:$0x20B0]  }
0x26c: {  	v9 =	vld [tilespmem:$0x20C0]  }
0x26d: {  	v10 =	vld [tilespmem:$0x20D0]  }
0x26e: {  	v11 =	vld [tilespmem:$0x20E0]  }
0x26f: {  	v12 =	vld [tilespmem:$0x20F0]  }
0x270: {  	v13 =	vld [tilespmem:$0x2180]  }
0x271: {  	v14 =	vld [tilespmem:$0x2190]  }
0x272: {  	v15 =	vld [tilespmem:$0x21A0]  }
0x273: {  	v16 =	vld [tilespmem:$0x21B0]  }
0x274: {  	v17 =	vld [tilespmem:$0x21C0]  }
0x275: {  	v18 =	vld [tilespmem:$0x21D0]  }
0x276: {  	v19 =	vld [tilespmem:$0x21E0]  }
0x277: {  	v20 =	vld [tilespmem:$0x21F0]  }
0x278: {  	v21 =	vld [tilespmem:$0x2280]  }
0x279: {  	v22 =	vld [tilespmem:$0x2290]  }
0x27a: {  	v23 =	vld [tilespmem:$0x22A0]  }
0x27b: {  	v24 =	vld [tilespmem:$0x22B0]  }
0x27c: {  	v25 =	vld [tilespmem:$0x22C0]  }
0x27d: {  	v26 =	vld [tilespmem:$0x22D0]  }
0x27e: {  	v27 =	vld [tilespmem:$0x22E0]  }
0x27f: {  	v28 =	vld [tilespmem:$0x22F0]  }
0x280: {  	v29 =	vld [tilespmem:$0x2380]  }
0x281: {  	v30 =	vld [tilespmem:$0x2390]  }
0x282: {  	v31 =	vld [tilespmem:$0x23A0]  }
0x283: {  	v32 =	vld [tilespmem:$0x23B0]  }
0x284: {  	v33 =	vld [tilespmem:$0x23C0]  }
0x285: {  	v34 =	vld [tilespmem:$0x23D0]  }
0x286: {  	v35 =	vld [tilespmem:$0x23E0]  }
0x287: {  	v36 =	vld [tilespmem:$0x23F0]  }
0x288: {  	v45 =	vld [tilespmem:$0x1000]  }
0x289: {  	v37 =	vld [tilespmem:$0x2480]  }
0x28a: {  	v38 =	vld [tilespmem:$0x2490]  }
0x28b: {  	v39 =	vld [tilespmem:$0x24A0]  }
0x28c: {  	v40 =	vld [tilespmem:$0x24B0]  }
0x28d: {  	v41 =	vld [tilespmem:$0x24C0];
	v44 =	vshrl.u32 v45, $0x3  }
0x28e: {  	v42 =	vld [tilespmem:$0x24D0];
	v46 =	vmul.u32 $0x30, v44  }
0x28f: {  	v43 =	vld [tilespmem:$0x24E0];
	v47 =	vand.u32 $0x7, v45  }
0x290: {  	v48 =	vld [tilespmem:$0x25B0];
	v53 =	vor.u32 v47, v46  }
0x291: {  	v50 =	vld [tilespmem:$0x25D0];
	v49 =	vperm.xlane v53, v1  }
0x292: {  	v51 =	vld [tilespmem:$0x25E0]  }
0x293: {  	v52 =	vld [tilespmem:$0x25F0];
	v54 =	vadd.s32 v2, v49  }
0x294: {  	v45 =	vld [tilespmem:$0x2580]  }
0x295: {  	v44 =	vld [tilespmem:$0x24F0]  }
0x296: {  	v46 =	vld [tilespmem:$0x2590]  }
0x297: {  	s22 =	simm.s32 $0x2600;
	s21 =	simm.s32 $0x0;
	v47 =	vld [tilespmem:$0x25A0];
	v53 =	vperm.xlane v53, v3  }
0x298: {  	v49 =	vld [tilespmem:$0x25C0];
	[tilespmem:s22], [sflag:$0x1] =	stream.indirect_vreg.gather [hbm4b:s1+s21], $0x80, v54, vm0, $0xb8  }
0x299: {  	s28 =	simm.s32 $0x2E00;
	v53 =	vadd.s32 v2, v53  }
0x29a: {  	[tilespmem:s28], [sflag:$0x1] =	stream.indirect_vreg.gather [hbm4b:s8+s21], $0x80, v54, vm0, $0xb8;
	[tilespmem:$0x1A600] =	vst v63  }
0x29b: {  	s29 =	simm.s32 $0x3600  }
0x29c: {  	[tilespmem:s29], [sflag:$0x1] =	stream.indirect_vreg.gather [hbm4b:s9+s21], $0x80, v54, vm0, $0xb8;
	[tilespmem:$0x1A600] =	vst v63  }
0x29d: {  	s30 =	simm.s32 $0x3E00  }
0x29e: {  	[tilespmem:s30], [sflag:$0x1] =	stream.indirect_vreg.gather [hbm4b:s1+s21], $0x80, v53, vm0, $0xb8;
	[tilespmem:$0x1A600] =	vst v63  }
0x29f: {  	s23 =	simm.s32 $0x4600  }
0x2a0: {  	[tilespmem:s23], [sflag:$0x1] =	stream.indirect_vreg.gather [hbm4b:s8+s21], $0x80, v53, vm0, $0xb8;
	[tilespmem:$0x1A600] =	vst v63  }
0x2a1: {  	s24 =	simm.s32 $0x4E00  }
0x2a2: {  	[tilespmem:s24], [sflag:$0x1] =	stream.indirect_vreg.gather [hbm4b:s9+s21], $0x80, v53, vm0, $0xb8;
	[tilespmem:$0x1A600] =	vst v63  }
0x2a3: {  	v53 =	vld [tilespmem:$0x1010];
	_ =	sdelay $0x4  }
0x2a4: {  	v61 =	vshrl.u32 v53, $0x3  }
0x2a5: {  	v54 =	vmul.u32 $0x30, v61  }
0x2a6: {  	v53 =	vand.u32 $0x7, v53  }
0x2a7: {  	v53 =	vor.u32 v53, v54  }
0x2a8: {  	v54 =	vperm.xlane v53, v1;
	_ =	sdelay $0x1  }
0x2a9: {  	v54 =	vadd.s32 v2, v54;
	_ =	sdelay $0x3  }
0x2aa: {  	s25 =	simm.s32 $0x5600;
	v53 =	vperm.xlane v53, v3  }
0x2ab: {  	[tilespmem:s25], [sflag:$0x1] =	stream.indirect_vreg.gather [hbm4b:s1+s21], $0x80, v54, vm0, $0xb8;
	[tilespmem:$0x1A600] =	vst v63  }
0x2ac: {  	s26 =	simm.s32 $0x5E00;
	v53 =	vadd.s32 v2, v53  }
0x2ad: {  	[tilespmem:s26], [sflag:$0x1] =	stream.indirect_vreg.gather [hbm4b:s8+s21], $0x80, v54, vm0, $0xb8;
	[tilespmem:$0x1A600] =	vst v63  }
0x2ae: {  	s28 =	simm.s32 $0x6600  }
0x2af: {  	[tilespmem:s28], [sflag:$0x1] =	stream.indirect_vreg.gather [hbm4b:s9+s21], $0x80, v54, vm0, $0xb8;
	[tilespmem:$0x1A600] =	vst v63  }
0x2b0: {  	s29 =	simm.s32 $0x6E00  }
0x2b1: {  	[tilespmem:s29], [sflag:$0x1] =	stream.indirect_vreg.gather [hbm4b:s1+s21], $0x80, v53, vm0, $0xb8;
	[tilespmem:$0x1A600] =	vst v63  }
0x2b2: {  	s30 =	simm.s32 $0x7600  }
0x2b3: {  	[tilespmem:s30], [sflag:$0x1] =	stream.indirect_vreg.gather [hbm4b:s8+s21], $0x80, v53, vm0, $0xb8;
	[tilespmem:$0x1A600] =	vst v63  }
0x2b4: {  	_ = 	snop  }
0x2b5: {  	[tilespmem:s31], [sflag:$0x1] =	stream.indirect_vreg.gather [hbm4b:s9+s21], $0x80, v53, vm0, $0xb8;
	[tilespmem:$0x1A600] =	vst v63  }
0x2b6: {  	v53 =	vld [tilespmem:$0x1020];
	_ =	sdelay $0x4  }
0x2b7: {  	v62 =	vshrl.u32 v53, $0x3  }
0x2b8: {  	v54 =	vmul.u32 $0x30, v62  }
0x2b9: {  	v53 =	vand.u32 $0x7, v53  }
0x2ba: {  	v53 =	vor.u32 v53, v54  }
0x2bb: {  	v54 =	vperm.xlane v53, v1;
	_ =	sdelay $0x1  }
0x2bc: {  	v54 =	vadd.s32 v2, v54;
	_ =	sdelay $0x3  }
0x2bd: {  	v53 =	vperm.xlane v53, v3  }
0x2be: {  	[tilespmem:s0], [sflag:$0x2] =	stream.indirect_vreg.gather [hbm4b:s1+s21], $0x80, v54, vm0, $0xb8;
	[tilespmem:$0x1A600] =	vst v63  }
0x2bf: {  	v53 =	vadd.s32 v2, v53  }
0x2c0: {  	[tilespmem:s2], [sflag:$0x2] =	stream.indirect_vreg.gather [hbm4b:s8+s21], $0x80, v54, vm0, $0xb8;
	[tilespmem:$0x1A600] =	vst v63  }
0x2c1: {  	_ = 	snop  }
0x2c2: {  	[tilespmem:s14], [sflag:$0x2] =	stream.indirect_vreg.gather [hbm4b:s9+s21], $0x80, v54, vm0, $0xb8;
	[tilespmem:$0x1A600] =	vst v63  }
0x2c3: {  	_ = 	snop  }
0x2c4: {  	[tilespmem:s17], [sflag:$0x2] =	stream.indirect_vreg.gather [hbm4b:s1+s21], $0x80, v53, vm0, $0xb8;
	[tilespmem:$0x1A600] =	vst v63  }
0x2c5: {  	_ = 	snop  }
0x2c6: {  	[tilespmem:s18], [sflag:$0x2] =	stream.indirect_vreg.gather [hbm4b:s8+s21], $0x80, v53, vm0, $0xb8;
	[tilespmem:$0x1A600] =	vst v63  }
0x2c7: {  	_ = 	snop  }
0x2c8: {  	[tilespmem:s15], [sflag:$0x2] =	stream.indirect_vreg.gather [hbm4b:s9+s21], $0x80, v53, vm0, $0xb8;
	[tilespmem:$0x1A600] =	vst v63  }
0x2c9: {  	v53 =	vld [tilespmem:$0x1030];
	_ =	sdelay $0x4  }
0x2ca: {  	v63 =	vshrl.u32 v53, $0x3  }
0x2cb: {  	v54 =	vmul.u32 $0x30, v63  }
0x2cc: {  	v53 =	vand.u32 $0x7, v53  }
0x2cd: {  	v53 =	vor.u32 v53, v54  }
0x2ce: {  	v54 =	vperm.xlane v53, v1;
	_ =	sdelay $0x1  }
0x2cf: {  	v54 =	vadd.s32 v2, v54;
	_ =	sdelay $0x3  }
0x2d0: {  	v53 =	vperm.xlane v53, v3  }
0x2d1: {  	[tilespmem:s5], [sflag:$0x2] =	stream.indirect_vreg.gather [hbm4b:s1+s21], $0x80, v54, vm0, $0xb8;
	[tilespmem:$0x1A600] =	vst v63  }
0x2d2: {  	v53 =	vadd.s32 v2, v53  }
0x2d3: {  	[tilespmem:s7], [sflag:$0x2] =	stream.indirect_vreg.gather [hbm4b:s8+s21], $0x80, v54, vm0, $0xb8;
	[tilespmem:$0x1A600] =	vst v63  }
0x2d4: {  	_ = 	snop  }
0x2d5: {  	[tilespmem:s13], [sflag:$0x2] =	stream.indirect_vreg.gather [hbm4b:s9+s21], $0x80, v54, vm0, $0xb8;
	[tilespmem:$0x1A600] =	vst v63  }
0x2d6: {  	_ = 	snop  }
0x2d7: {  	[tilespmem:s16], [sflag:$0x2] =	stream.indirect_vreg.gather [hbm4b:s1+s21], $0x80, v53, vm0, $0xb8;
	[tilespmem:$0x1A600] =	vst v63  }
0x2d8: {  	_ = 	snop  }
0x2d9: {  	[tilespmem:s6], [sflag:$0x2] =	stream.indirect_vreg.gather [hbm4b:s8+s21], $0x80, v53, vm0, $0xb8;
	[tilespmem:$0x1A600] =	vst v63  }
0x2da: {  	s22 =	simm.s32 $0x0  }
0x2db: {  	[tilespmem:s12], [sflag:$0x2] =	stream.indirect_vreg.gather [hbm4b:s9+s21], $0x80, v53, vm0, $0xb8;
	[tilespmem:$0x1A600] =	vst v63  }
.LBB2_8:
0x2dc: {  	_ =	swait.ge [sflag:s19], $0x6000  }
0x2dd: {  	p0 =	seq.s32 s22, $0x0;
	[sflag:s19] =	ssyncset.done $0x0  }
0x2de: {  	s23 =	simm.s32 @!p0 $0x3;
	[sflag:s19] =	ssyncadd.s32 $0xFFFFA000  }
0x2df: {  	_ =	swait.ge @!p0 [sflag:s23], $0x3000  }
0x2e0: {  	[sflag:s23] =	ssyncset.done @!p0 $0x0  }
0x2e1: {  	s24 =	simm.s32 $0x0;
	[sflag:s23] =	ssyncadd.s32 @!p0 $0xFFFFD000  }
0x2e2: {  	s24 =	smul.u32 $0x1800, s24;
	_ =	swait.ge @!p0 [sflag:s23], $0x3000  }
0x2e3: {  	s25 =	sand.u32 $0x380, s21;
	[sflag:s23] =	ssyncset.done @!p0 $0x0  }
0x2e4: {  	s24 =	sor.u32 s25, s24;
	[sflag:s23] =	ssyncadd.s32 @!p0 $0xFFFFD000  }
0x2e5: {  	v53 =	vld [tilespmem:s24+$0x3A70]  }
0x2e6: {  	v54 =	vld [tilespmem:s24+$0x2600]  }
0x2e7: {  	v55 =	vld [tilespmem:s24+$0x2610]  }
0x2e8: {  	v56 =	vld [tilespmem:s24+$0x2620]  }
0x2e9: {  	v57 =	vld [tilespmem:s24+$0x2630]  }
0x2ea: {  	v58 =	vld [tilespmem:s24+$0x2640]  }
0x2eb: {  	v60 =	vld [tilespmem:s24+$0x2660];
	v53 =	vadd.f32 v53, v52  }
0x2ec: {  	v59 =	vld [tilespmem:s24+$0x2650];
	v54 =	vadd.f32 v54, v5  }
0x2ed: {  	v62 =	vadd.f32 v55, v6;
	v55 =	vld [tilespmem:s24+$0x2A10];
	[tilespmem:s24+$0xFA70] =	vst v53  }
0x2ee: {  	v63 =	vadd.f32 v56, v7;
	v56 =	vld [tilespmem:s24+$0x2A20];
	[tilespmem:s24+$0xE600] =	vst v54  }
0x2ef: {  	v61 =	vadd.f32 v57, v8;
	v57 =	vld [tilespmem:s24+$0x2A30];
	[tilespmem:s24+$0xE610] =	vst v62  }
0x2f0: {  	v60 =	vadd.f32 v60, v11;
	v54 =	vld [tilespmem:s24+$0x2670];
	[tilespmem:s24+$0xE620] =	vst v63  }
0x2f1: {  	v53 =	vld [tilespmem:s24+$0x2A00];
	v62 =	vadd.f32 v58, v9;
	[tilespmem:s24+$0xE630] =	vst v61  }
0x2f2: {  	v63 =	vadd.f32 v59, v10;
	v61 =	vld [tilespmem:s24+$0x2A40];
	[tilespmem:s24+$0xE660] =	vst v60  }
0x2f3: {  	v60 =	vld [tilespmem:s24+$0x2E10];
	[tilespmem:s24+$0xE640] =	vst v62;
	v55 =	vadd.f32 v55, v14  }
0x2f4: {  	[tilespmem:s24+$0xE650] =	vst v63;
	v56 =	vadd.f32 v56, v15  }
0x2f5: {  	v62 =	vld [tilespmem:s24+$0x2A50];
	v57 =	vadd.f32 v57, v16;
	[tilespmem:s24+$0xEA10] =	vst v55  }
0x2f6: {  	v63 =	vld [tilespmem:s24+$0x2E00];
	v54 =	vadd.f32 v54, v12;
	[tilespmem:s24+$0xEA20] =	vst v56  }
0x2f7: {  	v53 =	vadd.f32 v53, v13;
	v58 =	vadd.f32 v61, v17;
	[tilespmem:s24+$0xEA30] =	vst v57;
	v61 =	vld [tilespmem:s24+$0x2E20]  }
0x2f8: {  	v56 =	vadd.f32 v60, v22;
	v60 =	vld [tilespmem:s24+$0x2E70];
	[tilespmem:s24+$0xE670] =	vst v54  }
0x2f9: {  	v54 =	vld [tilespmem:s24+$0x2A60];
	[tilespmem:s24+$0xEA00] =	vst v53  }
0x2fa: {  	v59 =	vadd.f32 v62, v18;
	[tilespmem:s24+$0xEA40] =	vst v58;
	v62 =	vld [tilespmem:s24+$0x2E30]  }
0x2fb: {  	v53 =	vld [tilespmem:s24+$0x2A70];
	v55 =	vadd.f32 v63, v21;
	[tilespmem:s24+$0xEE10] =	vst v56  }
0x2fc: {  	[tilespmem:s24+$0xEA50] =	vst v59;
	v59 =	vld [tilespmem:s24+$0x2E40];
	v57 =	vadd.f32 v61, v23  }
0x2fd: {  	v63 =	vld [tilespmem:s24+$0x2E60];
	[tilespmem:s24+$0xEE00] =	vst v55;
	v55 =	vadd.f32 v60, v28  }
0x2fe: {  	v61 =	vld [tilespmem:s24+$0x3200];
	v54 =	vadd.f32 v54, v19;
	[tilespmem:s24+$0xEE20] =	vst v57  }
0x2ff: {  	v60 =	vld [tilespmem:s24+$0x3250];
	v58 =	vadd.f32 v62, v24;
	[tilespmem:s24+$0xEE70] =	vst v55  }
0x300: {  	v53 =	vadd.f32 v53, v20;
	v62 =	vld [tilespmem:s24+$0x3210];
	[tilespmem:s24+$0xEA60] =	vst v54  }
0x301: {  	v59 =	vadd.f32 v59, v25;
	[tilespmem:s24+$0xEE30] =	vst v58;
	v58 =	vld [tilespmem:s24+$0x3220]  }
0x302: {  	v54 =	vld [tilespmem:s24+$0x2E50];
	[tilespmem:s24+$0xEA70] =	vst v53;
	v53 =	vadd.f32 v63, v27  }
0x303: {  	v56 =	vadd.f32 v61, v29;
	[tilespmem:s24+$0xEE40] =	vst v59;
	v59 =	vld [tilespmem:s24+$0x3230]  }
0x304: {  	v63 =	vld [tilespmem:s24+$0x3240];
	[tilespmem:s24+$0xEE60] =	vst v53;
	v53 =	vadd.f32 v60, v34  }
0x305: {  	v61 =	vld [tilespmem:s24+$0x3260];
	v57 =	vadd.f32 v62, v30;
	[tilespmem:s24+$0xF200] =	vst v56  }
0x306: {  	v62 =	vld [tilespmem:s24+$0x3270];
	[tilespmem:s24+$0xF250] =	vst v53;
	v58 =	vadd.f32 v58, v31  }
0x307: {  	v54 =	vadd.f32 v54, v26;
	[tilespmem:s24+$0xF210] =	vst v57;
	v57 =	vld [tilespmem:s24+$0x3600]  }
0x308: {  	v59 =	vadd.f32 v59, v32;
	[tilespmem:s24+$0xF220] =	vst v58;
	v58 =	vld [tilespmem:s24+$0x3610]  }
0x309: {  	v53 =	vld [tilespmem:s24+$0x3640];
	[tilespmem:s24+$0xEE50] =	vst v54;
	v54 =	vadd.f32 v63, v33  }
0x30a: {  	v55 =	vadd.f32 v61, v35;
	[tilespmem:s24+$0xF230] =	vst v59;
	v59 =	vld [tilespmem:s24+$0x3620]  }
0x30b: {  	v56 =	vadd.f32 v62, v36;
	[tilespmem:s24+$0xF240] =	vst v54;
	v54 =	vld [tilespmem:s24+$0x3630]  }
0x30c: {  	v60 =	vld [tilespmem:s24+$0x3650];
	[tilespmem:s24+$0xF260] =	vst v55;
	v63 =	vadd.f32 v57, v37  }
0x30d: {  	v61 =	vld [tilespmem:s24+$0x3660];
	[tilespmem:s24+$0xF270] =	vst v56;
	v58 =	vadd.f32 v58, v38  }
0x30e: {  	v57 =	vld [tilespmem:s24+$0x3670];
	[tilespmem:s24+$0xF600] =	vst v63;
	v63 =	vadd.f32 v53, v41  }
0x30f: {  	v55 =	vld [tilespmem:s24+$0x3A00];
	v59 =	vadd.f32 v59, v39;
	[tilespmem:s24+$0xF610] =	vst v58  }
0x310: {  	v62 =	vadd.f32 v54, v40;
	v54 =	vld [tilespmem:s24+$0x3A10];
	[tilespmem:s24+$0xF640] =	vst v63  }
0x311: {  	s28 =	simm.s32 $0x0;
	v53 =	vld [tilespmem:s24+$0x3A20];
	v58 =	vadd.f32 v60, v42;
	[tilespmem:s24+$0xF620] =	vst v59  }
0x312: {  	s26 =	simm.s32 $0x2;
	s25 =	simm.s32 $0x0;
	s23 =	sshll.u32 s22, $0x1;
	v56 =	vld [tilespmem:s24+$0x3A30];
	[tilespmem:s24+$0xF630] =	vst v62;
	v59 =	vadd.f32 v61, v43  }
.LBB2_9:
0x313: {  	p1 =	sne.s32 s26, $0x1F;
	s28 =	smul.u32 $0x1800, s28;
	[tilespmem:s24+$0xF650] =	vst v58;
	v57 =	vadd.f32 v57, v44;
	v58 =	vld [tilespmem:s24+$0x3A40];
	s25 =	sadd.s32 $0x80, s25  }
0x314: {  	s29 =	sand.u32 $0x380, s25;
	[tilespmem:s24+$0xF660] =	vst v59;
	v55 =	vadd.f32 v55, v45;
	v59 =	vld [tilespmem:s24+$0x3A50]  }
0x315: {  	s28 =	sor.u32 s29, s28;
	[tilespmem:s24+$0xF670] =	vst v57;
	v54 =	vadd.f32 v54, v46;
	v57 =	vld [tilespmem:s24+$0x3A60]  }
0x316: {  	v60 =	vld [tilespmem:s28+$0x3A70];
	[tilespmem:s24+$0xFA00] =	vst v55;
	v53 =	vadd.f32 v53, v47  }
0x317: {  	v55 =	vld [tilespmem:s28+$0x2600];
	[tilespmem:s24+$0xFA10] =	vst v54;
	v54 =	vadd.f32 v56, v48  }
0x318: {  	v56 =	vld [tilespmem:s28+$0x2610];
	[tilespmem:s24+$0xFA20] =	vst v53;
	v53 =	vadd.f32 v58, v49  }
0x319: {  	v58 =	vld [tilespmem:s28+$0x2620];
	[tilespmem:s24+$0xFA30] =	vst v54;
	v54 =	vadd.f32 v59, v50  }
0x31a: {  	v59 =	vld [tilespmem:s28+$0x2630];
	[tilespmem:s24+$0xFA40] =	vst v53;
	v53 =	vadd.f32 v57, v51  }
0x31b: {  	v57 =	vld [tilespmem:s28+$0x2640];
	v60 =	vadd.f32 v60, v52;
	[tilespmem:s24+$0xFA50] =	vst v54  }
0x31c: {  	v54 =	vadd.f32 v55, v5;
	v55 =	vld [tilespmem:s28+$0x2650];
	[tilespmem:s24+$0xFA60] =	vst v53;
	s24 =	smov.u32 s28  }
0x31d: {  	v53 =	vadd.f32 v56, v6;
	v56 =	vld [tilespmem:s24+$0x2660];
	[tilespmem:s24+$0xFA70] =	vst v60  }
0x31e: {  	[tilespmem:s24+$0xE600] =	vst v54;
	v54 =	vadd.f32 v58, v7;
	v58 =	vld [tilespmem:s24+$0x2670]  }
0x31f: {  	[tilespmem:s24+$0xE610] =	vst v53;
	v53 =	vadd.f32 v59, v8;
	v59 =	vld [tilespmem:s24+$0x2A00]  }
0x320: {  	[tilespmem:s24+$0xE620] =	vst v54;
	v54 =	vadd.f32 v57, v9;
	v57 =	vld [tilespmem:s24+$0x2A10]  }
0x321: {  	[tilespmem:s24+$0xE630] =	vst v53;
	v53 =	vadd.f32 v55, v10;
	v55 =	vld [tilespmem:s24+$0x2A20]  }
0x322: {  	[tilespmem:s24+$0xE640] =	vst v54;
	v54 =	vadd.f32 v56, v11;
	v56 =	vld [tilespmem:s24+$0x2A30]  }
0x323: {  	[tilespmem:s24+$0xE650] =	vst v53;
	v53 =	vadd.f32 v58, v12;
	v58 =	vld [tilespmem:s24+$0x2A40]  }
0x324: {  	[tilespmem:s24+$0xE660] =	vst v54;
	v54 =	vadd.f32 v59, v13;
	v59 =	vld [tilespmem:s24+$0x2A50]  }
0x325: {  	[tilespmem:s24+$0xE670] =	vst v53;
	v53 =	vadd.f32 v57, v14;
	v57 =	vld [tilespmem:s24+$0x2A60]  }
0x326: {  	[tilespmem:s24+$0xEA00] =	vst v54;
	v54 =	vadd.f32 v55, v15;
	v55 =	vld [tilespmem:s24+$0x2A70]  }
0x327: {  	[tilespmem:s24+$0xEA10] =	vst v53;
	v53 =	vadd.f32 v56, v16;
	v56 =	vld [tilespmem:s24+$0x2E00]  }
0x328: {  	[tilespmem:s24+$0xEA20] =	vst v54;
	v54 =	vadd.f32 v58, v17;
	v58 =	vld [tilespmem:s24+$0x2E10]  }
0x329: {  	[tilespmem:s24+$0xEA30] =	vst v53;
	v53 =	vadd.f32 v59, v18;
	v59 =	vld [tilespmem:s24+$0x2E20]  }
0x32a: {  	[tilespmem:s24+$0xEA40] =	vst v54;
	v54 =	vadd.f32 v57, v19;
	v57 =	vld [tilespmem:s24+$0x2E30]  }
0x32b: {  	[tilespmem:s24+$0xEA50] =	vst v53;
	v53 =	vadd.f32 v55, v20;
	v55 =	vld [tilespmem:s24+$0x2E40]  }
0x32c: {  	[tilespmem:s24+$0xEA60] =	vst v54;
	v54 =	vadd.f32 v56, v21;
	v56 =	vld [tilespmem:s24+$0x2E50]  }
0x32d: {  	[tilespmem:s24+$0xEA70] =	vst v53;
	v53 =	vadd.f32 v58, v22;
	v58 =	vld [tilespmem:s24+$0x2E60]  }
0x32e: {  	[tilespmem:s24+$0xEE00] =	vst v54;
	v54 =	vadd.f32 v59, v23;
	v59 =	vld [tilespmem:s24+$0x2E70]  }
0x32f: {  	[tilespmem:s24+$0xEE10] =	vst v53;
	v53 =	vadd.f32 v57, v24;
	v57 =	vld [tilespmem:s24+$0x3200]  }
0x330: {  	[tilespmem:s24+$0xEE20] =	vst v54;
	v54 =	vadd.f32 v55, v25;
	v55 =	vld [tilespmem:s24+$0x3210]  }
0x331: {  	[tilespmem:s24+$0xEE30] =	vst v53;
	v53 =	vadd.f32 v56, v26;
	v56 =	vld [tilespmem:s24+$0x3220]  }
0x332: {  	[tilespmem:s24+$0xEE40] =	vst v54;
	v54 =	vadd.f32 v58, v27;
	v58 =	vld [tilespmem:s24+$0x3230]  }
0x333: {  	[tilespmem:s24+$0xEE50] =	vst v53;
	v53 =	vadd.f32 v59, v28;
	v59 =	vld [tilespmem:s24+$0x3240]  }
0x334: {  	[tilespmem:s24+$0xEE60] =	vst v54;
	v54 =	vadd.f32 v57, v29;
	v57 =	vld [tilespmem:s24+$0x3250]  }
0x335: {  	[tilespmem:s24+$0xEE70] =	vst v53;
	v53 =	vadd.f32 v55, v30;
	v55 =	vld [tilespmem:s24+$0x3260]  }
0x336: {  	[tilespmem:s24+$0xF200] =	vst v54;
	v54 =	vadd.f32 v56, v31;
	v56 =	vld [tilespmem:s24+$0x3270]  }
0x337: {  	[tilespmem:s24+$0xF210] =	vst v53;
	v53 =	vadd.f32 v58, v32;
	v58 =	vld [tilespmem:s24+$0x3600]  }
0x338: {  	[tilespmem:s24+$0xF220] =	vst v54;
	v54 =	vadd.f32 v59, v33;
	v59 =	vld [tilespmem:s24+$0x3610]  }
0x339: {  	[tilespmem:s24+$0xF230] =	vst v53;
	v53 =	vadd.f32 v57, v34;
	v57 =	vld [tilespmem:s24+$0x3620]  }
0x33a: {  	[tilespmem:s24+$0xF240] =	vst v54;
	v54 =	vadd.f32 v55, v35;
	v55 =	vld [tilespmem:s24+$0x3630]  }
0x33b: {  	[tilespmem:s24+$0xF250] =	vst v53;
	v53 =	vadd.f32 v56, v36;
	v56 =	vld [tilespmem:s24+$0x3640]  }
0x33c: {  	[tilespmem:s24+$0xF260] =	vst v54;
	v54 =	vadd.f32 v58, v37;
	v58 =	vld [tilespmem:s24+$0x3650]  }
0x33d: {  	[tilespmem:s24+$0xF270] =	vst v53;
	v53 =	vadd.f32 v59, v38;
	v59 =	vld [tilespmem:s24+$0x3660]  }
.Ltmp3:
0x33e: {  	[tilespmem:s24+$0xF600] =	vst v54;
	v54 =	vadd.f32 v57, v39;
	v57 =	vld [tilespmem:s24+$0x3670];
	(pc) =	sbr.rel @p1 .LBB2_9-.Ltmp3, $4  }
0x33f: {  	[tilespmem:s24+$0xF610] =	vst v53;
	v53 =	vadd.f32 v55, v40;
	v55 =	vld [tilespmem:s24+$0x3A00]  }
0x340: {  	[tilespmem:s24+$0xF620] =	vst v54;
	v56 =	vadd.f32 v56, v41;
	v54 =	vld [tilespmem:s24+$0x3A10]  }
0x341: {  	[tilespmem:s24+$0xF630] =	vst v53;
	v58 =	vadd.f32 v58, v42;
	v53 =	vld [tilespmem:s24+$0x3A20]  }
0x342: {  	s28 =	sshrl.u32 s26, $0x3;
	s26 =	sadd.s32 $0x1, s26;
	[tilespmem:s24+$0xF640] =	vst v56;
	v59 =	vadd.f32 v59, v43;
	v56 =	vld [tilespmem:s24+$0x3A30]  }
0x343: {  	[tilespmem:s24+$0xF650] =	vst v58;
	v58 =	vld [tilespmem:s24+$0x3A40];
	v57 =	vadd.f32 v57, v44;
	s26 =	smul.u32 $0x1800, s28;
	s25 =	sadd.s32 $0x80, s25  }
0x344: {  	[tilespmem:s24+$0xF660] =	vst v59;
	v59 =	vld [tilespmem:s24+$0x3A50];
	s25 =	sand.u32 $0x380, s25;
	v55 =	vadd.f32 v55, v45  }
0x345: {  	[tilespmem:s24+$0xF670] =	vst v57;
	s25 =	sor.u32 s25, s26;
	v57 =	vld [tilespmem:s24+$0x3A60];
	v54 =	vadd.f32 v54, v46  }
0x346: {  	v60 =	vld [tilespmem:s25+$0x3A70];
	[tilespmem:s24+$0xFA00] =	vst v55;
	v53 =	vadd.f32 v53, v47  }
0x347: {  	v55 =	vld [tilespmem:s25+$0x2600];
	[tilespmem:s24+$0xFA10] =	vst v54;
	v56 =	vadd.f32 v56, v48  }
0x348: {  	v54 =	vld [tilespmem:s25+$0x2610];
	[tilespmem:s24+$0xFA20] =	vst v53;
	v58 =	vadd.f32 v58, v49  }
0x349: {  	v53 =	vld [tilespmem:s25+$0x2620];
	[tilespmem:s24+$0xFA30] =	vst v56;
	v59 =	vadd.f32 v59, v50  }
0x34a: {  	v56 =	vld [tilespmem:s25+$0x2630];
	[tilespmem:s24+$0xFA40] =	vst v58;
	v57 =	vadd.f32 v57, v51  }
0x34b: {  	v58 =	vld [tilespmem:s25+$0x2640];
	[tilespmem:s24+$0xFA50] =	vst v59  }
0x34c: {  	v59 =	vadd.f32 v60, v52;
	v60 =	vld [tilespmem:s25+$0x2650];
	v55 =	vadd.f32 v55, v5;
	[tilespmem:s24+$0xFA60] =	vst v57  }
0x34d: {  	v57 =	vld [tilespmem:s25+$0x2660]  }
0x34e: {  	v54 =	vadd.f32 v54, v6;
	[tilespmem:s25+$0xE600] =	vst v55;
	v55 =	vld [tilespmem:s25+$0x2670]  }
0x34f: {  	[tilespmem:s25+$0xFA70] =	vst v59;
	v53 =	vadd.f32 v53, v7;
	v61 =	vadd.f32 v56, v8;
	v56 =	vld [tilespmem:s25+$0x2A00]  }
0x350: {  	v59 =	vld [tilespmem:s25+$0x2A20];
	[tilespmem:s25+$0xE610] =	vst v54  }
0x351: {  	[tilespmem:s25+$0xE620] =	vst v53;
	v62 =	vadd.f32 v58, v9;
	v58 =	vld [tilespmem:s25+$0x2A10]  }
0x352: {  	[tilespmem:s25+$0xE630] =	vst v61;
	v63 =	vadd.f32 v60, v10;
	v60 =	vadd.f32 v57, v11;
	v57 =	vld [tilespmem:s25+$0x2A30]  }
0x353: {  	[tilespmem:s25+$0xE640] =	vst v62;
	v61 =	vadd.f32 v55, v12;
	v55 =	vld [tilespmem:s25+$0x2A40]  }
0x354: {  	[tilespmem:s25+$0xE650] =	vst v63;
	v62 =	vadd.f32 v56, v13;
	v56 =	vld [tilespmem:s25+$0x2A50]  }
0x355: {  	[tilespmem:s25+$0xE660] =	vst v60;
	v60 =	vadd.f32 v59, v15;
	v59 =	vld [tilespmem:s25+$0x2A70]  }
0x356: {  	[tilespmem:s25+$0xE670] =	vst v61;
	v63 =	vadd.f32 v58, v14;
	v58 =	vld [tilespmem:s25+$0x2A60]  }
0x357: {  	[tilespmem:s25+$0xEA00] =	vst v62;
	v61 =	vadd.f32 v57, v16;
	v57 =	vld [tilespmem:s25+$0x2E00]  }
0x358: {  	[tilespmem:s25+$0xEA20] =	vst v60;
	v62 =	vadd.f32 v55, v17;
	v55 =	vld [tilespmem:s25+$0x2E10]  }
0x359: {  	[tilespmem:s25+$0xEA10] =	vst v63;
	v63 =	vadd.f32 v56, v18;
	v56 =	vld [tilespmem:s25+$0x2E20]  }
0x35a: {  	[tilespmem:s25+$0xEA30] =	vst v61;
	v61 =	vadd.f32 v59, v20;
	v59 =	vld [tilespmem:s25+$0x2E40]  }
0x35b: {  	[tilespmem:s25+$0xEA40] =	vst v62;
	v60 =	vadd.f32 v58, v19;
	v58 =	vld [tilespmem:s25+$0x2E30]  }
0x35c: {  	[tilespmem:s25+$0xEA50] =	vst v63;
	v62 =	vadd.f32 v57, v21;
	v57 =	vld [tilespmem:s25+$0x2E50]  }
0x35d: {  	[tilespmem:s25+$0xEA70] =	vst v61;
	v63 =	vadd.f32 v55, v22;
	v55 =	vld [tilespmem:s25+$0x2E60]  }
0x35e: {  	[tilespmem:s25+$0xEA60] =	vst v60;
	v60 =	vadd.f32 v56, v23;
	v56 =	vld [tilespmem:s25+$0x2E70]  }
0x35f: {  	[tilespmem:s25+$0xEE00] =	vst v62;
	v62 =	vadd.f32 v59, v25;
	v59 =	vld [tilespmem:s25+$0x3210]  }
0x360: {  	[tilespmem:s25+$0xEE10] =	vst v63;
	v61 =	vadd.f32 v58, v24;
	v58 =	vld [tilespmem:s25+$0x3200]  }
0x361: {  	[tilespmem:s25+$0xEE20] =	vst v60;
	v63 =	vadd.f32 v57, v26;
	v57 =	vld [tilespmem:s25+$0x3220]  }
0x362: {  	[tilespmem:s25+$0xEE40] =	vst v62;
	v60 =	vadd.f32 v55, v27;
	v55 =	vld [tilespmem:s25+$0x3230]  }
0x363: {  	[tilespmem:s25+$0xEE30] =	vst v61;
	v61 =	vadd.f32 v56, v28;
	v56 =	vld [tilespmem:s25+$0x3240]  }
0x364: {  	[tilespmem:s25+$0xEE50] =	vst v63;
	v63 =	vadd.f32 v59, v30;
	v59 =	vld [tilespmem:s25+$0x3260]  }
0x365: {  	[tilespmem:s25+$0xEE60] =	vst v60;
	v62 =	vadd.f32 v58, v29;
	v58 =	vld [tilespmem:s25+$0x3250]  }
0x366: {  	[tilespmem:s25+$0xEE70] =	vst v61;
	v60 =	vadd.f32 v57, v31;
	v57 =	vld [tilespmem:s25+$0x3270]  }
0x367: {  	[tilespmem:s25+$0xF210] =	vst v63;
	v61 =	vadd.f32 v55, v32;
	v55 =	vld [tilespmem:s25+$0x3600]  }
0x368: {  	[tilespmem:s25+$0xF200] =	vst v62;
	v62 =	vadd.f32 v56, v33;
	v56 =	vld [tilespmem:s25+$0x3610]  }
0x369: {  	[tilespmem:s25+$0xF220] =	vst v60;
	v60 =	vadd.f32 v59, v35;
	v59 =	vld [tilespmem:s25+$0x3630]  }
0x36a: {  	[tilespmem:s25+$0xF230] =	vst v61;
	v63 =	vadd.f32 v58, v34;
	v58 =	vld [tilespmem:s25+$0x3620]  }
0x36b: {  	[tilespmem:s25+$0xF240] =	vst v62;
	v61 =	vadd.f32 v57, v36;
	v57 =	vld [tilespmem:s25+$0x3640]  }
0x36c: {  	[tilespmem:s25+$0xF260] =	vst v60;
	v62 =	vadd.f32 v55, v37;
	v55 =	vld [tilespmem:s25+$0x3650]  }
0x36d: {  	[tilespmem:s25+$0xF250] =	vst v63;
	v63 =	vadd.f32 v56, v38;
	v56 =	vld [tilespmem:s25+$0x3660]  }
0x36e: {  	[tilespmem:s25+$0xF270] =	vst v61;
	v61 =	vadd.f32 v59, v40;
	v59 =	vld [tilespmem:s25+$0x3A00]  }
0x36f: {  	[tilespmem:s25+$0xF600] =	vst v62;
	v60 =	vadd.f32 v58, v39;
	v58 =	vld [tilespmem:s25+$0x3670]  }
0x370: {  	[tilespmem:s25+$0xF610] =	vst v63  }
0x371: {  	[tilespmem:s25+$0xF630] =	vst v61;
	v62 =	vadd.f32 v57, v41;
	v57 =	vld [tilespmem:s25+$0x3A10]  }
0x372: {  	[tilespmem:s25+$0xF620] =	vst v60;
	v63 =	vadd.f32 v55, v42;
	v55 =	vld [tilespmem:s25+$0x3A20]  }
0x373: {  	[tilespmem:s25+$0xF640] =	vst v62;
	v60 =	vadd.f32 v56, v43;
	v56 =	vld [tilespmem:s25+$0x3A30]  }
0x374: {  	v62 =	vadd.f32 v59, v45;
	[tilespmem:s25+$0xF650] =	vst v63;
	v61 =	vadd.f32 v58, v44;
	v58 =	vld [tilespmem:s25+$0x3A40]  }
0x375: {  	v59 =	vld [tilespmem:s25+$0x3A50];
	[tilespmem:s25+$0xF660] =	vst v60  }
0x376: {  	v60 =	vld [tilespmem:s25+$0x3A60];
	[tilespmem:s25+$0xFA00] =	vst v62;
	v63 =	vadd.f32 v57, v46  }
0x377: {  	[tilespmem:s25+$0xF670] =	vst v61;
	v61 =	vadd.f32 v55, v47  }
0x378: {  	[tilespmem:s25+$0xFA10] =	vst v63;
	v62 =	vadd.f32 v56, v48  }
0x379: {  	[tilespmem:s25+$0xFA20] =	vst v61;
	v63 =	vadd.f32 v58, v49  }
0x37a: {  	v58 =	vadd.f32 v59, v50;
	[tilespmem:s25+$0xFA30] =	vst v62  }
0x37b: {  	v59 =	vadd.f32 v60, v51;
	[tilespmem:s25+$0xFA40] =	vst v63  }
0x37c: {  	s23 =	smin.u32 s23, $0x7C;
	[tilespmem:s25+$0xFA50] =	vst v58  }
0x37d: {  	s23 =	sshll.u32 s23, $0x5;
	[tilespmem:s25+$0xFA60] =	vst v59  }
0x37e: {  	v53 =	vld [tilespmem:s23+$0x1040];
	_ =	sdelay $0x4  }
0x37f: {  	v60 =	vshrl.u32 v53, $0x3  }
0x380: {  	v54 =	vmul.u32 $0x30, v60  }
0x381: {  	v53 =	vand.u32 $0x7, v53  }
0x382: {  	v53 =	vor.u32 v53, v54  }
0x383: {  	v54 =	vperm.xlane v53, v1;
	_ =	sdelay $0x1  }
0x384: {  	v54 =	vadd.s32 v2, v54;
	_ =	sdelay $0x3  }
0x385: {  	s26 =	simm.s32 $0x2600;
	v53 =	vperm.xlane v53, v3  }
0x386: {  	[tilespmem:s26], [sflag:$0x1] =	stream.indirect_vreg.gather [hbm4b:s1+s4], $0x80, v54, vm0, $0xb8;
	[tilespmem:$0x1A600] =	vst v63  }
0x387: {  	s30 =	simm.s32 $0x2E00;
	v53 =	vadd.s32 v2, v53  }
0x388: {  	[tilespmem:s30], [sflag:$0x1] =	stream.indirect_vreg.gather [hbm4b:s8+s4], $0x80, v54, vm0, $0xb8;
	[tilespmem:$0x1A600] =	vst v63  }
0x389: {  	s25 =	simm.s32 $0x3600  }
0x38a: {  	[tilespmem:s25], [sflag:$0x1] =	stream.indirect_vreg.gather [hbm4b:s9+s4], $0x80, v54, vm0, $0xb8;
	[tilespmem:$0x1A600] =	vst v63  }
0x38b: {  	s26 =	simm.s32 $0x3E00  }
0x38c: {  	[tilespmem:s26], [sflag:$0x1] =	stream.indirect_vreg.gather [hbm4b:s1+s4], $0x80, v53, vm0, $0xb8;
	[tilespmem:$0x1A600] =	vst v63  }
0x38d: {  	s30 =	simm.s32 $0x4600  }
0x38e: {  	[tilespmem:s30], [sflag:$0x1] =	stream.indirect_vreg.gather [hbm4b:s8+s4], $0x80, v53, vm0, $0xb8;
	[tilespmem:$0x1A600] =	vst v63  }
0x38f: {  	s25 =	simm.s32 $0x4E00  }
0x390: {  	[tilespmem:s25], [sflag:$0x1] =	stream.indirect_vreg.gather [hbm4b:s9+s4], $0x80, v53, vm0, $0xb8;
	[tilespmem:$0x1A600] =	vst v63  }
0x391: {  	v53 =	vld [tilespmem:s23+$0x1050];
	_ =	sdelay $0x4  }
0x392: {  	v61 =	vshrl.u32 v53, $0x3  }
0x393: {  	v54 =	vmul.u32 $0x30, v61  }
0x394: {  	v53 =	vand.u32 $0x7, v53  }
0x395: {  	v53 =	vor.u32 v53, v54  }
0x396: {  	v54 =	vperm.xlane v53, v1;
	_ =	sdelay $0x1  }
0x397: {  	v54 =	vadd.s32 v2, v54;
	_ =	sdelay $0x2  }
0x398: {  	s26 =	sshll.u32 s22, $0xC;
	s30 =	rddreg [dreg:$0x7]  }
0x399: {  	s24 =	sor.u32 s30, s26;
	s26 =	simm.s32 $0x5600;
	v53 =	vperm.xlane v53, v3  }
0x39a: {  	v62 =	vor.u32 s24, v4;
	[tilespmem:s26], [sflag:$0x1] =	stream.indirect_vreg.gather [hbm4b:s1+s4], $0x80, v54, vm0, $0xb8;
	[tilespmem:$0x1A600] =	vst v63  }
0x39b: {  	s30 =	simm.s32 $0x5E00;
	v55 =	vshrl.u32 v62, $0x3;
	v53 =	vadd.s32 v2, v53  }
0x39c: {  	v63 =	vmov s24;
	v55 =	vmul.u32 $0x30, v55;
	[tilespmem:s30], [sflag:$0x1] =	stream.indirect_vreg.gather [hbm4b:s8+s4], $0x80, v54, vm0, $0xb8;
	[tilespmem:$0x1A600] =	vst v63  }
0x39d: {  	v56 =	vand.u32 $0x7, v63;
	s26 =	simm.s32 $0x6600  }
0x39e: {  	v60 =	vor.u32 v56, v55;
	[tilespmem:s26], [sflag:$0x1] =	stream.indirect_vreg.gather [hbm4b:s9+s4], $0x80, v54, vm0, $0xb8;
	[tilespmem:$0x1A600] =	vst v63  }
0x39f: {  	v55 =	vperm.xlane v60, v1;
	s30 =	simm.s32 $0x6E00  }
0x3a0: {  	[tilespmem:s30], [sflag:$0x1] =	stream.indirect_vreg.gather [hbm4b:s1+s4], $0x80, v53, vm0, $0xb8;
	[tilespmem:$0x1A600] =	vst v63  }
0x3a1: {  	v55 =	vadd.s32 v2, v55;
	s26 =	simm.s32 $0x7600  }
0x3a2: {  	[tilespmem:s26], [sflag:$0x1] =	stream.indirect_vreg.gather [hbm4b:s8+s4], $0x80, v53, vm0, $0xb8;
	[tilespmem:$0x1A600] =	vst v63  }
0x3a3: {  	_ = 	snop  }
0x3a4: {  	[tilespmem:s31], [sflag:$0x1] =	stream.indirect_vreg.gather [hbm4b:s9+s4], $0x80, v53, vm0, $0xb8;
	[tilespmem:$0x1A600] =	vst v63  }
0x3a5: {  	s25 =	sor.u32 $0x400, s24;
	v61 =	vperm.xlane v60, v3;
	s30 =	simm.s32 $0xE600  }
0x3a6: {  	v62 =	vor.u32 s25, v4;
	[hbm4b:s3+s4] =	stream.indirect_vreg.scatter [tilespmem:s30], [sflag:$0x3], $0x80, v55, vm0, $0xb8;
	[tilespmem:$0x1A600] =	vst v63  }
0x3a7: {  	v54 =	vshrl.u32 v62, $0x3;
	v53 =	vadd.s32 v2, v61;
	s30 =	simm.s32 $0xEE00  }
0x3a8: {  	v63 =	vmov s25;
	v54 =	vmul.u32 $0x30, v54;
	[hbm4b:s10+s4] =	stream.indirect_vreg.scatter [tilespmem:s30], [sflag:$0x3], $0x80, v55, vm0, $0xb8;
	[tilespmem:$0x1A600] =	vst v63  }
0x3a9: {  	v56 =	vand.u32 $0x7, v63;
	s26 =	simm.s32 $0xF600  }
0x3aa: {  	v54 =	vor.u32 v56, v54;
	[hbm4b:s11+s4] =	stream.indirect_vreg.scatter [tilespmem:s26], [sflag:$0x3], $0x80, v55, vm0, $0xb8;
	[tilespmem:$0x1A600] =	vst v63  }
0x3ab: {  	v58 =	vperm.xlane v54, v1;
	s30 =	simm.s32 $0xFE00  }
0x3ac: {  	[hbm4b:s3+s4] =	stream.indirect_vreg.scatter [tilespmem:s30], [sflag:$0x3], $0x80, v53, vm0, $0xb8;
	[tilespmem:$0x1A600] =	vst v63  }
0x3ad: {  	v55 =	vadd.s32 v2, v58;
	s26 =	simm.s32 $0x10600  }
0x3ae: {  	[hbm4b:s10+s4] =	stream.indirect_vreg.scatter [tilespmem:s26], [sflag:$0x3], $0x80, v53, vm0, $0xb8;
	[tilespmem:$0x1A600] =	vst v63  }
0x3af: {  	s30 =	simm.s32 $0x10E00  }
0x3b0: {  	[hbm4b:s11+s4] =	stream.indirect_vreg.scatter [tilespmem:s30], [sflag:$0x3], $0x80, v53, vm0, $0xb8;
	[tilespmem:$0x1A600] =	vst v63  }
0x3b1: {  	v59 =	vperm.xlane v54, v3;
	s26 =	simm.s32 $0x11600  }
0x3b2: {  	[hbm4b:s3+s4] =	stream.indirect_vreg.scatter [tilespmem:s26], [sflag:$0x3], $0x80, v55, vm0, $0xb8;
	[tilespmem:$0x1A600] =	vst v63  }
0x3b3: {  	v53 =	vadd.s32 v2, v59;
	s30 =	simm.s32 $0x11E00  }
0x3b4: {  	[hbm4b:s10+s4] =	stream.indirect_vreg.scatter [tilespmem:s30], [sflag:$0x3], $0x80, v55, vm0, $0xb8;
	[tilespmem:$0x1A600] =	vst v63  }
0x3b5: {  	s26 =	simm.s32 $0x12600  }
0x3b6: {  	[hbm4b:s11+s4] =	stream.indirect_vreg.scatter [tilespmem:s26], [sflag:$0x3], $0x80, v55, vm0, $0xb8;
	[tilespmem:$0x1A600] =	vst v63  }
0x3b7: {  	s30 =	simm.s32 $0x12E00  }
0x3b8: {  	[hbm4b:s3+s4] =	stream.indirect_vreg.scatter [tilespmem:s30], [sflag:$0x3], $0x80, v53, vm0, $0xb8;
	[tilespmem:$0x1A600] =	vst v63  }
0x3b9: {  	s26 =	simm.s32 $0x13600  }
0x3ba: {  	[hbm4b:s10+s4] =	stream.indirect_vreg.scatter [tilespmem:s26], [sflag:$0x3], $0x80, v53, vm0, $0xb8;
	[tilespmem:$0x1A600] =	vst v63  }
0x3bb: {  	s30 =	simm.s32 $0x13E00  }
0x3bc: {  	[hbm4b:s11+s4] =	stream.indirect_vreg.scatter [tilespmem:s30], [sflag:$0x3], $0x80, v53, vm0, $0xb8;
	[tilespmem:$0x1A600] =	vst v63  }
0x3bd: {  	_ =	swait.ge [sflag:s20], $0x6000  }
0x3be: {  	[sflag:s20] =	ssyncset.done $0x0  }
0x3bf: {  	s25 =	simm.s32 @!p0 $0x4;
	[sflag:s20] =	ssyncadd.s32 $0xFFFFA000  }
0x3c0: {  	_ =	swait.ge @!p0 [sflag:s25], $0x3000  }
0x3c1: {  	[sflag:s25] =	ssyncset.done @!p0 $0x0  }
0x3c2: {  	s28 =	simm.s32 $0x0;
	[sflag:s25] =	ssyncadd.s32 @!p0 $0xFFFFD000  }
0x3c3: {  	s28 =	smul.u32 $0x1800, s28;
	s26 =	simm.s32 $0x0;
	_ =	swait.ge @!p0 [sflag:s25], $0x3000  }
0x3c4: {  	s29 =	sand.u32 $0x380, s26;
	[sflag:s25] =	ssyncset.done @!p0 $0x0  }
0x3c5: {  	[sflag:s25] =	ssyncadd.s32 @!p0 $0xFFFFD000;
	s25 =	sor.u32 s29, s28  }
0x3c6: {  	v60 =	vld [tilespmem:s25+$0x9A70]  }
0x3c7: {  	v61 =	vld [tilespmem:s25+$0x8600]  }
0x3c8: {  	v55 =	vld [tilespmem:s25+$0x8610]  }
0x3c9: {  	v56 =	vld [tilespmem:s25+$0x8620]  }
0x3ca: {  	v57 =	vld [tilespmem:s25+$0x8630]  }
0x3cb: {  	v58 =	vld [tilespmem:s25+$0x8640]  }
0x3cc: {  	v59 =	vld [tilespmem:s25+$0x8650];
	v53 =	vadd.f32 v60, v52  }
0x3cd: {  	v54 =	vadd.f32 v61, v5;
	v60 =	vld [tilespmem:s25+$0x8660]  }
0x3ce: {  	v62 =	vadd.f32 v55, v6;
	v55 =	vld [tilespmem:s25+$0x8A10];
	[tilespmem:s25+$0x15A70] =	vst v53  }
0x3cf: {  	v63 =	vadd.f32 v56, v7;
	v56 =	vld [tilespmem:s25+$0x8A20];
	[tilespmem:s25+$0x14600] =	vst v54  }
0x3d0: {  	v61 =	vadd.f32 v57, v8;
	v57 =	vld [tilespmem:s25+$0x8A30];
	[tilespmem:s25+$0x14610] =	vst v62  }
0x3d1: {  	v54 =	vld [tilespmem:s25+$0x8670];
	[tilespmem:s25+$0x14620] =	vst v63;
	v62 =	vadd.f32 v58, v9  }
0x3d2: {  	v53 =	vld [tilespmem:s25+$0x8A00];
	[tilespmem:s25+$0x14630] =	vst v61;
	v63 =	vadd.f32 v59, v10  }
0x3d3: {  	v61 =	vld [tilespmem:s25+$0x8A40];
	[tilespmem:s25+$0x14640] =	vst v62;
	v60 =	vadd.f32 v60, v11  }
0x3d4: {  	[tilespmem:s25+$0x14650] =	vst v63;
	v55 =	vadd.f32 v55, v14  }
0x3d5: {  	v62 =	vld [tilespmem:s25+$0x8A50];
	v56 =	vadd.f32 v56, v15;
	[tilespmem:s25+$0x14660] =	vst v60  }
0x3d6: {  	v63 =	vld [tilespmem:s25+$0x8E00];
	v57 =	vadd.f32 v57, v16;
	[tilespmem:s25+$0x14A10] =	vst v55  }
0x3d7: {  	v54 =	vadd.f32 v54, v12;
	[tilespmem:s25+$0x14A20] =	vst v56;
	v60 =	vld [tilespmem:s25+$0x8E10]  }
0x3d8: {  	v53 =	vadd.f32 v53, v13;
	v58 =	vadd.f32 v61, v17;
	[tilespmem:s25+$0x14A30] =	vst v57;
	v61 =	vld [tilespmem:s25+$0x8E20]  }
0x3d9: {  	[tilespmem:s25+$0x14670] =	vst v54;
	v54 =	vld [tilespmem:s25+$0x8A60]  }
0x3da: {  	[tilespmem:s25+$0x14A00] =	vst v53;
	v53 =	vld [tilespmem:s25+$0x8A70];
	v59 =	vadd.f32 v62, v18  }
0x3db: {  	[tilespmem:s25+$0x14A40] =	vst v58;
	v62 =	vld [tilespmem:s25+$0x8E30];
	v55 =	vadd.f32 v63, v21  }
0x3dc: {  	[tilespmem:s25+$0x14A50] =	vst v59;
	v59 =	vld [tilespmem:s25+$0x8E40];
	v56 =	vadd.f32 v60, v22  }
0x3dd: {  	v63 =	vld [tilespmem:s25+$0x8E60];
	[tilespmem:s25+$0x14E00] =	vst v55;
	v57 =	vadd.f32 v61, v23  }
0x3de: {  	v60 =	vld [tilespmem:s25+$0x8E70];
	v54 =	vadd.f32 v54, v19;
	[tilespmem:s25+$0x14E10] =	vst v56  }
0x3df: {  	v61 =	vld [tilespmem:s25+$0x9200];
	v53 =	vadd.f32 v53, v20;
	[tilespmem:s25+$0x14E20] =	vst v57  }
0x3e0: {  	v58 =	vadd.f32 v62, v24;
	v62 =	vld [tilespmem:s25+$0x9210];
	[tilespmem:s25+$0x14A60] =	vst v54  }
0x3e1: {  	v54 =	vld [tilespmem:s25+$0x8E50];
	[tilespmem:s25+$0x14A70] =	vst v53;
	v59 =	vadd.f32 v59, v25  }
0x3e2: {  	[tilespmem:s25+$0x14E30] =	vst v58;
	v58 =	vld [tilespmem:s25+$0x9220];
	v53 =	vadd.f32 v63, v27  }
0x3e3: {  	v55 =	vadd.f32 v60, v28;
	v60 =	vld [tilespmem:s25+$0x9250];
	[tilespmem:s25+$0x14E40] =	vst v59  }
0x3e4: {  	v56 =	vadd.f32 v61, v29;
	v59 =	vld [tilespmem:s25+$0x9230];
	[tilespmem:s25+$0x14E60] =	vst v53  }
0x3e5: {  	v63 =	vld [tilespmem:s25+$0x9240];
	[tilespmem:s25+$0x14E70] =	vst v55;
	v57 =	vadd.f32 v62, v30  }
0x3e6: {  	v61 =	vld [tilespmem:s25+$0x9260];
	[tilespmem:s25+$0x15200] =	vst v56;
	v54 =	vadd.f32 v54, v26  }
0x3e7: {  	v62 =	vld [tilespmem:s25+$0x9270];
	v58 =	vadd.f32 v58, v31;
	[tilespmem:s25+$0x15210] =	vst v57  }
0x3e8: {  	v57 =	vld [tilespmem:s25+$0x9600];
	v53 =	vadd.f32 v60, v34;
	[tilespmem:s25+$0x14E50] =	vst v54  }
0x3e9: {  	v59 =	vadd.f32 v59, v32;
	[tilespmem:s25+$0x15220] =	vst v58;
	v58 =	vld [tilespmem:s25+$0x9610]  }
0x3ea: {  	v54 =	vadd.f32 v63, v33;
	[tilespmem:s25+$0x15250] =	vst v53;
	v53 =	vld [tilespmem:s25+$0x9640]  }
0x3eb: {  	v55 =	vadd.f32 v61, v35;
	[tilespmem:s25+$0x15230] =	vst v59;
	v59 =	vld [tilespmem:s25+$0x9620]  }
0x3ec: {  	v56 =	vadd.f32 v62, v36;
	[tilespmem:s25+$0x15240] =	vst v54;
	v54 =	vld [tilespmem:s25+$0x9630]  }
0x3ed: {  	v60 =	vld [tilespmem:s25+$0x9650];
	[tilespmem:s25+$0x15260] =	vst v55;
	v63 =	vadd.f32 v57, v37  }
0x3ee: {  	v61 =	vld [tilespmem:s25+$0x9660];
	[tilespmem:s25+$0x15270] =	vst v56;
	v58 =	vadd.f32 v58, v38  }
0x3ef: {  	v57 =	vld [tilespmem:s25+$0x9670];
	[tilespmem:s25+$0x15600] =	vst v63;
	v63 =	vadd.f32 v53, v41  }
0x3f0: {  	v55 =	vld [tilespmem:s25+$0x9A00];
	v59 =	vadd.f32 v59, v39;
	[tilespmem:s25+$0x15610] =	vst v58  }
0x3f1: {  	v62 =	vadd.f32 v54, v40;
	v54 =	vld [tilespmem:s25+$0x9A10];
	[tilespmem:s25+$0x15640] =	vst v63  }
0x3f2: {  	v53 =	vld [tilespmem:s25+$0x9A20];
	v58 =	vadd.f32 v60, v42;
	[tilespmem:s25+$0x15620] =	vst v59  }
0x3f3: {  	s29 =	simm.s32 $0x0;
	s28 =	simm.s32 $0x2;
	v56 =	vld [tilespmem:s25+$0x9A30];
	[tilespmem:s25+$0x15630] =	vst v62;
	v59 =	vadd.f32 v61, v43  }
.LBB2_11:
0x3f4: {  	p0 =	sne.s32 s28, $0x1F;
	s29 =	smul.u32 $0x1800, s29;
	[tilespmem:s25+$0x15650] =	vst v58;
	v57 =	vadd.f32 v57, v44;
	v58 =	vld [tilespmem:s25+$0x9A40];
	s26 =	sadd.s32 $0x80, s26  }
0x3f5: {  	s30 =	sand.u32 $0x380, s26;
	[tilespmem:s25+$0x15660] =	vst v59;
	v55 =	vadd.f32 v55, v45;
	v59 =	vld [tilespmem:s25+$0x9A50]  }
0x3f6: {  	s29 =	sor.u32 s30, s29;
	[tilespmem:s25+$0x15670] =	vst v57;
	v54 =	vadd.f32 v54, v46;
	v57 =	vld [tilespmem:s25+$0x9A60]  }
0x3f7: {  	v60 =	vld [tilespmem:s29+$0x9A70];
	[tilespmem:s25+$0x15A00] =	vst v55;
	v53 =	vadd.f32 v53, v47  }
0x3f8: {  	v55 =	vld [tilespmem:s29+$0x8600];
	[tilespmem:s25+$0x15A10] =	vst v54;
	v54 =	vadd.f32 v56, v48  }
0x3f9: {  	v56 =	vld [tilespmem:s29+$0x8610];
	[tilespmem:s25+$0x15A20] =	vst v53;
	v53 =	vadd.f32 v58, v49  }
0x3fa: {  	v58 =	vld [tilespmem:s29+$0x8620];
	[tilespmem:s25+$0x15A30] =	vst v54;
	v54 =	vadd.f32 v59, v50  }
0x3fb: {  	v59 =	vld [tilespmem:s29+$0x8630];
	[tilespmem:s25+$0x15A40] =	vst v53;
	v53 =	vadd.f32 v57, v51  }
0x3fc: {  	v57 =	vld [tilespmem:s29+$0x8640];
	v60 =	vadd.f32 v60, v52;
	[tilespmem:s25+$0x15A50] =	vst v54  }
0x3fd: {  	v54 =	vadd.f32 v55, v5;
	v55 =	vld [tilespmem:s29+$0x8650];
	[tilespmem:s25+$0x15A60] =	vst v53;
	s25 =	smov.u32 s29  }
0x3fe: {  	v53 =	vadd.f32 v56, v6;
	v56 =	vld [tilespmem:s25+$0x8660];
	[tilespmem:s25+$0x15A70] =	vst v60  }
0x3ff: {  	[tilespmem:s25+$0x14600] =	vst v54;
	v54 =	vadd.f32 v58, v7;
	v58 =	vld [tilespmem:s25+$0x8670]  }
0x400: {  	[tilespmem:s25+$0x14610] =	vst v53;
	v53 =	vadd.f32 v59, v8;
	v59 =	vld [tilespmem:s25+$0x8A00]  }
0x401: {  	[tilespmem:s25+$0x14620] =	vst v54;
	v54 =	vadd.f32 v57, v9;
	v57 =	vld [tilespmem:s25+$0x8A10]  }
0x402: {  	[tilespmem:s25+$0x14630] =	vst v53;
	v53 =	vadd.f32 v55, v10;
	v55 =	vld [tilespmem:s25+$0x8A20]  }
0x403: {  	[tilespmem:s25+$0x14640] =	vst v54;
	v54 =	vadd.f32 v56, v11;
	v56 =	vld [tilespmem:s25+$0x8A30]  }
0x404: {  	[tilespmem:s25+$0x14650] =	vst v53;
	v53 =	vadd.f32 v58, v12;
	v58 =	vld [tilespmem:s25+$0x8A40]  }
0x405: {  	[tilespmem:s25+$0x14660] =	vst v54;
	v54 =	vadd.f32 v59, v13;
	v59 =	vld [tilespmem:s25+$0x8A50]  }
0x406: {  	[tilespmem:s25+$0x14670] =	vst v53;
	v53 =	vadd.f32 v57, v14;
	v57 =	vld [tilespmem:s25+$0x8A60]  }
0x407: {  	[tilespmem:s25+$0x14A00] =	vst v54;
	v54 =	vadd.f32 v55, v15;
	v55 =	vld [tilespmem:s25+$0x8A70]  }
0x408: {  	[tilespmem:s25+$0x14A10] =	vst v53;
	v53 =	vadd.f32 v56, v16;
	v56 =	vld [tilespmem:s25+$0x8E00]  }
0x409: {  	[tilespmem:s25+$0x14A20] =	vst v54;
	v54 =	vadd.f32 v58, v17;
	v58 =	vld [tilespmem:s25+$0x8E10]  }
0x40a: {  	[tilespmem:s25+$0x14A30] =	vst v53;
	v53 =	vadd.f32 v59, v18;
	v59 =	vld [tilespmem:s25+$0x8E20]  }
0x40b: {  	[tilespmem:s25+$0x14A40] =	vst v54;
	v54 =	vadd.f32 v57, v19;
	v57 =	vld [tilespmem:s25+$0x8E30]  }
0x40c: {  	[tilespmem:s25+$0x14A50] =	vst v53;
	v53 =	vadd.f32 v55, v20;
	v55 =	vld [tilespmem:s25+$0x8E40]  }
0x40d: {  	[tilespmem:s25+$0x14A60] =	vst v54;
	v54 =	vadd.f32 v56, v21;
	v56 =	vld [tilespmem:s25+$0x8E50]  }
0x40e: {  	[tilespmem:s25+$0x14A70] =	vst v53;
	v53 =	vadd.f32 v58, v22;
	v58 =	vld [tilespmem:s25+$0x8E60]  }
0x40f: {  	[tilespmem:s25+$0x14E00] =	vst v54;
	v54 =	vadd.f32 v59, v23;
	v59 =	vld [tilespmem:s25+$0x8E70]  }
0x410: {  	[tilespmem:s25+$0x14E10] =	vst v53;
	v53 =	vadd.f32 v57, v24;
	v57 =	vld [tilespmem:s25+$0x9200]  }
0x411: {  	[tilespmem:s25+$0x14E20] =	vst v54;
	v54 =	vadd.f32 v55, v25;
	v55 =	vld [tilespmem:s25+$0x9210]  }
0x412: {  	[tilespmem:s25+$0x14E30] =	vst v53;
	v53 =	vadd.f32 v56, v26;
	v56 =	vld [tilespmem:s25+$0x9220]  }
0x413: {  	[tilespmem:s25+$0x14E40] =	vst v54;
	v54 =	vadd.f32 v58, v27;
	v58 =	vld [tilespmem:s25+$0x9230]  }
0x414: {  	[tilespmem:s25+$0x14E50] =	vst v53;
	v53 =	vadd.f32 v59, v28;
	v59 =	vld [tilespmem:s25+$0x9240]  }
0x415: {  	[tilespmem:s25+$0x14E60] =	vst v54;
	v54 =	vadd.f32 v57, v29;
	v57 =	vld [tilespmem:s25+$0x9250]  }
0x416: {  	[tilespmem:s25+$0x14E70] =	vst v53;
	v53 =	vadd.f32 v55, v30;
	v55 =	vld [tilespmem:s25+$0x9260]  }
0x417: {  	[tilespmem:s25+$0x15200] =	vst v54;
	v54 =	vadd.f32 v56, v31;
	v56 =	vld [tilespmem:s25+$0x9270]  }
0x418: {  	[tilespmem:s25+$0x15210] =	vst v53;
	v53 =	vadd.f32 v58, v32;
	v58 =	vld [tilespmem:s25+$0x9600]  }
0x419: {  	[tilespmem:s25+$0x15220] =	vst v54;
	v54 =	vadd.f32 v59, v33;
	v59 =	vld [tilespmem:s25+$0x9610]  }
0x41a: {  	[tilespmem:s25+$0x15230] =	vst v53;
	v53 =	vadd.f32 v57, v34;
	v57 =	vld [tilespmem:s25+$0x9620]  }
0x41b: {  	[tilespmem:s25+$0x15240] =	vst v54;
	v54 =	vadd.f32 v55, v35;
	v55 =	vld [tilespmem:s25+$0x9630]  }
0x41c: {  	[tilespmem:s25+$0x15250] =	vst v53;
	v53 =	vadd.f32 v56, v36;
	v56 =	vld [tilespmem:s25+$0x9640]  }
0x41d: {  	[tilespmem:s25+$0x15260] =	vst v54;
	v54 =	vadd.f32 v58, v37;
	v58 =	vld [tilespmem:s25+$0x9650]  }
0x41e: {  	[tilespmem:s25+$0x15270] =	vst v53;
	v53 =	vadd.f32 v59, v38;
	v59 =	vld [tilespmem:s25+$0x9660]  }
.Ltmp4:
0x41f: {  	[tilespmem:s25+$0x15600] =	vst v54;
	v54 =	vadd.f32 v57, v39;
	v57 =	vld [tilespmem:s25+$0x9670];
	(pc) =	sbr.rel @p0 .LBB2_11-.Ltmp4, $4  }
0x420: {  	[tilespmem:s25+$0x15610] =	vst v53;
	v53 =	vadd.f32 v55, v40;
	v55 =	vld [tilespmem:s25+$0x9A00]  }
0x421: {  	[tilespmem:s25+$0x15620] =	vst v54;
	v56 =	vadd.f32 v56, v41;
	v54 =	vld [tilespmem:s25+$0x9A10]  }
0x422: {  	[tilespmem:s25+$0x15630] =	vst v53;
	v58 =	vadd.f32 v58, v42;
	v53 =	vld [tilespmem:s25+$0x9A20]  }
0x423: {  	s29 =	sshrl.u32 s28, $0x3;
	s28 =	sadd.s32 $0x1, s28;
	[tilespmem:s25+$0x15640] =	vst v56;
	v59 =	vadd.f32 v59, v43;
	v56 =	vld [tilespmem:s25+$0x9A30]  }
0x424: {  	[tilespmem:s25+$0x15650] =	vst v58;
	v58 =	vld [tilespmem:s25+$0x9A40];
	v57 =	vadd.f32 v57, v44;
	s28 =	smul.u32 $0x1800, s29;
	s26 =	sadd.s32 $0x80, s26  }
0x425: {  	[tilespmem:s25+$0x15660] =	vst v59;
	v59 =	vld [tilespmem:s25+$0x9A50];
	s26 =	sand.u32 $0x380, s26;
	v55 =	vadd.f32 v55, v45  }
0x426: {  	[tilespmem:s25+$0x15670] =	vst v57;
	s26 =	sor.u32 s26, s28;
	v57 =	vld [tilespmem:s25+$0x9A60];
	v54 =	vadd.f32 v54, v46  }
0x427: {  	v60 =	vld [tilespmem:s26+$0x9A70];
	[tilespmem:s25+$0x15A00] =	vst v55;
	v53 =	vadd.f32 v53, v47  }
0x428: {  	v55 =	vld [tilespmem:s26+$0x8600];
	[tilespmem:s25+$0x15A10] =	vst v54;
	v56 =	vadd.f32 v56, v48  }
0x429: {  	v54 =	vld [tilespmem:s26+$0x8610];
	[tilespmem:s25+$0x15A20] =	vst v53;
	v58 =	vadd.f32 v58, v49  }
0x42a: {  	v53 =	vld [tilespmem:s26+$0x8620];
	[tilespmem:s25+$0x15A30] =	vst v56;
	v59 =	vadd.f32 v59, v50  }
0x42b: {  	v56 =	vld [tilespmem:s26+$0x8630];
	[tilespmem:s25+$0x15A40] =	vst v58;
	v57 =	vadd.f32 v57, v51  }
0x42c: {  	v58 =	vld [tilespmem:s26+$0x8640];
	[tilespmem:s25+$0x15A50] =	vst v59  }
0x42d: {  	v59 =	vadd.f32 v60, v52;
	v60 =	vld [tilespmem:s26+$0x8650];
	[tilespmem:s25+$0x15A60] =	vst v57;
	v55 =	vadd.f32 v55, v5  }
0x42e: {  	v57 =	vld [tilespmem:s26+$0x8660]  }
0x42f: {  	v54 =	vadd.f32 v54, v6;
	[tilespmem:s26+$0x14600] =	vst v55;
	v55 =	vld [tilespmem:s26+$0x8670]  }
0x430: {  	[tilespmem:s26+$0x15A70] =	vst v59;
	v53 =	vadd.f32 v53, v7;
	v61 =	vadd.f32 v56, v8;
	v56 =	vld [tilespmem:s26+$0x8A00]  }
0x431: {  	v59 =	vld [tilespmem:s26+$0x8A20];
	[tilespmem:s26+$0x14610] =	vst v54  }
0x432: {  	[tilespmem:s26+$0x14620] =	vst v53;
	v62 =	vadd.f32 v58, v9;
	v58 =	vld [tilespmem:s26+$0x8A10]  }
0x433: {  	[tilespmem:s26+$0x14630] =	vst v61;
	v63 =	vadd.f32 v60, v10;
	v60 =	vadd.f32 v57, v11;
	v57 =	vld [tilespmem:s26+$0x8A30]  }
0x434: {  	[tilespmem:s26+$0x14640] =	vst v62;
	v61 =	vadd.f32 v55, v12;
	v55 =	vld [tilespmem:s26+$0x8A40]  }
0x435: {  	[tilespmem:s26+$0x14650] =	vst v63;
	v62 =	vadd.f32 v56, v13;
	v56 =	vld [tilespmem:s26+$0x8A50]  }
0x436: {  	[tilespmem:s26+$0x14660] =	vst v60;
	v60 =	vadd.f32 v59, v15;
	v59 =	vld [tilespmem:s26+$0x8A70]  }
0x437: {  	[tilespmem:s26+$0x14670] =	vst v61;
	v63 =	vadd.f32 v58, v14;
	v58 =	vld [tilespmem:s26+$0x8A60]  }
0x438: {  	[tilespmem:s26+$0x14A00] =	vst v62;
	v61 =	vadd.f32 v57, v16;
	v57 =	vld [tilespmem:s26+$0x8E00]  }
0x439: {  	[tilespmem:s26+$0x14A20] =	vst v60;
	v62 =	vadd.f32 v55, v17;
	v55 =	vld [tilespmem:s26+$0x8E10]  }
0x43a: {  	[tilespmem:s26+$0x14A10] =	vst v63;
	v63 =	vadd.f32 v56, v18;
	v56 =	vld [tilespmem:s26+$0x8E20]  }
0x43b: {  	[tilespmem:s26+$0x14A30] =	vst v61;
	v61 =	vadd.f32 v59, v20;
	v59 =	vld [tilespmem:s26+$0x8E40]  }
0x43c: {  	[tilespmem:s26+$0x14A40] =	vst v62;
	v60 =	vadd.f32 v58, v19;
	v58 =	vld [tilespmem:s26+$0x8E30]  }
0x43d: {  	[tilespmem:s26+$0x14A50] =	vst v63;
	v62 =	vadd.f32 v57, v21;
	v57 =	vld [tilespmem:s26+$0x8E50]  }
0x43e: {  	[tilespmem:s26+$0x14A70] =	vst v61;
	v63 =	vadd.f32 v55, v22;
	v55 =	vld [tilespmem:s26+$0x8E60]  }
0x43f: {  	[tilespmem:s26+$0x14A60] =	vst v60;
	v60 =	vadd.f32 v56, v23;
	v56 =	vld [tilespmem:s26+$0x8E70]  }
0x440: {  	[tilespmem:s26+$0x14E00] =	vst v62;
	v62 =	vadd.f32 v59, v25;
	v59 =	vld [tilespmem:s26+$0x9210]  }
0x441: {  	[tilespmem:s26+$0x14E10] =	vst v63;
	v61 =	vadd.f32 v58, v24;
	v58 =	vld [tilespmem:s26+$0x9200]  }
0x442: {  	[tilespmem:s26+$0x14E20] =	vst v60;
	v63 =	vadd.f32 v57, v26;
	v57 =	vld [tilespmem:s26+$0x9220]  }
0x443: {  	[tilespmem:s26+$0x14E40] =	vst v62;
	v60 =	vadd.f32 v55, v27;
	v55 =	vld [tilespmem:s26+$0x9230]  }
0x444: {  	[tilespmem:s26+$0x14E30] =	vst v61;
	v61 =	vadd.f32 v56, v28;
	v56 =	vld [tilespmem:s26+$0x9240]  }
0x445: {  	[tilespmem:s26+$0x14E50] =	vst v63;
	v63 =	vadd.f32 v59, v30;
	v59 =	vld [tilespmem:s26+$0x9260]  }
0x446: {  	[tilespmem:s26+$0x14E60] =	vst v60;
	v62 =	vadd.f32 v58, v29;
	v58 =	vld [tilespmem:s26+$0x9250]  }
0x447: {  	[tilespmem:s26+$0x14E70] =	vst v61;
	v60 =	vadd.f32 v57, v31;
	v57 =	vld [tilespmem:s26+$0x9270]  }
0x448: {  	[tilespmem:s26+$0x15210] =	vst v63;
	v61 =	vadd.f32 v55, v32;
	v55 =	vld [tilespmem:s26+$0x9600]  }
0x449: {  	[tilespmem:s26+$0x15200] =	vst v62;
	v62 =	vadd.f32 v56, v33;
	v56 =	vld [tilespmem:s26+$0x9610]  }
0x44a: {  	[tilespmem:s26+$0x15220] =	vst v60;
	v60 =	vadd.f32 v59, v35;
	v59 =	vld [tilespmem:s26+$0x9630]  }
0x44b: {  	[tilespmem:s26+$0x15230] =	vst v61;
	v63 =	vadd.f32 v58, v34;
	v58 =	vld [tilespmem:s26+$0x9620]  }
0x44c: {  	[tilespmem:s26+$0x15240] =	vst v62;
	v61 =	vadd.f32 v57, v36;
	v57 =	vld [tilespmem:s26+$0x9640]  }
0x44d: {  	[tilespmem:s26+$0x15260] =	vst v60;
	v62 =	vadd.f32 v55, v37;
	v55 =	vld [tilespmem:s26+$0x9650]  }
0x44e: {  	[tilespmem:s26+$0x15250] =	vst v63;
	v63 =	vadd.f32 v56, v38;
	v56 =	vld [tilespmem:s26+$0x9660]  }
0x44f: {  	[tilespmem:s26+$0x15270] =	vst v61;
	v61 =	vadd.f32 v59, v40;
	v59 =	vld [tilespmem:s26+$0x9A00]  }
0x450: {  	[tilespmem:s26+$0x15600] =	vst v62;
	v60 =	vadd.f32 v58, v39;
	v58 =	vld [tilespmem:s26+$0x9670]  }
0x451: {  	[tilespmem:s26+$0x15610] =	vst v63  }
0x452: {  	[tilespmem:s26+$0x15630] =	vst v61;
	v62 =	vadd.f32 v57, v41;
	v57 =	vld [tilespmem:s26+$0x9A10]  }
0x453: {  	[tilespmem:s26+$0x15620] =	vst v60;
	v63 =	vadd.f32 v55, v42;
	v55 =	vld [tilespmem:s26+$0x9A20]  }
0x454: {  	[tilespmem:s26+$0x15640] =	vst v62;
	v60 =	vadd.f32 v56, v43;
	v56 =	vld [tilespmem:s26+$0x9A30]  }
0x455: {  	v62 =	vadd.f32 v59, v45;
	[tilespmem:s26+$0x15650] =	vst v63;
	v61 =	vadd.f32 v58, v44;
	v58 =	vld [tilespmem:s26+$0x9A40]  }
0x456: {  	v59 =	vld [tilespmem:s26+$0x9A50];
	[tilespmem:s26+$0x15660] =	vst v60  }
0x457: {  	v60 =	vld [tilespmem:s26+$0x9A60];
	[tilespmem:s26+$0x15A00] =	vst v62;
	v63 =	vadd.f32 v57, v46  }
0x458: {  	[tilespmem:s26+$0x15670] =	vst v61;
	v61 =	vadd.f32 v55, v47  }
0x459: {  	[tilespmem:s26+$0x15A10] =	vst v63;
	v62 =	vadd.f32 v56, v48  }
0x45a: {  	[tilespmem:s26+$0x15A20] =	vst v61;
	v63 =	vadd.f32 v58, v49  }
0x45b: {  	v58 =	vadd.f32 v59, v50;
	[tilespmem:s26+$0x15A30] =	vst v62  }
0x45c: {  	v59 =	vadd.f32 v60, v51;
	[tilespmem:s26+$0x15A40] =	vst v63  }
0x45d: {  	[tilespmem:s26+$0x15A50] =	vst v58  }
0x45e: {  	[tilespmem:s26+$0x15A60] =	vst v59  }
0x45f: {  	v53 =	vld [tilespmem:s23+$0x1060];
	_ =	sdelay $0x4  }
0x460: {  	v60 =	vshrl.u32 v53, $0x3  }
0x461: {  	v54 =	vmul.u32 $0x30, v60  }
0x462: {  	v53 =	vand.u32 $0x7, v53  }
0x463: {  	v53 =	vor.u32 v53, v54  }
0x464: {  	v54 =	vperm.xlane v53, v1;
	_ =	sdelay $0x1  }
0x465: {  	v54 =	vadd.s32 v2, v54;
	_ =	sdelay $0x3  }
0x466: {  	v53 =	vperm.xlane v53, v3  }
0x467: {  	[tilespmem:s0], [sflag:$0x2] =	stream.indirect_vreg.gather [hbm4b:s1+s4], $0x80, v54, vm0, $0xb8;
	[tilespmem:$0x1A600] =	vst v63  }
0x468: {  	v53 =	vadd.s32 v2, v53  }
0x469: {  	[tilespmem:s2], [sflag:$0x2] =	stream.indirect_vreg.gather [hbm4b:s8+s4], $0x80, v54, vm0, $0xb8;
	[tilespmem:$0x1A600] =	vst v63  }
0x46a: {  	_ = 	snop  }
0x46b: {  	[tilespmem:s14], [sflag:$0x2] =	stream.indirect_vreg.gather [hbm4b:s9+s4], $0x80, v54, vm0, $0xb8;
	[tilespmem:$0x1A600] =	vst v63  }
0x46c: {  	_ = 	snop  }
0x46d: {  	[tilespmem:s17], [sflag:$0x2] =	stream.indirect_vreg.gather [hbm4b:s1+s4], $0x80, v53, vm0, $0xb8;
	[tilespmem:$0x1A600] =	vst v63  }
0x46e: {  	_ = 	snop  }
0x46f: {  	[tilespmem:s18], [sflag:$0x2] =	stream.indirect_vreg.gather [hbm4b:s8+s4], $0x80, v53, vm0, $0xb8;
	[tilespmem:$0x1A600] =	vst v63  }
0x470: {  	_ = 	snop  }
0x471: {  	[tilespmem:s15], [sflag:$0x2] =	stream.indirect_vreg.gather [hbm4b:s9+s4], $0x80, v53, vm0, $0xb8;
	[tilespmem:$0x1A600] =	vst v63  }
0x472: {  	v53 =	vld [tilespmem:s23+$0x1070];
	_ =	sdelay $0x4  }
0x473: {  	v61 =	vshrl.u32 v53, $0x3  }
0x474: {  	v54 =	vmul.u32 $0x30, v61  }
0x475: {  	v53 =	vand.u32 $0x7, v53  }
0x476: {  	v53 =	vor.u32 v53, v54  }
0x477: {  	v54 =	vperm.xlane v53, v1;
	_ =	sdelay $0x1  }
0x478: {  	v54 =	vadd.s32 v2, v54;
	_ =	sdelay $0x3  }
0x479: {  	s28 =	sor.u32 $0x800, s24;
	v53 =	vperm.xlane v53, v3  }
0x47a: {  	v62 =	vadd.s32 s28, v4;
	[tilespmem:s5], [sflag:$0x2] =	stream.indirect_vreg.gather [hbm4b:s1+s4], $0x80, v54, vm0, $0xb8;
	[tilespmem:$0x1A600] =	vst v63  }
0x47b: {  	v55 =	vshrl.u32 v62, $0x3;
	v53 =	vadd.s32 v2, v53  }
0x47c: {  	v63 =	vmov s28;
	v55 =	vmul.u32 $0x30, v55;
	[tilespmem:s7], [sflag:$0x2] =	stream.indirect_vreg.gather [hbm4b:s8+s4], $0x80, v54, vm0, $0xb8;
	[tilespmem:$0x1A600] =	vst v63  }
0x47d: {  	v56 =	vand.u32 $0x7, v63  }
0x47e: {  	v58 =	vor.u32 v56, v55;
	[tilespmem:s13], [sflag:$0x2] =	stream.indirect_vreg.gather [hbm4b:s9+s4], $0x80, v54, vm0, $0xb8;
	[tilespmem:$0x1A600] =	vst v63  }
0x47f: {  	v55 =	vperm.xlane v58, v1  }
0x480: {  	[tilespmem:s16], [sflag:$0x2] =	stream.indirect_vreg.gather [hbm4b:s1+s4], $0x80, v53, vm0, $0xb8;
	[tilespmem:$0x1A600] =	vst v63  }
0x481: {  	v55 =	vadd.s32 v2, v55  }
0x482: {  	[tilespmem:s6], [sflag:$0x2] =	stream.indirect_vreg.gather [hbm4b:s8+s4], $0x80, v53, vm0, $0xb8;
	[tilespmem:$0x1A600] =	vst v63  }
0x483: {  	_ = 	snop  }
0x484: {  	[tilespmem:s12], [sflag:$0x2] =	stream.indirect_vreg.gather [hbm4b:s9+s4], $0x80, v53, vm0, $0xb8;
	[tilespmem:$0x1A600] =	vst v63  }
0x485: {  	s29 =	sor.u32 $0xC00, s24;
	s30 =	simm.s32 $0x14600;
	v59 =	vperm.xlane v58, v3  }
0x486: {  	v60 =	vadd.s32 s29, v4;
	[hbm4b:s3+s4] =	stream.indirect_vreg.scatter [tilespmem:s30], [sflag:$0x4], $0x80, v55, vm0, $0xb8;
	[tilespmem:$0x1A600] =	vst v63  }
0x487: {  	s25 =	simm.s32 $0x14E00;
	v54 =	vshrl.u32 v60, $0x3;
	v53 =	vadd.s32 v2, v59  }
0x488: {  	v61 =	vmov s29;
	v54 =	vmul.u32 $0x30, v54;
	[hbm4b:s10+s4] =	stream.indirect_vreg.scatter [tilespmem:s25], [sflag:$0x4], $0x80, v55, vm0, $0xb8;
	[tilespmem:$0x1A600] =	vst v63  }
0x489: {  	s26 =	simm.s32 $0x15600;
	v56 =	vand.u32 $0x7, v61  }
0x48a: {  	v54 =	vor.u32 v56, v54;
	[hbm4b:s11+s4] =	stream.indirect_vreg.scatter [tilespmem:s26], [sflag:$0x4], $0x80, v55, vm0, $0xb8;
	[tilespmem:$0x1A600] =	vst v63  }
0x48b: {  	s28 =	simm.s32 $0x15E00;
	v62 =	vperm.xlane v54, v1  }
0x48c: {  	[hbm4b:s3+s4] =	stream.indirect_vreg.scatter [tilespmem:s28], [sflag:$0x4], $0x80, v53, vm0, $0xb8;
	[tilespmem:$0x1A600] =	vst v63  }
0x48d: {  	s29 =	simm.s32 $0x16600;
	v55 =	vadd.s32 v2, v62  }
0x48e: {  	[hbm4b:s10+s4] =	stream.indirect_vreg.scatter [tilespmem:s29], [sflag:$0x4], $0x80, v53, vm0, $0xb8;
	[tilespmem:$0x1A600] =	vst v63  }
0x48f: {  	s30 =	simm.s32 $0x16E00  }
0x490: {  	[hbm4b:s11+s4] =	stream.indirect_vreg.scatter [tilespmem:s30], [sflag:$0x4], $0x80, v53, vm0, $0xb8;
	[tilespmem:$0x1A600] =	vst v63  }
0x491: {  	s24 =	simm.s32 $0x17600;
	v63 =	vperm.xlane v54, v3  }
0x492: {  	[hbm4b:s3+s4] =	stream.indirect_vreg.scatter [tilespmem:s24], [sflag:$0x4], $0x80, v55, vm0, $0xb8;
	[tilespmem:$0x1A600] =	vst v63  }
0x493: {  	s25 =	simm.s32 $0x17E00;
	v53 =	vadd.s32 v2, v63  }
0x494: {  	[hbm4b:s10+s4] =	stream.indirect_vreg.scatter [tilespmem:s25], [sflag:$0x4], $0x80, v55, vm0, $0xb8;
	[tilespmem:$0x1A600] =	vst v63  }
0x495: {  	s22 =	sadd.s32 $0x1, s22;
	s26 =	simm.s32 $0x18600  }
0x496: {  	[hbm4b:s11+s4] =	stream.indirect_vreg.scatter [tilespmem:s26], [sflag:$0x4], $0x80, v55, vm0, $0xb8;
	[tilespmem:$0x1A600] =	vst v63  }
0x497: {  	p0 =	sne.s32 s22, $0x40;
	s28 =	simm.s32 $0x18E00  }
0x498: {  	[hbm4b:s3+s4] =	stream.indirect_vreg.scatter [tilespmem:s28], [sflag:$0x4], $0x80, v53, vm0, $0xb8;
	[tilespmem:$0x1A600] =	vst v63  }
.Ltmp5:
0x499: {  	_ = 	snop;
	(pc) =	sbr.rel @p0 .LBB2_8-.Ltmp5, $4  }
0x49a: {  	s29 =	simm.s32 $0x19600  }
0x49b: {  	[hbm4b:s10+s4] =	stream.indirect_vreg.scatter [tilespmem:s29], [sflag:$0x4], $0x80, v53, vm0, $0xb8;
	[tilespmem:$0x1A600] =	vst v63  }
0x49c: {  	s30 =	simm.s32 $0x19E00  }
0x49d: {  	[hbm4b:s11+s4] =	stream.indirect_vreg.scatter [tilespmem:s30], [sflag:$0x4], $0x80, v53, vm0, $0xb8;
	[tilespmem:$0x1A600] =	vst v63  }
0x49e: {  	_ =	swait.ge [sflag:s19], $0x6000  }
0x49f: {  	[sflag:s19] =	ssyncset.done $0x0  }
0x4a0: {  	s21 =	simm.s32 $0x3;
	[sflag:s19] =	ssyncadd.s32 $0xFFFFA000  }
0x4a1: {  	_ =	swait.ge [sflag:s21], $0x3000  }
0x4a2: {  	[sflag:s21] =	ssyncset.done $0x0  }
0x4a3: {  	[sflag:s21] =	ssyncadd.s32 $0xFFFFD000  }
0x4a4: {  	_ =	swait.ge [sflag:s21], $0x3000  }
0x4a5: {  	[sflag:s21] =	ssyncset.done $0x0  }
0x4a6: {  	[sflag:s21] =	ssyncadd.s32 $0xFFFFD000  }
0x4a7: {  	_ =	swait.ge [sflag:s20], $0x6000  }
0x4a8: {  	[sflag:s20] =	ssyncset.done $0x0  }
0x4a9: {  	s22 =	simm.s32 $0x4;
	[sflag:s20] =	ssyncadd.s32 $0xFFFFA000  }
0x4aa: {  	_ =	swait.ge [sflag:s22], $0x3000  }
0x4ab: {  	[sflag:s22] =	ssyncset.done $0x0  }
0x4ac: {  	[sflag:s22] =	ssyncadd.s32 $0xFFFFD000  }
0x4ad: {  	_ =	swait.ge [sflag:s22], $0x3000  }
0x4ae: {  	s23 =	rddreg [dreg:$0x9]  }
0x4af: {  	s29 =	rddreg [dreg:$0x8];
	s23 =	sadd.s32 $0x1, s23  }
0x4b0: {  	p0 =	sne.s32 s23, s29  }
.Ltmp6:
0x4b1: {  	_ = 	snop;
	(pc) =	sbr.rel @p0 .LBB2_1-.Ltmp6, $3  }
0x4b2: {  	_ =	sdelay $0x1  }
0x4b3: {  	[sflag:s22] =	ssyncset.done $0x0  }
0x4b4: {  	s30 =	rddreg [dreg:$0x5];
	[sflag:s22] =	ssyncadd.s32 $0xFFFFD000  }
0x4b5: {  	_ =	sfence.sel $0x180000  }
0x4b6: {  	[bflag:$0x0] =	sbarrier.arrive $0xFFFF  }
0x4b7: {  	_ =	strace $0x90000047  }
0x4b8: {  	s0 =	stileid.u32;
	[bflag:$0x2] =	sbarrier.arrive $0xFFFF  }
0x4b9: {  	p0 =	sne.s32 s0, $0x0;
	s0 =	rddreg [dreg:$0x3]  }
0x4ba: {  	s0 =	sadd.s32 @!p0 $0x100000, s0  }
0x4bb: {  	[sflag:s0] =	ssyncadd.tile.s32 @!p0 $0x1;
	_ =	shalt  }
.Lfunc_end2:
_tile_overlayer_lowered:
.L_overlay_start_2:
0x4bc: {  	(tag) =	ssettag $0x2  }
0x4bd: {  	s0 =	rddreg [dreg:$0x0];
	s2 =	stileid.u32  }
0x4be: {  	s1 =	rddreg [dreg:$0x1];
	p0 =	sne.s32 s2, $0x0  }
0x4bf: {  	s3 =	rddreg [dreg:$0x2];
	[bflag:$0x3] =	sbarrier.arrive $0xFFFF;
	s2 =	simm.s32 @!p0 $0x1C05  }
0x4c0: {  	[timem:s3], [sflag:s2] =	dma.local @!p0 [hbm:s0], s1  }
0x4c1: {  	s0 =	simm.s32 @!p0 $0x5  }
0x4c2: {  	_ =	swait.ge @!p0 [sflag:s0], s1  }
0x4c3: {  	s1 =	ssub.s32 @!p0 $0x0, s1;
	[sflag:s0] =	ssyncset.done @!p0 $0x0  }
0x4c4: {  	[sflag:s0] =	ssyncadd.s32 @!p0 s1  }
0x4c5: {  	[bflag:$0x3] =	sbarrier.arrive $0xFFFF  }
0x4c6: {  	_ =	shalt  }

</sc_bundles>
